<compile_context>
chip_gen: v7x
topology: tpu7x:2x2x1
jax: 0.10.2.dev20260603
libtpu: 0.0.44.dev20260713+nightly
codegen_flags: <defaults>
</compile_context>

<pallas_src>
import functools

import numpy as np
import jax
import jax.numpy as jnp
from jax import lax
from jax.experimental import pallas as pl
from jax.experimental.pallas import tpu as pltpu
from jax.experimental.pallas import tpu_sc as plsc

B, L, M, TOP_K, NUM_RBF = 2, 1024, 16, 32, 16
EDGE_F, NODE_F, NUM_PE, MAXREL = 128, 128, 16, 32
NW = 32
ROWS = B * L
ER = ROWS * TOP_K
NR = ROWS * M

_N, _CA, _C, _O, _CB = 0, 1, 2, 3, 4
_PAIRS = [(_CA, _CA),
          (_N, _N), (_C, _C), (_O, _O), (_CB, _CB),
          (_CA, _N), (_CA, _C), (_CA, _O), (_CA, _CB),
          (_N, _C), (_N, _O), (_N, _CB), (_CB, _C), (_CB, _O), (_O, _C),
          (_N, _CA), (_C, _CA), (_O, _CA), (_CB, _CA),
          (_C, _N), (_O, _N), (_CB, _N), (_C, _CB), (_O, _CB), (_C, _O)]

_MU = np.linspace(2.0, 22.0, NUM_RBF).astype(np.float32)
_INV_SIG = np.float32(NUM_RBF / (22.0 - 2.0))

def _sel_mats():
    p_own = np.zeros((16, 75), np.float32)
    p_nbr = np.zeros((16, 75), np.float32)
    s25 = np.zeros((75, 25), np.float32)
    r25 = np.zeros((25, 400), np.float32)
    for p, (a, b) in enumerate(_PAIRS):
        for d in range(3):
            p_own[3 * a + d, 3 * p + d] = 1.0
            p_nbr[3 * b + d, 3 * p + d] = 1.0
            s25[3 * p + d, p] = 1.0
        r25[p, 16 * p:16 * (p + 1)] = 1.0
    t3 = np.zeros((3, 15), np.float32)
    s15 = np.zeros((15, 5), np.float32)
    r5 = np.zeros((5, 80), np.float32)
    for a in range(5):
        for d in range(3):
            t3[d, 3 * a + d] = 1.0
            s15[3 * a + d, a] = 1.0
        r5[a, 16 * a:16 * (a + 1)] = 1.0
    return p_own, p_nbr, s25, r25, t3, s15, r5

_P_OWN, _P_NBR, _S25, _R25, _T3, _S15, _R5 = _sel_mats()
_MU400 = np.tile(_MU, 25)[None, :]
_MU80 = np.tile(_MU, 5)[None, :]
_MU16 = _MU[None, :]


def _k0_body(x_ref, geo_ref):
    x = x_ref[...]
    n, ca, c, o = x[:, 0:3], x[:, 3:6], x[:, 6:9], x[:, 9:12]
    b_v = ca - n
    c_v = c - ca
    bx, by, bz = b_v[:, 0:1], b_v[:, 1:2], b_v[:, 2:3]
    cx, cy, cz = c_v[:, 0:1], c_v[:, 1:2], c_v[:, 2:3]
    a = jnp.concatenate([by * cz - bz * cy, bz * cx - bx * cz,
                         bx * cy - by * cx], axis=1)
    cb = -0.58273431 * a + 0.56802827 * b_v - 0.54067466 * c_v + ca
    v1 = n - ca
    v2 = c - ca
    n1 = jnp.sqrt(jnp.sum(v1 * v1, axis=1, keepdims=True))
    e1 = v1 / jnp.maximum(n1, 1e-12)
    dot = jnp.sum(e1 * v2, axis=1, keepdims=True)
    u2 = v2 - e1 * dot
    n2 = jnp.sqrt(jnp.sum(u2 * u2, axis=1, keepdims=True))
    e2 = u2 / jnp.maximum(n2, 1e-12)
    e1x, e1y, e1z = e1[:, 0:1], e1[:, 1:2], e1[:, 2:3]
    e2x, e2y, e2z = e2[:, 0:1], e2[:, 1:2], e2[:, 2:3]
    e3 = jnp.concatenate([e1y * e2z - e1z * e2y, e1z * e2x - e1x * e2z,
                          e1x * e2y - e1y * e2x], axis=1)
    z1 = jnp.zeros_like(n1)
    geo_ref[...] = jnp.concatenate(
        [n, ca, c, o, cb, z1, e1, e2, e3, z1, z1, z1, z1, z1, z1, z1], axis=1)


def _k1_body(ca_ref, cat_ref, d_ref):
    ca = ca_ref[0]
    xi, yi, zi = ca[:, 0:1], ca[:, 1:2], ca[:, 2:3]
    cat = cat_ref[0]
    dx = xi - cat[0:1, :]
    dy = yi - cat[1:2, :]
    dz = zi - cat[2:3, :]
    d_ref[0] = jnp.sqrt((dx * dx + dy * dy) + dz * dz + 1e-6)


def _splat0(v):
    return v.at[jnp.zeros((16,), jnp.int32)].get(mode="promise_in_bounds")


def _sc_body(d_hbm, nbr_hbm, eidx_hbm, g_hbm, row_v0, row_v1, eidx_v,
             fidx_v, rows_v, sem):
    wid = lax.axis_index("s") * 2 + lax.axis_index("c")
    rows_per = ROWS // NW
    iota = lax.iota(jnp.int32, 16)
    big = jnp.float32(3e38)
    bigv = jnp.full((16,), big)
    bigi = jnp.full((16,), 2 ** 30, jnp.int32)
    mask0 = iota == 0

    def extract_one(row_v, k, m_vec, idx_vec, a0, a1):
        sk, _ = plsc.sort_key_val(m_vec, idx_vec)
        mmin = _splat0(sk)
        cand = jnp.where(m_vec == mmin, idx_vec, bigi)
        sc2, _ = plsc.sort_key_val(cand, cand)
        g = _splat0(sc2)
        lane = g % 16
        plsc.store_scatter(row_v, [g], bigv, mask=mask0)
        nm, nidx = bigv, bigi
        for i in range(4):
            pos = 256 * i + 16 * iota + lane
            v = plsc.load_gather(row_v, [pos])
            upd = v < nm
            nm = jnp.where(upd, v, nm)
            nidx = jnp.where(upd, pos, nidx)
        sk3, _ = plsc.sort_key_val(nm, nidx)
        nmin = _splat0(sk3)
        cand3 = jnp.where(nm == nmin, nidx, bigi)
        sc4, _ = plsc.sort_key_val(cand3, cand3)
        nargs = _splat0(sc4)
        m_vec = jnp.where(iota == lane, nmin, m_vec)
        idx_vec = jnp.where(iota == lane, nargs, idx_vec)
        a0 = jnp.where(iota == k, g, a0)
        a1 = jnp.where(iota == (k - 16), g, a1)
        return m_vec, idx_vec, a0, a1

    def emit(row, a0, a1):
        eidx_v[pl.ds(0, 16)] = a0
        eidx_v[pl.ds(16, 16)] = a1
        pltpu.sync_copy(eidx_v, eidx_hbm.at[row])
        boff = (row // L) * L
        fidx_v[pl.ds(0, 16)] = a0 + boff
        fidx_v[pl.ds(16, 16)] = a1 + boff
        pltpu.async_copy(nbr_hbm.at[fidx_v], rows_v, sem).wait()
        pltpu.sync_copy(rows_v, g_hbm.at[pl.ds(row * TOP_K, TOP_K)])

    def row_body(rr, _):
        r0 = wid * rows_per + 2 * rr
        r1 = r0 + 1
        pltpu.sync_copy(d_hbm.at[r0], row_v0)
        pltpu.sync_copy(d_hbm.at[r1], row_v1)

        m0, i0 = bigv, bigi
        m1, i1 = bigv, bigi
        for c in range(64):
            v0 = row_v0[pl.ds(16 * c, 16)]
            v1 = row_v1[pl.ds(16 * c, 16)]
            u0 = v0 < m0
            u1 = v1 < m1
            m0 = jnp.where(u0, v0, m0)
            i0 = jnp.where(u0, iota + 16 * c, i0)
            m1 = jnp.where(u1, v1, m1)
            i1 = jnp.where(u1, iota + 16 * c, i1)

        def extract(k, carry):
            m0, i0, a00, a01, m1, i1, a10, a11 = carry
            m0, i0, a00, a01 = extract_one(row_v0, k, m0, i0, a00, a01)
            m1, i1, a10, a11 = extract_one(row_v1, k, m1, i1, a10, a11)
            return m0, i0, a00, a01, m1, i1, a10, a11

        z = jnp.zeros((16,), jnp.int32)
        m0, i0, a00, a01, m1, i1, a10, a11 = lax.fori_loop(
            0, TOP_K, extract, (m0, i0, z, z, m1, i1, z, z))
        emit(r0, a00, a01)
        emit(r1, a10, a11)
        return 0

    lax.fori_loop(0, rows_per // 2, row_body, 0)


def _dot2(x, w):
    xh = x.astype(jnp.bfloat16).astype(jnp.float32)
    return (jnp.dot(xh, w, preferred_element_type=jnp.float32)
            + jnp.dot(x - xh, w, preferred_element_type=jnp.float32))


def _k3_body(g_ref, ownp_ref, p_own_ref, p_nbr_ref, s_ref, r_ref, mu_ref,
             we_ref, wpdh_ref, wpdl_ref, bias_ref, ge_ref, be_ref, e_ref,
             *, blk):
    gat = g_ref[...]
    ownp = ownp_ref[...]
    u = _dot2(ownp, p_own_ref[...])
    w = _dot2(gat, p_nbr_ref[...])
    diff = u - w
    d2 = _dot2(diff * diff, s_ref[...])
    d = jnp.sqrt(d2 + 1e-6)
    dexp = _dot2(d, r_ref[...])
    arg = (dexp - mu_ref[...]) * _INV_SIG
    e400 = jnp.exp(-arg * arg)
    acc = jnp.dot(e400, we_ref[...], preferred_element_type=jnp.float32)
    r0 = pl.program_id(0) * blk + lax.broadcasted_iota(jnp.int32, (blk, 1), 0)
    i = (r0 % (L * TOP_K)) // TOP_K
    j = ownp[:, 15:16].astype(jnp.int32)
    dpos = jnp.clip(i - j + MAXREL, 0, 2 * MAXREL)
    oh = (lax.broadcasted_iota(jnp.int32, (blk, 66), 1) == dpos
          ).astype(jnp.float32)
    acc = acc + jnp.dot(oh, wpdh_ref[...], preferred_element_type=jnp.float32)
    acc = acc + jnp.dot(oh, wpdl_ref[...], preferred_element_type=jnp.float32)
    acc = acc + bias_ref[...]
    mu = jnp.mean(acc, axis=-1, keepdims=True)
    var = jnp.mean((acc - mu) ** 2, axis=-1, keepdims=True)
    e_ref[...] = (acc - mu) / jnp.sqrt(var + 1e-5) * ge_ref[...] + be_ref[...]


def _k4_body(pk_ref, t3_ref, s15_ref, r5_ref, mu80_ref, tfh_ref, tfl_ref,
             wn_ref, bn_ref, gn_ref, bnn_ref, gyn_ref, byn_ref, v_ref,
             yn_ref, *, blk):
    pk = pk_ref[...]
    y3 = pk[:, 0:3]
    own = pk[:, 3:18]
    yrep = _dot2(y3, t3_ref[...])
    diff = yrep - own
    d2 = _dot2(diff * diff, s15_ref[...])
    d5 = jnp.sqrt(d2 + 1e-6)
    dexp = _dot2(d5, r5_ref[...])
    arg = (dexp - mu80_ref[...]) * _INV_SIG
    e80 = jnp.exp(-arg * arg)
    yt = pk[:, 27:28].astype(jnp.int32)
    oh = (lax.broadcasted_iota(jnp.int32, (blk, 128), 1) == yt
          ).astype(jnp.float32)
    emb = (jnp.dot(oh, tfh_ref[...], preferred_element_type=jnp.float32)
           + jnp.dot(oh, tfl_ref[...], preferred_element_type=jnp.float32))
    dx = y3[:, 0:1] - pk[:, 6:7]
    dy = y3[:, 1:2] - pk[:, 7:8]
    dz = y3[:, 2:3] - pk[:, 8:9]
    lv1 = pk[:, 18:19] * dx + pk[:, 19:20] * dy + pk[:, 20:21] * dz
    lv2 = pk[:, 21:22] * dx + pk[:, 22:23] * dy + pk[:, 23:24] * dz
    lv3 = pk[:, 24:25] * dx + pk[:, 25:26] * dy + pk[:, 26:27] * dz
    rxy = jnp.sqrt(lv1 * lv1 + lv2 * lv2 + 1e-8)
    rxyz = jnp.sqrt(lv1 * lv1 + lv2 * lv2 + lv3 * lv3) + 1e-8
    dall = jnp.concatenate(
        [e80, emb[:, 0:64], lv1 / rxy, lv2 / rxy, rxy / rxyz, lv3 / rxyz],
        axis=1)
    v = jnp.dot(dall, wn_ref[...], preferred_element_type=jnp.float32)
    v = v + bn_ref[...]
    mu = jnp.mean(v, axis=-1, keepdims=True)
    var = jnp.mean((v - mu) ** 2, axis=-1, keepdims=True)
    v_ref[...] = (v - mu) / jnp.sqrt(var + 1e-5) * gn_ref[...] + bnn_ref[...]
    yn = emb[:, 64:192]
    mu = jnp.mean(yn, axis=-1, keepdims=True)
    var = jnp.mean((yn - mu) ** 2, axis=-1, keepdims=True)
    yn_ref[...] = (yn - mu) / jnp.sqrt(var + 1e-5) * gyn_ref[...] \
        + byn_ref[...]


def _k5_body(y4_ref, ya_ref, rep_ref, mu256_ref, wbd_ref, bsh_ref, bsl_ref,
             bgh_ref, bgl_ref, bd1_ref, gye_ref, bye_ref, out_ref):
    y4 = y4_ref[...]
    ya = ya_ref[...]
    dx = ya[:, 0:16] - y4[:, 0:1]
    dy = ya[:, 16:32] - y4[:, 1:2]
    dz = ya[:, 32:48] - y4[:, 2:3]
    d = jnp.sqrt(dx * dx + dy * dy + dz * dz + 1e-6)
    dexp = _dot2(d, rep_ref[...])
    arg = (dexp - mu256_ref[...]) * _INV_SIG
    e = jnp.exp(-arg * arg)
    ye = jnp.dot(e, wbd_ref[...], preferred_element_type=jnp.float32)
    eh = e.astype(jnp.bfloat16).astype(jnp.float32)
    el = e - eh
    mu = (jnp.dot(eh, bsh_ref[...], preferred_element_type=jnp.float32)
          + jnp.dot(el, bsh_ref[...], preferred_element_type=jnp.float32)
          + jnp.dot(eh, bsl_ref[...], preferred_element_type=jnp.float32))
    q = (jnp.dot(eh, bgh_ref[...], preferred_element_type=jnp.float32)
         + jnp.dot(el, bgh_ref[...], preferred_element_type=jnp.float32)
         + jnp.dot(eh, bgl_ref[...], preferred_element_type=jnp.float32))
    sumsq = _dot2(q * e, bd1_ref[...])
    var = sumsq - mu * mu
    inv = 1.0 / jnp.sqrt(var + 1e-5)
    gye = gye_ref[...]
    bye = bye_ref[...]
    for m2 in range(M):
        sl = slice(m2 * 128, (m2 + 1) * 128)
        out_ref[:, sl] = ((ye[:, sl] - mu[:, m2:m2 + 1])
                          * inv[:, m2:m2 + 1]) * gye + bye


def _topk_gather_sc(d_flat, nbr):
    mesh = plsc.VectorSubcoreMesh(core_axis_name="c", subcore_axis_name="s")
    call = functools.partial(
        pl.kernel,
        mesh=mesh,
        out_type=[jax.ShapeDtypeStruct((ROWS, TOP_K), jnp.int32),
                  jax.ShapeDtypeStruct((ER, 128), jnp.float32)],
        compiler_params=pltpu.CompilerParams(
            needs_layout_passes=False, use_tc_tiling_on_sc=True),
        scratch_types=[pltpu.VMEM((L,), jnp.float32),
                       pltpu.VMEM((L,), jnp.float32),
                       pltpu.VMEM((TOP_K,), jnp.int32),
                       pltpu.VMEM((TOP_K,), jnp.int32),
                       pltpu.VMEM((TOP_K, 128), jnp.float32),
                       pltpu.SemaphoreType.DMA],
    )(_sc_body)
    return call(d_flat, nbr)


def kernel(Y, Y_m, Y_t, X, mask, R_idx, chain_labels, W_pos, b_pos, W_edge,
           g_e, b_e, W_node, b_node, g_n, b_n, W_type, b_type, W_ynodes,
           W_yedges, g_ye, b_ye, g_yn, b_yn, ptable):
    f32 = jnp.float32

    grp = ptable[1, :120]
    per = ptable[2, :120]
    t_type = W_type[:120] + W_type[120 + grp] + W_type[139 + per] + b_type
    t_yn = W_ynodes[:120] + W_ynodes[120 + grp] + W_ynodes[139 + per]
    t_fused = jnp.zeros((128, 192), f32)
    t_fused = t_fused.at[:120, 0:64].set(t_type).at[:120, 64:192].set(t_yn)
    wpd = W_pos @ W_edge[:NUM_PE]
    bias_row = (b_pos @ W_edge[:NUM_PE])[None, :]
    we400 = W_edge[NUM_PE:]

    def wsplit(w):
        wh = w.astype(jnp.bfloat16).astype(f32)
        return wh, w - wh

    wpd_h, wpd_l = wsplit(wpd)
    tf_h, tf_l = wsplit(t_fused)
    eye16 = jnp.eye(16, dtype=f32)
    wbd = jnp.kron(eye16, W_yedges)
    bs = jnp.kron(eye16, jnp.sum(W_yedges, axis=1)[:, None] / 128.0)
    bg = jnp.kron(eye16, (W_yedges @ W_yedges.T))
    bs_h, bs_l = wsplit(bs)
    bg_h, bg_l = wsplit(bg)
    bd1 = jnp.kron(eye16, jnp.full((16, 1), 1.0 / 128.0, f32))
    rep256 = jnp.kron(eye16, jnp.ones((1, 16), f32))
    mu256 = jnp.tile(jnp.asarray(_MU), 16)[None, :]

    x12 = X.reshape(ROWS, 12)
    geo = pl.pallas_call(
        _k0_body,
        grid=(4,),
        in_specs=[pl.BlockSpec((512, 12), lambda i: (i, 0))],
        out_specs=pl.BlockSpec((512, 32), lambda i: (i, 0)),
        out_shape=jax.ShapeDtypeStruct((ROWS, 32), f32),
    )(x12)

    ca = geo[:, 3:6].reshape(B, L, 3)
    ca4 = jnp.concatenate([ca, jnp.zeros((B, L, 1), f32)], axis=-1)
    cat = jnp.concatenate([jnp.transpose(ca, (0, 2, 1)),
                           jnp.zeros((B, 5, L), f32)], axis=1)
    dmat = pl.pallas_call(
        _k1_body,
        grid=(B, 4),
        in_specs=[pl.BlockSpec((1, 256, 4), lambda b, i: (b, i, 0)),
                  pl.BlockSpec((1, 8, L), lambda b, i: (b, 0, 0))],
        out_specs=pl.BlockSpec((1, 256, L), lambda b, i: (b, i, 0)),
        out_shape=jax.ShapeDtypeStruct((B, L, L), f32),
    )(ca4, cat)

    nbr = jnp.pad(geo[:, 0:16], ((0, 0), (0, 112)))
    eidx, gat = _topk_gather_sc(dmat.reshape(ROWS, L), nbr)
    gat = gat[:, 0:16]

    own_rep = jnp.broadcast_to(geo[:, None, 0:15],
                               (ROWS, TOP_K, 15)).reshape(ER, 15)
    ownp = jnp.concatenate([own_rep, eidx.reshape(ER, 1).astype(f32)], axis=1)
    blk3 = 1024
    e_flat = pl.pallas_call(
        functools.partial(_k3_body, blk=blk3),
        grid=(ER // blk3,),
        in_specs=[pl.BlockSpec((blk3, 16), lambda i: (i, 0)),
                  pl.BlockSpec((blk3, 16), lambda i: (i, 0)),
                  pl.BlockSpec((16, 75), lambda i: (0, 0)),
                  pl.BlockSpec((16, 75), lambda i: (0, 0)),
                  pl.BlockSpec((75, 25), lambda i: (0, 0)),
                  pl.BlockSpec((25, 400), lambda i: (0, 0)),
                  pl.BlockSpec((1, 400), lambda i: (0, 0)),
                  pl.BlockSpec((400, 128), lambda i: (0, 0)),
                  pl.BlockSpec((66, 128), lambda i: (0, 0)),
                  pl.BlockSpec((66, 128), lambda i: (0, 0)),
                  pl.BlockSpec((1, 128), lambda i: (0, 0)),
                  pl.BlockSpec((1, 128), lambda i: (0, 0)),
                  pl.BlockSpec((1, 128), lambda i: (0, 0))],
        out_specs=pl.BlockSpec((blk3, 128), lambda i: (i, 0)),
        out_shape=jax.ShapeDtypeStruct((ER, 128), f32),
    )(gat, ownp, jnp.asarray(_P_OWN), jnp.asarray(_P_NBR), jnp.asarray(_S25),
      jnp.asarray(_R25), jnp.asarray(_MU400), we400, wpd_h, wpd_l, bias_row,
      g_e[None, :], b_e[None, :])

    y3 = Y.reshape(NR, 3)
    geo_rep = jnp.broadcast_to(geo[:, None, :], (ROWS, M, 32)).reshape(NR, 32)
    pk4 = jnp.concatenate(
        [y3, geo_rep[:, 0:15], geo_rep[:, 16:25],
         Y_t.reshape(NR, 1).astype(f32),
         jnp.zeros((NR, 4), f32)], axis=1)
    blk4 = 1024
    v_flat, yn_flat = pl.pallas_call(
        functools.partial(_k4_body, blk=blk4),
        grid=(NR // blk4,),
        in_specs=[pl.BlockSpec((blk4, 32), lambda i: (i, 0)),
                  pl.BlockSpec((3, 15), lambda i: (0, 0)),
                  pl.BlockSpec((15, 5), lambda i: (0, 0)),
                  pl.BlockSpec((5, 80), lambda i: (0, 0)),
                  pl.BlockSpec((1, 80), lambda i: (0, 0)),
                  pl.BlockSpec((128, 192), lambda i: (0, 0)),
                  pl.BlockSpec((128, 192), lambda i: (0, 0)),
                  pl.BlockSpec((148, 128), lambda i: (0, 0)),
                  pl.BlockSpec((1, 128), lambda i: (0, 0)),
                  pl.BlockSpec((1, 128), lambda i: (0, 0)),
                  pl.BlockSpec((1, 128), lambda i: (0, 0)),
                  pl.BlockSpec((1, 128), lambda i: (0, 0)),
                  pl.BlockSpec((1, 128), lambda i: (0, 0))],
        out_specs=[pl.BlockSpec((blk4, 128), lambda i: (i, 0)),
                   pl.BlockSpec((blk4, 128), lambda i: (i, 0))],
        out_shape=[jax.ShapeDtypeStruct((NR, 128), f32),
                   jax.ShapeDtypeStruct((NR, 128), f32)],
    )(pk4, jnp.asarray(_T3), jnp.asarray(_S15), jnp.asarray(_R5),
      jnp.asarray(_MU80), tf_h, tf_l, W_node, b_node[None, :], g_n[None, :],
      b_n[None, :], g_yn[None, :], b_yn[None, :])

    y4 = jnp.concatenate([y3, jnp.zeros((NR, 1), f32)], axis=1)
    yall = jnp.broadcast_to(
        jnp.transpose(Y.reshape(ROWS, M, 3), (0, 2, 1)).reshape(ROWS, 1, 48),
        (ROWS, M, 48)).reshape(NR, 48)
    blk5 = 512
    ye_flat = pl.pallas_call(
        _k5_body,
        grid=(NR // blk5,),
        in_specs=[pl.BlockSpec((blk5, 4), lambda i: (i, 0)),
                  pl.BlockSpec((blk5, 48), lambda i: (i, 0)),
                  pl.BlockSpec((16, 256), lambda i: (0, 0)),
                  pl.BlockSpec((1, 256), lambda i: (0, 0)),
                  pl.BlockSpec((256, 2048), lambda i: (0, 0)),
                  pl.BlockSpec((256, 16), lambda i: (0, 0)),
                  pl.BlockSpec((256, 16), lambda i: (0, 0)),
                  pl.BlockSpec((256, 256), lambda i: (0, 0)),
                  pl.BlockSpec((256, 256), lambda i: (0, 0)),
                  pl.BlockSpec((256, 16), lambda i: (0, 0)),
                  pl.BlockSpec((1, 128), lambda i: (0, 0)),
                  pl.BlockSpec((1, 128), lambda i: (0, 0))],
        out_specs=pl.BlockSpec((blk5, M * 128), lambda i: (i, 0)),
        out_shape=jax.ShapeDtypeStruct((NR, M * 128), f32),
    )(y4, yall, rep256, mu256, wbd, bs_h, bs_l, bg_h, bg_l, bd1,
      g_ye[None, :], b_ye[None, :])

    V = v_flat.reshape(B, L, M, NODE_F)
    E = e_flat.reshape(B, L, TOP_K, EDGE_F)
    E_idx = eidx.reshape(B, L, TOP_K)
    Y_nodes = yn_flat.reshape(B, L, M, NODE_F)
    Y_edges = ye_flat.reshape(B, L, M, M, 128)
    return (V, E, E_idx, Y_nodes, Y_edges, Y_m)

# --- scband reference (transcript-rebuilt; emitter-appended) ---
"""Pipeline reference for scband-protein-features-ligand-5781025980979 (READ-ONLY COPY).

The authoritative reference and input builder live on the scoring server;
editing this copy changes nothing except your own understanding.
"""

import jax, jax.numpy as jnp
import numpy as np

B, L, M, TOP_K, NUM_RBF = 2, 1024, 16, 32, 16
EDGE_F, NODE_F, NUM_PE, MAXREL = 128, 128, 16, 32


def build_ptable():
    nums = np.arange(120)
    bounds = np.array([0, 2, 10, 18, 36, 54, 86, 118])
    period = np.clip(np.searchsorted(bounds, nums, side='left'), 0, 7)
    group = np.where(nums == 0, 0, ((nums - 1) % 18) + 1)
    return jnp.asarray(np.stack([nums, group, period]), dtype=jnp.int32)


def layer_norm(x, g, b, eps=1e-5):
    mu = jnp.mean(x, axis=-1, keepdims=True)
    var = jnp.mean((x - mu) ** 2, axis=-1, keepdims=True)
    return (x - mu) / jnp.sqrt(var + eps) * g + b


def rbf(D):
    mu = jnp.linspace(2.0, 22.0, NUM_RBF)
    sigma = (22.0 - 2.0) / NUM_RBF
    return jnp.exp(-(((D[..., None] - mu) / sigma) ** 2))


def normalize(v):
    return v / jnp.maximum(jnp.linalg.norm(v, axis=-1, keepdims=True), 1e-12)


def setup_inputs(seed: int = 0):
    key = jax.random.key(seed)
    ks = jax.random.split(key, 16)
    inp = {}
    inp['Y'] = 3.0 * jax.random.normal(ks[0], (B, L, M, 3), dtype=jnp.float32)
    inp['Y_m'] = jnp.ones((B, L, M), dtype=jnp.float32)
    inp['Y_t'] = jax.random.randint(ks[1], (B, L, M), 0, 120)
    inp['X'] = 3.0 * jax.random.normal(ks[2], (B, L, 4, 3), dtype=jnp.float32)
    inp['mask'] = jnp.ones((B, L), dtype=jnp.float32)
    inp['R_idx'] = jnp.arange(B * L, dtype=jnp.int32).reshape(B, L)
    inp['chain_labels'] = jnp.zeros((B, L), dtype=jnp.int32)
    s = 0.05
    inp['W_pos'] = s * jax.random.normal(ks[3], (2 * MAXREL + 2, NUM_PE), dtype=jnp.float32)
    inp['b_pos'] = jnp.zeros((NUM_PE,), dtype=jnp.float32)
    inp['W_edge'] = s * jax.random.normal(ks[4], (NUM_PE + NUM_RBF * 25, EDGE_F), dtype=jnp.float32)
    inp['g_e'] = jnp.ones((EDGE_F,), jnp.float32)
    inp['b_e'] = jnp.zeros((EDGE_F,), jnp.float32)
    inp['W_node'] = s * jax.random.normal(ks[5], (5 * NUM_RBF + 64 + 4, NODE_F), dtype=jnp.float32)
    inp['b_node'] = jnp.zeros((NODE_F,), jnp.float32)
    inp['g_n'] = jnp.ones((NODE_F,), jnp.float32)
    inp['b_n'] = jnp.zeros((NODE_F,), jnp.float32)
    inp['W_type'] = s * jax.random.normal(ks[6], (147, 64), dtype=jnp.float32)
    inp['b_type'] = jnp.zeros((64,), jnp.float32)
    inp['W_ynodes'] = s * jax.random.normal(ks[7], (147, NODE_F), dtype=jnp.float32)
    inp['W_yedges'] = s * jax.random.normal(ks[8], (NUM_RBF, NODE_F), dtype=jnp.float32)
    inp['g_ye'] = jnp.ones((NODE_F,), jnp.float32)
    inp['b_ye'] = jnp.zeros((NODE_F,), jnp.float32)
    inp['g_yn'] = jnp.ones((NODE_F,), jnp.float32)
    inp['b_yn'] = jnp.zeros((NODE_F,), jnp.float32)
    inp['ptable'] = build_ptable()
    return inp


def _forward(Y, X, mask, Y_t, R_idx, chain_labels, ptable, W_pos, b_pos, W_edge, g_e, b_e, W_node, b_node, g_n, b_n, W_type, b_type, W_ynodes, W_yedges, g_ye, b_ye, g_yn, b_yn):
    Ca = X[:, :, 1, :]
    Nn = X[:, :, 0, :]
    Cc = X[:, :, 2, :]
    Oo = X[:, :, 3, :]
    b_v = Ca - Nn
    c_v = Cc - Ca
    a_v = jnp.cross(b_v, c_v)
    Cb = -0.58273431 * a_v + 0.56802827 * b_v - 0.54067466 * c_v + Ca
    mask_2D = mask[:, None, :] * mask[:, :, None]
    dX = Ca[:, None, :, :] - Ca[:, :, None, :]
    D = mask_2D * jnp.sqrt(jnp.sum(dX ** 2, -1) + 1e-6)
    D_max = jnp.max(D, -1, keepdims=True)
    D_adjust = D + (1.0 - mask_2D) * D_max
    neg_v, E_idx = jax.lax.top_k(-D_adjust, TOP_K)
    D_neighbors = -neg_v

    def get_rbf(A, Bt):
        DAB = jnp.sqrt(jnp.sum((A[:, :, None, :] - Bt[:, None, :, :]) ** 2, -1) + 1e-6)
        return rbf(jnp.take_along_axis(DAB, E_idx, axis=2))

    pairs = [(Nn, Nn), (Cc, Cc), (Oo, Oo), (Cb, Cb), (Ca, Nn), (Ca, Cc), (Ca, Oo), (Ca, Cb), (Nn, Cc), (Nn, Oo), (Nn, Cb), (Cb, Cc), (Cb, Oo), (Oo, Cc), (Nn, Ca), (Cc, Ca), (Oo, Ca), (Cb, Ca), (Cc, Nn), (Oo, Nn), (Cb, Nn), (Cc, Cb), (Oo, Cb), (Cc, Oo)]
    RBF_all = jnp.concatenate([rbf(D_neighbors)] + [get_rbf(a, bb) for a, bb in pairs], axis=-1)
    offset = R_idx[:, :, None] - R_idx[:, None, :]
    offset = jnp.take_along_axis(offset, E_idx, axis=2)
    d_chains = (chain_labels[:, :, None] - chain_labels[:, None, :] == 0).astype(jnp.int32)
    E_chains = jnp.take_along_axis(d_chains, E_idx, axis=2)
    d = jnp.clip(offset + MAXREL, 0, 2 * MAXREL) * E_chains + (1 - E_chains) * (2 * MAXREL + 1)
    d_onehot = jax.nn.one_hot(d, 2 * MAXREL + 2, dtype=jnp.float32)
    E_positional = d_onehot @ W_pos + b_pos
    E = jnp.concatenate((E_positional, RBF_all), -1) @ W_edge
    E = layer_norm(E, g_e, b_e)
    Y_t_g = jnp.take(ptable[1], Y_t)
    Y_t_p = jnp.take(ptable[2], Y_t)
    Y_t_1hot_ = jnp.concatenate([jax.nn.one_hot(Y_t, 120, dtype=jnp.float32), jax.nn.one_hot(Y_t_g, 19, dtype=jnp.float32), jax.nn.one_hot(Y_t_p, 8, dtype=jnp.float32)], -1)
    Y_t_1hot = Y_t_1hot_ @ W_type + b_type
    D_N_Y = rbf(jnp.sqrt(jnp.sum((Nn[:, :, None, :] - Y) ** 2, -1) + 1e-6))
    D_Ca_Y = rbf(jnp.sqrt(jnp.sum((Ca[:, :, None, :] - Y) ** 2, -1) + 1e-6))
    D_C_Y = rbf(jnp.sqrt(jnp.sum((Cc[:, :, None, :] - Y) ** 2, -1) + 1e-6))
    D_O_Y = rbf(jnp.sqrt(jnp.sum((Oo[:, :, None, :] - Y) ** 2, -1) + 1e-6))
    D_Cb_Y = rbf(jnp.sqrt(jnp.sum((Cb[:, :, None, :] - Y) ** 2, -1) + 1e-6))
    v1 = Nn - Ca
    v2 = Cc - Ca
    e1 = normalize(v1)
    e1_v2_dot = jnp.einsum('bli,bli->bl', e1, v2)[..., None]
    u2 = v2 - e1 * e1_v2_dot
    e2 = normalize(u2)
    e3 = jnp.cross(e1, e2)
    R_residue = jnp.stack([e1, e2, e3], axis=-1)
    local_vectors = jnp.einsum('blqp,blyq->blyp', R_residue, Y - Ca[:, :, None, :])
    rxy = jnp.sqrt(local_vectors[..., 0] ** 2 + local_vectors[..., 1] ** 2 + 1e-8)
    f1 = local_vectors[..., 0] / rxy
    f2 = local_vectors[..., 1] / rxy
    rxyz = jnp.linalg.norm(local_vectors, axis=-1) + 1e-8
    f3 = rxy / rxyz
    f4 = local_vectors[..., 2] / rxyz
    f_angles = jnp.stack([f1, f2, f3, f4], -1)
    D_all = jnp.concatenate((D_N_Y, D_Ca_Y, D_C_Y, D_O_Y, D_Cb_Y, Y_t_1hot, f_angles), axis=-1)
    V = layer_norm(D_all @ W_node + b_node, g_n, b_n)
    D_YY = jnp.sqrt(jnp.sum((Y[:, :, :, None, :] - Y[:, :, None, :, :]) ** 2, -1) + 1e-6)
    Y_edges = layer_norm(rbf(D_YY) @ W_yedges, g_ye, b_ye)
    Y_nodes = layer_norm(Y_t_1hot_ @ W_ynodes, g_yn, b_yn)
    return V, E, E_idx, Y_nodes, Y_edges


def reference(Y, Y_m, Y_t, X, mask, R_idx, chain_labels, W_pos, b_pos, W_edge, g_e, b_e, W_node, b_node, g_n, b_n, W_type, b_type, W_ynodes, W_yedges, g_ye, b_ye, g_yn, b_yn, ptable):
    V, E, E_idx, Y_nodes, Y_edges = _forward(Y, X, mask, Y_t, R_idx, chain_labels, ptable, W_pos, b_pos, W_edge, g_e, b_e, W_node, b_node, g_n, b_n, W_type, b_type, W_ynodes, W_yedges, g_ye, b_ye, g_yn, b_yn)
    return (V, E, E_idx, Y_nodes, Y_edges, Y_m)

if __name__ == "__main__":
    import jax
    _d = setup_inputs()
    print(jax.jit(kernel)(*tuple(_d.values())))

</pallas_src>

<mosaic_0001>
#map = affine_map<(d0, d1) -> (0, 0)>
module attributes {stable_mosaic.version = 14 : i64} {
  func.func @_sc_body(%arg0: i32, %arg1: i32, %arg2: memref<2048x1024xf32, #tpu.memory_space<hbm>>, %arg3: memref<2048x128xf32, #tpu.memory_space<hbm>>, %arg4: memref<2048x32xi32, #tpu.memory_space<hbm>>, %arg5: memref<65536x128xf32, #tpu.memory_space<hbm>>, %arg6: memref<1024xf32, #tpu.memory_space<vmem>>, %arg7: memref<1024xf32, #tpu.memory_space<vmem>>, %arg8: memref<32xi32, #tpu.memory_space<vmem>>, %arg9: memref<32xi32, #tpu.memory_space<vmem>>, %arg10: memref<32x128xf32, #tpu.memory_space<vmem>>, %arg11: memref<!tpu.dma_semaphore, #tpu.memory_space<semaphore_mem>>) attributes {dimension_semantics = [#tpu.dimension_semantics<core_parallel>, #tpu.dimension_semantics<subcore_parallel>], iteration_bounds = array<i64: 2, 16>, scalar_prefetch = 0 : i64, scratch_operands = 6 : i64, tpu.core_type = #tpu.core_type<sc_vector_subcore>, window_params = [{transform_indices = #map}, {transform_indices = #map}, {transform_indices = #map}, {transform_indices = #map}]} {
    %mul3A = arith.constant 2 : i32
    %mul3A_0 = arith.muli %arg1, %mul3A : i32
    %add3A = arith.addi %mul3A_0, %arg0 : i32
    %iota3A = tpu.iota {dimensions = array<i32: 0>} : vector<16xi32>
    %broadcast_in_dim3A = arith.constant 3.000000e+38 : f32
    %broadcast_in_dim3A_1 = vector.broadcast %broadcast_in_dim3A : f32 to vector<16xf32>
    %broadcast_in_dim3A_2 = arith.constant 1073741824 : i32
    %broadcast_in_dim3A_3 = vector.broadcast %broadcast_in_dim3A_2 : i32 to vector<16xi32>
    %eq3A = arith.constant 0 : i32
    %eq3A_4 = vector.broadcast %eq3A : i32 to vector<16xi32>
    %eq3A_5 = arith.cmpi eq, %iota3A, %eq3A_4 : vector<16xi32>
    %scan3A = arith.constant 0 : i32
    %scan3A_6 = arith.constant 0 : i32
    %scan3A_7 = arith.constant 32 : i32
    %scan3A_8 = arith.addi %scan3A_6, %scan3A_7 : i32
    %scan3A_9 = arith.constant 1 : i32
    %scan3A_10 = scf.for %scan3A_12 = %scan3A_6 to %scan3A_8 step %scan3A_9 iter_args(%scan3A_13 = %scan3A) -> (i32)  : i32 {
      %mul3A_14 = arith.constant 64 : i32
      %mul3A_15 = arith.muli %add3A, %mul3A_14 : i32
      %mul3A_16 = arith.constant 2 : i32
      %mul3A_17 = arith.muli %mul3A_16, %scan3A_12 : i32
      %add3A_18 = arith.addi %mul3A_15, %mul3A_17 : i32
      %add3A_19 = arith.constant 1 : i32
      %add3A_20 = arith.addi %add3A_18, %add3A_19 : i32
      "tpu.region"() ({
        %run_scoped3A = tpu.sem_alloc : memref<!tpu.dma_semaphore, #tpu.memory_space<semaphore_mem>>
        %dma_start3A_1133 = arith.constant 0 : i32
        %dma_start3A_1134 = tpu.memref_slice %arg2[%add3A_18, %dma_start3A_1133] : memref<2048x1024xf32, #tpu.memory_space<hbm>> -> memref<1x1024xf32, #tpu.memory_space<hbm>>
        %dma_start3A_1135 = tpu.memref_squeeze %dma_start3A_1134 : memref<1x1024xf32, #tpu.memory_space<hbm>> -> memref<1024xf32, #tpu.memory_space<hbm>>
        %dma_start3A_1136 = arith.constant 0 : i32
        %dma_start3A_1137 = tpu.memref_slice %arg2[%add3A_18, %dma_start3A_1136] : memref<2048x1024xf32, #tpu.memory_space<hbm>> -> memref<1x1024xf32, #tpu.memory_space<hbm>>
        %dma_start3A_1138 = tpu.memref_squeeze %dma_start3A_1137 : memref<1x1024xf32, #tpu.memory_space<hbm>> -> memref<1024xf32, #tpu.memory_space<hbm>>
        tpu.enqueue_dma source(%dma_start3A_1138 : memref<1024xf32, #tpu.memory_space<hbm>>) target(%arg6 : memref<1024xf32, #tpu.memory_space<vmem>>) target_semaphore(%run_scoped3A : memref<!tpu.dma_semaphore, #tpu.memory_space<semaphore_mem>>)
        %dma_wait3A_1139 = arith.constant 0 : i32
        %dma_wait3A_1140 = tpu.memref_slice %arg2[%add3A_18, %dma_wait3A_1139] : memref<2048x1024xf32, #tpu.memory_space<hbm>> -> memref<1x1024xf32, #tpu.memory_space<hbm>>
        %dma_wait3A_1141 = tpu.memref_squeeze %dma_wait3A_1140 : memref<1x1024xf32, #tpu.memory_space<hbm>> -> memref<1024xf32, #tpu.memory_space<hbm>>
        %dma_wait3A_1142 = arith.constant 0 : i32
        %dma_wait3A_1143 = tpu.memref_slice %arg2[%add3A_18, %dma_wait3A_1142] : memref<2048x1024xf32, #tpu.memory_space<hbm>> -> memref<1x1024xf32, #tpu.memory_space<hbm>>
        %dma_wait3A_1144 = tpu.memref_squeeze %dma_wait3A_1143 : memref<1x1024xf32, #tpu.memory_space<hbm>> -> memref<1024xf32, #tpu.memory_space<hbm>>
        tpu.wait_dma2 semaphore(%run_scoped3A : memref<!tpu.dma_semaphore, #tpu.memory_space<semaphore_mem>>) src(%dma_wait3A_1144 : memref<1024xf32, #tpu.memory_space<hbm>>) dst(%arg6 : memref<1024xf32, #tpu.memory_space<vmem>>)
        tpu.yield
      }) : () -> ()
      "tpu.region"() ({
        %run_scoped3A = tpu.sem_alloc : memref<!tpu.dma_semaphore, #tpu.memory_space<semaphore_mem>>
        %dma_start3A_1133 = arith.constant 0 : i32
        %dma_start3A_1134 = tpu.memref_slice %arg2[%add3A_20, %dma_start3A_1133] : memref<2048x1024xf32, #tpu.memory_space<hbm>> -> memref<1x1024xf32, #tpu.memory_space<hbm>>
        %dma_start3A_1135 = tpu.memref_squeeze %dma_start3A_1134 : memref<1x1024xf32, #tpu.memory_space<hbm>> -> memref<1024xf32, #tpu.memory_space<hbm>>
        %dma_start3A_1136 = arith.constant 0 : i32
        %dma_start3A_1137 = tpu.memref_slice %arg2[%add3A_20, %dma_start3A_1136] : memref<2048x1024xf32, #tpu.memory_space<hbm>> -> memref<1x1024xf32, #tpu.memory_space<hbm>>
        %dma_start3A_1138 = tpu.memref_squeeze %dma_start3A_1137 : memref<1x1024xf32, #tpu.memory_space<hbm>> -> memref<1024xf32, #tpu.memory_space<hbm>>
        tpu.enqueue_dma source(%dma_start3A_1138 : memref<1024xf32, #tpu.memory_space<hbm>>) target(%arg7 : memref<1024xf32, #tpu.memory_space<vmem>>) target_semaphore(%run_scoped3A : memref<!tpu.dma_semaphore, #tpu.memory_space<semaphore_mem>>)
        %dma_wait3A_1139 = arith.constant 0 : i32
        %dma_wait3A_1140 = tpu.memref_slice %arg2[%add3A_20, %dma_wait3A_1139] : memref<2048x1024xf32, #tpu.memory_space<hbm>> -> memref<1x1024xf32, #tpu.memory_space<hbm>>
        %dma_wait3A_1141 = tpu.memref_squeeze %dma_wait3A_1140 : memref<1x1024xf32, #tpu.memory_space<hbm>> -> memref<1024xf32, #tpu.memory_space<hbm>>
        %dma_wait3A_1142 = arith.constant 0 : i32
        %dma_wait3A_1143 = tpu.memref_slice %arg2[%add3A_20, %dma_wait3A_1142] : memref<2048x1024xf32, #tpu.memory_space<hbm>> -> memref<1x1024xf32, #tpu.memory_space<hbm>>
        %dma_wait3A_1144 = tpu.memref_squeeze %dma_wait3A_1143 : memref<1x1024xf32, #tpu.memory_space<hbm>> -> memref<1024xf32, #tpu.memory_space<hbm>>
        tpu.wait_dma2 semaphore(%run_scoped3A : memref<!tpu.dma_semaphore, #tpu.memory_space<semaphore_mem>>) src(%dma_wait3A_1144 : memref<1024xf32, #tpu.memory_space<hbm>>) dst(%arg7 : memref<1024xf32, #tpu.memory_space<vmem>>)
        tpu.yield
      }) : () -> ()
      %get3A = arith.constant 0 : index
      %get3A_21 = tpu.vector_load %arg6[%get3A] {strides = array<i32>} : memref<1024xf32, #tpu.memory_space<vmem>>, vector<16xf32>,
      %get3A_22 = arith.constant 0 : index
      %get3A_23 = tpu.vector_load %arg7[%get3A_22] {strides = array<i32>} : memref<1024xf32, #tpu.memory_space<vmem>>, vector<16xf32>,
      %lt3A = arith.cmpf olt, %get3A_21, %broadcast_in_dim3A_1 : vector<16xf32>
      %lt3A_24 = arith.cmpf olt, %get3A_23, %broadcast_in_dim3A_1 : vector<16xf32>
      %select_n3A = arith.select %lt3A, %get3A_21, %broadcast_in_dim3A_1 : vector<16xi1>, vector<16xf32>
      %add3A_25 = arith.constant 0 : i32
      %add3A_26 = vector.broadcast %add3A_25 : i32 to vector<16xi32>
      %add3A_27 = arith.addi %iota3A, %add3A_26 : vector<16xi32>
      %select_n3A_28 = arith.select %lt3A, %add3A_27, %broadcast_in_dim3A_3 : vector<16xi1>, vector<16xi32>
      %select_n3A_29 = arith.select %lt3A_24, %get3A_23, %broadcast_in_dim3A_1 : vector<16xi1>, vector<16xf32>
      %add3A_30 = arith.constant 0 : i32
      %add3A_31 = vector.broadcast %add3A_30 : i32 to vector<16xi32>
      %add3A_32 = arith.addi %iota3A, %add3A_31 : vector<16xi32>
      %select_n3A_33 = arith.select %lt3A_24, %add3A_32, %broadcast_in_dim3A_3 : vector<16xi1>, vector<16xi32>
      %get3A_34 = arith.constant 16 : index
      %get3A_35 = tpu.vector_load %arg6[%get3A_34] {strides = array<i32>} : memref<1024xf32, #tpu.memory_space<vmem>>, vector<16xf32>,
      %get3A_36 = arith.constant 16 : index
      %get3A_37 = tpu.vector_load %arg7[%get3A_36] {strides = array<i32>} : memref<1024xf32, #tpu.memory_space<vmem>>, vector<16xf32>,
      %lt3A_38 = arith.cmpf olt, %get3A_35, %select_n3A : vector<16xf32>
      %lt3A_39 = arith.cmpf olt, %get3A_37, %select_n3A_29 : vector<16xf32>
      %select_n3A_40 = arith.select %lt3A_38, %get3A_35, %select_n3A : vector<16xi1>, vector<16xf32>
      %add3A_41 = arith.constant 16 : i32
      %add3A_42 = vector.broadcast %add3A_41 : i32 to vector<16xi32>
      %add3A_43 = arith.addi %iota3A, %add3A_42 : vector<16xi32>
      %select_n3A_44 = arith.select %lt3A_38, %add3A_43, %select_n3A_28 : vector<16xi1>, vector<16xi32>
      %select_n3A_45 = arith.select %lt3A_39, %get3A_37, %select_n3A_29 : vector<16xi1>, vector<16xf32>
      %add3A_46 = arith.constant 16 : i32
      %add3A_47 = vector.broadcast %add3A_46 : i32 to vector<16xi32>
      %add3A_48 = arith.addi %iota3A, %add3A_47 : vector<16xi32>
      %select_n3A_49 = arith.select %lt3A_39, %add3A_48, %select_n3A_33 : vector<16xi1>, vector<16xi32>
      %get3A_50 = arith.constant 32 : index
      %get3A_51 = tpu.vector_load %arg6[%get3A_50] {strides = array<i32>} : memref<1024xf32, #tpu.memory_space<vmem>>, vector<16xf32>,
      %get3A_52 = arith.constant 32 : index
      %get3A_53 = tpu.vector_load %arg7[%get3A_52] {strides = array<i32>} : memref<1024xf32, #tpu.memory_space<vmem>>, vector<16xf32>,
      %lt3A_54 = arith.cmpf olt, %get3A_51, %select_n3A_40 : vector<16xf32>
      %lt3A_55 = arith.cmpf olt, %get3A_53, %select_n3A_45 : vector<16xf32>
      %select_n3A_56 = arith.select %lt3A_54, %get3A_51, %select_n3A_40 : vector<16xi1>, vector<16xf32>
      %add3A_57 = arith.constant 32 : i32
      %add3A_58 = vector.broadcast %add3A_57 : i32 to vector<16xi32>
      %add3A_59 = arith.addi %iota3A, %add3A_58 : vector<16xi32>
      %select_n3A_60 = arith.select %lt3A_54, %add3A_59, %select_n3A_44 : vector<16xi1>, vector<16xi32>
      %select_n3A_61 = arith.select %lt3A_55, %get3A_53, %select_n3A_45 : vector<16xi1>, vector<16xf32>
      %add3A_62 = arith.constant 32 : i32
      %add3A_63 = vector.broadcast %add3A_62 : i32 to vector<16xi32>
      %add3A_64 = arith.addi %iota3A, %add3A_63 : vector<16xi32>
      %select_n3A_65 = arith.select %lt3A_55, %add3A_64, %select_n3A_49 : vector<16xi1>, vector<16xi32>
      %get3A_66 = arith.constant 48 : index
      %get3A_67 = tpu.vector_load %arg6[%get3A_66] {strides = array<i32>} : memref<1024xf32, #tpu.memory_space<vmem>>, vector<16xf32>,
      %get3A_68 = arith.constant 48 : index
      %get3A_69 = tpu.vector_load %arg7[%get3A_68] {strides = array<i32>} : memref<1024xf32, #tpu.memory_space<vmem>>, vector<16xf32>,
      %lt3A_70 = arith.cmpf olt, %get3A_67, %select_n3A_56 : vector<16xf32>
      %lt3A_71 = arith.cmpf olt, %get3A_69, %select_n3A_61 : vector<16xf32>
      %select_n3A_72 = arith.select %lt3A_70, %get3A_67, %select_n3A_56 : vector<16xi1>, vector<16xf32>
      %add3A_73 = arith.constant 48 : i32
      %add3A_74 = vector.broadcast %add3A_73 : i32 to vector<16xi32>
      %add3A_75 = arith.addi %iota3A, %add3A_74 : vector<16xi32>
      %select_n3A_76 = arith.select %lt3A_70, %add3A_75, %select_n3A_60 : vector<16xi1>, vector<16xi32>
      %select_n3A_77 = arith.select %lt3A_71, %get3A_69, %select_n3A_61 : vector<16xi1>, vector<16xf32>
      %add3A_78 = arith.constant 48 : i32
      %add3A_79 = vector.broadcast %add3A_78 : i32 to vector<16xi32>
      %add3A_80 = arith.addi %iota3A, %add3A_79 : vector<16xi32>
      %select_n3A_81 = arith.select %lt3A_71, %add3A_80, %select_n3A_65 : vector<16xi1>, vector<16xi32>
      %get3A_82 = arith.constant 64 : index
      %get3A_83 = tpu.vector_load %arg6[%get3A_82] {strides = array<i32>} : memref<1024xf32, #tpu.memory_space<vmem>>, vector<16xf32>,
      %get3A_84 = arith.constant 64 : index
      %get3A_85 = tpu.vector_load %arg7[%get3A_84] {strides = array<i32>} : memref<1024xf32, #tpu.memory_space<vmem>>, vector<16xf32>,
      %lt3A_86 = arith.cmpf olt, %get3A_83, %select_n3A_72 : vector<16xf32>
      %lt3A_87 = arith.cmpf olt, %get3A_85, %select_n3A_77 : vector<16xf32>
      %select_n3A_88 = arith.select %lt3A_86, %get3A_83, %select_n3A_72 : vector<16xi1>, vector<16xf32>
      %add3A_89 = arith.constant 64 : i32
      %add3A_90 = vector.broadcast %add3A_89 : i32 to vector<16xi32>
      %add3A_91 = arith.addi %iota3A, %add3A_90 : vector<16xi32>
      %select_n3A_92 = arith.select %lt3A_86, %add3A_91, %select_n3A_76 : vector<16xi1>, vector<16xi32>
      %select_n3A_93 = arith.select %lt3A_87, %get3A_85, %select_n3A_77 : vector<16xi1>, vector<16xf32>
      %add3A_94 = arith.constant 64 : i32
      %add3A_95 = vector.broadcast %add3A_94 : i32 to vector<16xi32>
      %add3A_96 = arith.addi %iota3A, %add3A_95 : vector<16xi32>
      %select_n3A_97 = arith.select %lt3A_87, %add3A_96, %select_n3A_81 : vector<16xi1>, vector<16xi32>
      %get3A_98 = arith.constant 80 : index
      %get3A_99 = tpu.vector_load %arg6[%get3A_98] {strides = array<i32>} : memref<1024xf32, #tpu.memory_space<vmem>>, vector<16xf32>,
      %get3A_100 = arith.constant 80 : index
      %get3A_101 = tpu.vector_load %arg7[%get3A_100] {strides = array<i32>} : memref<1024xf32, #tpu.memory_space<vmem>>, vector<16xf32>,
      %lt3A_102 = arith.cmpf olt, %get3A_99, %select_n3A_88 : vector<16xf32>
      %lt3A_103 = arith.cmpf olt, %get3A_101, %select_n3A_93 : vector<16xf32>
      %select_n3A_104 = arith.select %lt3A_102, %get3A_99, %select_n3A_88 : vector<16xi1>, vector<16xf32>
      %add3A_105 = arith.constant 80 : i32
      %add3A_106 = vector.broadcast %add3A_105 : i32 to vector<16xi32>
      %add3A_107 = arith.addi %iota3A, %add3A_106 : vector<16xi32>
      %select_n3A_108 = arith.select %lt3A_102, %add3A_107, %select_n3A_92 : vector<16xi1>, vector<16xi32>
      %select_n3A_109 = arith.select %lt3A_103, %get3A_101, %select_n3A_93 : vector<16xi1>, vector<16xf32>
      %add3A_110 = arith.constant 80 : i32
      %add3A_111 = vector.broadcast %add3A_110 : i32 to vector<16xi32>
      %add3A_112 = arith.addi %iota3A, %add3A_111 : vector<16xi32>
      %select_n3A_113 = arith.select %lt3A_103, %add3A_112, %select_n3A_97 : vector<16xi1>, vector<16xi32>
      %get3A_114 = arith.constant 96 : index
      %get3A_115 = tpu.vector_load %arg6[%get3A_114] {strides = array<i32>} : memref<1024xf32, #tpu.memory_space<vmem>>, vector<16xf32>,
      %get3A_116 = arith.constant 96 : index
      %get3A_117 = tpu.vector_load %arg7[%get3A_116] {strides = array<i32>} : memref<1024xf32, #tpu.memory_space<vmem>>, vector<16xf32>,
      %lt3A_118 = arith.cmpf olt, %get3A_115, %select_n3A_104 : vector<16xf32>
      %lt3A_119 = arith.cmpf olt, %get3A_117, %select_n3A_109 : vector<16xf32>
      %select_n3A_120 = arith.select %lt3A_118, %get3A_115, %select_n3A_104 : vector<16xi1>, vector<16xf32>
      %add3A_121 = arith.constant 96 : i32
      %add3A_122 = vector.broadcast %add3A_121 : i32 to vector<16xi32>
      %add3A_123 = arith.addi %iota3A, %add3A_122 : vector<16xi32>
      %select_n3A_124 = arith.select %lt3A_118, %add3A_123, %select_n3A_108 : vector<16xi1>, vector<16xi32>
      %select_n3A_125 = arith.select %lt3A_119, %get3A_117, %select_n3A_109 : vector<16xi1>, vector<16xf32>
      %add3A_126 = arith.constant 96 : i32
      %add3A_127 = vector.broadcast %add3A_126 : i32 to vector<16xi32>
      %add3A_128 = arith.addi %iota3A, %add3A_127 : vector<16xi32>
      %select_n3A_129 = arith.select %lt3A_119, %add3A_128, %select_n3A_113 : vector<16xi1>, vector<16xi32>
      %get3A_130 = arith.constant 112 : index
      %get3A_131 = tpu.vector_load %arg6[%get3A_130] {strides = array<i32>} : memref<1024xf32, #tpu.memory_space<vmem>>, vector<16xf32>,
      %get3A_132 = arith.constant 112 : index
      %get3A_133 = tpu.vector_load %arg7[%get3A_132] {strides = array<i32>} : memref<1024xf32, #tpu.memory_space<vmem>>, vector<16xf32>,
      %lt3A_134 = arith.cmpf olt, %get3A_131, %select_n3A_120 : vector<16xf32>
      %lt3A_135 = arith.cmpf olt, %get3A_133, %select_n3A_125 : vector<16xf32>
      %select_n3A_136 = arith.select %lt3A_134, %get3A_131, %select_n3A_120 : vector<16xi1>, vector<16xf32>
      %add3A_137 = arith.constant 112 : i32
      %add3A_138 = vector.broadcast %add3A_137 : i32 to vector<16xi32>
      %add3A_139 = arith.addi %iota3A, %add3A_138 : vector<16xi32>
      %select_n3A_140 = arith.select %lt3A_134, %add3A_139, %select_n3A_124 : vector<16xi1>, vector<16xi32>
      %select_n3A_141 = arith.select %lt3A_135, %get3A_133, %select_n3A_125 : vector<16xi1>, vector<16xf32>
      %add3A_142 = arith.constant 112 : i32
      %add3A_143 = vector.broadcast %add3A_142 : i32 to vector<16xi32>
      %add3A_144 = arith.addi %iota3A, %add3A_143 : vector<16xi32>
      %select_n3A_145 = arith.select %lt3A_135, %add3A_144, %select_n3A_129 : vector<16xi1>, vector<16xi32>
      %get3A_146 = arith.constant 128 : index
      %get3A_147 = tpu.vector_load %arg6[%get3A_146] {strides = array<i32>} : memref<1024xf32, #tpu.memory_space<vmem>>, vector<16xf32>,
      %get3A_148 = arith.constant 128 : index
      %get3A_149 = tpu.vector_load %arg7[%get3A_148] {strides = array<i32>} : memref<1024xf32, #tpu.memory_space<vmem>>, vector<16xf32>,
      %lt3A_150 = arith.cmpf olt, %get3A_147, %select_n3A_136 : vector<16xf32>
      %lt3A_151 = arith.cmpf olt, %get3A_149, %select_n3A_141 : vector<16xf32>
      %select_n3A_152 = arith.select %lt3A_150, %get3A_147, %select_n3A_136 : vector<16xi1>, vector<16xf32>
      %add3A_153 = arith.constant 128 : i32
      %add3A_154 = vector.broadcast %add3A_153 : i32 to vector<16xi32>
      %add3A_155 = arith.addi %iota3A, %add3A_154 : vector<16xi32>
      %select_n3A_156 = arith.select %lt3A_150, %add3A_155, %select_n3A_140 : vector<16xi1>, vector<16xi32>
      %select_n3A_157 = arith.select %lt3A_151, %get3A_149, %select_n3A_141 : vector<16xi1>, vector<16xf32>
      %add3A_158 = arith.constant 128 : i32
      %add3A_159 = vector.broadcast %add3A_158 : i32 to vector<16xi32>
      %add3A_160 = arith.addi %iota3A, %add3A_159 : vector<16xi32>
      %select_n3A_161 = arith.select %lt3A_151, %add3A_160, %select_n3A_145 : vector<16xi1>, vector<16xi32>
      %get3A_162 = arith.constant 144 : index
      %get3A_163 = tpu.vector_load %arg6[%get3A_162] {strides = array<i32>} : memref<1024xf32, #tpu.memory_space<vmem>>, vector<16xf32>,
      %get3A_164 = arith.constant 144 : index
      %get3A_165 = tpu.vector_load %arg7[%get3A_164] {strides = array<i32>} : memref<1024xf32, #tpu.memory_space<vmem>>, vector<16xf32>,
      %lt3A_166 = arith.cmpf olt, %get3A_163, %select_n3A_152 : vector<16xf32>
      %lt3A_167 = arith.cmpf olt, %get3A_165, %select_n3A_157 : vector<16xf32>
      %select_n3A_168 = arith.select %lt3A_166, %get3A_163, %select_n3A_152 : vector<16xi1>, vector<16xf32>
      %add3A_169 = arith.constant 144 : i32
      %add3A_170 = vector.broadcast %add3A_169 : i32 to vector<16xi32>
      %add3A_171 = arith.addi %iota3A, %add3A_170 : vector<16xi32>
      %select_n3A_172 = arith.select %lt3A_166, %add3A_171, %select_n3A_156 : vector<16xi1>, vector<16xi32>
      %select_n3A_173 = arith.select %lt3A_167, %get3A_165, %select_n3A_157 : vector<16xi1>, vector<16xf32>
      %add3A_174 = arith.constant 144 : i32
      %add3A_175 = vector.broadcast %add3A_174 : i32 to vector<16xi32>
      %add3A_176 = arith.addi %iota3A, %add3A_175 : vector<16xi32>
      %select_n3A_177 = arith.select %lt3A_167, %add3A_176, %select_n3A_161 : vector<16xi1>, vector<16xi32>
      %get3A_178 = arith.constant 160 : index
      %get3A_179 = tpu.vector_load %arg6[%get3A_178] {strides = array<i32>} : memref<1024xf32, #tpu.memory_space<vmem>>, vector<16xf32>,
      %get3A_180 = arith.constant 160 : index
      %get3A_181 = tpu.vector_load %arg7[%get3A_180] {strides = array<i32>} : memref<1024xf32, #tpu.memory_space<vmem>>, vector<16xf32>,
      %lt3A_182 = arith.cmpf olt, %get3A_179, %select_n3A_168 : vector<16xf32>
      %lt3A_183 = arith.cmpf olt, %get3A_181, %select_n3A_173 : vector<16xf32>
      %select_n3A_184 = arith.select %lt3A_182, %get3A_179, %select_n3A_168 : vector<16xi1>, vector<16xf32>
      %add3A_185 = arith.constant 160 : i32
      %add3A_186 = vector.broadcast %add3A_185 : i32 to vector<16xi32>
      %add3A_187 = arith.addi %iota3A, %add3A_186 : vector<16xi32>
      %select_n3A_188 = arith.select %lt3A_182, %add3A_187, %select_n3A_172 : vector<16xi1>, vector<16xi32>
      %select_n3A_189 = arith.select %lt3A_183, %get3A_181, %select_n3A_173 : vector<16xi1>, vector<16xf32>
      %add3A_190 = arith.constant 160 : i32
      %add3A_191 = vector.broadcast %add3A_190 : i32 to vector<16xi32>
      %add3A_192 = arith.addi %iota3A, %add3A_191 : vector<16xi32>
      %select_n3A_193 = arith.select %lt3A_183, %add3A_192, %select_n3A_177 : vector<16xi1>, vector<16xi32>
      %get3A_194 = arith.constant 176 : index
      %get3A_195 = tpu.vector_load %arg6[%get3A_194] {strides = array<i32>} : memref<1024xf32, #tpu.memory_space<vmem>>, vector<16xf32>,
      %get3A_196 = arith.constant 176 : index
      %get3A_197 = tpu.vector_load %arg7[%get3A_196] {strides = array<i32>} : memref<1024xf32, #tpu.memory_space<vmem>>, vector<16xf32>,
      %lt3A_198 = arith.cmpf olt, %get3A_195, %select_n3A_184 : vector<16xf32>
      %lt3A_199 = arith.cmpf olt, %get3A_197, %select_n3A_189 : vector<16xf32>
      %select_n3A_200 = arith.select %lt3A_198, %get3A_195, %select_n3A_184 : vector<16xi1>, vector<16xf32>
      %add3A_201 = arith.constant 176 : i32
      %add3A_202 = vector.broadcast %add3A_201 : i32 to vector<16xi32>
      %add3A_203 = arith.addi %iota3A, %add3A_202 : vector<16xi32>
      %select_n3A_204 = arith.select %lt3A_198, %add3A_203, %select_n3A_188 : vector<16xi1>, vector<16xi32>
      %select_n3A_205 = arith.select %lt3A_199, %get3A_197, %select_n3A_189 : vector<16xi1>, vector<16xf32>
      %add3A_206 = arith.constant 176 : i32
      %add3A_207 = vector.broadcast %add3A_206 : i32 to vector<16xi32>
      %add3A_208 = arith.addi %iota3A, %add3A_207 : vector<16xi32>
      %select_n3A_209 = arith.select %lt3A_199, %add3A_208, %select_n3A_193 : vector<16xi1>, vector<16xi32>
      %get3A_210 = arith.constant 192 : index
      %get3A_211 = tpu.vector_load %arg6[%get3A_210] {strides = array<i32>} : memref<1024xf32, #tpu.memory_space<vmem>>, vector<16xf32>,
      %get3A_212 = arith.constant 192 : index
      %get3A_213 = tpu.vector_load %arg7[%get3A_212] {strides = array<i32>} : memref<1024xf32, #tpu.memory_space<vmem>>, vector<16xf32>,
      %lt3A_214 = arith.cmpf olt, %get3A_211, %select_n3A_200 : vector<16xf32>
      %lt3A_215 = arith.cmpf olt, %get3A_213, %select_n3A_205 : vector<16xf32>
      %select_n3A_216 = arith.select %lt3A_214, %get3A_211, %select_n3A_200 : vector<16xi1>, vector<16xf32>
      %add3A_217 = arith.constant 192 : i32
      %add3A_218 = vector.broadcast %add3A_217 : i32 to vector<16xi32>
      %add3A_219 = arith.addi %iota3A, %add3A_218 : vector<16xi32>
      %select_n3A_220 = arith.select %lt3A_214, %add3A_219, %select_n3A_204 : vector<16xi1>, vector<16xi32>
      %select_n3A_221 = arith.select %lt3A_215, %get3A_213, %select_n3A_205 : vector<16xi1>, vector<16xf32>
      %add3A_222 = arith.constant 192 : i32
      %add3A_223 = vector.broadcast %add3A_222 : i32 to vector<16xi32>
      %add3A_224 = arith.addi %iota3A, %add3A_223 : vector<16xi32>
      %select_n3A_225 = arith.select %lt3A_215, %add3A_224, %select_n3A_209 : vector<16xi1>, vector<16xi32>
      %get3A_226 = arith.constant 208 : index
      %get3A_227 = tpu.vector_load %arg6[%get3A_226] {strides = array<i32>} : memref<1024xf32, #tpu.memory_space<vmem>>, vector<16xf32>,
      %get3A_228 = arith.constant 208 : index
      %get3A_229 = tpu.vector_load %arg7[%get3A_228] {strides = array<i32>} : memref<1024xf32, #tpu.memory_space<vmem>>, vector<16xf32>,
      %lt3A_230 = arith.cmpf olt, %get3A_227, %select_n3A_216 : vector<16xf32>
      %lt3A_231 = arith.cmpf olt, %get3A_229, %select_n3A_221 : vector<16xf32>
      %select_n3A_232 = arith.select %lt3A_230, %get3A_227, %select_n3A_216 : vector<16xi1>, vector<16xf32>
      %add3A_233 = arith.constant 208 : i32
      %add3A_234 = vector.broadcast %add3A_233 : i32 to vector<16xi32>
      %add3A_235 = arith.addi %iota3A, %add3A_234 : vector<16xi32>
      %select_n3A_236 = arith.select %lt3A_230, %add3A_235, %select_n3A_220 : vector<16xi1>, vector<16xi32>
      %select_n3A_237 = arith.select %lt3A_231, %get3A_229, %select_n3A_221 : vector<16xi1>, vector<16xf32>
      %add3A_238 = arith.constant 208 : i32
      %add3A_239 = vector.broadcast %add3A_238 : i32 to vector<16xi32>
      %add3A_240 = arith.addi %iota3A, %add3A_239 : vector<16xi32>
      %select_n3A_241 = arith.select %lt3A_231, %add3A_240, %select_n3A_225 : vector<16xi1>, vector<16xi32>
      %get3A_242 = arith.constant 224 : index
      %get3A_243 = tpu.vector_load %arg6[%get3A_242] {strides = array<i32>} : memref<1024xf32, #tpu.memory_space<vmem>>, vector<16xf32>,
      %get3A_244 = arith.constant 224 : index
      %get3A_245 = tpu.vector_load %arg7[%get3A_244] {strides = array<i32>} : memref<1024xf32, #tpu.memory_space<vmem>>, vector<16xf32>,
      %lt3A_246 = arith.cmpf olt, %get3A_243, %select_n3A_232 : vector<16xf32>
      %lt3A_247 = arith.cmpf olt, %get3A_245, %select_n3A_237 : vector<16xf32>
      %select_n3A_248 = arith.select %lt3A_246, %get3A_243, %select_n3A_232 : vector<16xi1>, vector<16xf32>
      %add3A_249 = arith.constant 224 : i32
      %add3A_250 = vector.broadcast %add3A_249 : i32 to vector<16xi32>
      %add3A_251 = arith.addi %iota3A, %add3A_250 : vector<16xi32>
      %select_n3A_252 = arith.select %lt3A_246, %add3A_251, %select_n3A_236 : vector<16xi1>, vector<16xi32>
      %select_n3A_253 = arith.select %lt3A_247, %get3A_245, %select_n3A_237 : vector<16xi1>, vector<16xf32>
      %add3A_254 = arith.constant 224 : i32
      %add3A_255 = vector.broadcast %add3A_254 : i32 to vector<16xi32>
      %add3A_256 = arith.addi %iota3A, %add3A_255 : vector<16xi32>
      %select_n3A_257 = arith.select %lt3A_247, %add3A_256, %select_n3A_241 : vector<16xi1>, vector<16xi32>
      %get3A_258 = arith.constant 240 : index
      %get3A_259 = tpu.vector_load %arg6[%get3A_258] {strides = array<i32>} : memref<1024xf32, #tpu.memory_space<vmem>>, vector<16xf32>,
      %get3A_260 = arith.constant 240 : index
      %get3A_261 = tpu.vector_load %arg7[%get3A_260] {strides = array<i32>} : memref<1024xf32, #tpu.memory_space<vmem>>, vector<16xf32>,
      %lt3A_262 = arith.cmpf olt, %get3A_259, %select_n3A_248 : vector<16xf32>
      %lt3A_263 = arith.cmpf olt, %get3A_261, %select_n3A_253 : vector<16xf32>
      %select_n3A_264 = arith.select %lt3A_262, %get3A_259, %select_n3A_248 : vector<16xi1>, vector<16xf32>
      %add3A_265 = arith.constant 240 : i32
      %add3A_266 = vector.broadcast %add3A_265 : i32 to vector<16xi32>
      %add3A_267 = arith.addi %iota3A, %add3A_266 : vector<16xi32>
      %select_n3A_268 = arith.select %lt3A_262, %add3A_267, %select_n3A_252 : vector<16xi1>, vector<16xi32>
      %select_n3A_269 = arith.select %lt3A_263, %get3A_261, %select_n3A_253 : vector<16xi1>, vector<16xf32>
      %add3A_270 = arith.constant 240 : i32
      %add3A_271 = vector.broadcast %add3A_270 : i32 to vector<16xi32>
      %add3A_272 = arith.addi %iota3A, %add3A_271 : vector<16xi32>
      %select_n3A_273 = arith.select %lt3A_263, %add3A_272, %select_n3A_257 : vector<16xi1>, vector<16xi32>
      %get3A_274 = arith.constant 256 : index
      %get3A_275 = tpu.vector_load %arg6[%get3A_274] {strides = array<i32>} : memref<1024xf32, #tpu.memory_space<vmem>>, vector<16xf32>,
      %get3A_276 = arith.constant 256 : index
      %get3A_277 = tpu.vector_load %arg7[%get3A_276] {strides = array<i32>} : memref<1024xf32, #tpu.memory_space<vmem>>, vector<16xf32>,
      %lt3A_278 = arith.cmpf olt, %get3A_275, %select_n3A_264 : vector<16xf32>
      %lt3A_279 = arith.cmpf olt, %get3A_277, %select_n3A_269 : vector<16xf32>
      %select_n3A_280 = arith.select %lt3A_278, %get3A_275, %select_n3A_264 : vector<16xi1>, vector<16xf32>
      %add3A_281 = arith.constant 256 : i32
      %add3A_282 = vector.broadcast %add3A_281 : i32 to vector<16xi32>
      %add3A_283 = arith.addi %iota3A, %add3A_282 : vector<16xi32>
      %select_n3A_284 = arith.select %lt3A_278, %add3A_283, %select_n3A_268 : vector<16xi1>, vector<16xi32>
      %select_n3A_285 = arith.select %lt3A_279, %get3A_277, %select_n3A_269 : vector<16xi1>, vector<16xf32>
      %add3A_286 = arith.constant 256 : i32
      %add3A_287 = vector.broadcast %add3A_286 : i32 to vector<16xi32>
      %add3A_288 = arith.addi %iota3A, %add3A_287 : vector<16xi32>
      %select_n3A_289 = arith.select %lt3A_279, %add3A_288, %select_n3A_273 : vector<16xi1>, vector<16xi32>
      %get3A_290 = arith.constant 272 : index
      %get3A_291 = tpu.vector_load %arg6[%get3A_290] {strides = array<i32>} : memref<1024xf32, #tpu.memory_space<vmem>>, vector<16xf32>,
      %get3A_292 = arith.constant 272 : index
      %get3A_293 = tpu.vector_load %arg7[%get3A_292] {strides = array<i32>} : memref<1024xf32, #tpu.memory_space<vmem>>, vector<16xf32>,
      %lt3A_294 = arith.cmpf olt, %get3A_291, %select_n3A_280 : vector<16xf32>
      %lt3A_295 = arith.cmpf olt, %get3A_293, %select_n3A_285 : vector<16xf32>
      %select_n3A_296 = arith.select %lt3A_294, %get3A_291, %select_n3A_280 : vector<16xi1>, vector<16xf32>
      %add3A_297 = arith.constant 272 : i32
      %add3A_298 = vector.broadcast %add3A_297 : i32 to vector<16xi32>
      %add3A_299 = arith.addi %iota3A, %add3A_298 : vector<16xi32>
      %select_n3A_300 = arith.select %lt3A_294, %add3A_299, %select_n3A_284 : vector<16xi1>, vector<16xi32>
      %select_n3A_301 = arith.select %lt3A_295, %get3A_293, %select_n3A_285 : vector<16xi1>, vector<16xf32>
      %add3A_302 = arith.constant 272 : i32
      %add3A_303 = vector.broadcast %add3A_302 : i32 to vector<16xi32>
      %add3A_304 = arith.addi %iota3A, %add3A_303 : vector<16xi32>
      %select_n3A_305 = arith.select %lt3A_295, %add3A_304, %select_n3A_289 : vector<16xi1>, vector<16xi32>
      %get3A_306 = arith.constant 288 : index
      %get3A_307 = tpu.vector_load %arg6[%get3A_306] {strides = array<i32>} : memref<1024xf32, #tpu.memory_space<vmem>>, vector<16xf32>,
      %get3A_308 = arith.constant 288 : index
      %get3A_309 = tpu.vector_load %arg7[%get3A_308] {strides = array<i32>} : memref<1024xf32, #tpu.memory_space<vmem>>, vector<16xf32>,
      %lt3A_310 = arith.cmpf olt, %get3A_307, %select_n3A_296 : vector<16xf32>
      %lt3A_311 = arith.cmpf olt, %get3A_309, %select_n3A_301 : vector<16xf32>
      %select_n3A_312 = arith.select %lt3A_310, %get3A_307, %select_n3A_296 : vector<16xi1>, vector<16xf32>
      %add3A_313 = arith.constant 288 : i32
      %add3A_314 = vector.broadcast %add3A_313 : i32 to vector<16xi32>
      %add3A_315 = arith.addi %iota3A, %add3A_314 : vector<16xi32>
      %select_n3A_316 = arith.select %lt3A_310, %add3A_315, %select_n3A_300 : vector<16xi1>, vector<16xi32>
      %select_n3A_317 = arith.select %lt3A_311, %get3A_309, %select_n3A_301 : vector<16xi1>, vector<16xf32>
      %add3A_318 = arith.constant 288 : i32
      %add3A_319 = vector.broadcast %add3A_318 : i32 to vector<16xi32>
      %add3A_320 = arith.addi %iota3A, %add3A_319 : vector<16xi32>
      %select_n3A_321 = arith.select %lt3A_311, %add3A_320, %select_n3A_305 : vector<16xi1>, vector<16xi32>
      %get3A_322 = arith.constant 304 : index
      %get3A_323 = tpu.vector_load %arg6[%get3A_322] {strides = array<i32>} : memref<1024xf32, #tpu.memory_space<vmem>>, vector<16xf32>,
      %get3A_324 = arith.constant 304 : index
      %get3A_325 = tpu.vector_load %arg7[%get3A_324] {strides = array<i32>} : memref<1024xf32, #tpu.memory_space<vmem>>, vector<16xf32>,
      %lt3A_326 = arith.cmpf olt, %get3A_323, %select_n3A_312 : vector<16xf32>
      %lt3A_327 = arith.cmpf olt, %get3A_325, %select_n3A_317 : vector<16xf32>
      %select_n3A_328 = arith.select %lt3A_326, %get3A_323, %select_n3A_312 : vector<16xi1>, vector<16xf32>
      %add3A_329 = arith.constant 304 : i32
      %add3A_330 = vector.broadcast %add3A_329 : i32 to vector<16xi32>
      %add3A_331 = arith.addi %iota3A, %add3A_330 : vector<16xi32>
      %select_n3A_332 = arith.select %lt3A_326, %add3A_331, %select_n3A_316 : vector<16xi1>, vector<16xi32>
      %select_n3A_333 = arith.select %lt3A_327, %get3A_325, %select_n3A_317 : vector<16xi1>, vector<16xf32>
      %add3A_334 = arith.constant 304 : i32
      %add3A_335 = vector.broadcast %add3A_334 : i32 to vector<16xi32>
      %add3A_336 = arith.addi %iota3A, %add3A_335 : vector<16xi32>
      %select_n3A_337 = arith.select %lt3A_327, %add3A_336, %select_n3A_321 : vector<16xi1>, vector<16xi32>
      %get3A_338 = arith.constant 320 : index
      %get3A_339 = tpu.vector_load %arg6[%get3A_338] {strides = array<i32>} : memref<1024xf32, #tpu.memory_space<vmem>>, vector<16xf32>,
      %get3A_340 = arith.constant 320 : index
      %get3A_341 = tpu.vector_load %arg7[%get3A_340] {strides = array<i32>} : memref<1024xf32, #tpu.memory_space<vmem>>, vector<16xf32>,
      %lt3A_342 = arith.cmpf olt, %get3A_339, %select_n3A_328 : vector<16xf32>
      %lt3A_343 = arith.cmpf olt, %get3A_341, %select_n3A_333 : vector<16xf32>
      %select_n3A_344 = arith.select %lt3A_342, %get3A_339, %select_n3A_328 : vector<16xi1>, vector<16xf32>
      %add3A_345 = arith.constant 320 : i32
      %add3A_346 = vector.broadcast %add3A_345 : i32 to vector<16xi32>
      %add3A_347 = arith.addi %iota3A, %add3A_346 : vector<16xi32>
      %select_n3A_348 = arith.select %lt3A_342, %add3A_347, %select_n3A_332 : vector<16xi1>, vector<16xi32>
      %select_n3A_349 = arith.select %lt3A_343, %get3A_341, %select_n3A_333 : vector<16xi1>, vector<16xf32>
      %add3A_350 = arith.constant 320 : i32
      %add3A_351 = vector.broadcast %add3A_350 : i32 to vector<16xi32>
      %add3A_352 = arith.addi %iota3A, %add3A_351 : vector<16xi32>
      %select_n3A_353 = arith.select %lt3A_343, %add3A_352, %select_n3A_337 : vector<16xi1>, vector<16xi32>
      %get3A_354 = arith.constant 336 : index
      %get3A_355 = tpu.vector_load %arg6[%get3A_354] {strides = array<i32>} : memref<1024xf32, #tpu.memory_space<vmem>>, vector<16xf32>,
      %get3A_356 = arith.constant 336 : index
      %get3A_357 = tpu.vector_load %arg7[%get3A_356] {strides = array<i32>} : memref<1024xf32, #tpu.memory_space<vmem>>, vector<16xf32>,
      %lt3A_358 = arith.cmpf olt, %get3A_355, %select_n3A_344 : vector<16xf32>
      %lt3A_359 = arith.cmpf olt, %get3A_357, %select_n3A_349 : vector<16xf32>
      %select_n3A_360 = arith.select %lt3A_358, %get3A_355, %select_n3A_344 : vector<16xi1>, vector<16xf32>
      %add3A_361 = arith.constant 336 : i32
      %add3A_362 = vector.broadcast %add3A_361 : i32 to vector<16xi32>
      %add3A_363 = arith.addi %iota3A, %add3A_362 : vector<16xi32>
      %select_n3A_364 = arith.select %lt3A_358, %add3A_363, %select_n3A_348 : vector<16xi1>, vector<16xi32>
      %select_n3A_365 = arith.select %lt3A_359, %get3A_357, %select_n3A_349 : vector<16xi1>, vector<16xf32>
      %add3A_366 = arith.constant 336 : i32
      %add3A_367 = vector.broadcast %add3A_366 : i32 to vector<16xi32>
      %add3A_368 = arith.addi %iota3A, %add3A_367 : vector<16xi32>
      %select_n3A_369 = arith.select %lt3A_359, %add3A_368, %select_n3A_353 : vector<16xi1>, vector<16xi32>
      %get3A_370 = arith.constant 352 : index
      %get3A_371 = tpu.vector_load %arg6[%get3A_370] {strides = array<i32>} : memref<1024xf32, #tpu.memory_space<vmem>>, vector<16xf32>,
      %get3A_372 = arith.constant 352 : index
      %get3A_373 = tpu.vector_load %arg7[%get3A_372] {strides = array<i32>} : memref<1024xf32, #tpu.memory_space<vmem>>, vector<16xf32>,
      %lt3A_374 = arith.cmpf olt, %get3A_371, %select_n3A_360 : vector<16xf32>
      %lt3A_375 = arith.cmpf olt, %get3A_373, %select_n3A_365 : vector<16xf32>
      %select_n3A_376 = arith.select %lt3A_374, %get3A_371, %select_n3A_360 : vector<16xi1>, vector<16xf32>
      %add3A_377 = arith.constant 352 : i32
      %add3A_378 = vector.broadcast %add3A_377 : i32 to vector<16xi32>
      %add3A_379 = arith.addi %iota3A, %add3A_378 : vector<16xi32>
      %select_n3A_380 = arith.select %lt3A_374, %add3A_379, %select_n3A_364 : vector<16xi1>, vector<16xi32>
      %select_n3A_381 = arith.select %lt3A_375, %get3A_373, %select_n3A_365 : vector<16xi1>, vector<16xf32>
      %add3A_382 = arith.constant 352 : i32
      %add3A_383 = vector.broadcast %add3A_382 : i32 to vector<16xi32>
      %add3A_384 = arith.addi %iota3A, %add3A_383 : vector<16xi32>
      %select_n3A_385 = arith.select %lt3A_375, %add3A_384, %select_n3A_369 : vector<16xi1>, vector<16xi32>
      %get3A_386 = arith.constant 368 : index
      %get3A_387 = tpu.vector_load %arg6[%get3A_386] {strides = array<i32>} : memref<1024xf32, #tpu.memory_space<vmem>>, vector<16xf32>,
      %get3A_388 = arith.constant 368 : index
      %get3A_389 = tpu.vector_load %arg7[%get3A_388] {strides = array<i32>} : memref<1024xf32, #tpu.memory_space<vmem>>, vector<16xf32>,
      %lt3A_390 = arith.cmpf olt, %get3A_387, %select_n3A_376 : vector<16xf32>
      %lt3A_391 = arith.cmpf olt, %get3A_389, %select_n3A_381 : vector<16xf32>
      %select_n3A_392 = arith.select %lt3A_390, %get3A_387, %select_n3A_376 : vector<16xi1>, vector<16xf32>
      %add3A_393 = arith.constant 368 : i32
      %add3A_394 = vector.broadcast %add3A_393 : i32 to vector<16xi32>
      %add3A_395 = arith.addi %iota3A, %add3A_394 : vector<16xi32>
      %select_n3A_396 = arith.select %lt3A_390, %add3A_395, %select_n3A_380 : vector<16xi1>, vector<16xi32>
      %select_n3A_397 = arith.select %lt3A_391, %get3A_389, %select_n3A_381 : vector<16xi1>, vector<16xf32>
      %add3A_398 = arith.constant 368 : i32
      %add3A_399 = vector.broadcast %add3A_398 : i32 to vector<16xi32>
      %add3A_400 = arith.addi %iota3A, %add3A_399 : vector<16xi32>
      %select_n3A_401 = arith.select %lt3A_391, %add3A_400, %select_n3A_385 : vector<16xi1>, vector<16xi32>
      %get3A_402 = arith.constant 384 : index
      %get3A_403 = tpu.vector_load %arg6[%get3A_402] {strides = array<i32>} : memref<1024xf32, #tpu.memory_space<vmem>>, vector<16xf32>,
      %get3A_404 = arith.constant 384 : index
      %get3A_405 = tpu.vector_load %arg7[%get3A_404] {strides = array<i32>} : memref<1024xf32, #tpu.memory_space<vmem>>, vector<16xf32>,
      %lt3A_406 = arith.cmpf olt, %get3A_403, %select_n3A_392 : vector<16xf32>
      %lt3A_407 = arith.cmpf olt, %get3A_405, %select_n3A_397 : vector<16xf32>
      %select_n3A_408 = arith.select %lt3A_406, %get3A_403, %select_n3A_392 : vector<16xi1>, vector<16xf32>
      %add3A_409 = arith.constant 384 : i32
      %add3A_410 = vector.broadcast %add3A_409 : i32 to vector<16xi32>
      %add3A_411 = arith.addi %iota3A, %add3A_410 : vector<16xi32>
      %select_n3A_412 = arith.select %lt3A_406, %add3A_411, %select_n3A_396 : vector<16xi1>, vector<16xi32>
      %select_n3A_413 = arith.select %lt3A_407, %get3A_405, %select_n3A_397 : vector<16xi1>, vector<16xf32>
      %add3A_414 = arith.constant 384 : i32
      %add3A_415 = vector.broadcast %add3A_414 : i32 to vector<16xi32>
      %add3A_416 = arith.addi %iota3A, %add3A_415 : vector<16xi32>
      %select_n3A_417 = arith.select %lt3A_407, %add3A_416, %select_n3A_401 : vector<16xi1>, vector<16xi32>
      %get3A_418 = arith.constant 400 : index
      %get3A_419 = tpu.vector_load %arg6[%get3A_418] {strides = array<i32>} : memref<1024xf32, #tpu.memory_space<vmem>>, vector<16xf32>,
      %get3A_420 = arith.constant 400 : index
      %get3A_421 = tpu.vector_load %arg7[%get3A_420] {strides = array<i32>} : memref<1024xf32, #tpu.memory_space<vmem>>, vector<16xf32>,
      %lt3A_422 = arith.cmpf olt, %get3A_419, %select_n3A_408 : vector<16xf32>
      %lt3A_423 = arith.cmpf olt, %get3A_421, %select_n3A_413 : vector<16xf32>
      %select_n3A_424 = arith.select %lt3A_422, %get3A_419, %select_n3A_408 : vector<16xi1>, vector<16xf32>
      %add3A_425 = arith.constant 400 : i32
      %add3A_426 = vector.broadcast %add3A_425 : i32 to vector<16xi32>
      %add3A_427 = arith.addi %iota3A, %add3A_426 : vector<16xi32>
      %select_n3A_428 = arith.select %lt3A_422, %add3A_427, %select_n3A_412 : vector<16xi1>, vector<16xi32>
      %select_n3A_429 = arith.select %lt3A_423, %get3A_421, %select_n3A_413 : vector<16xi1>, vector<16xf32>
      %add3A_430 = arith.constant 400 : i32
      %add3A_431 = vector.broadcast %add3A_430 : i32 to vector<16xi32>
      %add3A_432 = arith.addi %iota3A, %add3A_431 : vector<16xi32>
      %select_n3A_433 = arith.select %lt3A_423, %add3A_432, %select_n3A_417 : vector<16xi1>, vector<16xi32>
      %get3A_434 = arith.constant 416 : index
      %get3A_435 = tpu.vector_load %arg6[%get3A_434] {strides = array<i32>} : memref<1024xf32, #tpu.memory_space<vmem>>, vector<16xf32>,
      %get3A_436 = arith.constant 416 : index
      %get3A_437 = tpu.vector_load %arg7[%get3A_436] {strides = array<i32>} : memref<1024xf32, #tpu.memory_space<vmem>>, vector<16xf32>,
      %lt3A_438 = arith.cmpf olt, %get3A_435, %select_n3A_424 : vector<16xf32>
      %lt3A_439 = arith.cmpf olt, %get3A_437, %select_n3A_429 : vector<16xf32>
      %select_n3A_440 = arith.select %lt3A_438, %get3A_435, %select_n3A_424 : vector<16xi1>, vector<16xf32>
      %add3A_441 = arith.constant 416 : i32
      %add3A_442 = vector.broadcast %add3A_441 : i32 to vector<16xi32>
      %add3A_443 = arith.addi %iota3A, %add3A_442 : vector<16xi32>
      %select_n3A_444 = arith.select %lt3A_438, %add3A_443, %select_n3A_428 : vector<16xi1>, vector<16xi32>
      %select_n3A_445 = arith.select %lt3A_439, %get3A_437, %select_n3A_429 : vector<16xi1>, vector<16xf32>
      %add3A_446 = arith.constant 416 : i32
      %add3A_447 = vector.broadcast %add3A_446 : i32 to vector<16xi32>
      %add3A_448 = arith.addi %iota3A, %add3A_447 : vector<16xi32>
      %select_n3A_449 = arith.select %lt3A_439, %add3A_448, %select_n3A_433 : vector<16xi1>, vector<16xi32>
      %get3A_450 = arith.constant 432 : index
      %get3A_451 = tpu.vector_load %arg6[%get3A_450] {strides = array<i32>} : memref<1024xf32, #tpu.memory_space<vmem>>, vector<16xf32>,
      %get3A_452 = arith.constant 432 : index
      %get3A_453 = tpu.vector_load %arg7[%get3A_452] {strides = array<i32>} : memref<1024xf32, #tpu.memory_space<vmem>>, vector<16xf32>,
      %lt3A_454 = arith.cmpf olt, %get3A_451, %select_n3A_440 : vector<16xf32>
      %lt3A_455 = arith.cmpf olt, %get3A_453, %select_n3A_445 : vector<16xf32>
      %select_n3A_456 = arith.select %lt3A_454, %get3A_451, %select_n3A_440 : vector<16xi1>, vector<16xf32>
      %add3A_457 = arith.constant 432 : i32
      %add3A_458 = vector.broadcast %add3A_457 : i32 to vector<16xi32>
      %add3A_459 = arith.addi %iota3A, %add3A_458 : vector<16xi32>
      %select_n3A_460 = arith.select %lt3A_454, %add3A_459, %select_n3A_444 : vector<16xi1>, vector<16xi32>
      %select_n3A_461 = arith.select %lt3A_455, %get3A_453, %select_n3A_445 : vector<16xi1>, vector<16xf32>
      %add3A_462 = arith.constant 432 : i32
      %add3A_463 = vector.broadcast %add3A_462 : i32 to vector<16xi32>
      %add3A_464 = arith.addi %iota3A, %add3A_463 : vector<16xi32>
      %select_n3A_465 = arith.select %lt3A_455, %add3A_464, %select_n3A_449 : vector<16xi1>, vector<16xi32>
      %get3A_466 = arith.constant 448 : index
      %get3A_467 = tpu.vector_load %arg6[%get3A_466] {strides = array<i32>} : memref<1024xf32, #tpu.memory_space<vmem>>, vector<16xf32>,
      %get3A_468 = arith.constant 448 : index
      %get3A_469 = tpu.vector_load %arg7[%get3A_468] {strides = array<i32>} : memref<1024xf32, #tpu.memory_space<vmem>>, vector<16xf32>,
      %lt3A_470 = arith.cmpf olt, %get3A_467, %select_n3A_456 : vector<16xf32>
      %lt3A_471 = arith.cmpf olt, %get3A_469, %select_n3A_461 : vector<16xf32>
      %select_n3A_472 = arith.select %lt3A_470, %get3A_467, %select_n3A_456 : vector<16xi1>, vector<16xf32>
      %add3A_473 = arith.constant 448 : i32
      %add3A_474 = vector.broadcast %add3A_473 : i32 to vector<16xi32>
      %add3A_475 = arith.addi %iota3A, %add3A_474 : vector<16xi32>
      %select_n3A_476 = arith.select %lt3A_470, %add3A_475, %select_n3A_460 : vector<16xi1>, vector<16xi32>
      %select_n3A_477 = arith.select %lt3A_471, %get3A_469, %select_n3A_461 : vector<16xi1>, vector<16xf32>
      %add3A_478 = arith.constant 448 : i32
      %add3A_479 = vector.broadcast %add3A_478 : i32 to vector<16xi32>
      %add3A_480 = arith.addi %iota3A, %add3A_479 : vector<16xi32>
      %select_n3A_481 = arith.select %lt3A_471, %add3A_480, %select_n3A_465 : vector<16xi1>, vector<16xi32>
      %get3A_482 = arith.constant 464 : index
      %get3A_483 = tpu.vector_load %arg6[%get3A_482] {strides = array<i32>} : memref<1024xf32, #tpu.memory_space<vmem>>, vector<16xf32>,
      %get3A_484 = arith.constant 464 : index
      %get3A_485 = tpu.vector_load %arg7[%get3A_484] {strides = array<i32>} : memref<1024xf32, #tpu.memory_space<vmem>>, vector<16xf32>,
      %lt3A_486 = arith.cmpf olt, %get3A_483, %select_n3A_472 : vector<16xf32>
      %lt3A_487 = arith.cmpf olt, %get3A_485, %select_n3A_477 : vector<16xf32>
      %select_n3A_488 = arith.select %lt3A_486, %get3A_483, %select_n3A_472 : vector<16xi1>, vector<16xf32>
      %add3A_489 = arith.constant 464 : i32
      %add3A_490 = vector.broadcast %add3A_489 : i32 to vector<16xi32>
      %add3A_491 = arith.addi %iota3A, %add3A_490 : vector<16xi32>
      %select_n3A_492 = arith.select %lt3A_486, %add3A_491, %select_n3A_476 : vector<16xi1>, vector<16xi32>
      %select_n3A_493 = arith.select %lt3A_487, %get3A_485, %select_n3A_477 : vector<16xi1>, vector<16xf32>
      %add3A_494 = arith.constant 464 : i32
      %add3A_495 = vector.broadcast %add3A_494 : i32 to vector<16xi32>
      %add3A_496 = arith.addi %iota3A, %add3A_495 : vector<16xi32>
      %select_n3A_497 = arith.select %lt3A_487, %add3A_496, %select_n3A_481 : vector<16xi1>, vector<16xi32>
      %get3A_498 = arith.constant 480 : index
      %get3A_499 = tpu.vector_load %arg6[%get3A_498] {strides = array<i32>} : memref<1024xf32, #tpu.memory_space<vmem>>, vector<16xf32>,
      %get3A_500 = arith.constant 480 : index
      %get3A_501 = tpu.vector_load %arg7[%get3A_500] {strides = array<i32>} : memref<1024xf32, #tpu.memory_space<vmem>>, vector<16xf32>,
      %lt3A_502 = arith.cmpf olt, %get3A_499, %select_n3A_488 : vector<16xf32>
      %lt3A_503 = arith.cmpf olt, %get3A_501, %select_n3A_493 : vector<16xf32>
      %select_n3A_504 = arith.select %lt3A_502, %get3A_499, %select_n3A_488 : vector<16xi1>, vector<16xf32>
      %add3A_505 = arith.constant 480 : i32
      %add3A_506 = vector.broadcast %add3A_505 : i32 to vector<16xi32>
      %add3A_507 = arith.addi %iota3A, %add3A_506 : vector<16xi32>
      %select_n3A_508 = arith.select %lt3A_502, %add3A_507, %select_n3A_492 : vector<16xi1>, vector<16xi32>
      %select_n3A_509 = arith.select %lt3A_503, %get3A_501, %select_n3A_493 : vector<16xi1>, vector<16xf32>
      %add3A_510 = arith.constant 480 : i32
      %add3A_511 = vector.broadcast %add3A_510 : i32 to vector<16xi32>
      %add3A_512 = arith.addi %iota3A, %add3A_511 : vector<16xi32>
      %select_n3A_513 = arith.select %lt3A_503, %add3A_512, %select_n3A_497 : vector<16xi1>, vector<16xi32>
      %get3A_514 = arith.constant 496 : index
      %get3A_515 = tpu.vector_load %arg6[%get3A_514] {strides = array<i32>} : memref<1024xf32, #tpu.memory_space<vmem>>, vector<16xf32>,
      %get3A_516 = arith.constant 496 : index
      %get3A_517 = tpu.vector_load %arg7[%get3A_516] {strides = array<i32>} : memref<1024xf32, #tpu.memory_space<vmem>>, vector<16xf32>,
      %lt3A_518 = arith.cmpf olt, %get3A_515, %select_n3A_504 : vector<16xf32>
      %lt3A_519 = arith.cmpf olt, %get3A_517, %select_n3A_509 : vector<16xf32>
      %select_n3A_520 = arith.select %lt3A_518, %get3A_515, %select_n3A_504 : vector<16xi1>, vector<16xf32>
      %add3A_521 = arith.constant 496 : i32
      %add3A_522 = vector.broadcast %add3A_521 : i32 to vector<16xi32>
      %add3A_523 = arith.addi %iota3A, %add3A_522 : vector<16xi32>
      %select_n3A_524 = arith.select %lt3A_518, %add3A_523, %select_n3A_508 : vector<16xi1>, vector<16xi32>
      %select_n3A_525 = arith.select %lt3A_519, %get3A_517, %select_n3A_509 : vector<16xi1>, vector<16xf32>
      %add3A_526 = arith.constant 496 : i32
      %add3A_527 = vector.broadcast %add3A_526 : i32 to vector<16xi32>
      %add3A_528 = arith.addi %iota3A, %add3A_527 : vector<16xi32>
      %select_n3A_529 = arith.select %lt3A_519, %add3A_528, %select_n3A_513 : vector<16xi1>, vector<16xi32>
      %get3A_530 = arith.constant 512 : index
      %get3A_531 = tpu.vector_load %arg6[%get3A_530] {strides = array<i32>} : memref<1024xf32, #tpu.memory_space<vmem>>, vector<16xf32>,
      %get3A_532 = arith.constant 512 : index
      %get3A_533 = tpu.vector_load %arg7[%get3A_532] {strides = array<i32>} : memref<1024xf32, #tpu.memory_space<vmem>>, vector<16xf32>,
      %lt3A_534 = arith.cmpf olt, %get3A_531, %select_n3A_520 : vector<16xf32>
      %lt3A_535 = arith.cmpf olt, %get3A_533, %select_n3A_525 : vector<16xf32>
      %select_n3A_536 = arith.select %lt3A_534, %get3A_531, %select_n3A_520 : vector<16xi1>, vector<16xf32>
      %add3A_537 = arith.constant 512 : i32
      %add3A_538 = vector.broadcast %add3A_537 : i32 to vector<16xi32>
      %add3A_539 = arith.addi %iota3A, %add3A_538 : vector<16xi32>
      %select_n3A_540 = arith.select %lt3A_534, %add3A_539, %select_n3A_524 : vector<16xi1>, vector<16xi32>
      %select_n3A_541 = arith.select %lt3A_535, %get3A_533, %select_n3A_525 : vector<16xi1>, vector<16xf32>
      %add3A_542 = arith.constant 512 : i32
      %add3A_543 = vector.broadcast %add3A_542 : i32 to vector<16xi32>
      %add3A_544 = arith.addi %iota3A, %add3A_543 : vector<16xi32>
      %select_n3A_545 = arith.select %lt3A_535, %add3A_544, %select_n3A_529 : vector<16xi1>, vector<16xi32>
      %get3A_546 = arith.constant 528 : index
      %get3A_547 = tpu.vector_load %arg6[%get3A_546] {strides = array<i32>} : memref<1024xf32, #tpu.memory_space<vmem>>, vector<16xf32>,
      %get3A_548 = arith.constant 528 : index
      %get3A_549 = tpu.vector_load %arg7[%get3A_548] {strides = array<i32>} : memref<1024xf32, #tpu.memory_space<vmem>>, vector<16xf32>,
      %lt3A_550 = arith.cmpf olt, %get3A_547, %select_n3A_536 : vector<16xf32>
      %lt3A_551 = arith.cmpf olt, %get3A_549, %select_n3A_541 : vector<16xf32>
      %select_n3A_552 = arith.select %lt3A_550, %get3A_547, %select_n3A_536 : vector<16xi1>, vector<16xf32>
      %add3A_553 = arith.constant 528 : i32
      %add3A_554 = vector.broadcast %add3A_553 : i32 to vector<16xi32>
      %add3A_555 = arith.addi %iota3A, %add3A_554 : vector<16xi32>
      %select_n3A_556 = arith.select %lt3A_550, %add3A_555, %select_n3A_540 : vector<16xi1>, vector<16xi32>
      %select_n3A_557 = arith.select %lt3A_551, %get3A_549, %select_n3A_541 : vector<16xi1>, vector<16xf32>
      %add3A_558 = arith.constant 528 : i32
      %add3A_559 = vector.broadcast %add3A_558 : i32 to vector<16xi32>
      %add3A_560 = arith.addi %iota3A, %add3A_559 : vector<16xi32>
      %select_n3A_561 = arith.select %lt3A_551, %add3A_560, %select_n3A_545 : vector<16xi1>, vector<16xi32>
      %get3A_562 = arith.constant 544 : index
      %get3A_563 = tpu.vector_load %arg6[%get3A_562] {strides = array<i32>} : memref<1024xf32, #tpu.memory_space<vmem>>, vector<16xf32>,
      %get3A_564 = arith.constant 544 : index
      %get3A_565 = tpu.vector_load %arg7[%get3A_564] {strides = array<i32>} : memref<1024xf32, #tpu.memory_space<vmem>>, vector<16xf32>,
      %lt3A_566 = arith.cmpf olt, %get3A_563, %select_n3A_552 : vector<16xf32>
      %lt3A_567 = arith.cmpf olt, %get3A_565, %select_n3A_557 : vector<16xf32>
      %select_n3A_568 = arith.select %lt3A_566, %get3A_563, %select_n3A_552 : vector<16xi1>, vector<16xf32>
      %add3A_569 = arith.constant 544 : i32
      %add3A_570 = vector.broadcast %add3A_569 : i32 to vector<16xi32>
      %add3A_571 = arith.addi %iota3A, %add3A_570 : vector<16xi32>
      %select_n3A_572 = arith.select %lt3A_566, %add3A_571, %select_n3A_556 : vector<16xi1>, vector<16xi32>
      %select_n3A_573 = arith.select %lt3A_567, %get3A_565, %select_n3A_557 : vector<16xi1>, vector<16xf32>
      %add3A_574 = arith.constant 544 : i32
      %add3A_575 = vector.broadcast %add3A_574 : i32 to vector<16xi32>
      %add3A_576 = arith.addi %iota3A, %add3A_575 : vector<16xi32>
      %select_n3A_577 = arith.select %lt3A_567, %add3A_576, %select_n3A_561 : vector<16xi1>, vector<16xi32>
      %get3A_578 = arith.constant 560 : index
      %get3A_579 = tpu.vector_load %arg6[%get3A_578] {strides = array<i32>} : memref<1024xf32, #tpu.memory_space<vmem>>, vector<16xf32>,
      %get3A_580 = arith.constant 560 : index
      %get3A_581 = tpu.vector_load %arg7[%get3A_580] {strides = array<i32>} : memref<1024xf32, #tpu.memory_space<vmem>>, vector<16xf32>,
      %lt3A_582 = arith.cmpf olt, %get3A_579, %select_n3A_568 : vector<16xf32>
      %lt3A_583 = arith.cmpf olt, %get3A_581, %select_n3A_573 : vector<16xf32>
      %select_n3A_584 = arith.select %lt3A_582, %get3A_579, %select_n3A_568 : vector<16xi1>, vector<16xf32>
      %add3A_585 = arith.constant 560 : i32
      %add3A_586 = vector.broadcast %add3A_585 : i32 to vector<16xi32>
      %add3A_587 = arith.addi %iota3A, %add3A_586 : vector<16xi32>
      %select_n3A_588 = arith.select %lt3A_582, %add3A_587, %select_n3A_572 : vector<16xi1>, vector<16xi32>
      %select_n3A_589 = arith.select %lt3A_583, %get3A_581, %select_n3A_573 : vector<16xi1>, vector<16xf32>
      %add3A_590 = arith.constant 560 : i32
      %add3A_591 = vector.broadcast %add3A_590 : i32 to vector<16xi32>
      %add3A_592 = arith.addi %iota3A, %add3A_591 : vector<16xi32>
      %select_n3A_593 = arith.select %lt3A_583, %add3A_592, %select_n3A_577 : vector<16xi1>, vector<16xi32>
      %get3A_594 = arith.constant 576 : index
      %get3A_595 = tpu.vector_load %arg6[%get3A_594] {strides = array<i32>} : memref<1024xf32, #tpu.memory_space<vmem>>, vector<16xf32>,
      %get3A_596 = arith.constant 576 : index
      %get3A_597 = tpu.vector_load %arg7[%get3A_596] {strides = array<i32>} : memref<1024xf32, #tpu.memory_space<vmem>>, vector<16xf32>,
      %lt3A_598 = arith.cmpf olt, %get3A_595, %select_n3A_584 : vector<16xf32>
      %lt3A_599 = arith.cmpf olt, %get3A_597, %select_n3A_589 : vector<16xf32>
      %select_n3A_600 = arith.select %lt3A_598, %get3A_595, %select_n3A_584 : vector<16xi1>, vector<16xf32>
      %add3A_601 = arith.constant 576 : i32
      %add3A_602 = vector.broadcast %add3A_601 : i32 to vector<16xi32>
      %add3A_603 = arith.addi %iota3A, %add3A_602 : vector<16xi32>
      %select_n3A_604 = arith.select %lt3A_598, %add3A_603, %select_n3A_588 : vector<16xi1>, vector<16xi32>
      %select_n3A_605 = arith.select %lt3A_599, %get3A_597, %select_n3A_589 : vector<16xi1>, vector<16xf32>
      %add3A_606 = arith.constant 576 : i32
      %add3A_607 = vector.broadcast %add3A_606 : i32 to vector<16xi32>
      %add3A_608 = arith.addi %iota3A, %add3A_607 : vector<16xi32>
      %select_n3A_609 = arith.select %lt3A_599, %add3A_608, %select_n3A_593 : vector<16xi1>, vector<16xi32>
      %get3A_610 = arith.constant 592 : index
      %get3A_611 = tpu.vector_load %arg6[%get3A_610] {strides = array<i32>} : memref<1024xf32, #tpu.memory_space<vmem>>, vector<16xf32>,
      %get3A_612 = arith.constant 592 : index
      %get3A_613 = tpu.vector_load %arg7[%get3A_612] {strides = array<i32>} : memref<1024xf32, #tpu.memory_space<vmem>>, vector<16xf32>,
      %lt3A_614 = arith.cmpf olt, %get3A_611, %select_n3A_600 : vector<16xf32>
      %lt3A_615 = arith.cmpf olt, %get3A_613, %select_n3A_605 : vector<16xf32>
      %select_n3A_616 = arith.select %lt3A_614, %get3A_611, %select_n3A_600 : vector<16xi1>, vector<16xf32>
      %add3A_617 = arith.constant 592 : i32
      %add3A_618 = vector.broadcast %add3A_617 : i32 to vector<16xi32>
      %add3A_619 = arith.addi %iota3A, %add3A_618 : vector<16xi32>
      %select_n3A_620 = arith.select %lt3A_614, %add3A_619, %select_n3A_604 : vector<16xi1>, vector<16xi32>
      %select_n3A_621 = arith.select %lt3A_615, %get3A_613, %select_n3A_605 : vector<16xi1>, vector<16xf32>
      %add3A_622 = arith.constant 592 : i32
      %add3A_623 = vector.broadcast %add3A_622 : i32 to vector<16xi32>
      %add3A_624 = arith.addi %iota3A, %add3A_623 : vector<16xi32>
      %select_n3A_625 = arith.select %lt3A_615, %add3A_624, %select_n3A_609 : vector<16xi1>, vector<16xi32>
      %get3A_626 = arith.constant 608 : index
      %get3A_627 = tpu.vector_load %arg6[%get3A_626] {strides = array<i32>} : memref<1024xf32, #tpu.memory_space<vmem>>, vector<16xf32>,
      %get3A_628 = arith.constant 608 : index
      %get3A_629 = tpu.vector_load %arg7[%get3A_628] {strides = array<i32>} : memref<1024xf32, #tpu.memory_space<vmem>>, vector<16xf32>,
      %lt3A_630 = arith.cmpf olt, %get3A_627, %select_n3A_616 : vector<16xf32>
      %lt3A_631 = arith.cmpf olt, %get3A_629, %select_n3A_621 : vector<16xf32>
      %select_n3A_632 = arith.select %lt3A_630, %get3A_627, %select_n3A_616 : vector<16xi1>, vector<16xf32>
      %add3A_633 = arith.constant 608 : i32
      %add3A_634 = vector.broadcast %add3A_633 : i32 to vector<16xi32>
      %add3A_635 = arith.addi %iota3A, %add3A_634 : vector<16xi32>
      %select_n3A_636 = arith.select %lt3A_630, %add3A_635, %select_n3A_620 : vector<16xi1>, vector<16xi32>
      %select_n3A_637 = arith.select %lt3A_631, %get3A_629, %select_n3A_621 : vector<16xi1>, vector<16xf32>
      %add3A_638 = arith.constant 608 : i32
      %add3A_639 = vector.broadcast %add3A_638 : i32 to vector<16xi32>
      %add3A_640 = arith.addi %iota3A, %add3A_639 : vector<16xi32>
      %select_n3A_641 = arith.select %lt3A_631, %add3A_640, %select_n3A_625 : vector<16xi1>, vector<16xi32>
      %get3A_642 = arith.constant 624 : index
      %get3A_643 = tpu.vector_load %arg6[%get3A_642] {strides = array<i32>} : memref<1024xf32, #tpu.memory_space<vmem>>, vector<16xf32>,
      %get3A_644 = arith.constant 624 : index
      %get3A_645 = tpu.vector_load %arg7[%get3A_644] {strides = array<i32>} : memref<1024xf32, #tpu.memory_space<vmem>>, vector<16xf32>,
      %lt3A_646 = arith.cmpf olt, %get3A_643, %select_n3A_632 : vector<16xf32>
      %lt3A_647 = arith.cmpf olt, %get3A_645, %select_n3A_637 : vector<16xf32>
      %select_n3A_648 = arith.select %lt3A_646, %get3A_643, %select_n3A_632 : vector<16xi1>, vector<16xf32>
      %add3A_649 = arith.constant 624 : i32
      %add3A_650 = vector.broadcast %add3A_649 : i32 to vector<16xi32>
      %add3A_651 = arith.addi %iota3A, %add3A_650 : vector<16xi32>
      %select_n3A_652 = arith.select %lt3A_646, %add3A_651, %select_n3A_636 : vector<16xi1>, vector<16xi32>
      %select_n3A_653 = arith.select %lt3A_647, %get3A_645, %select_n3A_637 : vector<16xi1>, vector<16xf32>
      %add3A_654 = arith.constant 624 : i32
      %add3A_655 = vector.broadcast %add3A_654 : i32 to vector<16xi32>
      %add3A_656 = arith.addi %iota3A, %add3A_655 : vector<16xi32>
      %select_n3A_657 = arith.select %lt3A_647, %add3A_656, %select_n3A_641 : vector<16xi1>, vector<16xi32>
      %get3A_658 = arith.constant 640 : index
      %get3A_659 = tpu.vector_load %arg6[%get3A_658] {strides = array<i32>} : memref<1024xf32, #tpu.memory_space<vmem>>, vector<16xf32>,
      %get3A_660 = arith.constant 640 : index
      %get3A_661 = tpu.vector_load %arg7[%get3A_660] {strides = array<i32>} : memref<1024xf32, #tpu.memory_space<vmem>>, vector<16xf32>,
      %lt3A_662 = arith.cmpf olt, %get3A_659, %select_n3A_648 : vector<16xf32>
      %lt3A_663 = arith.cmpf olt, %get3A_661, %select_n3A_653 : vector<16xf32>
      %select_n3A_664 = arith.select %lt3A_662, %get3A_659, %select_n3A_648 : vector<16xi1>, vector<16xf32>
      %add3A_665 = arith.constant 640 : i32
      %add3A_666 = vector.broadcast %add3A_665 : i32 to vector<16xi32>
      %add3A_667 = arith.addi %iota3A, %add3A_666 : vector<16xi32>
      %select_n3A_668 = arith.select %lt3A_662, %add3A_667, %select_n3A_652 : vector<16xi1>, vector<16xi32>
      %select_n3A_669 = arith.select %lt3A_663, %get3A_661, %select_n3A_653 : vector<16xi1>, vector<16xf32>
      %add3A_670 = arith.constant 640 : i32
      %add3A_671 = vector.broadcast %add3A_670 : i32 to vector<16xi32>
      %add3A_672 = arith.addi %iota3A, %add3A_671 : vector<16xi32>
      %select_n3A_673 = arith.select %lt3A_663, %add3A_672, %select_n3A_657 : vector<16xi1>, vector<16xi32>
      %get3A_674 = arith.constant 656 : index
      %get3A_675 = tpu.vector_load %arg6[%get3A_674] {strides = array<i32>} : memref<1024xf32, #tpu.memory_space<vmem>>, vector<16xf32>,
      %get3A_676 = arith.constant 656 : index
      %get3A_677 = tpu.vector_load %arg7[%get3A_676] {strides = array<i32>} : memref<1024xf32, #tpu.memory_space<vmem>>, vector<16xf32>,
      %lt3A_678 = arith.cmpf olt, %get3A_675, %select_n3A_664 : vector<16xf32>
      %lt3A_679 = arith.cmpf olt, %get3A_677, %select_n3A_669 : vector<16xf32>
      %select_n3A_680 = arith.select %lt3A_678, %get3A_675, %select_n3A_664 : vector<16xi1>, vector<16xf32>
      %add3A_681 = arith.constant 656 : i32
      %add3A_682 = vector.broadcast %add3A_681 : i32 to vector<16xi32>
      %add3A_683 = arith.addi %iota3A, %add3A_682 : vector<16xi32>
      %select_n3A_684 = arith.select %lt3A_678, %add3A_683, %select_n3A_668 : vector<16xi1>, vector<16xi32>
      %select_n3A_685 = arith.select %lt3A_679, %get3A_677, %select_n3A_669 : vector<16xi1>, vector<16xf32>
      %add3A_686 = arith.constant 656 : i32
      %add3A_687 = vector.broadcast %add3A_686 : i32 to vector<16xi32>
      %add3A_688 = arith.addi %iota3A, %add3A_687 : vector<16xi32>
      %select_n3A_689 = arith.select %lt3A_679, %add3A_688, %select_n3A_673 : vector<16xi1>, vector<16xi32>
      %get3A_690 = arith.constant 672 : index
      %get3A_691 = tpu.vector_load %arg6[%get3A_690] {strides = array<i32>} : memref<1024xf32, #tpu.memory_space<vmem>>, vector<16xf32>,
      %get3A_692 = arith.constant 672 : index
      %get3A_693 = tpu.vector_load %arg7[%get3A_692] {strides = array<i32>} : memref<1024xf32, #tpu.memory_space<vmem>>, vector<16xf32>,
      %lt3A_694 = arith.cmpf olt, %get3A_691, %select_n3A_680 : vector<16xf32>
      %lt3A_695 = arith.cmpf olt, %get3A_693, %select_n3A_685 : vector<16xf32>
      %select_n3A_696 = arith.select %lt3A_694, %get3A_691, %select_n3A_680 : vector<16xi1>, vector<16xf32>
      %add3A_697 = arith.constant 672 : i32
      %add3A_698 = vector.broadcast %add3A_697 : i32 to vector<16xi32>
      %add3A_699 = arith.addi %iota3A, %add3A_698 : vector<16xi32>
      %select_n3A_700 = arith.select %lt3A_694, %add3A_699, %select_n3A_684 : vector<16xi1>, vector<16xi32>
      %select_n3A_701 = arith.select %lt3A_695, %get3A_693, %select_n3A_685 : vector<16xi1>, vector<16xf32>
      %add3A_702 = arith.constant 672 : i32
      %add3A_703 = vector.broadcast %add3A_702 : i32 to vector<16xi32>
      %add3A_704 = arith.addi %iota3A, %add3A_703 : vector<16xi32>
      %select_n3A_705 = arith.select %lt3A_695, %add3A_704, %select_n3A_689 : vector<16xi1>, vector<16xi32>
      %get3A_706 = arith.constant 688 : index
      %get3A_707 = tpu.vector_load %arg6[%get3A_706] {strides = array<i32>} : memref<1024xf32, #tpu.memory_space<vmem>>, vector<16xf32>,
      %get3A_708 = arith.constant 688 : index
      %get3A_709 = tpu.vector_load %arg7[%get3A_708] {strides = array<i32>} : memref<1024xf32, #tpu.memory_space<vmem>>, vector<16xf32>,
      %lt3A_710 = arith.cmpf olt, %get3A_707, %select_n3A_696 : vector<16xf32>
      %lt3A_711 = arith.cmpf olt, %get3A_709, %select_n3A_701 : vector<16xf32>
      %select_n3A_712 = arith.select %lt3A_710, %get3A_707, %select_n3A_696 : vector<16xi1>, vector<16xf32>
      %add3A_713 = arith.constant 688 : i32
      %add3A_714 = vector.broadcast %add3A_713 : i32 to vector<16xi32>
      %add3A_715 = arith.addi %iota3A, %add3A_714 : vector<16xi32>
      %select_n3A_716 = arith.select %lt3A_710, %add3A_715, %select_n3A_700 : vector<16xi1>, vector<16xi32>
      %select_n3A_717 = arith.select %lt3A_711, %get3A_709, %select_n3A_701 : vector<16xi1>, vector<16xf32>
      %add3A_718 = arith.constant 688 : i32
      %add3A_719 = vector.broadcast %add3A_718 : i32 to vector<16xi32>
      %add3A_720 = arith.addi %iota3A, %add3A_719 : vector<16xi32>
      %select_n3A_721 = arith.select %lt3A_711, %add3A_720, %select_n3A_705 : vector<16xi1>, vector<16xi32>
      %get3A_722 = arith.constant 704 : index
      %get3A_723 = tpu.vector_load %arg6[%get3A_722] {strides = array<i32>} : memref<1024xf32, #tpu.memory_space<vmem>>, vector<16xf32>,
      %get3A_724 = arith.constant 704 : index
      %get3A_725 = tpu.vector_load %arg7[%get3A_724] {strides = array<i32>} : memref<1024xf32, #tpu.memory_space<vmem>>, vector<16xf32>,
      %lt3A_726 = arith.cmpf olt, %get3A_723, %select_n3A_712 : vector<16xf32>
      %lt3A_727 = arith.cmpf olt, %get3A_725, %select_n3A_717 : vector<16xf32>
      %select_n3A_728 = arith.select %lt3A_726, %get3A_723, %select_n3A_712 : vector<16xi1>, vector<16xf32>
      %add3A_729 = arith.constant 704 : i32
      %add3A_730 = vector.broadcast %add3A_729 : i32 to vector<16xi32>
      %add3A_731 = arith.addi %iota3A, %add3A_730 : vector<16xi32>
      %select_n3A_732 = arith.select %lt3A_726, %add3A_731, %select_n3A_716 : vector<16xi1>, vector<16xi32>
      %select_n3A_733 = arith.select %lt3A_727, %get3A_725, %select_n3A_717 : vector<16xi1>, vector<16xf32>
      %add3A_734 = arith.constant 704 : i32
      %add3A_735 = vector.broadcast %add3A_734 : i32 to vector<16xi32>
      %add3A_736 = arith.addi %iota3A, %add3A_735 : vector<16xi32>
      %select_n3A_737 = arith.select %lt3A_727, %add3A_736, %select_n3A_721 : vector<16xi1>, vector<16xi32>
      %get3A_738 = arith.constant 720 : index
      %get3A_739 = tpu.vector_load %arg6[%get3A_738] {strides = array<i32>} : memref<1024xf32, #tpu.memory_space<vmem>>, vector<16xf32>,
      %get3A_740 = arith.constant 720 : index
      %get3A_741 = tpu.vector_load %arg7[%get3A_740] {strides = array<i32>} : memref<1024xf32, #tpu.memory_space<vmem>>, vector<16xf32>,
      %lt3A_742 = arith.cmpf olt, %get3A_739, %select_n3A_728 : vector<16xf32>
      %lt3A_743 = arith.cmpf olt, %get3A_741, %select_n3A_733 : vector<16xf32>
      %select_n3A_744 = arith.select %lt3A_742, %get3A_739, %select_n3A_728 : vector<16xi1>, vector<16xf32>
      %add3A_745 = arith.constant 720 : i32
      %add3A_746 = vector.broadcast %add3A_745 : i32 to vector<16xi32>
      %add3A_747 = arith.addi %iota3A, %add3A_746 : vector<16xi32>
      %select_n3A_748 = arith.select %lt3A_742, %add3A_747, %select_n3A_732 : vector<16xi1>, vector<16xi32>
      %select_n3A_749 = arith.select %lt3A_743, %get3A_741, %select_n3A_733 : vector<16xi1>, vector<16xf32>
      %add3A_750 = arith.constant 720 : i32
      %add3A_751 = vector.broadcast %add3A_750 : i32 to vector<16xi32>
      %add3A_752 = arith.addi %iota3A, %add3A_751 : vector<16xi32>
      %select_n3A_753 = arith.select %lt3A_743, %add3A_752, %select_n3A_737 : vector<16xi1>, vector<16xi32>
      %get3A_754 = arith.constant 736 : index
      %get3A_755 = tpu.vector_load %arg6[%get3A_754] {strides = array<i32>} : memref<1024xf32, #tpu.memory_space<vmem>>, vector<16xf32>,
      %get3A_756 = arith.constant 736 : index
      %get3A_757 = tpu.vector_load %arg7[%get3A_756] {strides = array<i32>} : memref<1024xf32, #tpu.memory_space<vmem>>, vector<16xf32>,
      %lt3A_758 = arith.cmpf olt, %get3A_755, %select_n3A_744 : vector<16xf32>
      %lt3A_759 = arith.cmpf olt, %get3A_757, %select_n3A_749 : vector<16xf32>
      %select_n3A_760 = arith.select %lt3A_758, %get3A_755, %select_n3A_744 : vector<16xi1>, vector<16xf32>
      %add3A_761 = arith.constant 736 : i32
      %add3A_762 = vector.broadcast %add3A_761 : i32 to vector<16xi32>
      %add3A_763 = arith.addi %iota3A, %add3A_762 : vector<16xi32>
      %select_n3A_764 = arith.select %lt3A_758, %add3A_763, %select_n3A_748 : vector<16xi1>, vector<16xi32>
      %select_n3A_765 = arith.select %lt3A_759, %get3A_757, %select_n3A_749 : vector<16xi1>, vector<16xf32>
      %add3A_766 = arith.constant 736 : i32
      %add3A_767 = vector.broadcast %add3A_766 : i32 to vector<16xi32>
      %add3A_768 = arith.addi %iota3A, %add3A_767 : vector<16xi32>
      %select_n3A_769 = arith.select %lt3A_759, %add3A_768, %select_n3A_753 : vector<16xi1>, vector<16xi32>
      %get3A_770 = arith.constant 752 : index
      %get3A_771 = tpu.vector_load %arg6[%get3A_770] {strides = array<i32>} : memref<1024xf32, #tpu.memory_space<vmem>>, vector<16xf32>,
      %get3A_772 = arith.constant 752 : index
      %get3A_773 = tpu.vector_load %arg7[%get3A_772] {strides = array<i32>} : memref<1024xf32, #tpu.memory_space<vmem>>, vector<16xf32>,
      %lt3A_774 = arith.cmpf olt, %get3A_771, %select_n3A_760 : vector<16xf32>
      %lt3A_775 = arith.cmpf olt, %get3A_773, %select_n3A_765 : vector<16xf32>
      %select_n3A_776 = arith.select %lt3A_774, %get3A_771, %select_n3A_760 : vector<16xi1>, vector<16xf32>
      %add3A_777 = arith.constant 752 : i32
      %add3A_778 = vector.broadcast %add3A_777 : i32 to vector<16xi32>
      %add3A_779 = arith.addi %iota3A, %add3A_778 : vector<16xi32>
      %select_n3A_780 = arith.select %lt3A_774, %add3A_779, %select_n3A_764 : vector<16xi1>, vector<16xi32>
      %select_n3A_781 = arith.select %lt3A_775, %get3A_773, %select_n3A_765 : vector<16xi1>, vector<16xf32>
      %add3A_782 = arith.constant 752 : i32
      %add3A_783 = vector.broadcast %add3A_782 : i32 to vector<16xi32>
      %add3A_784 = arith.addi %iota3A, %add3A_783 : vector<16xi32>
      %select_n3A_785 = arith.select %lt3A_775, %add3A_784, %select_n3A_769 : vector<16xi1>, vector<16xi32>
      %get3A_786 = arith.constant 768 : index
      %get3A_787 = tpu.vector_load %arg6[%get3A_786] {strides = array<i32>} : memref<1024xf32, #tpu.memory_space<vmem>>, vector<16xf32>,
      %get3A_788 = arith.constant 768 : index
      %get3A_789 = tpu.vector_load %arg7[%get3A_788] {strides = array<i32>} : memref<1024xf32, #tpu.memory_space<vmem>>, vector<16xf32>,
      %lt3A_790 = arith.cmpf olt, %get3A_787, %select_n3A_776 : vector<16xf32>
      %lt3A_791 = arith.cmpf olt, %get3A_789, %select_n3A_781 : vector<16xf32>
      %select_n3A_792 = arith.select %lt3A_790, %get3A_787, %select_n3A_776 : vector<16xi1>, vector<16xf32>
      %add3A_793 = arith.constant 768 : i32
      %add3A_794 = vector.broadcast %add3A_793 : i32 to vector<16xi32>
      %add3A_795 = arith.addi %iota3A, %add3A_794 : vector<16xi32>
      %select_n3A_796 = arith.select %lt3A_790, %add3A_795, %select_n3A_780 : vector<16xi1>, vector<16xi32>
      %select_n3A_797 = arith.select %lt3A_791, %get3A_789, %select_n3A_781 : vector<16xi1>, vector<16xf32>
      %add3A_798 = arith.constant 768 : i32
      %add3A_799 = vector.broadcast %add3A_798 : i32 to vector<16xi32>
      %add3A_800 = arith.addi %iota3A, %add3A_799 : vector<16xi32>
      %select_n3A_801 = arith.select %lt3A_791, %add3A_800, %select_n3A_785 : vector<16xi1>, vector<16xi32>
      %get3A_802 = arith.constant 784 : index
      %get3A_803 = tpu.vector_load %arg6[%get3A_802] {strides = array<i32>} : memref<1024xf32, #tpu.memory_space<vmem>>, vector<16xf32>,
      %get3A_804 = arith.constant 784 : index
      %get3A_805 = tpu.vector_load %arg7[%get3A_804] {strides = array<i32>} : memref<1024xf32, #tpu.memory_space<vmem>>, vector<16xf32>,
      %lt3A_806 = arith.cmpf olt, %get3A_803, %select_n3A_792 : vector<16xf32>
      %lt3A_807 = arith.cmpf olt, %get3A_805, %select_n3A_797 : vector<16xf32>
      %select_n3A_808 = arith.select %lt3A_806, %get3A_803, %select_n3A_792 : vector<16xi1>, vector<16xf32>
      %add3A_809 = arith.constant 784 : i32
      %add3A_810 = vector.broadcast %add3A_809 : i32 to vector<16xi32>
      %add3A_811 = arith.addi %iota3A, %add3A_810 : vector<16xi32>
      %select_n3A_812 = arith.select %lt3A_806, %add3A_811, %select_n3A_796 : vector<16xi1>, vector<16xi32>
      %select_n3A_813 = arith.select %lt3A_807, %get3A_805, %select_n3A_797 : vector<16xi1>, vector<16xf32>
      %add3A_814 = arith.constant 784 : i32
      %add3A_815 = vector.broadcast %add3A_814 : i32 to vector<16xi32>
      %add3A_816 = arith.addi %iota3A, %add3A_815 : vector<16xi32>
      %select_n3A_817 = arith.select %lt3A_807, %add3A_816, %select_n3A_801 : vector<16xi1>, vector<16xi32>
      %get3A_818 = arith.constant 800 : index
      %get3A_819 = tpu.vector_load %arg6[%get3A_818] {strides = array<i32>} : memref<1024xf32, #tpu.memory_space<vmem>>, vector<16xf32>,
      %get3A_820 = arith.constant 800 : index
      %get3A_821 = tpu.vector_load %arg7[%get3A_820] {strides = array<i32>} : memref<1024xf32, #tpu.memory_space<vmem>>, vector<16xf32>,
      %lt3A_822 = arith.cmpf olt, %get3A_819, %select_n3A_808 : vector<16xf32>
      %lt3A_823 = arith.cmpf olt, %get3A_821, %select_n3A_813 : vector<16xf32>
      %select_n3A_824 = arith.select %lt3A_822, %get3A_819, %select_n3A_808 : vector<16xi1>, vector<16xf32>
      %add3A_825 = arith.constant 800 : i32
      %add3A_826 = vector.broadcast %add3A_825 : i32 to vector<16xi32>
      %add3A_827 = arith.addi %iota3A, %add3A_826 : vector<16xi32>
      %select_n3A_828 = arith.select %lt3A_822, %add3A_827, %select_n3A_812 : vector<16xi1>, vector<16xi32>
      %select_n3A_829 = arith.select %lt3A_823, %get3A_821, %select_n3A_813 : vector<16xi1>, vector<16xf32>
      %add3A_830 = arith.constant 800 : i32
      %add3A_831 = vector.broadcast %add3A_830 : i32 to vector<16xi32>
      %add3A_832 = arith.addi %iota3A, %add3A_831 : vector<16xi32>
      %select_n3A_833 = arith.select %lt3A_823, %add3A_832, %select_n3A_817 : vector<16xi1>, vector<16xi32>
      %get3A_834 = arith.constant 816 : index
      %get3A_835 = tpu.vector_load %arg6[%get3A_834] {strides = array<i32>} : memref<1024xf32, #tpu.memory_space<vmem>>, vector<16xf32>,
      %get3A_836 = arith.constant 816 : index
      %get3A_837 = tpu.vector_load %arg7[%get3A_836] {strides = array<i32>} : memref<1024xf32, #tpu.memory_space<vmem>>, vector<16xf32>,
      %lt3A_838 = arith.cmpf olt, %get3A_835, %select_n3A_824 : vector<16xf32>
      %lt3A_839 = arith.cmpf olt, %get3A_837, %select_n3A_829 : vector<16xf32>
      %select_n3A_840 = arith.select %lt3A_838, %get3A_835, %select_n3A_824 : vector<16xi1>, vector<16xf32>
      %add3A_841 = arith.constant 816 : i32
      %add3A_842 = vector.broadcast %add3A_841 : i32 to vector<16xi32>
      %add3A_843 = arith.addi %iota3A, %add3A_842 : vector<16xi32>
      %select_n3A_844 = arith.select %lt3A_838, %add3A_843, %select_n3A_828 : vector<16xi1>, vector<16xi32>
      %select_n3A_845 = arith.select %lt3A_839, %get3A_837, %select_n3A_829 : vector<16xi1>, vector<16xf32>
      %add3A_846 = arith.constant 816 : i32
      %add3A_847 = vector.broadcast %add3A_846 : i32 to vector<16xi32>
      %add3A_848 = arith.addi %iota3A, %add3A_847 : vector<16xi32>
      %select_n3A_849 = arith.select %lt3A_839, %add3A_848, %select_n3A_833 : vector<16xi1>, vector<16xi32>
      %get3A_850 = arith.constant 832 : index
      %get3A_851 = tpu.vector_load %arg6[%get3A_850] {strides = array<i32>} : memref<1024xf32, #tpu.memory_space<vmem>>, vector<16xf32>,
      %get3A_852 = arith.constant 832 : index
      %get3A_853 = tpu.vector_load %arg7[%get3A_852] {strides = array<i32>} : memref<1024xf32, #tpu.memory_space<vmem>>, vector<16xf32>,
      %lt3A_854 = arith.cmpf olt, %get3A_851, %select_n3A_840 : vector<16xf32>
      %lt3A_855 = arith.cmpf olt, %get3A_853, %select_n3A_845 : vector<16xf32>
      %select_n3A_856 = arith.select %lt3A_854, %get3A_851, %select_n3A_840 : vector<16xi1>, vector<16xf32>
      %add3A_857 = arith.constant 832 : i32
      %add3A_858 = vector.broadcast %add3A_857 : i32 to vector<16xi32>
      %add3A_859 = arith.addi %iota3A, %add3A_858 : vector<16xi32>
      %select_n3A_860 = arith.select %lt3A_854, %add3A_859, %select_n3A_844 : vector<16xi1>, vector<16xi32>
      %select_n3A_861 = arith.select %lt3A_855, %get3A_853, %select_n3A_845 : vector<16xi1>, vector<16xf32>
      %add3A_862 = arith.constant 832 : i32
      %add3A_863 = vector.broadcast %add3A_862 : i32 to vector<16xi32>
      %add3A_864 = arith.addi %iota3A, %add3A_863 : vector<16xi32>
      %select_n3A_865 = arith.select %lt3A_855, %add3A_864, %select_n3A_849 : vector<16xi1>, vector<16xi32>
      %get3A_866 = arith.constant 848 : index
      %get3A_867 = tpu.vector_load %arg6[%get3A_866] {strides = array<i32>} : memref<1024xf32, #tpu.memory_space<vmem>>, vector<16xf32>,
      %get3A_868 = arith.constant 848 : index
      %get3A_869 = tpu.vector_load %arg7[%get3A_868] {strides = array<i32>} : memref<1024xf32, #tpu.memory_space<vmem>>, vector<16xf32>,
      %lt3A_870 = arith.cmpf olt, %get3A_867, %select_n3A_856 : vector<16xf32>
      %lt3A_871 = arith.cmpf olt, %get3A_869, %select_n3A_861 : vector<16xf32>
      %select_n3A_872 = arith.select %lt3A_870, %get3A_867, %select_n3A_856 : vector<16xi1>, vector<16xf32>
      %add3A_873 = arith.constant 848 : i32
      %add3A_874 = vector.broadcast %add3A_873 : i32 to vector<16xi32>
      %add3A_875 = arith.addi %iota3A, %add3A_874 : vector<16xi32>
      %select_n3A_876 = arith.select %lt3A_870, %add3A_875, %select_n3A_860 : vector<16xi1>, vector<16xi32>
      %select_n3A_877 = arith.select %lt3A_871, %get3A_869, %select_n3A_861 : vector<16xi1>, vector<16xf32>
      %add3A_878 = arith.constant 848 : i32
      %add3A_879 = vector.broadcast %add3A_878 : i32 to vector<16xi32>
      %add3A_880 = arith.addi %iota3A, %add3A_879 : vector<16xi32>
      %select_n3A_881 = arith.select %lt3A_871, %add3A_880, %select_n3A_865 : vector<16xi1>, vector<16xi32>
      %get3A_882 = arith.constant 864 : index
      %get3A_883 = tpu.vector_load %arg6[%get3A_882] {strides = array<i32>} : memref<1024xf32, #tpu.memory_space<vmem>>, vector<16xf32>,
      %get3A_884 = arith.constant 864 : index
      %get3A_885 = tpu.vector_load %arg7[%get3A_884] {strides = array<i32>} : memref<1024xf32, #tpu.memory_space<vmem>>, vector<16xf32>,
      %lt3A_886 = arith.cmpf olt, %get3A_883, %select_n3A_872 : vector<16xf32>
      %lt3A_887 = arith.cmpf olt, %get3A_885, %select_n3A_877 : vector<16xf32>
      %select_n3A_888 = arith.select %lt3A_886, %get3A_883, %select_n3A_872 : vector<16xi1>, vector<16xf32>
      %add3A_889 = arith.constant 864 : i32
      %add3A_890 = vector.broadcast %add3A_889 : i32 to vector<16xi32>
      %add3A_891 = arith.addi %iota3A, %add3A_890 : vector<16xi32>
      %select_n3A_892 = arith.select %lt3A_886, %add3A_891, %select_n3A_876 : vector<16xi1>, vector<16xi32>
      %select_n3A_893 = arith.select %lt3A_887, %get3A_885, %select_n3A_877 : vector<16xi1>, vector<16xf32>
      %add3A_894 = arith.constant 864 : i32
      %add3A_895 = vector.broadcast %add3A_894 : i32 to vector<16xi32>
      %add3A_896 = arith.addi %iota3A, %add3A_895 : vector<16xi32>
      %select_n3A_897 = arith.select %lt3A_887, %add3A_896, %select_n3A_881 : vector<16xi1>, vector<16xi32>
      %get3A_898 = arith.constant 880 : index
      %get3A_899 = tpu.vector_load %arg6[%get3A_898] {strides = array<i32>} : memref<1024xf32, #tpu.memory_space<vmem>>, vector<16xf32>,
      %get3A_900 = arith.constant 880 : index
      %get3A_901 = tpu.vector_load %arg7[%get3A_900] {strides = array<i32>} : memref<1024xf32, #tpu.memory_space<vmem>>, vector<16xf32>,
      %lt3A_902 = arith.cmpf olt, %get3A_899, %select_n3A_888 : vector<16xf32>
      %lt3A_903 = arith.cmpf olt, %get3A_901, %select_n3A_893 : vector<16xf32>
      %select_n3A_904 = arith.select %lt3A_902, %get3A_899, %select_n3A_888 : vector<16xi1>, vector<16xf32>
      %add3A_905 = arith.constant 880 : i32
      %add3A_906 = vector.broadcast %add3A_905 : i32 to vector<16xi32>
      %add3A_907 = arith.addi %iota3A, %add3A_906 : vector<16xi32>
      %select_n3A_908 = arith.select %lt3A_902, %add3A_907, %select_n3A_892 : vector<16xi1>, vector<16xi32>
      %select_n3A_909 = arith.select %lt3A_903, %get3A_901, %select_n3A_893 : vector<16xi1>, vector<16xf32>
      %add3A_910 = arith.constant 880 : i32
      %add3A_911 = vector.broadcast %add3A_910 : i32 to vector<16xi32>
      %add3A_912 = arith.addi %iota3A, %add3A_911 : vector<16xi32>
      %select_n3A_913 = arith.select %lt3A_903, %add3A_912, %select_n3A_897 : vector<16xi1>, vector<16xi32>
      %get3A_914 = arith.constant 896 : index
      %get3A_915 = tpu.vector_load %arg6[%get3A_914] {strides = array<i32>} : memref<1024xf32, #tpu.memory_space<vmem>>, vector<16xf32>,
      %get3A_916 = arith.constant 896 : index
      %get3A_917 = tpu.vector_load %arg7[%get3A_916] {strides = array<i32>} : memref<1024xf32, #tpu.memory_space<vmem>>, vector<16xf32>,
      %lt3A_918 = arith.cmpf olt, %get3A_915, %select_n3A_904 : vector<16xf32>
      %lt3A_919 = arith.cmpf olt, %get3A_917, %select_n3A_909 : vector<16xf32>
      %select_n3A_920 = arith.select %lt3A_918, %get3A_915, %select_n3A_904 : vector<16xi1>, vector<16xf32>
      %add3A_921 = arith.constant 896 : i32
      %add3A_922 = vector.broadcast %add3A_921 : i32 to vector<16xi32>
      %add3A_923 = arith.addi %iota3A, %add3A_922 : vector<16xi32>
      %select_n3A_924 = arith.select %lt3A_918, %add3A_923, %select_n3A_908 : vector<16xi1>, vector<16xi32>
      %select_n3A_925 = arith.select %lt3A_919, %get3A_917, %select_n3A_909 : vector<16xi1>, vector<16xf32>
      %add3A_926 = arith.constant 896 : i32
      %add3A_927 = vector.broadcast %add3A_926 : i32 to vector<16xi32>
      %add3A_928 = arith.addi %iota3A, %add3A_927 : vector<16xi32>
      %select_n3A_929 = arith.select %lt3A_919, %add3A_928, %select_n3A_913 : vector<16xi1>, vector<16xi32>
      %get3A_930 = arith.constant 912 : index
      %get3A_931 = tpu.vector_load %arg6[%get3A_930] {strides = array<i32>} : memref<1024xf32, #tpu.memory_space<vmem>>, vector<16xf32>,
      %get3A_932 = arith.constant 912 : index
      %get3A_933 = tpu.vector_load %arg7[%get3A_932] {strides = array<i32>} : memref<1024xf32, #tpu.memory_space<vmem>>, vector<16xf32>,
      %lt3A_934 = arith.cmpf olt, %get3A_931, %select_n3A_920 : vector<16xf32>
      %lt3A_935 = arith.cmpf olt, %get3A_933, %select_n3A_925 : vector<16xf32>
      %select_n3A_936 = arith.select %lt3A_934, %get3A_931, %select_n3A_920 : vector<16xi1>, vector<16xf32>
      %add3A_937 = arith.constant 912 : i32
      %add3A_938 = vector.broadcast %add3A_937 : i32 to vector<16xi32>
      %add3A_939 = arith.addi %iota3A, %add3A_938 : vector<16xi32>
      %select_n3A_940 = arith.select %lt3A_934, %add3A_939, %select_n3A_924 : vector<16xi1>, vector<16xi32>
      %select_n3A_941 = arith.select %lt3A_935, %get3A_933, %select_n3A_925 : vector<16xi1>, vector<16xf32>
      %add3A_942 = arith.constant 912 : i32
      %add3A_943 = vector.broadcast %add3A_942 : i32 to vector<16xi32>
      %add3A_944 = arith.addi %iota3A, %add3A_943 : vector<16xi32>
      %select_n3A_945 = arith.select %lt3A_935, %add3A_944, %select_n3A_929 : vector<16xi1>, vector<16xi32>
      %get3A_946 = arith.constant 928 : index
      %get3A_947 = tpu.vector_load %arg6[%get3A_946] {strides = array<i32>} : memref<1024xf32, #tpu.memory_space<vmem>>, vector<16xf32>,
      %get3A_948 = arith.constant 928 : index
      %get3A_949 = tpu.vector_load %arg7[%get3A_948] {strides = array<i32>} : memref<1024xf32, #tpu.memory_space<vmem>>, vector<16xf32>,
      %lt3A_950 = arith.cmpf olt, %get3A_947, %select_n3A_936 : vector<16xf32>
      %lt3A_951 = arith.cmpf olt, %get3A_949, %select_n3A_941 : vector<16xf32>
      %select_n3A_952 = arith.select %lt3A_950, %get3A_947, %select_n3A_936 : vector<16xi1>, vector<16xf32>
      %add3A_953 = arith.constant 928 : i32
      %add3A_954 = vector.broadcast %add3A_953 : i32 to vector<16xi32>
      %add3A_955 = arith.addi %iota3A, %add3A_954 : vector<16xi32>
      %select_n3A_956 = arith.select %lt3A_950, %add3A_955, %select_n3A_940 : vector<16xi1>, vector<16xi32>
      %select_n3A_957 = arith.select %lt3A_951, %get3A_949, %select_n3A_941 : vector<16xi1>, vector<16xf32>
      %add3A_958 = arith.constant 928 : i32
      %add3A_959 = vector.broadcast %add3A_958 : i32 to vector<16xi32>
      %add3A_960 = arith.addi %iota3A, %add3A_959 : vector<16xi32>
      %select_n3A_961 = arith.select %lt3A_951, %add3A_960, %select_n3A_945 : vector<16xi1>, vector<16xi32>
      %get3A_962 = arith.constant 944 : index
      %get3A_963 = tpu.vector_load %arg6[%get3A_962] {strides = array<i32>} : memref<1024xf32, #tpu.memory_space<vmem>>, vector<16xf32>,
      %get3A_964 = arith.constant 944 : index
      %get3A_965 = tpu.vector_load %arg7[%get3A_964] {strides = array<i32>} : memref<1024xf32, #tpu.memory_space<vmem>>, vector<16xf32>,
      %lt3A_966 = arith.cmpf olt, %get3A_963, %select_n3A_952 : vector<16xf32>
      %lt3A_967 = arith.cmpf olt, %get3A_965, %select_n3A_957 : vector<16xf32>
      %select_n3A_968 = arith.select %lt3A_966, %get3A_963, %select_n3A_952 : vector<16xi1>, vector<16xf32>
      %add3A_969 = arith.constant 944 : i32
      %add3A_970 = vector.broadcast %add3A_969 : i32 to vector<16xi32>
      %add3A_971 = arith.addi %iota3A, %add3A_970 : vector<16xi32>
      %select_n3A_972 = arith.select %lt3A_966, %add3A_971, %select_n3A_956 : vector<16xi1>, vector<16xi32>
      %select_n3A_973 = arith.select %lt3A_967, %get3A_965, %select_n3A_957 : vector<16xi1>, vector<16xf32>
      %add3A_974 = arith.constant 944 : i32
      %add3A_975 = vector.broadcast %add3A_974 : i32 to vector<16xi32>
      %add3A_976 = arith.addi %iota3A, %add3A_975 : vector<16xi32>
      %select_n3A_977 = arith.select %lt3A_967, %add3A_976, %select_n3A_961 : vector<16xi1>, vector<16xi32>
      %get3A_978 = arith.constant 960 : index
      %get3A_979 = tpu.vector_load %arg6[%get3A_978] {strides = array<i32>} : memref<1024xf32, #tpu.memory_space<vmem>>, vector<16xf32>,
      %get3A_980 = arith.constant 960 : index
      %get3A_981 = tpu.vector_load %arg7[%get3A_980] {strides = array<i32>} : memref<1024xf32, #tpu.memory_space<vmem>>, vector<16xf32>,
      %lt3A_982 = arith.cmpf olt, %get3A_979, %select_n3A_968 : vector<16xf32>
      %lt3A_983 = arith.cmpf olt, %get3A_981, %select_n3A_973 : vector<16xf32>
      %select_n3A_984 = arith.select %lt3A_982, %get3A_979, %select_n3A_968 : vector<16xi1>, vector<16xf32>
      %add3A_985 = arith.constant 960 : i32
      %add3A_986 = vector.broadcast %add3A_985 : i32 to vector<16xi32>
      %add3A_987 = arith.addi %iota3A, %add3A_986 : vector<16xi32>
      %select_n3A_988 = arith.select %lt3A_982, %add3A_987, %select_n3A_972 : vector<16xi1>, vector<16xi32>
      %select_n3A_989 = arith.select %lt3A_983, %get3A_981, %select_n3A_973 : vector<16xi1>, vector<16xf32>
      %add3A_990 = arith.constant 960 : i32
      %add3A_991 = vector.broadcast %add3A_990 : i32 to vector<16xi32>
      %add3A_992 = arith.addi %iota3A, %add3A_991 : vector<16xi32>
      %select_n3A_993 = arith.select %lt3A_983, %add3A_992, %select_n3A_977 : vector<16xi1>, vector<16xi32>
      %get3A_994 = arith.constant 976 : index
      %get3A_995 = tpu.vector_load %arg6[%get3A_994] {strides = array<i32>} : memref<1024xf32, #tpu.memory_space<vmem>>, vector<16xf32>,
      %get3A_996 = arith.constant 976 : index
      %get3A_997 = tpu.vector_load %arg7[%get3A_996] {strides = array<i32>} : memref<1024xf32, #tpu.memory_space<vmem>>, vector<16xf32>,
      %lt3A_998 = arith.cmpf olt, %get3A_995, %select_n3A_984 : vector<16xf32>
      %lt3A_999 = arith.cmpf olt, %get3A_997, %select_n3A_989 : vector<16xf32>
      %select_n3A_1000 = arith.select %lt3A_998, %get3A_995, %select_n3A_984 : vector<16xi1>, vector<16xf32>
      %add3A_1001 = arith.constant 976 : i32
      %add3A_1002 = vector.broadcast %add3A_1001 : i32 to vector<16xi32>
      %add3A_1003 = arith.addi %iota3A, %add3A_1002 : vector<16xi32>
      %select_n3A_1004 = arith.select %lt3A_998, %add3A_1003, %select_n3A_988 : vector<16xi1>, vector<16xi32>
      %select_n3A_1005 = arith.select %lt3A_999, %get3A_997, %select_n3A_989 : vector<16xi1>, vector<16xf32>
      %add3A_1006 = arith.constant 976 : i32
      %add3A_1007 = vector.broadcast %add3A_1006 : i32 to vector<16xi32>
      %add3A_1008 = arith.addi %iota3A, %add3A_1007 : vector<16xi32>
      %select_n3A_1009 = arith.select %lt3A_999, %add3A_1008, %select_n3A_993 : vector<16xi1>, vector<16xi32>
      %get3A_1010 = arith.constant 992 : index
      %get3A_1011 = tpu.vector_load %arg6[%get3A_1010] {strides = array<i32>} : memref<1024xf32, #tpu.memory_space<vmem>>, vector<16xf32>,
      %get3A_1012 = arith.constant 992 : index
      %get3A_1013 = tpu.vector_load %arg7[%get3A_1012] {strides = array<i32>} : memref<1024xf32, #tpu.memory_space<vmem>>, vector<16xf32>,
      %lt3A_1014 = arith.cmpf olt, %get3A_1011, %select_n3A_1000 : vector<16xf32>
      %lt3A_1015 = arith.cmpf olt, %get3A_1013, %select_n3A_1005 : vector<16xf32>
      %select_n3A_1016 = arith.select %lt3A_1014, %get3A_1011, %select_n3A_1000 : vector<16xi1>, vector<16xf32>
      %add3A_1017 = arith.constant 992 : i32
      %add3A_1018 = vector.broadcast %add3A_1017 : i32 to vector<16xi32>
      %add3A_1019 = arith.addi %iota3A, %add3A_1018 : vector<16xi32>
      %select_n3A_1020 = arith.select %lt3A_1014, %add3A_1019, %select_n3A_1004 : vector<16xi1>, vector<16xi32>
      %select_n3A_1021 = arith.select %lt3A_1015, %get3A_1013, %select_n3A_1005 : vector<16xi1>, vector<16xf32>
      %add3A_1022 = arith.constant 992 : i32
      %add3A_1023 = vector.broadcast %add3A_1022 : i32 to vector<16xi32>
      %add3A_1024 = arith.addi %iota3A, %add3A_1023 : vector<16xi32>
      %select_n3A_1025 = arith.select %lt3A_1015, %add3A_1024, %select_n3A_1009 : vector<16xi1>, vector<16xi32>
      %get3A_1026 = arith.constant 1008 : index
      %get3A_1027 = tpu.vector_load %arg6[%get3A_1026] {strides = array<i32>} : memref<1024xf32, #tpu.memory_space<vmem>>, vector<16xf32>,
      %get3A_1028 = arith.constant 1008 : index
      %get3A_1029 = tpu.vector_load %arg7[%get3A_1028] {strides = array<i32>} : memref<1024xf32, #tpu.memory_space<vmem>>, vector<16xf32>,
      %lt3A_1030 = arith.cmpf olt, %get3A_1027, %select_n3A_1016 : vector<16xf32>
      %lt3A_1031 = arith.cmpf olt, %get3A_1029, %select_n3A_1021 : vector<16xf32>
      %select_n3A_1032 = arith.select %lt3A_1030, %get3A_1027, %select_n3A_1016 : vector<16xi1>, vector<16xf32>
      %add3A_1033 = arith.constant 1008 : i32
      %add3A_1034 = vector.broadcast %add3A_1033 : i32 to vector<16xi32>
      %add3A_1035 = arith.addi %iota3A, %add3A_1034 : vector<16xi32>
      %select_n3A_1036 = arith.select %lt3A_1030, %add3A_1035, %select_n3A_1020 : vector<16xi1>, vector<16xi32>
      %select_n3A_1037 = arith.select %lt3A_1031, %get3A_1029, %select_n3A_1021 : vector<16xi1>, vector<16xf32>
      %add3A_1038 = arith.constant 1008 : i32
      %add3A_1039 = vector.broadcast %add3A_1038 : i32 to vector<16xi32>
      %add3A_1040 = arith.addi %iota3A, %add3A_1039 : vector<16xi32>
      %select_n3A_1041 = arith.select %lt3A_1031, %add3A_1040, %select_n3A_1025 : vector<16xi1>, vector<16xi32>
      %broadcast_in_dim3A_1042 = arith.constant 0 : i32
      %broadcast_in_dim3A_1043 = vector.broadcast %broadcast_in_dim3A_1042 : i32 to vector<16xi32>
      %scan3A_1044 = arith.constant 0 : i32
      %scan3A_1045 = arith.constant 32 : i32
      %scan3A_1046 = arith.addi %scan3A_1044, %scan3A_1045 : i32
      %scan3A_1047 = arith.constant 1 : i32
      %scan3A_1048:8 = scf.for %scan3A_1133 = %scan3A_1044 to %scan3A_1046 step %scan3A_1047 iter_args(%scan3A_1134 = %select_n3A_1032, %scan3A_1135 = %select_n3A_1036, %scan3A_1136 = %broadcast_in_dim3A_1043, %scan3A_1137 = %broadcast_in_dim3A_1043, %scan3A_1138 = %select_n3A_1037, %scan3A_1139 = %select_n3A_1041, %scan3A_1140 = %broadcast_in_dim3A_1043, %scan3A_1141 = %broadcast_in_dim3A_1043) -> (vector<16xf32>, vector<16xi32>, vector<16xi32>, vector<16xi32>, vector<16xf32>, vector<16xi32>, vector<16xi32>, vector<16xi32>)  : i32 {
        %masked_sort3A = arith.constant dense<true> : vector<16xi1>
        %masked_sort3A_1142, %masked_sort3A_1143, %masked_sort3A_1144 = tpu.sort %scan3A_1134, %scan3A_1135 masked %masked_sort3A : (vector<16xf32>, vector<16xi32>, vector<16xi1>) -> (vector<16xi1>, vector<16xf32>, vector<16xi32>)
        %broadcast_in_dim3A_1145 = arith.constant 0 : i32
        %broadcast_in_dim3A_1146 = vector.broadcast %broadcast_in_dim3A_1145 : i32 to vector<16xi32>
        %lt3A_1147 = arith.constant 0 : i32
        %lt3A_1148 = vector.broadcast %lt3A_1147 : i32 to vector<16xi32>
        %lt3A_1149 = arith.cmpi slt, %broadcast_in_dim3A_1146, %lt3A_1148 : vector<16xi32>
        %add3A_1150 = arith.constant 16 : i32
        %add3A_1151 = vector.broadcast %add3A_1150 : i32 to vector<16xi32>
        %add3A_1152 = arith.addi %broadcast_in_dim3A_1146, %add3A_1151 : vector<16xi32>
        %select_n3A_1153 = arith.select %lt3A_1149, %add3A_1152, %broadcast_in_dim3A_1146 : vector<16xi1>, vector<16xi32>
        %broadcast_in_dim3A_1154 = vector.shape_cast %select_n3A_1153 : vector<16xi32> to vector<16x1xi32>
        %gather3A = vector.shape_cast %broadcast_in_dim3A_1154 : vector<16x1xi32> to vector<16xi32>
        %gather3A_1155 = tpu.dynamic_gather %masked_sort3A_1143[%gather3A] in [0] : vector<16xf32>, vector<16xi32> -> vector<16xf32>
        %eq3A_1156 = arith.cmpf oeq, %scan3A_1134, %gather3A_1155 : vector<16xf32>
        %select_n3A_1157 = arith.select %eq3A_1156, %scan3A_1135, %broadcast_in_dim3A_3 : vector<16xi1>, vector<16xi32>
        %masked_sort3A_1158 = arith.constant dense<true> : vector<16xi1>
        %masked_sort3A_1159 = arith.constant -2147483648 : i32
        %masked_sort3A_1160 = vector.broadcast %masked_sort3A_1159 : i32 to vector<16xi32>
        %masked_sort3A_1161 = arith.xori %select_n3A_1157, %masked_sort3A_1160 : vector<16xi32>
        %masked_sort3A_1162, %masked_sort3A_1163, %masked_sort3A_1164 = tpu.sort %masked_sort3A_1161, %select_n3A_1157 masked %masked_sort3A_1158 : (vector<16xi32>, vector<16xi32>, vector<16xi1>) -> (vector<16xi1>, vector<16xi32>, vector<16xi32>)
        %masked_sort3A_1165 = arith.xori %masked_sort3A_1163, %masked_sort3A_1160 : vector<16xi32>
        %broadcast_in_dim3A_1166 = arith.constant 0 : i32
        %broadcast_in_dim3A_1167 = vector.broadcast %broadcast_in_dim3A_1166 : i32 to vector<16xi32>
        %lt3A_1168 = arith.constant 0 : i32
        %lt3A_1169 = vector.broadcast %lt3A_1168 : i32 to vector<16xi32>
        %lt3A_1170 = arith.cmpi slt, %broadcast_in_dim3A_1167, %lt3A_1169 : vector<16xi32>
        %add3A_1171 = arith.constant 16 : i32
        %add3A_1172 = vector.broadcast %add3A_1171 : i32 to vector<16xi32>
        %add3A_1173 = arith.addi %broadcast_in_dim3A_1167, %add3A_1172 : vector<16xi32>
        %select_n3A_1174 = arith.select %lt3A_1170, %add3A_1173, %broadcast_in_dim3A_1167 : vector<16xi1>, vector<16xi32>
        %broadcast_in_dim3A_1175 = vector.shape_cast %select_n3A_1174 : vector<16xi32> to vector<16x1xi32>
        %gather3A_1176 = vector.shape_cast %broadcast_in_dim3A_1175 : vector<16x1xi32> to vector<16xi32>
        %gather3A_1177 = tpu.dynamic_gather %masked_sort3A_1165[%gather3A_1176] in [0] : vector<16xi32>, vector<16xi32> -> vector<16xi32>
        %jit3A_1178 = arith.constant 16 : i32
        %eq3A_1179 = arith.constant 0 : i32
        %eq3A_1180 = arith.cmpi eq, %jit3A_1178, %eq3A_1179 : i32
        %jit3A_1181 = arith.constant 1 : i32
        %select_n3A_1182 = arith.select %eq3A_1180, %jit3A_1181, %jit3A_1178 : i32
        %rem3A_1183 = vector.broadcast %select_n3A_1182 : i32 to vector<16xi32>
        %rem3A_1184 = arith.remsi %gather3A_1177, %rem3A_1183 : vector<16xi32>
        %ne3A_1185 = arith.constant 0 : i32
        %ne3A_1186 = vector.broadcast %ne3A_1185 : i32 to vector<16xi32>
        %ne3A_1187 = arith.cmpi ne, %rem3A_1184, %ne3A_1186 : vector<16xi32>
        %lt3A_1188 = arith.constant 0 : i32
        %lt3A_1189 = vector.broadcast %lt3A_1188 : i32 to vector<16xi32>
        %lt3A_1190 = arith.cmpi slt, %rem3A_1184, %lt3A_1189 : vector<16xi32>
        %lt3A_1191 = arith.constant 0 : i32
        %lt3A_1192 = arith.cmpi slt, %select_n3A_1182, %lt3A_1191 : i32
        %ne3A_1193 = vector.broadcast %lt3A_1192 : i1 to vector<16xi1>
        %ne3A_1194 = vector.broadcast %ne3A_1193 : vector<16xi1> to vector<16xi1>
        %ne3A_1195 = arith.xori %lt3A_1190, %ne3A_1194 : vector<16xi1>
        %and3A_1196 = arith.andi %ne3A_1195, %ne3A_1187 : vector<16xi1>
        %add3A_1197 = vector.broadcast %select_n3A_1182 : i32 to vector<16xi32>
        %add3A_1198 = arith.addi %rem3A_1184, %add3A_1197 : vector<16xi32>
        %select_n3A_1199 = arith.select %and3A_1196, %add3A_1198, %rem3A_1184 : vector<16xi1>, vector<16xi32>
        tpu.vector_store_idx %arg6[%gather3A_1177], %broadcast_in_dim3A_1 masked %eq3A_5 : memref<1024xf32, #tpu.memory_space<vmem>>[vector<16xi32>], vector<16xf32>, vector<16xi1>
        %mul3A_1200 = arith.constant 16 : i32
        %mul3A_1201 = vector.broadcast %mul3A_1200 : i32 to vector<16xi32>
        %mul3A_1202 = arith.muli %mul3A_1201, %iota3A : vector<16xi32>
        %add3A_1203 = arith.constant 0 : i32
        %add3A_1204 = vector.broadcast %add3A_1203 : i32 to vector<16xi32>
        %add3A_1205 = arith.addi %add3A_1204, %mul3A_1202 : vector<16xi32>
        %add3A_1206 = arith.addi %add3A_1205, %select_n3A_1199 : vector<16xi32>
        %gather3A_1207 = tpu.vector_load_idx %arg6[%add3A_1206] : memref<1024xf32, #tpu.memory_space<vmem>>[vector<16xi32>], vector<16xf32>,
        %lt3A_1208 = arith.cmpf olt, %gather3A_1207, %broadcast_in_dim3A_1 : vector<16xf32>
        %select_n3A_1209 = arith.select %lt3A_1208, %gather3A_1207, %broadcast_in_dim3A_1 : vector<16xi1>, vector<16xf32>
        %select_n3A_1210 = arith.select %lt3A_1208, %add3A_1206, %broadcast_in_dim3A_3 : vector<16xi1>, vector<16xi32>
        %mul3A_1211 = arith.constant 16 : i32
        %mul3A_1212 = vector.broadcast %mul3A_1211 : i32 to vector<16xi32>
        %mul3A_1213 = arith.muli %mul3A_1212, %iota3A : vector<16xi32>
        %add3A_1214 = arith.constant 256 : i32
        %add3A_1215 = vector.broadcast %add3A_1214 : i32 to vector<16xi32>
        %add3A_1216 = arith.addi %add3A_1215, %mul3A_1213 : vector<16xi32>
        %add3A_1217 = arith.addi %add3A_1216, %select_n3A_1199 : vector<16xi32>
        %gather3A_1218 = tpu.vector_load_idx %arg6[%add3A_1217] : memref<1024xf32, #tpu.memory_space<vmem>>[vector<16xi32>], vector<16xf32>,
        %lt3A_1219 = arith.cmpf olt, %gather3A_1218, %select_n3A_1209 : vector<16xf32>
        %select_n3A_1220 = arith.select %lt3A_1219, %gather3A_1218, %select_n3A_1209 : vector<16xi1>, vector<16xf32>
        %select_n3A_1221 = arith.select %lt3A_1219, %add3A_1217, %select_n3A_1210 : vector<16xi1>, vector<16xi32>
        %mul3A_1222 = arith.constant 16 : i32
        %mul3A_1223 = vector.broadcast %mul3A_1222 : i32 to vector<16xi32>
        %mul3A_1224 = arith.muli %mul3A_1223, %iota3A : vector<16xi32>
        %add3A_1225 = arith.constant 512 : i32
        %add3A_1226 = vector.broadcast %add3A_1225 : i32 to vector<16xi32>
        %add3A_1227 = arith.addi %add3A_1226, %mul3A_1224 : vector<16xi32>
        %add3A_1228 = arith.addi %add3A_1227, %select_n3A_1199 : vector<16xi32>
        %gather3A_1229 = tpu.vector_load_idx %arg6[%add3A_1228] : memref<1024xf32, #tpu.memory_space<vmem>>[vector<16xi32>], vector<16xf32>,
        %lt3A_1230 = arith.cmpf olt, %gather3A_1229, %select_n3A_1220 : vector<16xf32>
        %select_n3A_1231 = arith.select %lt3A_1230, %gather3A_1229, %select_n3A_1220 : vector<16xi1>, vector<16xf32>
        %select_n3A_1232 = arith.select %lt3A_1230, %add3A_1228, %select_n3A_1221 : vector<16xi1>, vector<16xi32>
        %mul3A_1233 = arith.constant 16 : i32
        %mul3A_1234 = vector.broadcast %mul3A_1233 : i32 to vector<16xi32>
        %mul3A_1235 = arith.muli %mul3A_1234, %iota3A : vector<16xi32>
        %add3A_1236 = arith.constant 768 : i32
        %add3A_1237 = vector.broadcast %add3A_1236 : i32 to vector<16xi32>
        %add3A_1238 = arith.addi %add3A_1237, %mul3A_1235 : vector<16xi32>
        %add3A_1239 = arith.addi %add3A_1238, %select_n3A_1199 : vector<16xi32>
        %gather3A_1240 = tpu.vector_load_idx %arg6[%add3A_1239] : memref<1024xf32, #tpu.memory_space<vmem>>[vector<16xi32>], vector<16xf32>,
        %lt3A_1241 = arith.cmpf olt, %gather3A_1240, %select_n3A_1231 : vector<16xf32>
        %select_n3A_1242 = arith.select %lt3A_1241, %gather3A_1240, %select_n3A_1231 : vector<16xi1>, vector<16xf32>
        %select_n3A_1243 = arith.select %lt3A_1241, %add3A_1239, %select_n3A_1232 : vector<16xi1>, vector<16xi32>
        %masked_sort3A_1244 = arith.constant dense<true> : vector<16xi1>
        %masked_sort3A_1245, %masked_sort3A_1246, %masked_sort3A_1247 = tpu.sort %select_n3A_1242, %select_n3A_1243 masked %masked_sort3A_1244 : (vector<16xf32>, vector<16xi32>, vector<16xi1>) -> (vector<16xi1>, vector<16xf32>, vector<16xi32>)
        %broadcast_in_dim3A_1248 = arith.constant 0 : i32
        %broadcast_in_dim3A_1249 = vector.broadcast %broadcast_in_dim3A_1248 : i32 to vector<16xi32>
        %lt3A_1250 = arith.constant 0 : i32
        %lt3A_1251 = vector.broadcast %lt3A_1250 : i32 to vector<16xi32>
        %lt3A_1252 = arith.cmpi slt, %broadcast_in_dim3A_1249, %lt3A_1251 : vector<16xi32>
        %add3A_1253 = arith.constant 16 : i32
        %add3A_1254 = vector.broadcast %add3A_1253 : i32 to vector<16xi32>
        %add3A_1255 = arith.addi %broadcast_in_dim3A_1249, %add3A_1254 : vector<16xi32>
        %select_n3A_1256 = arith.select %lt3A_1252, %add3A_1255, %broadcast_in_dim3A_1249 : vector<16xi1>, vector<16xi32>
        %broadcast_in_dim3A_1257 = vector.shape_cast %select_n3A_1256 : vector<16xi32> to vector<16x1xi32>
        %gather3A_1258 = vector.shape_cast %broadcast_in_dim3A_1257 : vector<16x1xi32> to vector<16xi32>
        %gather3A_1259 = tpu.dynamic_gather %masked_sort3A_1246[%gather3A_1258] in [0] : vector<16xf32>, vector<16xi32> -> vector<16xf32>
        %eq3A_1260 = arith.cmpf oeq, %select_n3A_1242, %gather3A_1259 : vector<16xf32>
        %select_n3A_1261 = arith.select %eq3A_1260, %select_n3A_1243, %broadcast_in_dim3A_3 : vector<16xi1>, vector<16xi32>
        %masked_sort3A_1262 = arith.constant dense<true> : vector<16xi1>
        %masked_sort3A_1263 = arith.constant -2147483648 : i32
        %masked_sort3A_1264 = vector.broadcast %masked_sort3A_1263 : i32 to vector<16xi32>
        %masked_sort3A_1265 = arith.xori %select_n3A_1261, %masked_sort3A_1264 : vector<16xi32>
        %masked_sort3A_1266, %masked_sort3A_1267, %masked_sort3A_1268 = tpu.sort %masked_sort3A_1265, %select_n3A_1261 masked %masked_sort3A_1262 : (vector<16xi32>, vector<16xi32>, vector<16xi1>) -> (vector<16xi1>, vector<16xi32>, vector<16xi32>)
        %masked_sort3A_1269 = arith.xori %masked_sort3A_1267, %masked_sort3A_1264 : vector<16xi32>
        %broadcast_in_dim3A_1270 = arith.constant 0 : i32
        %broadcast_in_dim3A_1271 = vector.broadcast %broadcast_in_dim3A_1270 : i32 to vector<16xi32>
        %lt3A_1272 = arith.constant 0 : i32
        %lt3A_1273 = vector.broadcast %lt3A_1272 : i32 to vector<16xi32>
        %lt3A_1274 = arith.cmpi slt, %broadcast_in_dim3A_1271, %lt3A_1273 : vector<16xi32>
        %add3A_1275 = arith.constant 16 : i32
        %add3A_1276 = vector.broadcast %add3A_1275 : i32 to vector<16xi32>
        %add3A_1277 = arith.addi %broadcast_in_dim3A_1271, %add3A_1276 : vector<16xi32>
        %select_n3A_1278 = arith.select %lt3A_1274, %add3A_1277, %broadcast_in_dim3A_1271 : vector<16xi1>, vector<16xi32>
        %broadcast_in_dim3A_1279 = vector.shape_cast %select_n3A_1278 : vector<16xi32> to vector<16x1xi32>
        %gather3A_1280 = vector.shape_cast %broadcast_in_dim3A_1279 : vector<16x1xi32> to vector<16xi32>
        %gather3A_1281 = tpu.dynamic_gather %masked_sort3A_1269[%gather3A_1280] in [0] : vector<16xi32>, vector<16xi32> -> vector<16xi32>
        %eq3A_1282 = arith.cmpi eq, %iota3A, %select_n3A_1199 : vector<16xi32>
        %select_n3A_1283 = arith.select %eq3A_1282, %gather3A_1259, %scan3A_1134 : vector<16xi1>, vector<16xf32>
        %eq3A_1284 = arith.cmpi eq, %iota3A, %select_n3A_1199 : vector<16xi32>
        %select_n3A_1285 = arith.select %eq3A_1284, %gather3A_1281, %scan3A_1135 : vector<16xi1>, vector<16xi32>
        %eq3A_1286 = vector.broadcast %scan3A_1133 : i32 to vector<16xi32>
        %eq3A_1287 = arith.cmpi eq, %iota3A, %eq3A_1286 : vector<16xi32>
        %select_n3A_1288 = arith.select %eq3A_1287, %gather3A_1177, %scan3A_1136 : vector<16xi1>, vector<16xi32>
        %sub3A_1289 = arith.constant 16 : i32
        %sub3A_1290 = arith.subi %scan3A_1133, %sub3A_1289 : i32
        %eq3A_1291 = vector.broadcast %sub3A_1290 : i32 to vector<16xi32>
        %eq3A_1292 = arith.cmpi eq, %iota3A, %eq3A_1291 : vector<16xi32>
        %select_n3A_1293 = arith.select %eq3A_1292, %gather3A_1177, %scan3A_1137 : vector<16xi1>, vector<16xi32>
        %masked_sort3A_1294 = arith.constant dense<true> : vector<16xi1>
        %masked_sort3A_1295, %masked_sort3A_1296, %masked_sort3A_1297 = tpu.sort %scan3A_1138, %scan3A_1139 masked %masked_sort3A_1294 : (vector<16xf32>, vector<16xi32>, vector<16xi1>) -> (vector<16xi1>, vector<16xf32>, vector<16xi32>)
        %broadcast_in_dim3A_1298 = arith.constant 0 : i32
        %broadcast_in_dim3A_1299 = vector.broadcast %broadcast_in_dim3A_1298 : i32 to vector<16xi32>
        %lt3A_1300 = arith.constant 0 : i32
        %lt3A_1301 = vector.broadcast %lt3A_1300 : i32 to vector<16xi32>
        %lt3A_1302 = arith.cmpi slt, %broadcast_in_dim3A_1299, %lt3A_1301 : vector<16xi32>
        %add3A_1303 = arith.constant 16 : i32
        %add3A_1304 = vector.broadcast %add3A_1303 : i32 to vector<16xi32>
        %add3A_1305 = arith.addi %broadcast_in_dim3A_1299, %add3A_1304 : vector<16xi32>
        %select_n3A_1306 = arith.select %lt3A_1302, %add3A_1305, %broadcast_in_dim3A_1299 : vector<16xi1>, vector<16xi32>
        %broadcast_in_dim3A_1307 = vector.shape_cast %select_n3A_1306 : vector<16xi32> to vector<16x1xi32>
        %gather3A_1308 = vector.shape_cast %broadcast_in_dim3A_1307 : vector<16x1xi32> to vector<16xi32>
        %gather3A_1309 = tpu.dynamic_gather %masked_sort3A_1296[%gather3A_1308] in [0] : vector<16xf32>, vector<16xi32> -> vector<16xf32>
        %eq3A_1310 = arith.cmpf oeq, %scan3A_1138, %gather3A_1309 : vector<16xf32>
        %select_n3A_1311 = arith.select %eq3A_1310, %scan3A_1139, %broadcast_in_dim3A_3 : vector<16xi1>, vector<16xi32>
        %masked_sort3A_1312 = arith.constant dense<true> : vector<16xi1>
        %masked_sort3A_1313 = arith.constant -2147483648 : i32
        %masked_sort3A_1314 = vector.broadcast %masked_sort3A_1313 : i32 to vector<16xi32>
        %masked_sort3A_1315 = arith.xori %select_n3A_1311, %masked_sort3A_1314 : vector<16xi32>
        %masked_sort3A_1316, %masked_sort3A_1317, %masked_sort3A_1318 = tpu.sort %masked_sort3A_1315, %select_n3A_1311 masked %masked_sort3A_1312 : (vector<16xi32>, vector<16xi32>, vector<16xi1>) -> (vector<16xi1>, vector<16xi32>, vector<16xi32>)
        %masked_sort3A_1319 = arith.xori %masked_sort3A_1317, %masked_sort3A_1314 : vector<16xi32>
        %broadcast_in_dim3A_1320 = arith.constant 0 : i32
        %broadcast_in_dim3A_1321 = vector.broadcast %broadcast_in_dim3A_1320 : i32 to vector<16xi32>
        %lt3A_1322 = arith.constant 0 : i32
        %lt3A_1323 = vector.broadcast %lt3A_1322 : i32 to vector<16xi32>
        %lt3A_1324 = arith.cmpi slt, %broadcast_in_dim3A_1321, %lt3A_1323 : vector<16xi32>
        %add3A_1325 = arith.constant 16 : i32
        %add3A_1326 = vector.broadcast %add3A_1325 : i32 to vector<16xi32>
        %add3A_1327 = arith.addi %broadcast_in_dim3A_1321, %add3A_1326 : vector<16xi32>
        %select_n3A_1328 = arith.select %lt3A_1324, %add3A_1327, %broadcast_in_dim3A_1321 : vector<16xi1>, vector<16xi32>
        %broadcast_in_dim3A_1329 = vector.shape_cast %select_n3A_1328 : vector<16xi32> to vector<16x1xi32>
        %gather3A_1330 = vector.shape_cast %broadcast_in_dim3A_1329 : vector<16x1xi32> to vector<16xi32>
        %gather3A_1331 = tpu.dynamic_gather %masked_sort3A_1319[%gather3A_1330] in [0] : vector<16xi32>, vector<16xi32> -> vector<16xi32>
        %jit3A_1332 = arith.constant 16 : i32
        %eq3A_1333 = arith.constant 0 : i32
        %eq3A_1334 = arith.cmpi eq, %jit3A_1332, %eq3A_1333 : i32
        %jit3A_1335 = arith.constant 1 : i32
        %select_n3A_1336 = arith.select %eq3A_1334, %jit3A_1335, %jit3A_1332 : i32
        %rem3A_1337 = vector.broadcast %select_n3A_1336 : i32 to vector<16xi32>
        %rem3A_1338 = arith.remsi %gather3A_1331, %rem3A_1337 : vector<16xi32>
        %ne3A_1339 = arith.constant 0 : i32
        %ne3A_1340 = vector.broadcast %ne3A_1339 : i32 to vector<16xi32>
        %ne3A_1341 = arith.cmpi ne, %rem3A_1338, %ne3A_1340 : vector<16xi32>
        %lt3A_1342 = arith.constant 0 : i32
        %lt3A_1343 = vector.broadcast %lt3A_1342 : i32 to vector<16xi32>
        %lt3A_1344 = arith.cmpi slt, %rem3A_1338, %lt3A_1343 : vector<16xi32>
        %lt3A_1345 = arith.constant 0 : i32
        %lt3A_1346 = arith.cmpi slt, %select_n3A_1336, %lt3A_1345 : i32
        %ne3A_1347 = vector.broadcast %lt3A_1346 : i1 to vector<16xi1>
        %ne3A_1348 = vector.broadcast %ne3A_1347 : vector<16xi1> to vector<16xi1>
        %ne3A_1349 = arith.xori %lt3A_1344, %ne3A_1348 : vector<16xi1>
        %and3A_1350 = arith.andi %ne3A_1349, %ne3A_1341 : vector<16xi1>
        %add3A_1351 = vector.broadcast %select_n3A_1336 : i32 to vector<16xi32>
        %add3A_1352 = arith.addi %rem3A_1338, %add3A_1351 : vector<16xi32>
        %select_n3A_1353 = arith.select %and3A_1350, %add3A_1352, %rem3A_1338 : vector<16xi1>, vector<16xi32>
        tpu.vector_store_idx %arg7[%gather3A_1331], %broadcast_in_dim3A_1 masked %eq3A_5 : memref<1024xf32, #tpu.memory_space<vmem>>[vector<16xi32>], vector<16xf32>, vector<16xi1>
        %mul3A_1354 = arith.constant 16 : i32
        %mul3A_1355 = vector.broadcast %mul3A_1354 : i32 to vector<16xi32>
        %mul3A_1356 = arith.muli %mul3A_1355, %iota3A : vector<16xi32>
        %add3A_1357 = arith.constant 0 : i32
        %add3A_1358 = vector.broadcast %add3A_1357 : i32 to vector<16xi32>
        %add3A_1359 = arith.addi %add3A_1358, %mul3A_1356 : vector<16xi32>
        %add3A_1360 = arith.addi %add3A_1359, %select_n3A_1353 : vector<16xi32>
        %gather3A_1361 = tpu.vector_load_idx %arg7[%add3A_1360] : memref<1024xf32, #tpu.memory_space<vmem>>[vector<16xi32>], vector<16xf32>,
        %lt3A_1362 = arith.cmpf olt, %gather3A_1361, %broadcast_in_dim3A_1 : vector<16xf32>
        %select_n3A_1363 = arith.select %lt3A_1362, %gather3A_1361, %broadcast_in_dim3A_1 : vector<16xi1>, vector<16xf32>
        %select_n3A_1364 = arith.select %lt3A_1362, %add3A_1360, %broadcast_in_dim3A_3 : vector<16xi1>, vector<16xi32>
        %mul3A_1365 = arith.constant 16 : i32
        %mul3A_1366 = vector.broadcast %mul3A_1365 : i32 to vector<16xi32>
        %mul3A_1367 = arith.muli %mul3A_1366, %iota3A : vector<16xi32>
        %add3A_1368 = arith.constant 256 : i32
        %add3A_1369 = vector.broadcast %add3A_1368 : i32 to vector<16xi32>
        %add3A_1370 = arith.addi %add3A_1369, %mul3A_1367 : vector<16xi32>
        %add3A_1371 = arith.addi %add3A_1370, %select_n3A_1353 : vector<16xi32>
        %gather3A_1372 = tpu.vector_load_idx %arg7[%add3A_1371] : memref<1024xf32, #tpu.memory_space<vmem>>[vector<16xi32>], vector<16xf32>,
        %lt3A_1373 = arith.cmpf olt, %gather3A_1372, %select_n3A_1363 : vector<16xf32>
        %select_n3A_1374 = arith.select %lt3A_1373, %gather3A_1372, %select_n3A_1363 : vector<16xi1>, vector<16xf32>
        %select_n3A_1375 = arith.select %lt3A_1373, %add3A_1371, %select_n3A_1364 : vector<16xi1>, vector<16xi32>
        %mul3A_1376 = arith.constant 16 : i32
        %mul3A_1377 = vector.broadcast %mul3A_1376 : i32 to vector<16xi32>
        %mul3A_1378 = arith.muli %mul3A_1377, %iota3A : vector<16xi32>
        %add3A_1379 = arith.constant 512 : i32
        %add3A_1380 = vector.broadcast %add3A_1379 : i32 to vector<16xi32>
        %add3A_1381 = arith.addi %add3A_1380, %mul3A_1378 : vector<16xi32>
        %add3A_1382 = arith.addi %add3A_1381, %select_n3A_1353 : vector<16xi32>
        %gather3A_1383 = tpu.vector_load_idx %arg7[%add3A_1382] : memref<1024xf32, #tpu.memory_space<vmem>>[vector<16xi32>], vector<16xf32>,
        %lt3A_1384 = arith.cmpf olt, %gather3A_1383, %select_n3A_1374 : vector<16xf32>
        %select_n3A_1385 = arith.select %lt3A_1384, %gather3A_1383, %select_n3A_1374 : vector<16xi1>, vector<16xf32>
        %select_n3A_1386 = arith.select %lt3A_1384, %add3A_1382, %select_n3A_1375 : vector<16xi1>, vector<16xi32>
        %mul3A_1387 = arith.constant 16 : i32
        %mul3A_1388 = vector.broadcast %mul3A_1387 : i32 to vector<16xi32>
        %mul3A_1389 = arith.muli %mul3A_1388, %iota3A : vector<16xi32>
        %add3A_1390 = arith.constant 768 : i32
        %add3A_1391 = vector.broadcast %add3A_1390 : i32 to vector<16xi32>
        %add3A_1392 = arith.addi %add3A_1391, %mul3A_1389 : vector<16xi32>
        %add3A_1393 = arith.addi %add3A_1392, %select_n3A_1353 : vector<16xi32>
        %gather3A_1394 = tpu.vector_load_idx %arg7[%add3A_1393] : memref<1024xf32, #tpu.memory_space<vmem>>[vector<16xi32>], vector<16xf32>,
        %lt3A_1395 = arith.cmpf olt, %gather3A_1394, %select_n3A_1385 : vector<16xf32>
        %select_n3A_1396 = arith.select %lt3A_1395, %gather3A_1394, %select_n3A_1385 : vector<16xi1>, vector<16xf32>
        %select_n3A_1397 = arith.select %lt3A_1395, %add3A_1393, %select_n3A_1386 : vector<16xi1>, vector<16xi32>
        %masked_sort3A_1398 = arith.constant dense<true> : vector<16xi1>
        %masked_sort3A_1399, %masked_sort3A_1400, %masked_sort3A_1401 = tpu.sort %select_n3A_1396, %select_n3A_1397 masked %masked_sort3A_1398 : (vector<16xf32>, vector<16xi32>, vector<16xi1>) -> (vector<16xi1>, vector<16xf32>, vector<16xi32>)
        %broadcast_in_dim3A_1402 = arith.constant 0 : i32
        %broadcast_in_dim3A_1403 = vector.broadcast %broadcast_in_dim3A_1402 : i32 to vector<16xi32>
        %lt3A_1404 = arith.constant 0 : i32
        %lt3A_1405 = vector.broadcast %lt3A_1404 : i32 to vector<16xi32>
        %lt3A_1406 = arith.cmpi slt, %broadcast_in_dim3A_1403, %lt3A_1405 : vector<16xi32>
        %add3A_1407 = arith.constant 16 : i32
        %add3A_1408 = vector.broadcast %add3A_1407 : i32 to vector<16xi32>
        %add3A_1409 = arith.addi %broadcast_in_dim3A_1403, %add3A_1408 : vector<16xi32>
        %select_n3A_1410 = arith.select %lt3A_1406, %add3A_1409, %broadcast_in_dim3A_1403 : vector<16xi1>, vector<16xi32>
        %broadcast_in_dim3A_1411 = vector.shape_cast %select_n3A_1410 : vector<16xi32> to vector<16x1xi32>
        %gather3A_1412 = vector.shape_cast %broadcast_in_dim3A_1411 : vector<16x1xi32> to vector<16xi32>
        %gather3A_1413 = tpu.dynamic_gather %masked_sort3A_1400[%gather3A_1412] in [0] : vector<16xf32>, vector<16xi32> -> vector<16xf32>
        %eq3A_1414 = arith.cmpf oeq, %select_n3A_1396, %gather3A_1413 : vector<16xf32>
        %select_n3A_1415 = arith.select %eq3A_1414, %select_n3A_1397, %broadcast_in_dim3A_3 : vector<16xi1>, vector<16xi32>
        %masked_sort3A_1416 = arith.constant dense<true> : vector<16xi1>
        %masked_sort3A_1417 = arith.constant -2147483648 : i32
        %masked_sort3A_1418 = vector.broadcast %masked_sort3A_1417 : i32 to vector<16xi32>
        %masked_sort3A_1419 = arith.xori %select_n3A_1415, %masked_sort3A_1418 : vector<16xi32>
        %masked_sort3A_1420, %masked_sort3A_1421, %masked_sort3A_1422 = tpu.sort %masked_sort3A_1419, %select_n3A_1415 masked %masked_sort3A_1416 : (vector<16xi32>, vector<16xi32>, vector<16xi1>) -> (vector<16xi1>, vector<16xi32>, vector<16xi32>)
        %masked_sort3A_1423 = arith.xori %masked_sort3A_1421, %masked_sort3A_1418 : vector<16xi32>
        %broadcast_in_dim3A_1424 = arith.constant 0 : i32
        %broadcast_in_dim3A_1425 = vector.broadcast %broadcast_in_dim3A_1424 : i32 to vector<16xi32>
        %lt3A_1426 = arith.constant 0 : i32
        %lt3A_1427 = vector.broadcast %lt3A_1426 : i32 to vector<16xi32>
        %lt3A_1428 = arith.cmpi slt, %broadcast_in_dim3A_1425, %lt3A_1427 : vector<16xi32>
        %add3A_1429 = arith.constant 16 : i32
        %add3A_1430 = vector.broadcast %add3A_1429 : i32 to vector<16xi32>
        %add3A_1431 = arith.addi %broadcast_in_dim3A_1425, %add3A_1430 : vector<16xi32>
        %select_n3A_1432 = arith.select %lt3A_1428, %add3A_1431, %broadcast_in_dim3A_1425 : vector<16xi1>, vector<16xi32>
        %broadcast_in_dim3A_1433 = vector.shape_cast %select_n3A_1432 : vector<16xi32> to vector<16x1xi32>
        %gather3A_1434 = vector.shape_cast %broadcast_in_dim3A_1433 : vector<16x1xi32> to vector<16xi32>
        %gather3A_1435 = tpu.dynamic_gather %masked_sort3A_1423[%gather3A_1434] in [0] : vector<16xi32>, vector<16xi32> -> vector<16xi32>
        %eq3A_1436 = arith.cmpi eq, %iota3A, %select_n3A_1353 : vector<16xi32>
        %select_n3A_1437 = arith.select %eq3A_1436, %gather3A_1413, %scan3A_1138 : vector<16xi1>, vector<16xf32>
        %eq3A_1438 = arith.cmpi eq, %iota3A, %select_n3A_1353 : vector<16xi32>
        %select_n3A_1439 = arith.select %eq3A_1438, %gather3A_1435, %scan3A_1139 : vector<16xi1>, vector<16xi32>
        %eq3A_1440 = vector.broadcast %scan3A_1133 : i32 to vector<16xi32>
        %eq3A_1441 = arith.cmpi eq, %iota3A, %eq3A_1440 : vector<16xi32>
        %select_n3A_1442 = arith.select %eq3A_1441, %gather3A_1331, %scan3A_1140 : vector<16xi1>, vector<16xi32>
        %sub3A_1443 = arith.constant 16 : i32
        %sub3A_1444 = arith.subi %scan3A_1133, %sub3A_1443 : i32
        %eq3A_1445 = vector.broadcast %sub3A_1444 : i32 to vector<16xi32>
        %eq3A_1446 = arith.cmpi eq, %iota3A, %eq3A_1445 : vector<16xi32>
        %select_n3A_1447 = arith.select %eq3A_1446, %gather3A_1331, %scan3A_1141 : vector<16xi1>, vector<16xi32>
        scf.yield %select_n3A_1283, %select_n3A_1285, %select_n3A_1288, %select_n3A_1293, %select_n3A_1437, %select_n3A_1439, %select_n3A_1442, %select_n3A_1447 : vector<16xf32>, vector<16xi32>, vector<16xi32>, vector<16xi32>, vector<16xf32>, vector<16xi32>, vector<16xi32>, vector<16xi32>
      }
      %scan3A_1049 = arith.constant 32 : i32
      %swap3A = arith.constant 0 : index
      %swap3A_1050 = tpu.vector_load %arg8[%swap3A] {strides = array<i32>} : memref<32xi32, #tpu.memory_space<vmem>>, vector<16xi32>,
      tpu.vector_store %arg8[%swap3A], %scan3A_1048#2 {strides = array<i32>} : memref<32xi32, #tpu.memory_space<vmem>>, vector<16xi32>,
      %swap3A_1051 = arith.constant 16 : index
      %swap3A_1052 = tpu.vector_load %arg8[%swap3A_1051] {strides = array<i32>} : memref<32xi32, #tpu.memory_space<vmem>>, vector<16xi32>,
      tpu.vector_store %arg8[%swap3A_1051], %scan3A_1048#3 {strides = array<i32>} : memref<32xi32, #tpu.memory_space<vmem>>, vector<16xi32>,
      "tpu.region"() ({
        %run_scoped3A = tpu.sem_alloc : memref<!tpu.dma_semaphore, #tpu.memory_space<semaphore_mem>>
        %dma_start3A_1133 = arith.constant 0 : i32
        %dma_start3A_1134 = tpu.memref_slice %arg4[%add3A_18, %dma_start3A_1133] : memref<2048x32xi32, #tpu.memory_space<hbm>> -> memref<1x32xi32, #tpu.memory_space<hbm>>
        %dma_start3A_1135 = tpu.memref_squeeze %dma_start3A_1134 : memref<1x32xi32, #tpu.memory_space<hbm>> -> memref<32xi32, #tpu.memory_space<hbm>>
        %dma_start3A_1136 = arith.constant 0 : i32
        %dma_start3A_1137 = tpu.memref_slice %arg4[%add3A_18, %dma_start3A_1136] : memref<2048x32xi32, #tpu.memory_space<hbm>> -> memref<1x32xi32, #tpu.memory_space<hbm>>
        %dma_start3A_1138 = tpu.memref_squeeze %dma_start3A_1137 : memref<1x32xi32, #tpu.memory_space<hbm>> -> memref<32xi32, #tpu.memory_space<hbm>>
        tpu.enqueue_dma source(%arg8 : memref<32xi32, #tpu.memory_space<vmem>>) target(%dma_start3A_1138 : memref<32xi32, #tpu.memory_space<hbm>>) target_semaphore(%run_scoped3A : memref<!tpu.dma_semaphore, #tpu.memory_space<semaphore_mem>>)
        %dma_wait3A_1139 = arith.constant 0 : i32
        %dma_wait3A_1140 = tpu.memref_slice %arg4[%add3A_18, %dma_wait3A_1139] : memref<2048x32xi32, #tpu.memory_space<hbm>> -> memref<1x32xi32, #tpu.memory_space<hbm>>
        %dma_wait3A_1141 = tpu.memref_squeeze %dma_wait3A_1140 : memref<1x32xi32, #tpu.memory_space<hbm>> -> memref<32xi32, #tpu.memory_space<hbm>>
        %dma_wait3A_1142 = arith.constant 0 : i32
        %dma_wait3A_1143 = tpu.memref_slice %arg4[%add3A_18, %dma_wait3A_1142] : memref<2048x32xi32, #tpu.memory_space<hbm>> -> memref<1x32xi32, #tpu.memory_space<hbm>>
        %dma_wait3A_1144 = tpu.memref_squeeze %dma_wait3A_1143 : memref<1x32xi32, #tpu.memory_space<hbm>> -> memref<32xi32, #tpu.memory_space<hbm>>
        tpu.wait_dma2 semaphore(%run_scoped3A : memref<!tpu.dma_semaphore, #tpu.memory_space<semaphore_mem>>) src(%arg8 : memref<32xi32, #tpu.memory_space<vmem>>) dst(%dma_wait3A_1144 : memref<32xi32, #tpu.memory_space<hbm>>)
        tpu.yield
      }) : () -> ()
      %jit3A = arith.constant 1024 : i32
      %div3A = arith.divsi %add3A_18, %jit3A : i32
      %sign3A = arith.constant 0 : i32
      %sign3A_1053 = arith.cmpi sgt, %add3A_18, %sign3A : i32
      %sign3A_1054 = arith.extui %sign3A_1053 : i1 to i32
      %sign3A_1055 = arith.constant 0 : i32
      %sign3A_1056 = arith.cmpi slt, %add3A_18, %sign3A_1055 : i32
      %sign3A_1057 = arith.extui %sign3A_1056 : i1 to i32
      %sign3A_1058 = arith.subi %sign3A_1054, %sign3A_1057 : i32
      %sign3A_1059 = arith.constant 0 : i32
      %sign3A_1060 = arith.cmpi sgt, %jit3A, %sign3A_1059 : i32
      %sign3A_1061 = arith.extui %sign3A_1060 : i1 to i32
      %sign3A_1062 = arith.constant 0 : i32
      %sign3A_1063 = arith.cmpi slt, %jit3A, %sign3A_1062 : i32
      %sign3A_1064 = arith.extui %sign3A_1063 : i1 to i32
      %sign3A_1065 = arith.subi %sign3A_1061, %sign3A_1064 : i32
      %ne3A = arith.cmpi ne, %sign3A_1058, %sign3A_1065 : i32
      %rem3A = arith.remsi %add3A_18, %jit3A : i32
      %ne3A_1066 = arith.constant 0 : i32
      %ne3A_1067 = arith.cmpi ne, %rem3A, %ne3A_1066 : i32
      %and3A = arith.andi %ne3A, %ne3A_1067 : i1
      %sub3A = arith.constant 1 : i32
      %sub3A_1068 = arith.subi %div3A, %sub3A : i32
      %select_n3A_1069 = arith.select %and3A, %sub3A_1068, %div3A : i32
      %mul3A_1070 = arith.constant 1024 : i32
      %mul3A_1071 = arith.muli %select_n3A_1069, %mul3A_1070 : i32
      %add3A_1072 = vector.broadcast %mul3A_1071 : i32 to vector<16xi32>
      %add3A_1073 = arith.addi %scan3A_1048#2, %add3A_1072 : vector<16xi32>
      %swap3A_1074 = arith.constant 0 : index
      %swap3A_1075 = tpu.vector_load %arg9[%swap3A_1074] {strides = array<i32>} : memref<32xi32, #tpu.memory_space<vmem>>, vector<16xi32>,
      tpu.vector_store %arg9[%swap3A_1074], %add3A_1073 {strides = array<i32>} : memref<32xi32, #tpu.memory_space<vmem>>, vector<16xi32>,
      %add3A_1076 = vector.broadcast %mul3A_1071 : i32 to vector<16xi32>
      %add3A_1077 = arith.addi %scan3A_1048#3, %add3A_1076 : vector<16xi32>
      %swap3A_1078 = arith.constant 16 : index
      %swap3A_1079 = tpu.vector_load %arg9[%swap3A_1078] {strides = array<i32>} : memref<32xi32, #tpu.memory_space<vmem>>, vector<16xi32>,
      tpu.vector_store %arg9[%swap3A_1078], %add3A_1077 {strides = array<i32>} : memref<32xi32, #tpu.memory_space<vmem>>, vector<16xi32>,
      %dma_start3A = arith.constant 0 : i32
      %dma_start3A_1080 = arith.constant 0 : i32
      %dma_start3A_1081 = tpu.memref_slice %arg3[%dma_start3A, %dma_start3A_1080] : memref<2048x128xf32, #tpu.memory_space<hbm>> -> memref<2048x128xf32, #tpu.memory_space<hbm>>
      tpu.enqueue_indirect_dma source(%dma_start3A_1081 : memref<2048x128xf32, #tpu.memory_space<hbm>>) target(%arg10 : memref<32x128xf32, #tpu.memory_space<vmem>>) offsets(%arg9 : memref<32xi32, #tpu.memory_space<vmem>>) semaphore(%arg11 : memref<!tpu.dma_semaphore, #tpu.memory_space<semaphore_mem>>)
      %dma_wait3A = arith.constant 0 : i32
      %dma_wait3A_1082 = arith.constant 0 : i32
      %dma_wait3A_1083 = tpu.memref_slice %arg3[%dma_wait3A, %dma_wait3A_1082] : memref<2048x128xf32, #tpu.memory_space<hbm>> -> memref<2048x128xf32, #tpu.memory_space<hbm>>
      tpu.wait_indirect_dma semaphore(%arg11 : memref<!tpu.dma_semaphore, #tpu.memory_space<semaphore_mem>>) src(%dma_wait3A_1083 : memref<2048x128xf32, #tpu.memory_space<hbm>>) dst(%arg10 : memref<32x128xf32, #tpu.memory_space<vmem>>)
      %mul3A_1084 = arith.constant 32 : i32
      %mul3A_1085 = arith.muli %add3A_18, %mul3A_1084 : i32
      "tpu.region"() ({
        %run_scoped3A = tpu.sem_alloc : memref<!tpu.dma_semaphore, #tpu.memory_space<semaphore_mem>>
        %dma_start3A_1133 = arith.constant 0 : i32
        %dma_start3A_1134 = tpu.memref_slice %arg5[%mul3A_1085, %dma_start3A_1133] : memref<65536x128xf32, #tpu.memory_space<hbm>> -> memref<32x128xf32, #tpu.memory_space<hbm>>
        %dma_start3A_1135 = arith.constant 0 : i32
        %dma_start3A_1136 = tpu.memref_slice %arg5[%mul3A_1085, %dma_start3A_1135] : memref<65536x128xf32, #tpu.memory_space<hbm>> -> memref<32x128xf32, #tpu.memory_space<hbm>>
        tpu.enqueue_dma source(%arg10 : memref<32x128xf32, #tpu.memory_space<vmem>>) target(%dma_start3A_1136 : memref<32x128xf32, #tpu.memory_space<hbm>>) target_semaphore(%run_scoped3A : memref<!tpu.dma_semaphore, #tpu.memory_space<semaphore_mem>>)
        %dma_wait3A_1137 = arith.constant 0 : i32
        %dma_wait3A_1138 = tpu.memref_slice %arg5[%mul3A_1085, %dma_wait3A_1137] : memref<65536x128xf32, #tpu.memory_space<hbm>> -> memref<32x128xf32, #tpu.memory_space<hbm>>
        %dma_wait3A_1139 = arith.constant 0 : i32
        %dma_wait3A_1140 = tpu.memref_slice %arg5[%mul3A_1085, %dma_wait3A_1139] : memref<65536x128xf32, #tpu.memory_space<hbm>> -> memref<32x128xf32, #tpu.memory_space<hbm>>
        tpu.wait_dma2 semaphore(%run_scoped3A : memref<!tpu.dma_semaphore, #tpu.memory_space<semaphore_mem>>) src(%arg10 : memref<32x128xf32, #tpu.memory_space<vmem>>) dst(%dma_wait3A_1140 : memref<32x128xf32, #tpu.memory_space<hbm>>)
        tpu.yield
      }) : () -> ()
      %swap3A_1086 = arith.constant 0 : index
      %swap3A_1087 = tpu.vector_load %arg8[%swap3A_1086] {strides = array<i32>} : memref<32xi32, #tpu.memory_space<vmem>>, vector<16xi32>,
      tpu.vector_store %arg8[%swap3A_1086], %scan3A_1048#6 {strides = array<i32>} : memref<32xi32, #tpu.memory_space<vmem>>, vector<16xi32>,
      %swap3A_1088 = arith.constant 16 : index
      %swap3A_1089 = tpu.vector_load %arg8[%swap3A_1088] {strides = array<i32>} : memref<32xi32, #tpu.memory_space<vmem>>, vector<16xi32>,
      tpu.vector_store %arg8[%swap3A_1088], %scan3A_1048#7 {strides = array<i32>} : memref<32xi32, #tpu.memory_space<vmem>>, vector<16xi32>,
      "tpu.region"() ({
        %run_scoped3A = tpu.sem_alloc : memref<!tpu.dma_semaphore, #tpu.memory_space<semaphore_mem>>
        %dma_start3A_1133 = arith.constant 0 : i32
        %dma_start3A_1134 = tpu.memref_slice %arg4[%add3A_20, %dma_start3A_1133] : memref<2048x32xi32, #tpu.memory_space<hbm>> -> memref<1x32xi32, #tpu.memory_space<hbm>>
        %dma_start3A_1135 = tpu.memref_squeeze %dma_start3A_1134 : memref<1x32xi32, #tpu.memory_space<hbm>> -> memref<32xi32, #tpu.memory_space<hbm>>
        %dma_start3A_1136 = arith.constant 0 : i32
        %dma_start3A_1137 = tpu.memref_slice %arg4[%add3A_20, %dma_start3A_1136] : memref<2048x32xi32, #tpu.memory_space<hbm>> -> memref<1x32xi32, #tpu.memory_space<hbm>>
        %dma_start3A_1138 = tpu.memref_squeeze %dma_start3A_1137 : memref<1x32xi32, #tpu.memory_space<hbm>> -> memref<32xi32, #tpu.memory_space<hbm>>
        tpu.enqueue_dma source(%arg8 : memref<32xi32, #tpu.memory_space<vmem>>) target(%dma_start3A_1138 : memref<32xi32, #tpu.memory_space<hbm>>) target_semaphore(%run_scoped3A : memref<!tpu.dma_semaphore, #tpu.memory_space<semaphore_mem>>)
        %dma_wait3A_1139 = arith.constant 0 : i32
        %dma_wait3A_1140 = tpu.memref_slice %arg4[%add3A_20, %dma_wait3A_1139] : memref<2048x32xi32, #tpu.memory_space<hbm>> -> memref<1x32xi32, #tpu.memory_space<hbm>>
        %dma_wait3A_1141 = tpu.memref_squeeze %dma_wait3A_1140 : memref<1x32xi32, #tpu.memory_space<hbm>> -> memref<32xi32, #tpu.memory_space<hbm>>
        %dma_wait3A_1142 = arith.constant 0 : i32
        %dma_wait3A_1143 = tpu.memref_slice %arg4[%add3A_20, %dma_wait3A_1142] : memref<2048x32xi32, #tpu.memory_space<hbm>> -> memref<1x32xi32, #tpu.memory_space<hbm>>
        %dma_wait3A_1144 = tpu.memref_squeeze %dma_wait3A_1143 : memref<1x32xi32, #tpu.memory_space<hbm>> -> memref<32xi32, #tpu.memory_space<hbm>>
        tpu.wait_dma2 semaphore(%run_scoped3A : memref<!tpu.dma_semaphore, #tpu.memory_space<semaphore_mem>>) src(%arg8 : memref<32xi32, #tpu.memory_space<vmem>>) dst(%dma_wait3A_1144 : memref<32xi32, #tpu.memory_space<hbm>>)
        tpu.yield
      }) : () -> ()
      %jit3A_1090 = arith.constant 1024 : i32
      %div3A_1091 = arith.divsi %add3A_20, %jit3A_1090 : i32
      %sign3A_1092 = arith.constant 0 : i32
      %sign3A_1093 = arith.cmpi sgt, %add3A_20, %sign3A_1092 : i32
      %sign3A_1094 = arith.extui %sign3A_1093 : i1 to i32
      %sign3A_1095 = arith.constant 0 : i32
      %sign3A_1096 = arith.cmpi slt, %add3A_20, %sign3A_1095 : i32
      %sign3A_1097 = arith.extui %sign3A_1096 : i1 to i32
      %sign3A_1098 = arith.subi %sign3A_1094, %sign3A_1097 : i32
      %sign3A_1099 = arith.constant 0 : i32
      %sign3A_1100 = arith.cmpi sgt, %jit3A_1090, %sign3A_1099 : i32
      %sign3A_1101 = arith.extui %sign3A_1100 : i1 to i32
      %sign3A_1102 = arith.constant 0 : i32
      %sign3A_1103 = arith.cmpi slt, %jit3A_1090, %sign3A_1102 : i32
      %sign3A_1104 = arith.extui %sign3A_1103 : i1 to i32
      %sign3A_1105 = arith.subi %sign3A_1101, %sign3A_1104 : i32
      %ne3A_1106 = arith.cmpi ne, %sign3A_1098, %sign3A_1105 : i32
      %rem3A_1107 = arith.remsi %add3A_20, %jit3A_1090 : i32
      %ne3A_1108 = arith.constant 0 : i32
      %ne3A_1109 = arith.cmpi ne, %rem3A_1107, %ne3A_1108 : i32
      %and3A_1110 = arith.andi %ne3A_1106, %ne3A_1109 : i1
      %sub3A_1111 = arith.constant 1 : i32
      %sub3A_1112 = arith.subi %div3A_1091, %sub3A_1111 : i32
      %select_n3A_1113 = arith.select %and3A_1110, %sub3A_1112, %div3A_1091 : i32
      %mul3A_1114 = arith.constant 1024 : i32
      %mul3A_1115 = arith.muli %select_n3A_1113, %mul3A_1114 : i32
      %add3A_1116 = vector.broadcast %mul3A_1115 : i32 to vector<16xi32>
      %add3A_1117 = arith.addi %scan3A_1048#6, %add3A_1116 : vector<16xi32>
      %swap3A_1118 = arith.constant 0 : index
      %swap3A_1119 = tpu.vector_load %arg9[%swap3A_1118] {strides = array<i32>} : memref<32xi32, #tpu.memory_space<vmem>>, vector<16xi32>,
      tpu.vector_store %arg9[%swap3A_1118], %add3A_1117 {strides = array<i32>} : memref<32xi32, #tpu.memory_space<vmem>>, vector<16xi32>,
      %add3A_1120 = vector.broadcast %mul3A_1115 : i32 to vector<16xi32>
      %add3A_1121 = arith.addi %scan3A_1048#7, %add3A_1120 : vector<16xi32>
      %swap3A_1122 = arith.constant 16 : index
      %swap3A_1123 = tpu.vector_load %arg9[%swap3A_1122] {strides = array<i32>} : memref<32xi32, #tpu.memory_space<vmem>>, vector<16xi32>,
      tpu.vector_store %arg9[%swap3A_1122], %add3A_1121 {strides = array<i32>} : memref<32xi32, #tpu.memory_space<vmem>>, vector<16xi32>,
      %dma_start3A_1124 = arith.constant 0 : i32
      %dma_start3A_1125 = arith.constant 0 : i32
      %dma_start3A_1126 = tpu.memref_slice %arg3[%dma_start3A_1124, %dma_start3A_1125] : memref<2048x128xf32, #tpu.memory_space<hbm>> -> memref<2048x128xf32, #tpu.memory_space<hbm>>
      tpu.enqueue_indirect_dma source(%dma_start3A_1126 : memref<2048x128xf32, #tpu.memory_space<hbm>>) target(%arg10 : memref<32x128xf32, #tpu.memory_space<vmem>>) offsets(%arg9 : memref<32xi32, #tpu.memory_space<vmem>>) semaphore(%arg11 : memref<!tpu.dma_semaphore, #tpu.memory_space<semaphore_mem>>)
      %dma_wait3A_1127 = arith.constant 0 : i32
      %dma_wait3A_1128 = arith.constant 0 : i32
      %dma_wait3A_1129 = tpu.memref_slice %arg3[%dma_wait3A_1127, %dma_wait3A_1128] : memref<2048x128xf32, #tpu.memory_space<hbm>> -> memref<2048x128xf32, #tpu.memory_space<hbm>>
      tpu.wait_indirect_dma semaphore(%arg11 : memref<!tpu.dma_semaphore, #tpu.memory_space<semaphore_mem>>) src(%dma_wait3A_1129 : memref<2048x128xf32, #tpu.memory_space<hbm>>) dst(%arg10 : memref<32x128xf32, #tpu.memory_space<vmem>>)
      %mul3A_1130 = arith.constant 32 : i32
      %mul3A_1131 = arith.muli %add3A_20, %mul3A_1130 : i32
      "tpu.region"() ({
        %run_scoped3A = tpu.sem_alloc : memref<!tpu.dma_semaphore, #tpu.memory_space<semaphore_mem>>
        %dma_start3A_1133 = arith.constant 0 : i32
        %dma_start3A_1134 = tpu.memref_slice %arg5[%mul3A_1131, %dma_start3A_1133] : memref<65536x128xf32, #tpu.memory_space<hbm>> -> memref<32x128xf32, #tpu.memory_space<hbm>>
        %dma_start3A_1135 = arith.constant 0 : i32
        %dma_start3A_1136 = tpu.memref_slice %arg5[%mul3A_1131, %dma_start3A_1135] : memref<65536x128xf32, #tpu.memory_space<hbm>> -> memref<32x128xf32, #tpu.memory_space<hbm>>
        tpu.enqueue_dma source(%arg10 : memref<32x128xf32, #tpu.memory_space<vmem>>) target(%dma_start3A_1136 : memref<32x128xf32, #tpu.memory_space<hbm>>) target_semaphore(%run_scoped3A : memref<!tpu.dma_semaphore, #tpu.memory_space<semaphore_mem>>)
        %dma_wait3A_1137 = arith.constant 0 : i32
        %dma_wait3A_1138 = tpu.memref_slice %arg5[%mul3A_1131, %dma_wait3A_1137] : memref<65536x128xf32, #tpu.memory_space<hbm>> -> memref<32x128xf32, #tpu.memory_space<hbm>>
        %dma_wait3A_1139 = arith.constant 0 : i32
        %dma_wait3A_1140 = tpu.memref_slice %arg5[%mul3A_1131, %dma_wait3A_1139] : memref<65536x128xf32, #tpu.memory_space<hbm>> -> memref<32x128xf32, #tpu.memory_space<hbm>>
        tpu.wait_dma2 semaphore(%run_scoped3A : memref<!tpu.dma_semaphore, #tpu.memory_space<semaphore_mem>>) src(%arg10 : memref<32x128xf32, #tpu.memory_space<vmem>>) dst(%dma_wait3A_1140 : memref<32x128xf32, #tpu.memory_space<hbm>>)
        tpu.yield
      }) : () -> ()
      %scan3A_1132 = arith.constant 0 : i32
      scf.yield %scan3A_1132 : i32
    }
    %scan3A_11 = arith.constant 32 : i32
    return
  }
}

module attributes {stable_mosaic.version = 14 : i64} {
  func.func @_k0_body(%arg0: i32, %arg1: memref<512x12xf32, #tpu.memory_space<vmem>>, %arg2: memref<512x32xf32, #tpu.memory_space<vmem>>) attributes {dimension_semantics = [#tpu.dimension_semantics<arbitrary>], iteration_bounds = array<i64: 4>, scalar_prefetch = 0 : i64, scratch_operands = 0 : i64, tpu.core_type = #tpu.core_type<tc>, window_params = [{transform_indices = @transform_0, window_bounds = array<i64: 512, 12>}, {transform_indices = @transform_1, window_bounds = array<i64: 512, 32>}]} {
    %get3A = arith.constant 0 : index
    %get3A_0 = arith.constant 0 : index
    %get3A_1 = vector.load %arg1[%get3A, %get3A_0] : memref<512x12xf32, #tpu.memory_space<vmem>>, vector<512x12xf32>
    %slice3A = vector.extract_strided_slice %get3A_1 {offsets = [0, 0], sizes = [512, 3], strides = [1, 1]} : vector<512x12xf32> to vector<512x3xf32>
    %slice3A_2 = vector.extract_strided_slice %get3A_1 {offsets = [0, 3], sizes = [512, 3], strides = [1, 1]} : vector<512x12xf32> to vector<512x3xf32>
    %slice3A_3 = vector.extract_strided_slice %get3A_1 {offsets = [0, 6], sizes = [512, 3], strides = [1, 1]} : vector<512x12xf32> to vector<512x3xf32>
    %slice3A_4 = vector.extract_strided_slice %get3A_1 {offsets = [0, 9], sizes = [512, 3], strides = [1, 1]} : vector<512x12xf32> to vector<512x3xf32>
    %sub3A = arith.subf %slice3A_2, %slice3A : vector<512x3xf32>
    %sub3A_5 = arith.subf %slice3A_3, %slice3A_2 : vector<512x3xf32>
    %slice3A_6 = vector.extract_strided_slice %sub3A {offsets = [0, 0], sizes = [512, 1], strides = [1, 1]} : vector<512x3xf32> to vector<512x1xf32>
    %slice3A_7 = vector.extract_strided_slice %sub3A {offsets = [0, 1], sizes = [512, 1], strides = [1, 1]} : vector<512x3xf32> to vector<512x1xf32>
    %slice3A_8 = vector.extract_strided_slice %sub3A {offsets = [0, 2], sizes = [512, 1], strides = [1, 1]} : vector<512x3xf32> to vector<512x1xf32>
    %slice3A_9 = vector.extract_strided_slice %sub3A_5 {offsets = [0, 0], sizes = [512, 1], strides = [1, 1]} : vector<512x3xf32> to vector<512x1xf32>
    %slice3A_10 = vector.extract_strided_slice %sub3A_5 {offsets = [0, 1], sizes = [512, 1], strides = [1, 1]} : vector<512x3xf32> to vector<512x1xf32>
    %slice3A_11 = vector.extract_strided_slice %sub3A_5 {offsets = [0, 2], sizes = [512, 1], strides = [1, 1]} : vector<512x3xf32> to vector<512x1xf32>
    %mul3A = arith.mulf %slice3A_7, %slice3A_11 : vector<512x1xf32>
    %mul3A_12 = arith.mulf %slice3A_8, %slice3A_10 : vector<512x1xf32>
    %sub3A_13 = arith.subf %mul3A, %mul3A_12 : vector<512x1xf32>
    %mul3A_14 = arith.mulf %slice3A_8, %slice3A_9 : vector<512x1xf32>
    %mul3A_15 = arith.mulf %slice3A_6, %slice3A_11 : vector<512x1xf32>
    %sub3A_16 = arith.subf %mul3A_14, %mul3A_15 : vector<512x1xf32>
    %mul3A_17 = arith.mulf %slice3A_6, %slice3A_10 : vector<512x1xf32>
    %mul3A_18 = arith.mulf %slice3A_7, %slice3A_9 : vector<512x1xf32>
    %sub3A_19 = arith.subf %mul3A_17, %mul3A_18 : vector<512x1xf32>
    %concatenate3A = tpu.concatenate %sub3A_13, %sub3A_16, %sub3A_19 in 1 : vector<512x1xf32>, vector<512x1xf32>, vector<512x1xf32> -> vector<512x3xf32>
    %mul3A_20 = arith.constant -0.582734287 : f32
    %mul3A_21 = vector.broadcast %mul3A_20 : f32 to vector<512x3xf32>
    %mul3A_22 = arith.mulf %mul3A_21, %concatenate3A : vector<512x3xf32>
    %mul3A_23 = arith.constant 0.568028271 : f32
    %mul3A_24 = vector.broadcast %mul3A_23 : f32 to vector<512x3xf32>
    %mul3A_25 = arith.mulf %mul3A_24, %sub3A : vector<512x3xf32>
    %add3A = arith.addf %mul3A_22, %mul3A_25 : vector<512x3xf32>
    %mul3A_26 = arith.constant 0.540674686 : f32
    %mul3A_27 = vector.broadcast %mul3A_26 : f32 to vector<512x3xf32>
    %mul3A_28 = arith.mulf %mul3A_27, %sub3A_5 : vector<512x3xf32>
    %sub3A_29 = arith.subf %add3A, %mul3A_28 : vector<512x3xf32>
    %add3A_30 = arith.addf %sub3A_29, %slice3A_2 : vector<512x3xf32>
    %sub3A_31 = arith.subf %slice3A, %slice3A_2 : vector<512x3xf32>
    %sub3A_32 = arith.subf %slice3A_3, %slice3A_2 : vector<512x3xf32>
    %mul3A_33 = arith.mulf %sub3A_31, %sub3A_31 : vector<512x3xf32>
    %reduce_sum3A = arith.constant dense<0.000000e+00> : vector<512xf32>
    %reduce_sum3A_34 = vector.multi_reduction <add>, %mul3A_33, %reduce_sum3A [1] : vector<512x3xf32> to vector<512xf32>
    %broadcast_in_dim3A = vector.shape_cast %reduce_sum3A_34 : vector<512xf32> to vector<512x1xf32>
    %sqrt3A = math.sqrt %broadcast_in_dim3A : vector<512x1xf32>
    %max3A = arith.constant 9.99999996E-13 : f32
    %max3A_35 = vector.broadcast %max3A : f32 to vector<512x1xf32>
    %max3A_36 = arith.maximumf %sqrt3A, %max3A_35 : vector<512x1xf32>
    %div3A = vector.broadcast %max3A_36 : vector<512x1xf32> to vector<512x3xf32>
    %div3A_37 = arith.divf %sub3A_31, %div3A : vector<512x3xf32>
    %mul3A_38 = arith.mulf %div3A_37, %sub3A_32 : vector<512x3xf32>
    %reduce_sum3A_39 = arith.constant dense<0.000000e+00> : vector<512xf32>
    %reduce_sum3A_40 = vector.multi_reduction <add>, %mul3A_38, %reduce_sum3A_39 [1] : vector<512x3xf32> to vector<512xf32>
    %broadcast_in_dim3A_41 = vector.shape_cast %reduce_sum3A_40 : vector<512xf32> to vector<512x1xf32>
    %mul3A_42 = vector.broadcast %broadcast_in_dim3A_41 : vector<512x1xf32> to vector<512x3xf32>
    %mul3A_43 = arith.mulf %div3A_37, %mul3A_42 : vector<512x3xf32>
    %sub3A_44 = arith.subf %sub3A_32, %mul3A_43 : vector<512x3xf32>
    %mul3A_45 = arith.mulf %sub3A_44, %sub3A_44 : vector<512x3xf32>
    %reduce_sum3A_46 = arith.constant dense<0.000000e+00> : vector<512xf32>
    %reduce_sum3A_47 = vector.multi_reduction <add>, %mul3A_45, %reduce_sum3A_46 [1] : vector<512x3xf32> to vector<512xf32>
    %broadcast_in_dim3A_48 = vector.shape_cast %reduce_sum3A_47 : vector<512xf32> to vector<512x1xf32>
    %sqrt3A_49 = math.sqrt %broadcast_in_dim3A_48 : vector<512x1xf32>
    %max3A_50 = arith.constant 9.99999996E-13 : f32
    %max3A_51 = vector.broadcast %max3A_50 : f32 to vector<512x1xf32>
    %max3A_52 = arith.maximumf %sqrt3A_49, %max3A_51 : vector<512x1xf32>
    %div3A_53 = vector.broadcast %max3A_52 : vector<512x1xf32> to vector<512x3xf32>
    %div3A_54 = arith.divf %sub3A_44, %div3A_53 : vector<512x3xf32>
    %slice3A_55 = vector.extract_strided_slice %div3A_37 {offsets = [0, 0], sizes = [512, 1], strides = [1, 1]} : vector<512x3xf32> to vector<512x1xf32>
    %slice3A_56 = vector.extract_strided_slice %div3A_37 {offsets = [0, 1], sizes = [512, 1], strides = [1, 1]} : vector<512x3xf32> to vector<512x1xf32>
    %slice3A_57 = vector.extract_strided_slice %div3A_37 {offsets = [0, 2], sizes = [512, 1], strides = [1, 1]} : vector<512x3xf32> to vector<512x1xf32>
    %slice3A_58 = vector.extract_strided_slice %div3A_54 {offsets = [0, 0], sizes = [512, 1], strides = [1, 1]} : vector<512x3xf32> to vector<512x1xf32>
    %slice3A_59 = vector.extract_strided_slice %div3A_54 {offsets = [0, 1], sizes = [512, 1], strides = [1, 1]} : vector<512x3xf32> to vector<512x1xf32>
    %slice3A_60 = vector.extract_strided_slice %div3A_54 {offsets = [0, 2], sizes = [512, 1], strides = [1, 1]} : vector<512x3xf32> to vector<512x1xf32>
    %mul3A_61 = arith.mulf %slice3A_56, %slice3A_60 : vector<512x1xf32>
    %mul3A_62 = arith.mulf %slice3A_57, %slice3A_59 : vector<512x1xf32>
    %sub3A_63 = arith.subf %mul3A_61, %mul3A_62 : vector<512x1xf32>
    %mul3A_64 = arith.mulf %slice3A_57, %slice3A_58 : vector<512x1xf32>
    %mul3A_65 = arith.mulf %slice3A_55, %slice3A_60 : vector<512x1xf32>
    %sub3A_66 = arith.subf %mul3A_64, %mul3A_65 : vector<512x1xf32>
    %mul3A_67 = arith.mulf %slice3A_55, %slice3A_59 : vector<512x1xf32>
    %mul3A_68 = arith.mulf %slice3A_56, %slice3A_58 : vector<512x1xf32>
    %sub3A_69 = arith.subf %mul3A_67, %mul3A_68 : vector<512x1xf32>
    %concatenate3A_70 = tpu.concatenate %sub3A_63, %sub3A_66, %sub3A_69 in 1 : vector<512x1xf32>, vector<512x1xf32>, vector<512x1xf32> -> vector<512x3xf32>
    %broadcast_in_dim3A_71 = arith.constant 0.000000e+00 : f32
    %broadcast_in_dim3A_72 = vector.broadcast %broadcast_in_dim3A_71 : f32 to vector<512x1xf32>
    %concatenate3A_73 = tpu.concatenate %slice3A, %slice3A_2, %slice3A_3, %slice3A_4, %add3A_30, %broadcast_in_dim3A_72, %div3A_37, %div3A_54, %concatenate3A_70, %broadcast_in_dim3A_72, %broadcast_in_dim3A_72, %broadcast_in_dim3A_72, %broadcast_in_dim3A_72, %broadcast_in_dim3A_72, %broadcast_in_dim3A_72, %broadcast_in_dim3A_72 in 1 : vector<512x3xf32>, vector<512x3xf32>, vector<512x3xf32>, vector<512x3xf32>, vector<512x3xf32>, vector<512x1xf32>, vector<512x3xf32>, vector<512x3xf32>, vector<512x3xf32>, vector<512x1xf32>, vector<512x1xf32>, vector<512x1xf32>, vector<512x1xf32>, vector<512x1xf32>, vector<512x1xf32>, vector<512x1xf32> -> vector<512x32xf32>
    %swap3A = arith.constant 0 : index
    %swap3A_74 = arith.constant 0 : index
    %swap3A_75 = vector.load %arg2[%swap3A, %swap3A_74] : memref<512x32xf32, #tpu.memory_space<vmem>>, vector<512x32xf32>
    tpu.vector_store %arg2[%swap3A, %swap3A_74], %concatenate3A_73 {strides = array<i32>} : memref<512x32xf32, #tpu.memory_space<vmem>>, vector<512x32xf32>,
    return
  }
  func.func @transform_0(%arg0: i32) -> (i32, i32) {
    %c0_i32 = arith.constant 0 : i32
    %c0_i32_0 = arith.constant 0 : i32
    return %arg0, %c0_i32 : i32, i32
  }
  func.func @transform_1(%arg0: i32) -> (i32, i32) {
    %c0_i32 = arith.constant 0 : i32
    %c0_i32_0 = arith.constant 0 : i32
    return %arg0, %c0_i32 : i32, i32
  }
}

module attributes {stable_mosaic.version = 14 : i64} {
  func.func @_k1_body(%arg0: i32, %arg1: i32, %arg2: memref<1x256x4xf32, #tpu.memory_space<vmem>>, %arg3: memref<1x8x1024xf32, #tpu.memory_space<vmem>>, %arg4: memref<1x256x1024xf32, #tpu.memory_space<vmem>>) attributes {dimension_semantics = [#tpu.dimension_semantics<arbitrary>, #tpu.dimension_semantics<arbitrary>], iteration_bounds = array<i64: 2, 4>, scalar_prefetch = 0 : i64, scratch_operands = 0 : i64, tpu.core_type = #tpu.core_type<tc>, window_params = [{transform_indices = @transform_0, window_bounds = array<i64: 1, 256, 4>}, {transform_indices = @transform_1, window_bounds = array<i64: 1, 8, 1024>}, {transform_indices = @transform_2, window_bounds = array<i64: 1, 256, 1024>}]} {
    %get3A = arith.constant 0 : index
    %get3A_0 = arith.constant 0 : index
    %get3A_1 = arith.constant 0 : index
    %get3A_2 = vector.load %arg2[%get3A, %get3A_0, %get3A_1] : memref<1x256x4xf32, #tpu.memory_space<vmem>>, vector<1x256x4xf32>
    %get3A_3 = vector.shape_cast %get3A_2 : vector<1x256x4xf32> to vector<256x4xf32>
    %slice3A = vector.extract_strided_slice %get3A_3 {offsets = [0, 0], sizes = [256, 1], strides = [1, 1]} : vector<256x4xf32> to vector<256x1xf32>
    %slice3A_4 = vector.extract_strided_slice %get3A_3 {offsets = [0, 1], sizes = [256, 1], strides = [1, 1]} : vector<256x4xf32> to vector<256x1xf32>
    %slice3A_5 = vector.extract_strided_slice %get3A_3 {offsets = [0, 2], sizes = [256, 1], strides = [1, 1]} : vector<256x4xf32> to vector<256x1xf32>
    %get3A_6 = arith.constant 0 : index
    %get3A_7 = arith.constant 0 : index
    %get3A_8 = arith.constant 0 : index
    %get3A_9 = vector.load %arg3[%get3A_6, %get3A_7, %get3A_8] : memref<1x8x1024xf32, #tpu.memory_space<vmem>>, vector<1x8x1024xf32>
    %get3A_10 = vector.shape_cast %get3A_9 : vector<1x8x1024xf32> to vector<8x1024xf32>
    %slice3A_11 = vector.extract_strided_slice %get3A_10 {offsets = [0, 0], sizes = [1, 1024], strides = [1, 1]} : vector<8x1024xf32> to vector<1x1024xf32>
    %sub3A = vector.broadcast %slice3A : vector<256x1xf32> to vector<256x1024xf32>
    %sub3A_12 = vector.broadcast %slice3A_11 : vector<1x1024xf32> to vector<256x1024xf32>
    %sub3A_13 = arith.subf %sub3A, %sub3A_12 : vector<256x1024xf32>
    %slice3A_14 = vector.extract_strided_slice %get3A_10 {offsets = [1, 0], sizes = [1, 1024], strides = [1, 1]} : vector<8x1024xf32> to vector<1x1024xf32>
    %sub3A_15 = vector.broadcast %slice3A_4 : vector<256x1xf32> to vector<256x1024xf32>
    %sub3A_16 = vector.broadcast %slice3A_14 : vector<1x1024xf32> to vector<256x1024xf32>
    %sub3A_17 = arith.subf %sub3A_15, %sub3A_16 : vector<256x1024xf32>
    %slice3A_18 = vector.extract_strided_slice %get3A_10 {offsets = [2, 0], sizes = [1, 1024], strides = [1, 1]} : vector<8x1024xf32> to vector<1x1024xf32>
    %sub3A_19 = vector.broadcast %slice3A_5 : vector<256x1xf32> to vector<256x1024xf32>
    %sub3A_20 = vector.broadcast %slice3A_18 : vector<1x1024xf32> to vector<256x1024xf32>
    %sub3A_21 = arith.subf %sub3A_19, %sub3A_20 : vector<256x1024xf32>
    %mul3A = arith.mulf %sub3A_13, %sub3A_13 : vector<256x1024xf32>
    %mul3A_22 = arith.mulf %sub3A_17, %sub3A_17 : vector<256x1024xf32>
    %add3A = arith.addf %mul3A, %mul3A_22 : vector<256x1024xf32>
    %mul3A_23 = arith.mulf %sub3A_21, %sub3A_21 : vector<256x1024xf32>
    %add3A_24 = arith.addf %add3A, %mul3A_23 : vector<256x1024xf32>
    %add3A_25 = arith.constant 9.99999997E-7 : f32
    %add3A_26 = vector.broadcast %add3A_25 : f32 to vector<256x1024xf32>
    %add3A_27 = arith.addf %add3A_24, %add3A_26 : vector<256x1024xf32>
    %sqrt3A = math.sqrt %add3A_27 : vector<256x1024xf32>
    %swap3A = arith.constant 0 : index
    %swap3A_28 = arith.constant 0 : index
    %swap3A_29 = arith.constant 0 : index
    %swap3A_30 = vector.load %arg4[%swap3A, %swap3A_28, %swap3A_29] : memref<1x256x1024xf32, #tpu.memory_space<vmem>>, vector<1x256x1024xf32>
    %swap3A_31 = vector.shape_cast %swap3A_30 : vector<1x256x1024xf32> to vector<256x1024xf32>
    %swap3A_32 = vector.shape_cast %sqrt3A : vector<256x1024xf32> to vector<1x256x1024xf32>
    tpu.vector_store %arg4[%swap3A, %swap3A_28, %swap3A_29], %swap3A_32 {strides = array<i32>} : memref<1x256x1024xf32, #tpu.memory_space<vmem>>, vector<1x256x1024xf32>,
    return
  }
  func.func @transform_0(%arg0: i32, %arg1: i32) -> (i32, i32, i32) {
    %c0_i32 = arith.constant 0 : i32
    %c0_i32_0 = arith.constant 0 : i32
    return %arg0, %arg1, %c0_i32 : i32, i32, i32
  }
  func.func @transform_1(%arg0: i32, %arg1: i32) -> (i32, i32, i32) {
    %c0_i32 = arith.constant 0 : i32
    %c0_i32_0 = arith.constant 0 : i32
    %c0_i32_1 = arith.constant 0 : i32
    return %arg0, %c0_i32, %c0_i32_0 : i32, i32, i32
  }
  func.func @transform_2(%arg0: i32, %arg1: i32) -> (i32, i32, i32) {
    %c0_i32 = arith.constant 0 : i32
    %c0_i32_0 = arith.constant 0 : i32
    return %arg0, %arg1, %c0_i32 : i32, i32, i32
  }
}

module attributes {stable_mosaic.version = 14 : i64} {
  func.func @_k5_body(%arg0: i32, %arg1: memref<512x4xf32, #tpu.memory_space<vmem>>, %arg2: memref<512x48xf32, #tpu.memory_space<vmem>>, %arg3: memref<16x256xf32, #tpu.memory_space<vmem>>, %arg4: memref<1x256xf32, #tpu.memory_space<vmem>>, %arg5: memref<256x2048xf32, #tpu.memory_space<vmem>>, %arg6: memref<256x16xf32, #tpu.memory_space<vmem>>, %arg7: memref<256x16xf32, #tpu.memory_space<vmem>>, %arg8: memref<256x256xf32, #tpu.memory_space<vmem>>, %arg9: memref<256x256xf32, #tpu.memory_space<vmem>>, %arg10: memref<256x16xf32, #tpu.memory_space<vmem>>, %arg11: memref<1x128xf32, #tpu.memory_space<vmem>>, %arg12: memref<1x128xf32, #tpu.memory_space<vmem>>, %arg13: memref<512x2048xf32, #tpu.memory_space<vmem>>) attributes {dimension_semantics = [#tpu.dimension_semantics<arbitrary>], iteration_bounds = array<i64: 64>, scalar_prefetch = 0 : i64, scratch_operands = 0 : i64, tpu.core_type = #tpu.core_type<tc>, window_params = [{transform_indices = @transform_0, window_bounds = array<i64: 512, 4>}, {transform_indices = @transform_1, window_bounds = array<i64: 512, 48>}, {pipeline_mode = #tpu.pipeline_mode<synchronous>, transform_indices = @transform_2, window_bounds = array<i64: 16, 256>}, {pipeline_mode = #tpu.pipeline_mode<synchronous>, transform_indices = @transform_3, window_bounds = array<i64: 1, 256>}, {pipeline_mode = #tpu.pipeline_mode<synchronous>, transform_indices = @transform_4, window_bounds = array<i64: 256, 2048>}, {pipeline_mode = #tpu.pipeline_mode<synchronous>, transform_indices = @transform_5, window_bounds = array<i64: 256, 16>}, {pipeline_mode = #tpu.pipeline_mode<synchronous>, transform_indices = @transform_6, window_bounds = array<i64: 256, 16>}, {pipeline_mode = #tpu.pipeline_mode<synchronous>, transform_indices = @transform_7, window_bounds = array<i64: 256, 256>}, {pipeline_mode = #tpu.pipeline_mode<synchronous>, transform_indices = @transform_8, window_bounds = array<i64: 256, 256>}, {pipeline_mode = #tpu.pipeline_mode<synchronous>, transform_indices = @transform_9, window_bounds = array<i64: 256, 16>}, {pipeline_mode = #tpu.pipeline_mode<synchronous>, transform_indices = @transform_10, window_bounds = array<i64: 1, 128>}, {pipeline_mode = #tpu.pipeline_mode<synchronous>, transform_indices = @transform_11, window_bounds = array<i64: 1, 128>}, {transform_indices = @transform_12, window_bounds = array<i64: 512, 2048>}]} {
    %get3A = arith.constant 0 : index
    %get3A_0 = arith.constant 0 : index
    %get3A_1 = vector.load %arg1[%get3A, %get3A_0] : memref<512x4xf32, #tpu.memory_space<vmem>>, vector<512x4xf32>
    %get3A_2 = arith.constant 0 : index
    %get3A_3 = arith.constant 0 : index
    %get3A_4 = vector.load %arg2[%get3A_2, %get3A_3] : memref<512x48xf32, #tpu.memory_space<vmem>>, vector<512x48xf32>
    %slice3A = vector.extract_strided_slice %get3A_4 {offsets = [0, 0], sizes = [512, 16], strides = [1, 1]} : vector<512x48xf32> to vector<512x16xf32>
    %slice3A_5 = vector.extract_strided_slice %get3A_1 {offsets = [0, 0], sizes = [512, 1], strides = [1, 1]} : vector<512x4xf32> to vector<512x1xf32>
    %sub3A = vector.broadcast %slice3A_5 : vector<512x1xf32> to vector<512x16xf32>
    %sub3A_6 = arith.subf %slice3A, %sub3A : vector<512x16xf32>
    %slice3A_7 = vector.extract_strided_slice %get3A_4 {offsets = [0, 16], sizes = [512, 16], strides = [1, 1]} : vector<512x48xf32> to vector<512x16xf32>
    %slice3A_8 = vector.extract_strided_slice %get3A_1 {offsets = [0, 1], sizes = [512, 1], strides = [1, 1]} : vector<512x4xf32> to vector<512x1xf32>
    %sub3A_9 = vector.broadcast %slice3A_8 : vector<512x1xf32> to vector<512x16xf32>
    %sub3A_10 = arith.subf %slice3A_7, %sub3A_9 : vector<512x16xf32>
    %slice3A_11 = vector.extract_strided_slice %get3A_4 {offsets = [0, 32], sizes = [512, 16], strides = [1, 1]} : vector<512x48xf32> to vector<512x16xf32>
    %slice3A_12 = vector.extract_strided_slice %get3A_1 {offsets = [0, 2], sizes = [512, 1], strides = [1, 1]} : vector<512x4xf32> to vector<512x1xf32>
    %sub3A_13 = vector.broadcast %slice3A_12 : vector<512x1xf32> to vector<512x16xf32>
    %sub3A_14 = arith.subf %slice3A_11, %sub3A_13 : vector<512x16xf32>
    %mul3A = arith.mulf %sub3A_6, %sub3A_6 : vector<512x16xf32>
    %mul3A_15 = arith.mulf %sub3A_10, %sub3A_10 : vector<512x16xf32>
    %add3A = arith.addf %mul3A, %mul3A_15 : vector<512x16xf32>
    %mul3A_16 = arith.mulf %sub3A_14, %sub3A_14 : vector<512x16xf32>
    %add3A_17 = arith.addf %add3A, %mul3A_16 : vector<512x16xf32>
    %add3A_18 = arith.constant 9.99999997E-7 : f32
    %add3A_19 = vector.broadcast %add3A_18 : f32 to vector<512x16xf32>
    %add3A_20 = arith.addf %add3A_17, %add3A_19 : vector<512x16xf32>
    %sqrt3A = math.sqrt %add3A_20 : vector<512x16xf32>
    %get3A_21 = arith.constant 0 : index
    %get3A_22 = arith.constant 0 : index
    %get3A_23 = vector.load %arg3[%get3A_21, %get3A_22] : memref<16x256xf32, #tpu.memory_space<vmem>>, vector<16x256xf32>
    %convert_element_type3A = arith.truncf %sqrt3A : vector<512x16xf32> to vector<512x16xbf16>
    %convert_element_type3A_24 = arith.extf %convert_element_type3A : vector<512x16xbf16> to vector<512x16xf32>
    %dot_general3A = arith.constant dense<0.000000e+00> : vector<512x256xf32>
    %dot_general3A_25 = tpu.matmul %convert_element_type3A_24, %get3A_23, %dot_general3A {dimension_numbers = #tpu.dot_dimension_numbers<[1], [0], [0], [1], [0, 0, 1, 1], [], []>, transpose_lhs_hint = false} : vector<512x16xf32>, vector<16x256xf32>, vector<512x256xf32> -> vector<512x256xf32>
    %sub3A_26 = arith.subf %sqrt3A, %convert_element_type3A_24 : vector<512x16xf32>
    %dot_general3A_27 = arith.constant dense<0.000000e+00> : vector<512x256xf32>
    %dot_general3A_28 = tpu.matmul %sub3A_26, %get3A_23, %dot_general3A_27 {dimension_numbers = #tpu.dot_dimension_numbers<[1], [0], [0], [1], [0, 0, 1, 1], [], []>, transpose_lhs_hint = false} : vector<512x16xf32>, vector<16x256xf32>, vector<512x256xf32> -> vector<512x256xf32>
    %add3A_29 = arith.addf %dot_general3A_25, %dot_general3A_28 : vector<512x256xf32>
    %get3A_30 = arith.constant 0 : index
    %get3A_31 = arith.constant 0 : index
    %get3A_32 = vector.load %arg4[%get3A_30, %get3A_31] : memref<1x256xf32, #tpu.memory_space<vmem>>, vector<1x256xf32>
    %sub3A_33 = vector.broadcast %get3A_32 : vector<1x256xf32> to vector<512x256xf32>
    %sub3A_34 = arith.subf %add3A_29, %sub3A_33 : vector<512x256xf32>
    %mul3A_35 = arith.constant 8.000000e-01 : f32
    %mul3A_36 = vector.broadcast %mul3A_35 : f32 to vector<512x256xf32>
    %mul3A_37 = arith.mulf %sub3A_34, %mul3A_36 : vector<512x256xf32>
    %neg3A = arith.constant 0.000000e+00 : f32
    %neg3A_38 = vector.broadcast %neg3A : f32 to vector<512x256xf32>
    %neg3A_39 = arith.subf %neg3A_38, %mul3A_37 : vector<512x256xf32>
    %mul3A_40 = arith.mulf %neg3A_39, %mul3A_37 : vector<512x256xf32>
    %exp3A = math.exp %mul3A_40 : vector<512x256xf32>
    %get3A_41 = arith.constant 0 : index
    %get3A_42 = arith.constant 0 : index
    %get3A_43 = vector.load %arg5[%get3A_41, %get3A_42] : memref<256x2048xf32, #tpu.memory_space<vmem>>, vector<256x2048xf32>
    %dot_general3A_44 = arith.constant dense<0.000000e+00> : vector<512x2048xf32>
    %dot_general3A_45 = tpu.matmul %exp3A, %get3A_43, %dot_general3A_44 {dimension_numbers = #tpu.dot_dimension_numbers<[1], [0], [0], [1], [0, 0, 1, 1], [], []>, transpose_lhs_hint = false} : vector<512x256xf32>, vector<256x2048xf32>, vector<512x2048xf32> -> vector<512x2048xf32>
    %convert_element_type3A_46 = arith.truncf %exp3A : vector<512x256xf32> to vector<512x256xbf16>
    %convert_element_type3A_47 = arith.extf %convert_element_type3A_46 : vector<512x256xbf16> to vector<512x256xf32>
    %sub3A_48 = arith.subf %exp3A, %convert_element_type3A_47 : vector<512x256xf32>
    %get3A_49 = arith.constant 0 : index
    %get3A_50 = arith.constant 0 : index
    %get3A_51 = vector.load %arg6[%get3A_49, %get3A_50] : memref<256x16xf32, #tpu.memory_space<vmem>>, vector<256x16xf32>
    %dot_general3A_52 = arith.constant dense<0.000000e+00> : vector<512x16xf32>
    %dot_general3A_53 = tpu.matmul %convert_element_type3A_47, %get3A_51, %dot_general3A_52 {dimension_numbers = #tpu.dot_dimension_numbers<[1], [0], [0], [1], [0, 0, 1, 1], [], []>, transpose_lhs_hint = false} : vector<512x256xf32>, vector<256x16xf32>, vector<512x16xf32> -> vector<512x16xf32>
    %get3A_54 = arith.constant 0 : index
    %get3A_55 = arith.constant 0 : index
    %get3A_56 = vector.load %arg6[%get3A_54, %get3A_55] : memref<256x16xf32, #tpu.memory_space<vmem>>, vector<256x16xf32>
    %dot_general3A_57 = arith.constant dense<0.000000e+00> : vector<512x16xf32>
    %dot_general3A_58 = tpu.matmul %sub3A_48, %get3A_56, %dot_general3A_57 {dimension_numbers = #tpu.dot_dimension_numbers<[1], [0], [0], [1], [0, 0, 1, 1], [], []>, transpose_lhs_hint = false} : vector<512x256xf32>, vector<256x16xf32>, vector<512x16xf32> -> vector<512x16xf32>
    %add3A_59 = arith.addf %dot_general3A_53, %dot_general3A_58 : vector<512x16xf32>
    %get3A_60 = arith.constant 0 : index
    %get3A_61 = arith.constant 0 : index
    %get3A_62 = vector.load %arg7[%get3A_60, %get3A_61] : memref<256x16xf32, #tpu.memory_space<vmem>>, vector<256x16xf32>
    %dot_general3A_63 = arith.constant dense<0.000000e+00> : vector<512x16xf32>
    %dot_general3A_64 = tpu.matmul %convert_element_type3A_47, %get3A_62, %dot_general3A_63 {dimension_numbers = #tpu.dot_dimension_numbers<[1], [0], [0], [1], [0, 0, 1, 1], [], []>, transpose_lhs_hint = false} : vector<512x256xf32>, vector<256x16xf32>, vector<512x16xf32> -> vector<512x16xf32>
    %add3A_65 = arith.addf %add3A_59, %dot_general3A_64 : vector<512x16xf32>
    %get3A_66 = arith.constant 0 : index
    %get3A_67 = arith.constant 0 : index
    %get3A_68 = vector.load %arg8[%get3A_66, %get3A_67] : memref<256x256xf32, #tpu.memory_space<vmem>>, vector<256x256xf32>
    %dot_general3A_69 = arith.constant dense<0.000000e+00> : vector<512x256xf32>
    %dot_general3A_70 = tpu.matmul %convert_element_type3A_47, %get3A_68, %dot_general3A_69 {dimension_numbers = #tpu.dot_dimension_numbers<[1], [0], [0], [1], [0, 0, 1, 1], [], []>, transpose_lhs_hint = false} : vector<512x256xf32>, vector<256x256xf32>, vector<512x256xf32> -> vector<512x256xf32>
    %get3A_71 = arith.constant 0 : index
    %get3A_72 = arith.constant 0 : index
    %get3A_73 = vector.load %arg8[%get3A_71, %get3A_72] : memref<256x256xf32, #tpu.memory_space<vmem>>, vector<256x256xf32>
    %dot_general3A_74 = arith.constant dense<0.000000e+00> : vector<512x256xf32>
    %dot_general3A_75 = tpu.matmul %sub3A_48, %get3A_73, %dot_general3A_74 {dimension_numbers = #tpu.dot_dimension_numbers<[1], [0], [0], [1], [0, 0, 1, 1], [], []>, transpose_lhs_hint = false} : vector<512x256xf32>, vector<256x256xf32>, vector<512x256xf32> -> vector<512x256xf32>
    %add3A_76 = arith.addf %dot_general3A_70, %dot_general3A_75 : vector<512x256xf32>
    %get3A_77 = arith.constant 0 : index
    %get3A_78 = arith.constant 0 : index
    %get3A_79 = vector.load %arg9[%get3A_77, %get3A_78] : memref<256x256xf32, #tpu.memory_space<vmem>>, vector<256x256xf32>
    %dot_general3A_80 = arith.constant dense<0.000000e+00> : vector<512x256xf32>
    %dot_general3A_81 = tpu.matmul %convert_element_type3A_47, %get3A_79, %dot_general3A_80 {dimension_numbers = #tpu.dot_dimension_numbers<[1], [0], [0], [1], [0, 0, 1, 1], [], []>, transpose_lhs_hint = false} : vector<512x256xf32>, vector<256x256xf32>, vector<512x256xf32> -> vector<512x256xf32>
    %add3A_82 = arith.addf %add3A_76, %dot_general3A_81 : vector<512x256xf32>
    %mul3A_83 = arith.mulf %add3A_82, %exp3A : vector<512x256xf32>
    %get3A_84 = arith.constant 0 : index
    %get3A_85 = arith.constant 0 : index
    %get3A_86 = vector.load %arg10[%get3A_84, %get3A_85] : memref<256x16xf32, #tpu.memory_space<vmem>>, vector<256x16xf32>
    %convert_element_type3A_87 = arith.truncf %mul3A_83 : vector<512x256xf32> to vector<512x256xbf16>
    %convert_element_type3A_88 = arith.extf %convert_element_type3A_87 : vector<512x256xbf16> to vector<512x256xf32>
    %dot_general3A_89 = arith.constant dense<0.000000e+00> : vector<512x16xf32>
    %dot_general3A_90 = tpu.matmul %convert_element_type3A_88, %get3A_86, %dot_general3A_89 {dimension_numbers = #tpu.dot_dimension_numbers<[1], [0], [0], [1], [0, 0, 1, 1], [], []>, transpose_lhs_hint = false} : vector<512x256xf32>, vector<256x16xf32>, vector<512x16xf32> -> vector<512x16xf32>
    %sub3A_91 = arith.subf %mul3A_83, %convert_element_type3A_88 : vector<512x256xf32>
    %dot_general3A_92 = arith.constant dense<0.000000e+00> : vector<512x16xf32>
    %dot_general3A_93 = tpu.matmul %sub3A_91, %get3A_86, %dot_general3A_92 {dimension_numbers = #tpu.dot_dimension_numbers<[1], [0], [0], [1], [0, 0, 1, 1], [], []>, transpose_lhs_hint = false} : vector<512x256xf32>, vector<256x16xf32>, vector<512x16xf32> -> vector<512x16xf32>
    %add3A_94 = arith.addf %dot_general3A_90, %dot_general3A_93 : vector<512x16xf32>
    %mul3A_95 = arith.mulf %add3A_65, %add3A_65 : vector<512x16xf32>
    %sub3A_96 = arith.subf %add3A_94, %mul3A_95 : vector<512x16xf32>
    %add3A_97 = arith.constant 9.99999974E-6 : f32
    %add3A_98 = vector.broadcast %add3A_97 : f32 to vector<512x16xf32>
    %add3A_99 = arith.addf %sub3A_96, %add3A_98 : vector<512x16xf32>
    %sqrt3A_100 = math.sqrt %add3A_99 : vector<512x16xf32>
    %div3A = arith.constant 1.000000e+00 : f32
    %div3A_101 = vector.broadcast %div3A : f32 to vector<512x16xf32>
    %div3A_102 = arith.divf %div3A_101, %sqrt3A_100 : vector<512x16xf32>
    %get3A_103 = arith.constant 0 : index
    %get3A_104 = arith.constant 0 : index
    %get3A_105 = vector.load %arg11[%get3A_103, %get3A_104] : memref<1x128xf32, #tpu.memory_space<vmem>>, vector<1x128xf32>
    %get3A_106 = arith.constant 0 : index
    %get3A_107 = arith.constant 0 : index
    %get3A_108 = vector.load %arg12[%get3A_106, %get3A_107] : memref<1x128xf32, #tpu.memory_space<vmem>>, vector<1x128xf32>
    %slice3A_109 = vector.extract_strided_slice %dot_general3A_45 {offsets = [0, 0], sizes = [512, 128], strides = [1, 1]} : vector<512x2048xf32> to vector<512x128xf32>
    %slice3A_110 = vector.extract_strided_slice %add3A_65 {offsets = [0, 0], sizes = [512, 1], strides = [1, 1]} : vector<512x16xf32> to vector<512x1xf32>
    %sub3A_111 = vector.broadcast %slice3A_110 : vector<512x1xf32> to vector<512x128xf32>
    %sub3A_112 = arith.subf %slice3A_109, %sub3A_111 : vector<512x128xf32>
    %slice3A_113 = vector.extract_strided_slice %div3A_102 {offsets = [0, 0], sizes = [512, 1], strides = [1, 1]} : vector<512x16xf32> to vector<512x1xf32>
    %mul3A_114 = vector.broadcast %slice3A_113 : vector<512x1xf32> to vector<512x128xf32>
    %mul3A_115 = arith.mulf %sub3A_112, %mul3A_114 : vector<512x128xf32>
    %mul3A_116 = vector.broadcast %get3A_105 : vector<1x128xf32> to vector<512x128xf32>
    %mul3A_117 = arith.mulf %mul3A_115, %mul3A_116 : vector<512x128xf32>
    %add3A_118 = vector.broadcast %get3A_108 : vector<1x128xf32> to vector<512x128xf32>
    %add3A_119 = arith.addf %mul3A_117, %add3A_118 : vector<512x128xf32>
    %swap3A = arith.constant 0 : index
    %swap3A_120 = arith.constant 0 : index
    %swap3A_121 = vector.load %arg13[%swap3A, %swap3A_120] : memref<512x2048xf32, #tpu.memory_space<vmem>>, vector<512x128xf32>
    tpu.vector_store %arg13[%swap3A, %swap3A_120], %add3A_119 {strides = array<i32>} : memref<512x2048xf32, #tpu.memory_space<vmem>>, vector<512x128xf32>,
    %slice3A_122 = vector.extract_strided_slice %dot_general3A_45 {offsets = [0, 128], sizes = [512, 128], strides = [1, 1]} : vector<512x2048xf32> to vector<512x128xf32>
    %slice3A_123 = vector.extract_strided_slice %add3A_65 {offsets = [0, 1], sizes = [512, 1], strides = [1, 1]} : vector<512x16xf32> to vector<512x1xf32>
    %sub3A_124 = vector.broadcast %slice3A_123 : vector<512x1xf32> to vector<512x128xf32>
    %sub3A_125 = arith.subf %slice3A_122, %sub3A_124 : vector<512x128xf32>
    %slice3A_126 = vector.extract_strided_slice %div3A_102 {offsets = [0, 1], sizes = [512, 1], strides = [1, 1]} : vector<512x16xf32> to vector<512x1xf32>
    %mul3A_127 = vector.broadcast %slice3A_126 : vector<512x1xf32> to vector<512x128xf32>
    %mul3A_128 = arith.mulf %sub3A_125, %mul3A_127 : vector<512x128xf32>
    %mul3A_129 = vector.broadcast %get3A_105 : vector<1x128xf32> to vector<512x128xf32>
    %mul3A_130 = arith.mulf %mul3A_128, %mul3A_129 : vector<512x128xf32>
    %add3A_131 = vector.broadcast %get3A_108 : vector<1x128xf32> to vector<512x128xf32>
    %add3A_132 = arith.addf %mul3A_130, %add3A_131 : vector<512x128xf32>
    %swap3A_133 = arith.constant 0 : index
    %swap3A_134 = arith.constant 128 : index
    %swap3A_135 = vector.load %arg13[%swap3A_133, %swap3A_134] : memref<512x2048xf32, #tpu.memory_space<vmem>>, vector<512x128xf32>
    tpu.vector_store %arg13[%swap3A_133, %swap3A_134], %add3A_132 {strides = array<i32>} : memref<512x2048xf32, #tpu.memory_space<vmem>>, vector<512x128xf32>,
    %slice3A_136 = vector.extract_strided_slice %dot_general3A_45 {offsets = [0, 256], sizes = [512, 128], strides = [1, 1]} : vector<512x2048xf32> to vector<512x128xf32>
    %slice3A_137 = vector.extract_strided_slice %add3A_65 {offsets = [0, 2], sizes = [512, 1], strides = [1, 1]} : vector<512x16xf32> to vector<512x1xf32>
    %sub3A_138 = vector.broadcast %slice3A_137 : vector<512x1xf32> to vector<512x128xf32>
    %sub3A_139 = arith.subf %slice3A_136, %sub3A_138 : vector<512x128xf32>
    %slice3A_140 = vector.extract_strided_slice %div3A_102 {offsets = [0, 2], sizes = [512, 1], strides = [1, 1]} : vector<512x16xf32> to vector<512x1xf32>
    %mul3A_141 = vector.broadcast %slice3A_140 : vector<512x1xf32> to vector<512x128xf32>
    %mul3A_142 = arith.mulf %sub3A_139, %mul3A_141 : vector<512x128xf32>
    %mul3A_143 = vector.broadcast %get3A_105 : vector<1x128xf32> to vector<512x128xf32>
    %mul3A_144 = arith.mulf %mul3A_142, %mul3A_143 : vector<512x128xf32>
    %add3A_145 = vector.broadcast %get3A_108 : vector<1x128xf32> to vector<512x128xf32>
    %add3A_146 = arith.addf %mul3A_144, %add3A_145 : vector<512x128xf32>
    %swap3A_147 = arith.constant 0 : index
    %swap3A_148 = arith.constant 256 : index
    %swap3A_149 = vector.load %arg13[%swap3A_147, %swap3A_148] : memref<512x2048xf32, #tpu.memory_space<vmem>>, vector<512x128xf32>
    tpu.vector_store %arg13[%swap3A_147, %swap3A_148], %add3A_146 {strides = array<i32>} : memref<512x2048xf32, #tpu.memory_space<vmem>>, vector<512x128xf32>,
    %slice3A_150 = vector.extract_strided_slice %dot_general3A_45 {offsets = [0, 384], sizes = [512, 128], strides = [1, 1]} : vector<512x2048xf32> to vector<512x128xf32>
    %slice3A_151 = vector.extract_strided_slice %add3A_65 {offsets = [0, 3], sizes = [512, 1], strides = [1, 1]} : vector<512x16xf32> to vector<512x1xf32>
    %sub3A_152 = vector.broadcast %slice3A_151 : vector<512x1xf32> to vector<512x128xf32>
    %sub3A_153 = arith.subf %slice3A_150, %sub3A_152 : vector<512x128xf32>
    %slice3A_154 = vector.extract_strided_slice %div3A_102 {offsets = [0, 3], sizes = [512, 1], strides = [1, 1]} : vector<512x16xf32> to vector<512x1xf32>
    %mul3A_155 = vector.broadcast %slice3A_154 : vector<512x1xf32> to vector<512x128xf32>
    %mul3A_156 = arith.mulf %sub3A_153, %mul3A_155 : vector<512x128xf32>
    %mul3A_157 = vector.broadcast %get3A_105 : vector<1x128xf32> to vector<512x128xf32>
    %mul3A_158 = arith.mulf %mul3A_156, %mul3A_157 : vector<512x128xf32>
    %add3A_159 = vector.broadcast %get3A_108 : vector<1x128xf32> to vector<512x128xf32>
    %add3A_160 = arith.addf %mul3A_158, %add3A_159 : vector<512x128xf32>
    %swap3A_161 = arith.constant 0 : index
    %swap3A_162 = arith.constant 384 : index
    %swap3A_163 = vector.load %arg13[%swap3A_161, %swap3A_162] : memref<512x2048xf32, #tpu.memory_space<vmem>>, vector<512x128xf32>
    tpu.vector_store %arg13[%swap3A_161, %swap3A_162], %add3A_160 {strides = array<i32>} : memref<512x2048xf32, #tpu.memory_space<vmem>>, vector<512x128xf32>,
    %slice3A_164 = vector.extract_strided_slice %dot_general3A_45 {offsets = [0, 512], sizes = [512, 128], strides = [1, 1]} : vector<512x2048xf32> to vector<512x128xf32>
    %slice3A_165 = vector.extract_strided_slice %add3A_65 {offsets = [0, 4], sizes = [512, 1], strides = [1, 1]} : vector<512x16xf32> to vector<512x1xf32>
    %sub3A_166 = vector.broadcast %slice3A_165 : vector<512x1xf32> to vector<512x128xf32>
    %sub3A_167 = arith.subf %slice3A_164, %sub3A_166 : vector<512x128xf32>
    %slice3A_168 = vector.extract_strided_slice %div3A_102 {offsets = [0, 4], sizes = [512, 1], strides = [1, 1]} : vector<512x16xf32> to vector<512x1xf32>
    %mul3A_169 = vector.broadcast %slice3A_168 : vector<512x1xf32> to vector<512x128xf32>
    %mul3A_170 = arith.mulf %sub3A_167, %mul3A_169 : vector<512x128xf32>
    %mul3A_171 = vector.broadcast %get3A_105 : vector<1x128xf32> to vector<512x128xf32>
    %mul3A_172 = arith.mulf %mul3A_170, %mul3A_171 : vector<512x128xf32>
    %add3A_173 = vector.broadcast %get3A_108 : vector<1x128xf32> to vector<512x128xf32>
    %add3A_174 = arith.addf %mul3A_172, %add3A_173 : vector<512x128xf32>
    %swap3A_175 = arith.constant 0 : index
    %swap3A_176 = arith.constant 512 : index
    %swap3A_177 = vector.load %arg13[%swap3A_175, %swap3A_176] : memref<512x2048xf32, #tpu.memory_space<vmem>>, vector<512x128xf32>
    tpu.vector_store %arg13[%swap3A_175, %swap3A_176], %add3A_174 {strides = array<i32>} : memref<512x2048xf32, #tpu.memory_space<vmem>>, vector<512x128xf32>,
    %slice3A_178 = vector.extract_strided_slice %dot_general3A_45 {offsets = [0, 640], sizes = [512, 128], strides = [1, 1]} : vector<512x2048xf32> to vector<512x128xf32>
    %slice3A_179 = vector.extract_strided_slice %add3A_65 {offsets = [0, 5], sizes = [512, 1], strides = [1, 1]} : vector<512x16xf32> to vector<512x1xf32>
    %sub3A_180 = vector.broadcast %slice3A_179 : vector<512x1xf32> to vector<512x128xf32>
    %sub3A_181 = arith.subf %slice3A_178, %sub3A_180 : vector<512x128xf32>
    %slice3A_182 = vector.extract_strided_slice %div3A_102 {offsets = [0, 5], sizes = [512, 1], strides = [1, 1]} : vector<512x16xf32> to vector<512x1xf32>
    %mul3A_183 = vector.broadcast %slice3A_182 : vector<512x1xf32> to vector<512x128xf32>
    %mul3A_184 = arith.mulf %sub3A_181, %mul3A_183 : vector<512x128xf32>
    %mul3A_185 = vector.broadcast %get3A_105 : vector<1x128xf32> to vector<512x128xf32>
    %mul3A_186 = arith.mulf %mul3A_184, %mul3A_185 : vector<512x128xf32>
    %add3A_187 = vector.broadcast %get3A_108 : vector<1x128xf32> to vector<512x128xf32>
    %add3A_188 = arith.addf %mul3A_186, %add3A_187 : vector<512x128xf32>
    %swap3A_189 = arith.constant 0 : index
    %swap3A_190 = arith.constant 640 : index
    %swap3A_191 = vector.load %arg13[%swap3A_189, %swap3A_190] : memref<512x2048xf32, #tpu.memory_space<vmem>>, vector<512x128xf32>
    tpu.vector_store %arg13[%swap3A_189, %swap3A_190], %add3A_188 {strides = array<i32>} : memref<512x2048xf32, #tpu.memory_space<vmem>>, vector<512x128xf32>,
    %slice3A_192 = vector.extract_strided_slice %dot_general3A_45 {offsets = [0, 768], sizes = [512, 128], strides = [1, 1]} : vector<512x2048xf32> to vector<512x128xf32>
    %slice3A_193 = vector.extract_strided_slice %add3A_65 {offsets = [0, 6], sizes = [512, 1], strides = [1, 1]} : vector<512x16xf32> to vector<512x1xf32>
    %sub3A_194 = vector.broadcast %slice3A_193 : vector<512x1xf32> to vector<512x128xf32>
    %sub3A_195 = arith.subf %slice3A_192, %sub3A_194 : vector<512x128xf32>
    %slice3A_196 = vector.extract_strided_slice %div3A_102 {offsets = [0, 6], sizes = [512, 1], strides = [1, 1]} : vector<512x16xf32> to vector<512x1xf32>
    %mul3A_197 = vector.broadcast %slice3A_196 : vector<512x1xf32> to vector<512x128xf32>
    %mul3A_198 = arith.mulf %sub3A_195, %mul3A_197 : vector<512x128xf32>
    %mul3A_199 = vector.broadcast %get3A_105 : vector<1x128xf32> to vector<512x128xf32>
    %mul3A_200 = arith.mulf %mul3A_198, %mul3A_199 : vector<512x128xf32>
    %add3A_201 = vector.broadcast %get3A_108 : vector<1x128xf32> to vector<512x128xf32>
    %add3A_202 = arith.addf %mul3A_200, %add3A_201 : vector<512x128xf32>
    %swap3A_203 = arith.constant 0 : index
    %swap3A_204 = arith.constant 768 : index
    %swap3A_205 = vector.load %arg13[%swap3A_203, %swap3A_204] : memref<512x2048xf32, #tpu.memory_space<vmem>>, vector<512x128xf32>
    tpu.vector_store %arg13[%swap3A_203, %swap3A_204], %add3A_202 {strides = array<i32>} : memref<512x2048xf32, #tpu.memory_space<vmem>>, vector<512x128xf32>,
    %slice3A_206 = vector.extract_strided_slice %dot_general3A_45 {offsets = [0, 896], sizes = [512, 128], strides = [1, 1]} : vector<512x2048xf32> to vector<512x128xf32>
    %slice3A_207 = vector.extract_strided_slice %add3A_65 {offsets = [0, 7], sizes = [512, 1], strides = [1, 1]} : vector<512x16xf32> to vector<512x1xf32>
    %sub3A_208 = vector.broadcast %slice3A_207 : vector<512x1xf32> to vector<512x128xf32>
    %sub3A_209 = arith.subf %slice3A_206, %sub3A_208 : vector<512x128xf32>
    %slice3A_210 = vector.extract_strided_slice %div3A_102 {offsets = [0, 7], sizes = [512, 1], strides = [1, 1]} : vector<512x16xf32> to vector<512x1xf32>
    %mul3A_211 = vector.broadcast %slice3A_210 : vector<512x1xf32> to vector<512x128xf32>
    %mul3A_212 = arith.mulf %sub3A_209, %mul3A_211 : vector<512x128xf32>
    %mul3A_213 = vector.broadcast %get3A_105 : vector<1x128xf32> to vector<512x128xf32>
    %mul3A_214 = arith.mulf %mul3A_212, %mul3A_213 : vector<512x128xf32>
    %add3A_215 = vector.broadcast %get3A_108 : vector<1x128xf32> to vector<512x128xf32>
    %add3A_216 = arith.addf %mul3A_214, %add3A_215 : vector<512x128xf32>
    %swap3A_217 = arith.constant 0 : index
    %swap3A_218 = arith.constant 896 : index
    %swap3A_219 = vector.load %arg13[%swap3A_217, %swap3A_218] : memref<512x2048xf32, #tpu.memory_space<vmem>>, vector<512x128xf32>
    tpu.vector_store %arg13[%swap3A_217, %swap3A_218], %add3A_216 {strides = array<i32>} : memref<512x2048xf32, #tpu.memory_space<vmem>>, vector<512x128xf32>,
    %slice3A_220 = vector.extract_strided_slice %dot_general3A_45 {offsets = [0, 1024], sizes = [512, 128], strides = [1, 1]} : vector<512x2048xf32> to vector<512x128xf32>
    %slice3A_221 = vector.extract_strided_slice %add3A_65 {offsets = [0, 8], sizes = [512, 1], strides = [1, 1]} : vector<512x16xf32> to vector<512x1xf32>
    %sub3A_222 = vector.broadcast %slice3A_221 : vector<512x1xf32> to vector<512x128xf32>
    %sub3A_223 = arith.subf %slice3A_220, %sub3A_222 : vector<512x128xf32>
    %slice3A_224 = vector.extract_strided_slice %div3A_102 {offsets = [0, 8], sizes = [512, 1], strides = [1, 1]} : vector<512x16xf32> to vector<512x1xf32>
    %mul3A_225 = vector.broadcast %slice3A_224 : vector<512x1xf32> to vector<512x128xf32>
    %mul3A_226 = arith.mulf %sub3A_223, %mul3A_225 : vector<512x128xf32>
    %mul3A_227 = vector.broadcast %get3A_105 : vector<1x128xf32> to vector<512x128xf32>
    %mul3A_228 = arith.mulf %mul3A_226, %mul3A_227 : vector<512x128xf32>
    %add3A_229 = vector.broadcast %get3A_108 : vector<1x128xf32> to vector<512x128xf32>
    %add3A_230 = arith.addf %mul3A_228, %add3A_229 : vector<512x128xf32>
    %swap3A_231 = arith.constant 0 : index
    %swap3A_232 = arith.constant 1024 : index
    %swap3A_233 = vector.load %arg13[%swap3A_231, %swap3A_232] : memref<512x2048xf32, #tpu.memory_space<vmem>>, vector<512x128xf32>
    tpu.vector_store %arg13[%swap3A_231, %swap3A_232], %add3A_230 {strides = array<i32>} : memref<512x2048xf32, #tpu.memory_space<vmem>>, vector<512x128xf32>,
    %slice3A_234 = vector.extract_strided_slice %dot_general3A_45 {offsets = [0, 1152], sizes = [512, 128], strides = [1, 1]} : vector<512x2048xf32> to vector<512x128xf32>
    %slice3A_235 = vector.extract_strided_slice %add3A_65 {offsets = [0, 9], sizes = [512, 1], strides = [1, 1]} : vector<512x16xf32> to vector<512x1xf32>
    %sub3A_236 = vector.broadcast %slice3A_235 : vector<512x1xf32> to vector<512x128xf32>
    %sub3A_237 = arith.subf %slice3A_234, %sub3A_236 : vector<512x128xf32>
    %slice3A_238 = vector.extract_strided_slice %div3A_102 {offsets = [0, 9], sizes = [512, 1], strides = [1, 1]} : vector<512x16xf32> to vector<512x1xf32>
    %mul3A_239 = vector.broadcast %slice3A_238 : vector<512x1xf32> to vector<512x128xf32>
    %mul3A_240 = arith.mulf %sub3A_237, %mul3A_239 : vector<512x128xf32>
    %mul3A_241 = vector.broadcast %get3A_105 : vector<1x128xf32> to vector<512x128xf32>
    %mul3A_242 = arith.mulf %mul3A_240, %mul3A_241 : vector<512x128xf32>
    %add3A_243 = vector.broadcast %get3A_108 : vector<1x128xf32> to vector<512x128xf32>
    %add3A_244 = arith.addf %mul3A_242, %add3A_243 : vector<512x128xf32>
    %swap3A_245 = arith.constant 0 : index
    %swap3A_246 = arith.constant 1152 : index
    %swap3A_247 = vector.load %arg13[%swap3A_245, %swap3A_246] : memref<512x2048xf32, #tpu.memory_space<vmem>>, vector<512x128xf32>
    tpu.vector_store %arg13[%swap3A_245, %swap3A_246], %add3A_244 {strides = array<i32>} : memref<512x2048xf32, #tpu.memory_space<vmem>>, vector<512x128xf32>,
    %slice3A_248 = vector.extract_strided_slice %dot_general3A_45 {offsets = [0, 1280], sizes = [512, 128], strides = [1, 1]} : vector<512x2048xf32> to vector<512x128xf32>
    %slice3A_249 = vector.extract_strided_slice %add3A_65 {offsets = [0, 10], sizes = [512, 1], strides = [1, 1]} : vector<512x16xf32> to vector<512x1xf32>
    %sub3A_250 = vector.broadcast %slice3A_249 : vector<512x1xf32> to vector<512x128xf32>
    %sub3A_251 = arith.subf %slice3A_248, %sub3A_250 : vector<512x128xf32>
    %slice3A_252 = vector.extract_strided_slice %div3A_102 {offsets = [0, 10], sizes = [512, 1], strides = [1, 1]} : vector<512x16xf32> to vector<512x1xf32>
    %mul3A_253 = vector.broadcast %slice3A_252 : vector<512x1xf32> to vector<512x128xf32>
    %mul3A_254 = arith.mulf %sub3A_251, %mul3A_253 : vector<512x128xf32>
    %mul3A_255 = vector.broadcast %get3A_105 : vector<1x128xf32> to vector<512x128xf32>
    %mul3A_256 = arith.mulf %mul3A_254, %mul3A_255 : vector<512x128xf32>
    %add3A_257 = vector.broadcast %get3A_108 : vector<1x128xf32> to vector<512x128xf32>
    %add3A_258 = arith.addf %mul3A_256, %add3A_257 : vector<512x128xf32>
    %swap3A_259 = arith.constant 0 : index
    %swap3A_260 = arith.constant 1280 : index
    %swap3A_261 = vector.load %arg13[%swap3A_259, %swap3A_260] : memref<512x2048xf32, #tpu.memory_space<vmem>>, vector<512x128xf32>
    tpu.vector_store %arg13[%swap3A_259, %swap3A_260], %add3A_258 {strides = array<i32>} : memref<512x2048xf32, #tpu.memory_space<vmem>>, vector<512x128xf32>,
    %slice3A_262 = vector.extract_strided_slice %dot_general3A_45 {offsets = [0, 1408], sizes = [512, 128], strides = [1, 1]} : vector<512x2048xf32> to vector<512x128xf32>
    %slice3A_263 = vector.extract_strided_slice %add3A_65 {offsets = [0, 11], sizes = [512, 1], strides = [1, 1]} : vector<512x16xf32> to vector<512x1xf32>
    %sub3A_264 = vector.broadcast %slice3A_263 : vector<512x1xf32> to vector<512x128xf32>
    %sub3A_265 = arith.subf %slice3A_262, %sub3A_264 : vector<512x128xf32>
    %slice3A_266 = vector.extract_strided_slice %div3A_102 {offsets = [0, 11], sizes = [512, 1], strides = [1, 1]} : vector<512x16xf32> to vector<512x1xf32>
    %mul3A_267 = vector.broadcast %slice3A_266 : vector<512x1xf32> to vector<512x128xf32>
    %mul3A_268 = arith.mulf %sub3A_265, %mul3A_267 : vector<512x128xf32>
    %mul3A_269 = vector.broadcast %get3A_105 : vector<1x128xf32> to vector<512x128xf32>
    %mul3A_270 = arith.mulf %mul3A_268, %mul3A_269 : vector<512x128xf32>
    %add3A_271 = vector.broadcast %get3A_108 : vector<1x128xf32> to vector<512x128xf32>
    %add3A_272 = arith.addf %mul3A_270, %add3A_271 : vector<512x128xf32>
    %swap3A_273 = arith.constant 0 : index
    %swap3A_274 = arith.constant 1408 : index
    %swap3A_275 = vector.load %arg13[%swap3A_273, %swap3A_274] : memref<512x2048xf32, #tpu.memory_space<vmem>>, vector<512x128xf32>
    tpu.vector_store %arg13[%swap3A_273, %swap3A_274], %add3A_272 {strides = array<i32>} : memref<512x2048xf32, #tpu.memory_space<vmem>>, vector<512x128xf32>,
    %slice3A_276 = vector.extract_strided_slice %dot_general3A_45 {offsets = [0, 1536], sizes = [512, 128], strides = [1, 1]} : vector<512x2048xf32> to vector<512x128xf32>
    %slice3A_277 = vector.extract_strided_slice %add3A_65 {offsets = [0, 12], sizes = [512, 1], strides = [1, 1]} : vector<512x16xf32> to vector<512x1xf32>
    %sub3A_278 = vector.broadcast %slice3A_277 : vector<512x1xf32> to vector<512x128xf32>
    %sub3A_279 = arith.subf %slice3A_276, %sub3A_278 : vector<512x128xf32>
    %slice3A_280 = vector.extract_strided_slice %div3A_102 {offsets = [0, 12], sizes = [512, 1], strides = [1, 1]} : vector<512x16xf32> to vector<512x1xf32>
    %mul3A_281 = vector.broadcast %slice3A_280 : vector<512x1xf32> to vector<512x128xf32>
    %mul3A_282 = arith.mulf %sub3A_279, %mul3A_281 : vector<512x128xf32>
    %mul3A_283 = vector.broadcast %get3A_105 : vector<1x128xf32> to vector<512x128xf32>
    %mul3A_284 = arith.mulf %mul3A_282, %mul3A_283 : vector<512x128xf32>
    %add3A_285 = vector.broadcast %get3A_108 : vector<1x128xf32> to vector<512x128xf32>
    %add3A_286 = arith.addf %mul3A_284, %add3A_285 : vector<512x128xf32>
    %swap3A_287 = arith.constant 0 : index
    %swap3A_288 = arith.constant 1536 : index
    %swap3A_289 = vector.load %arg13[%swap3A_287, %swap3A_288] : memref<512x2048xf32, #tpu.memory_space<vmem>>, vector<512x128xf32>
    tpu.vector_store %arg13[%swap3A_287, %swap3A_288], %add3A_286 {strides = array<i32>} : memref<512x2048xf32, #tpu.memory_space<vmem>>, vector<512x128xf32>,
    %slice3A_290 = vector.extract_strided_slice %dot_general3A_45 {offsets = [0, 1664], sizes = [512, 128], strides = [1, 1]} : vector<512x2048xf32> to vector<512x128xf32>
    %slice3A_291 = vector.extract_strided_slice %add3A_65 {offsets = [0, 13], sizes = [512, 1], strides = [1, 1]} : vector<512x16xf32> to vector<512x1xf32>
    %sub3A_292 = vector.broadcast %slice3A_291 : vector<512x1xf32> to vector<512x128xf32>
    %sub3A_293 = arith.subf %slice3A_290, %sub3A_292 : vector<512x128xf32>
    %slice3A_294 = vector.extract_strided_slice %div3A_102 {offsets = [0, 13], sizes = [512, 1], strides = [1, 1]} : vector<512x16xf32> to vector<512x1xf32>
    %mul3A_295 = vector.broadcast %slice3A_294 : vector<512x1xf32> to vector<512x128xf32>
    %mul3A_296 = arith.mulf %sub3A_293, %mul3A_295 : vector<512x128xf32>
    %mul3A_297 = vector.broadcast %get3A_105 : vector<1x128xf32> to vector<512x128xf32>
    %mul3A_298 = arith.mulf %mul3A_296, %mul3A_297 : vector<512x128xf32>
    %add3A_299 = vector.broadcast %get3A_108 : vector<1x128xf32> to vector<512x128xf32>
    %add3A_300 = arith.addf %mul3A_298, %add3A_299 : vector<512x128xf32>
    %swap3A_301 = arith.constant 0 : index
    %swap3A_302 = arith.constant 1664 : index
    %swap3A_303 = vector.load %arg13[%swap3A_301, %swap3A_302] : memref<512x2048xf32, #tpu.memory_space<vmem>>, vector<512x128xf32>
    tpu.vector_store %arg13[%swap3A_301, %swap3A_302], %add3A_300 {strides = array<i32>} : memref<512x2048xf32, #tpu.memory_space<vmem>>, vector<512x128xf32>,
    %slice3A_304 = vector.extract_strided_slice %dot_general3A_45 {offsets = [0, 1792], sizes = [512, 128], strides = [1, 1]} : vector<512x2048xf32> to vector<512x128xf32>
    %slice3A_305 = vector.extract_strided_slice %add3A_65 {offsets = [0, 14], sizes = [512, 1], strides = [1, 1]} : vector<512x16xf32> to vector<512x1xf32>
    %sub3A_306 = vector.broadcast %slice3A_305 : vector<512x1xf32> to vector<512x128xf32>
    %sub3A_307 = arith.subf %slice3A_304, %sub3A_306 : vector<512x128xf32>
    %slice3A_308 = vector.extract_strided_slice %div3A_102 {offsets = [0, 14], sizes = [512, 1], strides = [1, 1]} : vector<512x16xf32> to vector<512x1xf32>
    %mul3A_309 = vector.broadcast %slice3A_308 : vector<512x1xf32> to vector<512x128xf32>
    %mul3A_310 = arith.mulf %sub3A_307, %mul3A_309 : vector<512x128xf32>
    %mul3A_311 = vector.broadcast %get3A_105 : vector<1x128xf32> to vector<512x128xf32>
    %mul3A_312 = arith.mulf %mul3A_310, %mul3A_311 : vector<512x128xf32>
    %add3A_313 = vector.broadcast %get3A_108 : vector<1x128xf32> to vector<512x128xf32>
    %add3A_314 = arith.addf %mul3A_312, %add3A_313 : vector<512x128xf32>
    %swap3A_315 = arith.constant 0 : index
    %swap3A_316 = arith.constant 1792 : index
    %swap3A_317 = vector.load %arg13[%swap3A_315, %swap3A_316] : memref<512x2048xf32, #tpu.memory_space<vmem>>, vector<512x128xf32>
    tpu.vector_store %arg13[%swap3A_315, %swap3A_316], %add3A_314 {strides = array<i32>} : memref<512x2048xf32, #tpu.memory_space<vmem>>, vector<512x128xf32>,
    %slice3A_318 = vector.extract_strided_slice %dot_general3A_45 {offsets = [0, 1920], sizes = [512, 128], strides = [1, 1]} : vector<512x2048xf32> to vector<512x128xf32>
    %slice3A_319 = vector.extract_strided_slice %add3A_65 {offsets = [0, 15], sizes = [512, 1], strides = [1, 1]} : vector<512x16xf32> to vector<512x1xf32>
    %sub3A_320 = vector.broadcast %slice3A_319 : vector<512x1xf32> to vector<512x128xf32>
    %sub3A_321 = arith.subf %slice3A_318, %sub3A_320 : vector<512x128xf32>
    %slice3A_322 = vector.extract_strided_slice %div3A_102 {offsets = [0, 15], sizes = [512, 1], strides = [1, 1]} : vector<512x16xf32> to vector<512x1xf32>
    %mul3A_323 = vector.broadcast %slice3A_322 : vector<512x1xf32> to vector<512x128xf32>
    %mul3A_324 = arith.mulf %sub3A_321, %mul3A_323 : vector<512x128xf32>
    %mul3A_325 = vector.broadcast %get3A_105 : vector<1x128xf32> to vector<512x128xf32>
    %mul3A_326 = arith.mulf %mul3A_324, %mul3A_325 : vector<512x128xf32>
    %add3A_327 = vector.broadcast %get3A_108 : vector<1x128xf32> to vector<512x128xf32>
    %add3A_328 = arith.addf %mul3A_326, %add3A_327 : vector<512x128xf32>
    %swap3A_329 = arith.constant 0 : index
    %swap3A_330 = arith.constant 1920 : index
    %swap3A_331 = vector.load %arg13[%swap3A_329, %swap3A_330] : memref<512x2048xf32, #tpu.memory_space<vmem>>, vector<512x128xf32>
    tpu.vector_store %arg13[%swap3A_329, %swap3A_330], %add3A_328 {strides = array<i32>} : memref<512x2048xf32, #tpu.memory_space<vmem>>, vector<512x128xf32>,
    return
  }
  func.func @transform_0(%arg0: i32) -> (i32, i32) {
    %c0_i32 = arith.constant 0 : i32
    %c0_i32_0 = arith.constant 0 : i32
    return %arg0, %c0_i32 : i32, i32
  }
  func.func @transform_1(%arg0: i32) -> (i32, i32) {
    %c0_i32 = arith.constant 0 : i32
    %c0_i32_0 = arith.constant 0 : i32
    return %arg0, %c0_i32 : i32, i32
  }
  func.func @transform_2(%arg0: i32) -> (i32, i32) {
    %c0_i32 = arith.constant 0 : i32
    %c0_i32_0 = arith.constant 0 : i32
    %c0_i32_1 = arith.constant 0 : i32
    return %c0_i32, %c0_i32_0 : i32, i32
  }
  func.func @transform_3(%arg0: i32) -> (i32, i32) {
    %c0_i32 = arith.constant 0 : i32
    %c0_i32_0 = arith.constant 0 : i32
    %c0_i32_1 = arith.constant 0 : i32
    return %c0_i32, %c0_i32_0 : i32, i32
  }
  func.func @transform_4(%arg0: i32) -> (i32, i32) {
    %c0_i32 = arith.constant 0 : i32
    %c0_i32_0 = arith.constant 0 : i32
    %c0_i32_1 = arith.constant 0 : i32
    return %c0_i32, %c0_i32_0 : i32, i32
  }
  func.func @transform_5(%arg0: i32) -> (i32, i32) {
    %c0_i32 = arith.constant 0 : i32
    %c0_i32_0 = arith.constant 0 : i32
    %c0_i32_1 = arith.constant 0 : i32
    return %c0_i32, %c0_i32_0 : i32, i32
  }
  func.func @transform_6(%arg0: i32) -> (i32, i32) {
    %c0_i32 = arith.constant 0 : i32
    %c0_i32_0 = arith.constant 0 : i32
    %c0_i32_1 = arith.constant 0 : i32
    return %c0_i32, %c0_i32_0 : i32, i32
  }
  func.func @transform_7(%arg0: i32) -> (i32, i32) {
    %c0_i32 = arith.constant 0 : i32
    %c0_i32_0 = arith.constant 0 : i32
    %c0_i32_1 = arith.constant 0 : i32
    return %c0_i32, %c0_i32_0 : i32, i32
  }
  func.func @transform_8(%arg0: i32) -> (i32, i32) {
    %c0_i32 = arith.constant 0 : i32
    %c0_i32_0 = arith.constant 0 : i32
    %c0_i32_1 = arith.constant 0 : i32
    return %c0_i32, %c0_i32_0 : i32, i32
  }
  func.func @transform_9(%arg0: i32) -> (i32, i32) {
    %c0_i32 = arith.constant 0 : i32
    %c0_i32_0 = arith.constant 0 : i32
    %c0_i32_1 = arith.constant 0 : i32
    return %c0_i32, %c0_i32_0 : i32, i32
  }
  func.func @transform_10(%arg0: i32) -> (i32, i32) {
    %c0_i32 = arith.constant 0 : i32
    %c0_i32_0 = arith.constant 0 : i32
    %c0_i32_1 = arith.constant 0 : i32
    return %c0_i32, %c0_i32_0 : i32, i32
  }
  func.func @transform_11(%arg0: i32) -> (i32, i32) {
    %c0_i32 = arith.constant 0 : i32
    %c0_i32_0 = arith.constant 0 : i32
    %c0_i32_1 = arith.constant 0 : i32
    return %c0_i32, %c0_i32_0 : i32, i32
  }
  func.func @transform_12(%arg0: i32) -> (i32, i32) {
    %c0_i32 = arith.constant 0 : i32
    %c0_i32_0 = arith.constant 0 : i32
    return %arg0, %c0_i32 : i32, i32
  }
}

module attributes {stable_mosaic.version = 14 : i64} {
  func.func @_k4_body(%arg0: i32, %arg1: memref<1024x32xf32, #tpu.memory_space<vmem>>, %arg2: memref<3x15xf32, #tpu.memory_space<vmem>>, %arg3: memref<15x5xf32, #tpu.memory_space<vmem>>, %arg4: memref<5x80xf32, #tpu.memory_space<vmem>>, %arg5: memref<1x80xf32, #tpu.memory_space<vmem>>, %arg6: memref<128x192xf32, #tpu.memory_space<vmem>>, %arg7: memref<128x192xf32, #tpu.memory_space<vmem>>, %arg8: memref<148x128xf32, #tpu.memory_space<vmem>>, %arg9: memref<1x128xf32, #tpu.memory_space<vmem>>, %arg10: memref<1x128xf32, #tpu.memory_space<vmem>>, %arg11: memref<1x128xf32, #tpu.memory_space<vmem>>, %arg12: memref<1x128xf32, #tpu.memory_space<vmem>>, %arg13: memref<1x128xf32, #tpu.memory_space<vmem>>, %arg14: memref<1024x128xf32, #tpu.memory_space<vmem>>, %arg15: memref<1024x128xf32, #tpu.memory_space<vmem>>) attributes {dimension_semantics = [#tpu.dimension_semantics<arbitrary>], iteration_bounds = array<i64: 32>, scalar_prefetch = 0 : i64, scratch_operands = 0 : i64, tpu.core_type = #tpu.core_type<tc>, window_params = [{transform_indices = @transform_0, window_bounds = array<i64: 1024, 32>}, {pipeline_mode = #tpu.pipeline_mode<synchronous>, transform_indices = @transform_1, window_bounds = array<i64: 3, 15>}, {pipeline_mode = #tpu.pipeline_mode<synchronous>, transform_indices = @transform_2, window_bounds = array<i64: 15, 5>}, {pipeline_mode = #tpu.pipeline_mode<synchronous>, transform_indices = @transform_3, window_bounds = array<i64: 5, 80>}, {pipeline_mode = #tpu.pipeline_mode<synchronous>, transform_indices = @transform_4, window_bounds = array<i64: 1, 80>}, {pipeline_mode = #tpu.pipeline_mode<synchronous>, transform_indices = @transform_5, window_bounds = array<i64: 128, 192>}, {pipeline_mode = #tpu.pipeline_mode<synchronous>, transform_indices = @transform_6, window_bounds = array<i64: 128, 192>}, {pipeline_mode = #tpu.pipeline_mode<synchronous>, transform_indices = @transform_7, window_bounds = array<i64: 148, 128>}, {pipeline_mode = #tpu.pipeline_mode<synchronous>, transform_indices = @transform_8, window_bounds = array<i64: 1, 128>}, {pipeline_mode = #tpu.pipeline_mode<synchronous>, transform_indices = @transform_9, window_bounds = array<i64: 1, 128>}, {pipeline_mode = #tpu.pipeline_mode<synchronous>, transform_indices = @transform_10, window_bounds = array<i64: 1, 128>}, {pipeline_mode = #tpu.pipeline_mode<synchronous>, transform_indices = @transform_11, window_bounds = array<i64: 1, 128>}, {pipeline_mode = #tpu.pipeline_mode<synchronous>, transform_indices = @transform_12, window_bounds = array<i64: 1, 128>}, {transform_indices = @transform_13, window_bounds = array<i64: 1024, 128>}, {transform_indices = @transform_14, window_bounds = array<i64: 1024, 128>}]} {
    %get3A = arith.constant 0 : index
    %get3A_0 = arith.constant 0 : index
    %get3A_1 = vector.load %arg1[%get3A, %get3A_0] : memref<1024x32xf32, #tpu.memory_space<vmem>>, vector<1024x32xf32>
    %slice3A = vector.extract_strided_slice %get3A_1 {offsets = [0, 0], sizes = [1024, 3], strides = [1, 1]} : vector<1024x32xf32> to vector<1024x3xf32>
    %slice3A_2 = vector.extract_strided_slice %get3A_1 {offsets = [0, 3], sizes = [1024, 15], strides = [1, 1]} : vector<1024x32xf32> to vector<1024x15xf32>
    %get3A_3 = arith.constant 0 : index
    %get3A_4 = arith.constant 0 : index
    %get3A_5 = vector.load %arg2[%get3A_3, %get3A_4] : memref<3x15xf32, #tpu.memory_space<vmem>>, vector<3x15xf32>
    %convert_element_type3A = arith.truncf %slice3A : vector<1024x3xf32> to vector<1024x3xbf16>
    %convert_element_type3A_6 = arith.extf %convert_element_type3A : vector<1024x3xbf16> to vector<1024x3xf32>
    %dot_general3A = arith.constant dense<0.000000e+00> : vector<1024x15xf32>
    %dot_general3A_7 = tpu.matmul %convert_element_type3A_6, %get3A_5, %dot_general3A {dimension_numbers = #tpu.dot_dimension_numbers<[1], [0], [0], [1], [0, 0, 1, 1], [], []>, transpose_lhs_hint = false} : vector<1024x3xf32>, vector<3x15xf32>, vector<1024x15xf32> -> vector<1024x15xf32>
    %sub3A = arith.subf %slice3A, %convert_element_type3A_6 : vector<1024x3xf32>
    %dot_general3A_8 = arith.constant dense<0.000000e+00> : vector<1024x15xf32>
    %dot_general3A_9 = tpu.matmul %sub3A, %get3A_5, %dot_general3A_8 {dimension_numbers = #tpu.dot_dimension_numbers<[1], [0], [0], [1], [0, 0, 1, 1], [], []>, transpose_lhs_hint = false} : vector<1024x3xf32>, vector<3x15xf32>, vector<1024x15xf32> -> vector<1024x15xf32>
    %add3A = arith.addf %dot_general3A_7, %dot_general3A_9 : vector<1024x15xf32>
    %sub3A_10 = arith.subf %add3A, %slice3A_2 : vector<1024x15xf32>
    %mul3A = arith.mulf %sub3A_10, %sub3A_10 : vector<1024x15xf32>
    %get3A_11 = arith.constant 0 : index
    %get3A_12 = arith.constant 0 : index
    %get3A_13 = vector.load %arg3[%get3A_11, %get3A_12] : memref<15x5xf32, #tpu.memory_space<vmem>>, vector<15x5xf32>
    %convert_element_type3A_14 = arith.truncf %mul3A : vector<1024x15xf32> to vector<1024x15xbf16>
    %convert_element_type3A_15 = arith.extf %convert_element_type3A_14 : vector<1024x15xbf16> to vector<1024x15xf32>
    %dot_general3A_16 = arith.constant dense<0.000000e+00> : vector<1024x5xf32>
    %dot_general3A_17 = tpu.matmul %convert_element_type3A_15, %get3A_13, %dot_general3A_16 {dimension_numbers = #tpu.dot_dimension_numbers<[1], [0], [0], [1], [0, 0, 1, 1], [], []>, transpose_lhs_hint = false} : vector<1024x15xf32>, vector<15x5xf32>, vector<1024x5xf32> -> vector<1024x5xf32>
    %sub3A_18 = arith.subf %mul3A, %convert_element_type3A_15 : vector<1024x15xf32>
    %dot_general3A_19 = arith.constant dense<0.000000e+00> : vector<1024x5xf32>
    %dot_general3A_20 = tpu.matmul %sub3A_18, %get3A_13, %dot_general3A_19 {dimension_numbers = #tpu.dot_dimension_numbers<[1], [0], [0], [1], [0, 0, 1, 1], [], []>, transpose_lhs_hint = false} : vector<1024x15xf32>, vector<15x5xf32>, vector<1024x5xf32> -> vector<1024x5xf32>
    %add3A_21 = arith.addf %dot_general3A_17, %dot_general3A_20 : vector<1024x5xf32>
    %add3A_22 = arith.constant 9.99999997E-7 : f32
    %add3A_23 = vector.broadcast %add3A_22 : f32 to vector<1024x5xf32>
    %add3A_24 = arith.addf %add3A_21, %add3A_23 : vector<1024x5xf32>
    %sqrt3A = math.sqrt %add3A_24 : vector<1024x5xf32>
    %get3A_25 = arith.constant 0 : index
    %get3A_26 = arith.constant 0 : index
    %get3A_27 = vector.load %arg4[%get3A_25, %get3A_26] : memref<5x80xf32, #tpu.memory_space<vmem>>, vector<5x80xf32>
    %convert_element_type3A_28 = arith.truncf %sqrt3A : vector<1024x5xf32> to vector<1024x5xbf16>
    %convert_element_type3A_29 = arith.extf %convert_element_type3A_28 : vector<1024x5xbf16> to vector<1024x5xf32>
    %dot_general3A_30 = arith.constant dense<0.000000e+00> : vector<1024x80xf32>
    %dot_general3A_31 = tpu.matmul %convert_element_type3A_29, %get3A_27, %dot_general3A_30 {dimension_numbers = #tpu.dot_dimension_numbers<[1], [0], [0], [1], [0, 0, 1, 1], [], []>, transpose_lhs_hint = false} : vector<1024x5xf32>, vector<5x80xf32>, vector<1024x80xf32> -> vector<1024x80xf32>
    %sub3A_32 = arith.subf %sqrt3A, %convert_element_type3A_29 : vector<1024x5xf32>
    %dot_general3A_33 = arith.constant dense<0.000000e+00> : vector<1024x80xf32>
    %dot_general3A_34 = tpu.matmul %sub3A_32, %get3A_27, %dot_general3A_33 {dimension_numbers = #tpu.dot_dimension_numbers<[1], [0], [0], [1], [0, 0, 1, 1], [], []>, transpose_lhs_hint = false} : vector<1024x5xf32>, vector<5x80xf32>, vector<1024x80xf32> -> vector<1024x80xf32>
    %add3A_35 = arith.addf %dot_general3A_31, %dot_general3A_34 : vector<1024x80xf32>
    %get3A_36 = arith.constant 0 : index
    %get3A_37 = arith.constant 0 : index
    %get3A_38 = vector.load %arg5[%get3A_36, %get3A_37] : memref<1x80xf32, #tpu.memory_space<vmem>>, vector<1x80xf32>
    %sub3A_39 = vector.broadcast %get3A_38 : vector<1x80xf32> to vector<1024x80xf32>
    %sub3A_40 = arith.subf %add3A_35, %sub3A_39 : vector<1024x80xf32>
    %mul3A_41 = arith.constant 8.000000e-01 : f32
    %mul3A_42 = vector.broadcast %mul3A_41 : f32 to vector<1024x80xf32>
    %mul3A_43 = arith.mulf %sub3A_40, %mul3A_42 : vector<1024x80xf32>
    %neg3A = arith.constant 0.000000e+00 : f32
    %neg3A_44 = vector.broadcast %neg3A : f32 to vector<1024x80xf32>
    %neg3A_45 = arith.subf %neg3A_44, %mul3A_43 : vector<1024x80xf32>
    %mul3A_46 = arith.mulf %neg3A_45, %mul3A_43 : vector<1024x80xf32>
    %exp3A = math.exp %mul3A_46 : vector<1024x80xf32>
    %slice3A_47 = vector.extract_strided_slice %get3A_1 {offsets = [0, 27], sizes = [1024, 1], strides = [1, 1]} : vector<1024x32xf32> to vector<1024x1xf32>
    %convert_element_type3A_48 = arith.fptosi %slice3A_47 : vector<1024x1xf32> to vector<1024x1xi32>
    %iota3A = tpu.iota {dimensions = array<i32: 1>} : vector<1024x128xi32>
    %eq3A = vector.broadcast %convert_element_type3A_48 : vector<1024x1xi32> to vector<1024x128xi32>
    %eq3A_49 = arith.cmpi eq, %iota3A, %eq3A : vector<1024x128xi32>
    %convert_element_type3A_50 = arith.extui %eq3A_49 : vector<1024x128xi1> to vector<1024x128xi32>
    %convert_element_type3A_51 = arith.sitofp %convert_element_type3A_50 : vector<1024x128xi32> to vector<1024x128xf32>
    %get3A_52 = arith.constant 0 : index
    %get3A_53 = arith.constant 0 : index
    %get3A_54 = vector.load %arg6[%get3A_52, %get3A_53] : memref<128x192xf32, #tpu.memory_space<vmem>>, vector<128x192xf32>
    %dot_general3A_55 = arith.constant dense<0.000000e+00> : vector<1024x192xf32>
    %dot_general3A_56 = tpu.matmul %convert_element_type3A_51, %get3A_54, %dot_general3A_55 {dimension_numbers = #tpu.dot_dimension_numbers<[1], [0], [0], [1], [0, 0, 1, 1], [], []>, transpose_lhs_hint = false} : vector<1024x128xf32>, vector<128x192xf32>, vector<1024x192xf32> -> vector<1024x192xf32>
    %get3A_57 = arith.constant 0 : index
    %get3A_58 = arith.constant 0 : index
    %get3A_59 = vector.load %arg7[%get3A_57, %get3A_58] : memref<128x192xf32, #tpu.memory_space<vmem>>, vector<128x192xf32>
    %dot_general3A_60 = arith.constant dense<0.000000e+00> : vector<1024x192xf32>
    %dot_general3A_61 = tpu.matmul %convert_element_type3A_51, %get3A_59, %dot_general3A_60 {dimension_numbers = #tpu.dot_dimension_numbers<[1], [0], [0], [1], [0, 0, 1, 1], [], []>, transpose_lhs_hint = false} : vector<1024x128xf32>, vector<128x192xf32>, vector<1024x192xf32> -> vector<1024x192xf32>
    %add3A_62 = arith.addf %dot_general3A_56, %dot_general3A_61 : vector<1024x192xf32>
    %slice3A_63 = vector.extract_strided_slice %slice3A {offsets = [0, 0], sizes = [1024, 1], strides = [1, 1]} : vector<1024x3xf32> to vector<1024x1xf32>
    %slice3A_64 = vector.extract_strided_slice %get3A_1 {offsets = [0, 6], sizes = [1024, 1], strides = [1, 1]} : vector<1024x32xf32> to vector<1024x1xf32>
    %sub3A_65 = arith.subf %slice3A_63, %slice3A_64 : vector<1024x1xf32>
    %slice3A_66 = vector.extract_strided_slice %slice3A {offsets = [0, 1], sizes = [1024, 1], strides = [1, 1]} : vector<1024x3xf32> to vector<1024x1xf32>
    %slice3A_67 = vector.extract_strided_slice %get3A_1 {offsets = [0, 7], sizes = [1024, 1], strides = [1, 1]} : vector<1024x32xf32> to vector<1024x1xf32>
    %sub3A_68 = arith.subf %slice3A_66, %slice3A_67 : vector<1024x1xf32>
    %slice3A_69 = vector.extract_strided_slice %slice3A {offsets = [0, 2], sizes = [1024, 1], strides = [1, 1]} : vector<1024x3xf32> to vector<1024x1xf32>
    %slice3A_70 = vector.extract_strided_slice %get3A_1 {offsets = [0, 8], sizes = [1024, 1], strides = [1, 1]} : vector<1024x32xf32> to vector<1024x1xf32>
    %sub3A_71 = arith.subf %slice3A_69, %slice3A_70 : vector<1024x1xf32>
    %slice3A_72 = vector.extract_strided_slice %get3A_1 {offsets = [0, 18], sizes = [1024, 1], strides = [1, 1]} : vector<1024x32xf32> to vector<1024x1xf32>
    %mul3A_73 = arith.mulf %slice3A_72, %sub3A_65 : vector<1024x1xf32>
    %slice3A_74 = vector.extract_strided_slice %get3A_1 {offsets = [0, 19], sizes = [1024, 1], strides = [1, 1]} : vector<1024x32xf32> to vector<1024x1xf32>
    %mul3A_75 = arith.mulf %slice3A_74, %sub3A_68 : vector<1024x1xf32>
    %add3A_76 = arith.addf %mul3A_73, %mul3A_75 : vector<1024x1xf32>
    %slice3A_77 = vector.extract_strided_slice %get3A_1 {offsets = [0, 20], sizes = [1024, 1], strides = [1, 1]} : vector<1024x32xf32> to vector<1024x1xf32>
    %mul3A_78 = arith.mulf %slice3A_77, %sub3A_71 : vector<1024x1xf32>
    %add3A_79 = arith.addf %add3A_76, %mul3A_78 : vector<1024x1xf32>
    %slice3A_80 = vector.extract_strided_slice %get3A_1 {offsets = [0, 21], sizes = [1024, 1], strides = [1, 1]} : vector<1024x32xf32> to vector<1024x1xf32>
    %mul3A_81 = arith.mulf %slice3A_80, %sub3A_65 : vector<1024x1xf32>
    %slice3A_82 = vector.extract_strided_slice %get3A_1 {offsets = [0, 22], sizes = [1024, 1], strides = [1, 1]} : vector<1024x32xf32> to vector<1024x1xf32>
    %mul3A_83 = arith.mulf %slice3A_82, %sub3A_68 : vector<1024x1xf32>
    %add3A_84 = arith.addf %mul3A_81, %mul3A_83 : vector<1024x1xf32>
    %slice3A_85 = vector.extract_strided_slice %get3A_1 {offsets = [0, 23], sizes = [1024, 1], strides = [1, 1]} : vector<1024x32xf32> to vector<1024x1xf32>
    %mul3A_86 = arith.mulf %slice3A_85, %sub3A_71 : vector<1024x1xf32>
    %add3A_87 = arith.addf %add3A_84, %mul3A_86 : vector<1024x1xf32>
    %slice3A_88 = vector.extract_strided_slice %get3A_1 {offsets = [0, 24], sizes = [1024, 1], strides = [1, 1]} : vector<1024x32xf32> to vector<1024x1xf32>
    %mul3A_89 = arith.mulf %slice3A_88, %sub3A_65 : vector<1024x1xf32>
    %slice3A_90 = vector.extract_strided_slice %get3A_1 {offsets = [0, 25], sizes = [1024, 1], strides = [1, 1]} : vector<1024x32xf32> to vector<1024x1xf32>
    %mul3A_91 = arith.mulf %slice3A_90, %sub3A_68 : vector<1024x1xf32>
    %add3A_92 = arith.addf %mul3A_89, %mul3A_91 : vector<1024x1xf32>
    %slice3A_93 = vector.extract_strided_slice %get3A_1 {offsets = [0, 26], sizes = [1024, 1], strides = [1, 1]} : vector<1024x32xf32> to vector<1024x1xf32>
    %mul3A_94 = arith.mulf %slice3A_93, %sub3A_71 : vector<1024x1xf32>
    %add3A_95 = arith.addf %add3A_92, %mul3A_94 : vector<1024x1xf32>
    %mul3A_96 = arith.mulf %add3A_79, %add3A_79 : vector<1024x1xf32>
    %mul3A_97 = arith.mulf %add3A_87, %add3A_87 : vector<1024x1xf32>
    %add3A_98 = arith.addf %mul3A_96, %mul3A_97 : vector<1024x1xf32>
    %add3A_99 = arith.constant 9.99999993E-9 : f32
    %add3A_100 = vector.broadcast %add3A_99 : f32 to vector<1024x1xf32>
    %add3A_101 = arith.addf %add3A_98, %add3A_100 : vector<1024x1xf32>
    %sqrt3A_102 = math.sqrt %add3A_101 : vector<1024x1xf32>
    %mul3A_103 = arith.mulf %add3A_79, %add3A_79 : vector<1024x1xf32>
    %mul3A_104 = arith.mulf %add3A_87, %add3A_87 : vector<1024x1xf32>
    %add3A_105 = arith.addf %mul3A_103, %mul3A_104 : vector<1024x1xf32>
    %mul3A_106 = arith.mulf %add3A_95, %add3A_95 : vector<1024x1xf32>
    %add3A_107 = arith.addf %add3A_105, %mul3A_106 : vector<1024x1xf32>
    %sqrt3A_108 = math.sqrt %add3A_107 : vector<1024x1xf32>
    %add3A_109 = arith.constant 9.99999993E-9 : f32
    %add3A_110 = vector.broadcast %add3A_109 : f32 to vector<1024x1xf32>
    %add3A_111 = arith.addf %sqrt3A_108, %add3A_110 : vector<1024x1xf32>
    %slice3A_112 = vector.extract_strided_slice %add3A_62 {offsets = [0, 0], sizes = [1024, 64], strides = [1, 1]} : vector<1024x192xf32> to vector<1024x64xf32>
    %div3A = arith.divf %add3A_79, %sqrt3A_102 : vector<1024x1xf32>
    %div3A_113 = arith.divf %add3A_87, %sqrt3A_102 : vector<1024x1xf32>
    %div3A_114 = arith.divf %sqrt3A_102, %add3A_111 : vector<1024x1xf32>
    %div3A_115 = arith.divf %add3A_95, %add3A_111 : vector<1024x1xf32>
    %concatenate3A = tpu.concatenate %exp3A, %slice3A_112, %div3A, %div3A_113, %div3A_114, %div3A_115 in 1 : vector<1024x80xf32>, vector<1024x64xf32>, vector<1024x1xf32>, vector<1024x1xf32>, vector<1024x1xf32>, vector<1024x1xf32> -> vector<1024x148xf32>
    %get3A_116 = arith.constant 0 : index
    %get3A_117 = arith.constant 0 : index
    %get3A_118 = vector.load %arg8[%get3A_116, %get3A_117] : memref<148x128xf32, #tpu.memory_space<vmem>>, vector<148x128xf32>
    %dot_general3A_119 = arith.constant dense<0.000000e+00> : vector<1024x128xf32>
    %dot_general3A_120 = tpu.matmul %concatenate3A, %get3A_118, %dot_general3A_119 {dimension_numbers = #tpu.dot_dimension_numbers<[1], [0], [0], [1], [0, 0, 1, 1], [], []>, transpose_lhs_hint = false} : vector<1024x148xf32>, vector<148x128xf32>, vector<1024x128xf32> -> vector<1024x128xf32>
    %get3A_121 = arith.constant 0 : index
    %get3A_122 = arith.constant 0 : index
    %get3A_123 = vector.load %arg9[%get3A_121, %get3A_122] : memref<1x128xf32, #tpu.memory_space<vmem>>, vector<1x128xf32>
    %add3A_124 = vector.broadcast %get3A_123 : vector<1x128xf32> to vector<1024x128xf32>
    %add3A_125 = arith.addf %dot_general3A_120, %add3A_124 : vector<1024x128xf32>
    %reduce_sum3A = arith.constant dense<0.000000e+00> : vector<1024xf32>
    %reduce_sum3A_126 = vector.multi_reduction <add>, %add3A_125, %reduce_sum3A [1] : vector<1024x128xf32> to vector<1024xf32>
    %broadcast_in_dim3A = vector.shape_cast %reduce_sum3A_126 : vector<1024xf32> to vector<1024x1xf32>
    %div3A_127 = arith.constant 1.280000e+02 : f32
    %div3A_128 = vector.broadcast %div3A_127 : f32 to vector<1024x1xf32>
    %div3A_129 = arith.divf %broadcast_in_dim3A, %div3A_128 : vector<1024x1xf32>
    %sub3A_130 = vector.broadcast %div3A_129 : vector<1024x1xf32> to vector<1024x128xf32>
    %sub3A_131 = arith.subf %add3A_125, %sub3A_130 : vector<1024x128xf32>
    %integer_pow3A = arith.mulf %sub3A_131, %sub3A_131 : vector<1024x128xf32>
    %reduce_sum3A_132 = arith.constant dense<0.000000e+00> : vector<1024xf32>
    %reduce_sum3A_133 = vector.multi_reduction <add>, %integer_pow3A, %reduce_sum3A_132 [1] : vector<1024x128xf32> to vector<1024xf32>
    %broadcast_in_dim3A_134 = vector.shape_cast %reduce_sum3A_133 : vector<1024xf32> to vector<1024x1xf32>
    %div3A_135 = arith.constant 1.280000e+02 : f32
    %div3A_136 = vector.broadcast %div3A_135 : f32 to vector<1024x1xf32>
    %div3A_137 = arith.divf %broadcast_in_dim3A_134, %div3A_136 : vector<1024x1xf32>
    %sub3A_138 = vector.broadcast %div3A_129 : vector<1024x1xf32> to vector<1024x128xf32>
    %sub3A_139 = arith.subf %add3A_125, %sub3A_138 : vector<1024x128xf32>
    %add3A_140 = arith.constant 9.99999974E-6 : f32
    %add3A_141 = vector.broadcast %add3A_140 : f32 to vector<1024x1xf32>
    %add3A_142 = arith.addf %div3A_137, %add3A_141 : vector<1024x1xf32>
    %sqrt3A_143 = math.sqrt %add3A_142 : vector<1024x1xf32>
    %div3A_144 = vector.broadcast %sqrt3A_143 : vector<1024x1xf32> to vector<1024x128xf32>
    %div3A_145 = arith.divf %sub3A_139, %div3A_144 : vector<1024x128xf32>
    %get3A_146 = arith.constant 0 : index
    %get3A_147 = arith.constant 0 : index
    %get3A_148 = vector.load %arg10[%get3A_146, %get3A_147] : memref<1x128xf32, #tpu.memory_space<vmem>>, vector<1x128xf32>
    %mul3A_149 = vector.broadcast %get3A_148 : vector<1x128xf32> to vector<1024x128xf32>
    %mul3A_150 = arith.mulf %div3A_145, %mul3A_149 : vector<1024x128xf32>
    %get3A_151 = arith.constant 0 : index
    %get3A_152 = arith.constant 0 : index
    %get3A_153 = vector.load %arg11[%get3A_151, %get3A_152] : memref<1x128xf32, #tpu.memory_space<vmem>>, vector<1x128xf32>
    %add3A_154 = vector.broadcast %get3A_153 : vector<1x128xf32> to vector<1024x128xf32>
    %add3A_155 = arith.addf %mul3A_150, %add3A_154 : vector<1024x128xf32>
    %swap3A = arith.constant 0 : index
    %swap3A_156 = arith.constant 0 : index
    %swap3A_157 = vector.load %arg14[%swap3A, %swap3A_156] : memref<1024x128xf32, #tpu.memory_space<vmem>>, vector<1024x128xf32>
    tpu.vector_store %arg14[%swap3A, %swap3A_156], %add3A_155 {strides = array<i32>} : memref<1024x128xf32, #tpu.memory_space<vmem>>, vector<1024x128xf32>,
    %slice3A_158 = vector.extract_strided_slice %add3A_62 {offsets = [0, 64], sizes = [1024, 128], strides = [1, 1]} : vector<1024x192xf32> to vector<1024x128xf32>
    %reduce_sum3A_159 = arith.constant dense<0.000000e+00> : vector<1024xf32>
    %reduce_sum3A_160 = vector.multi_reduction <add>, %slice3A_158, %reduce_sum3A_159 [1] : vector<1024x128xf32> to vector<1024xf32>
    %broadcast_in_dim3A_161 = vector.shape_cast %reduce_sum3A_160 : vector<1024xf32> to vector<1024x1xf32>
    %div3A_162 = arith.constant 1.280000e+02 : f32
    %div3A_163 = vector.broadcast %div3A_162 : f32 to vector<1024x1xf32>
    %div3A_164 = arith.divf %broadcast_in_dim3A_161, %div3A_163 : vector<1024x1xf32>
    %sub3A_165 = vector.broadcast %div3A_164 : vector<1024x1xf32> to vector<1024x128xf32>
    %sub3A_166 = arith.subf %slice3A_158, %sub3A_165 : vector<1024x128xf32>
    %integer_pow3A_167 = arith.mulf %sub3A_166, %sub3A_166 : vector<1024x128xf32>
    %reduce_sum3A_168 = arith.constant dense<0.000000e+00> : vector<1024xf32>
    %reduce_sum3A_169 = vector.multi_reduction <add>, %integer_pow3A_167, %reduce_sum3A_168 [1] : vector<1024x128xf32> to vector<1024xf32>
    %broadcast_in_dim3A_170 = vector.shape_cast %reduce_sum3A_169 : vector<1024xf32> to vector<1024x1xf32>
    %div3A_171 = arith.constant 1.280000e+02 : f32
    %div3A_172 = vector.broadcast %div3A_171 : f32 to vector<1024x1xf32>
    %div3A_173 = arith.divf %broadcast_in_dim3A_170, %div3A_172 : vector<1024x1xf32>
    %sub3A_174 = vector.broadcast %div3A_164 : vector<1024x1xf32> to vector<1024x128xf32>
    %sub3A_175 = arith.subf %slice3A_158, %sub3A_174 : vector<1024x128xf32>
    %add3A_176 = arith.constant 9.99999974E-6 : f32
    %add3A_177 = vector.broadcast %add3A_176 : f32 to vector<1024x1xf32>
    %add3A_178 = arith.addf %div3A_173, %add3A_177 : vector<1024x1xf32>
    %sqrt3A_179 = math.sqrt %add3A_178 : vector<1024x1xf32>
    %div3A_180 = vector.broadcast %sqrt3A_179 : vector<1024x1xf32> to vector<1024x128xf32>
    %div3A_181 = arith.divf %sub3A_175, %div3A_180 : vector<1024x128xf32>
    %get3A_182 = arith.constant 0 : index
    %get3A_183 = arith.constant 0 : index
    %get3A_184 = vector.load %arg12[%get3A_182, %get3A_183] : memref<1x128xf32, #tpu.memory_space<vmem>>, vector<1x128xf32>
    %mul3A_185 = vector.broadcast %get3A_184 : vector<1x128xf32> to vector<1024x128xf32>
    %mul3A_186 = arith.mulf %div3A_181, %mul3A_185 : vector<1024x128xf32>
    %get3A_187 = arith.constant 0 : index
    %get3A_188 = arith.constant 0 : index
    %get3A_189 = vector.load %arg13[%get3A_187, %get3A_188] : memref<1x128xf32, #tpu.memory_space<vmem>>, vector<1x128xf32>
    %add3A_190 = vector.broadcast %get3A_189 : vector<1x128xf32> to vector<1024x128xf32>
    %add3A_191 = arith.addf %mul3A_186, %add3A_190 : vector<1024x128xf32>
    %swap3A_192 = arith.constant 0 : index
    %swap3A_193 = arith.constant 0 : index
    %swap3A_194 = vector.load %arg15[%swap3A_192, %swap3A_193] : memref<1024x128xf32, #tpu.memory_space<vmem>>, vector<1024x128xf32>
    tpu.vector_store %arg15[%swap3A_192, %swap3A_193], %add3A_191 {strides = array<i32>} : memref<1024x128xf32, #tpu.memory_space<vmem>>, vector<1024x128xf32>,
    return
  }
  func.func @transform_0(%arg0: i32) -> (i32, i32) {
    %c0_i32 = arith.constant 0 : i32
    %c0_i32_0 = arith.constant 0 : i32
    return %arg0, %c0_i32 : i32, i32
  }
  func.func @transform_1(%arg0: i32) -> (i32, i32) {
    %c0_i32 = arith.constant 0 : i32
    %c0_i32_0 = arith.constant 0 : i32
    %c0_i32_1 = arith.constant 0 : i32
    return %c0_i32, %c0_i32_0 : i32, i32
  }
  func.func @transform_2(%arg0: i32) -> (i32, i32) {
    %c0_i32 = arith.constant 0 : i32
    %c0_i32_0 = arith.constant 0 : i32
    %c0_i32_1 = arith.constant 0 : i32
    return %c0_i32, %c0_i32_0 : i32, i32
  }
  func.func @transform_3(%arg0: i32) -> (i32, i32) {
    %c0_i32 = arith.constant 0 : i32
    %c0_i32_0 = arith.constant 0 : i32
    %c0_i32_1 = arith.constant 0 : i32
    return %c0_i32, %c0_i32_0 : i32, i32
  }
  func.func @transform_4(%arg0: i32) -> (i32, i32) {
    %c0_i32 = arith.constant 0 : i32
    %c0_i32_0 = arith.constant 0 : i32
    %c0_i32_1 = arith.constant 0 : i32
    return %c0_i32, %c0_i32_0 : i32, i32
  }
  func.func @transform_5(%arg0: i32) -> (i32, i32) {
    %c0_i32 = arith.constant 0 : i32
    %c0_i32_0 = arith.constant 0 : i32
    %c0_i32_1 = arith.constant 0 : i32
    return %c0_i32, %c0_i32_0 : i32, i32
  }
  func.func @transform_6(%arg0: i32) -> (i32, i32) {
    %c0_i32 = arith.constant 0 : i32
    %c0_i32_0 = arith.constant 0 : i32
    %c0_i32_1 = arith.constant 0 : i32
    return %c0_i32, %c0_i32_0 : i32, i32
  }
  func.func @transform_7(%arg0: i32) -> (i32, i32) {
    %c0_i32 = arith.constant 0 : i32
    %c0_i32_0 = arith.constant 0 : i32
    %c0_i32_1 = arith.constant 0 : i32
    return %c0_i32, %c0_i32_0 : i32, i32
  }
  func.func @transform_8(%arg0: i32) -> (i32, i32) {
    %c0_i32 = arith.constant 0 : i32
    %c0_i32_0 = arith.constant 0 : i32
    %c0_i32_1 = arith.constant 0 : i32
    return %c0_i32, %c0_i32_0 : i32, i32
  }
  func.func @transform_9(%arg0: i32) -> (i32, i32) {
    %c0_i32 = arith.constant 0 : i32
    %c0_i32_0 = arith.constant 0 : i32
    %c0_i32_1 = arith.constant 0 : i32
    return %c0_i32, %c0_i32_0 : i32, i32
  }
  func.func @transform_10(%arg0: i32) -> (i32, i32) {
    %c0_i32 = arith.constant 0 : i32
    %c0_i32_0 = arith.constant 0 : i32
    %c0_i32_1 = arith.constant 0 : i32
    return %c0_i32, %c0_i32_0 : i32, i32
  }
  func.func @transform_11(%arg0: i32) -> (i32, i32) {
    %c0_i32 = arith.constant 0 : i32
    %c0_i32_0 = arith.constant 0 : i32
    %c0_i32_1 = arith.constant 0 : i32
    return %c0_i32, %c0_i32_0 : i32, i32
  }
  func.func @transform_12(%arg0: i32) -> (i32, i32) {
    %c0_i32 = arith.constant 0 : i32
    %c0_i32_0 = arith.constant 0 : i32
    %c0_i32_1 = arith.constant 0 : i32
    return %c0_i32, %c0_i32_0 : i32, i32
  }
  func.func @transform_13(%arg0: i32) -> (i32, i32) {
    %c0_i32 = arith.constant 0 : i32
    %c0_i32_0 = arith.constant 0 : i32
    return %arg0, %c0_i32 : i32, i32
  }
  func.func @transform_14(%arg0: i32) -> (i32, i32) {
    %c0_i32 = arith.constant 0 : i32
    %c0_i32_0 = arith.constant 0 : i32
    return %arg0, %c0_i32 : i32, i32
  }
}

module attributes {stable_mosaic.version = 14 : i64} {
  func.func @_k3_body(%arg0: i32, %arg1: memref<1024x16xf32, #tpu.memory_space<vmem>>, %arg2: memref<1024x16xf32, #tpu.memory_space<vmem>>, %arg3: memref<16x75xf32, #tpu.memory_space<vmem>>, %arg4: memref<16x75xf32, #tpu.memory_space<vmem>>, %arg5: memref<75x25xf32, #tpu.memory_space<vmem>>, %arg6: memref<25x400xf32, #tpu.memory_space<vmem>>, %arg7: memref<1x400xf32, #tpu.memory_space<vmem>>, %arg8: memref<400x128xf32, #tpu.memory_space<vmem>>, %arg9: memref<66x128xf32, #tpu.memory_space<vmem>>, %arg10: memref<66x128xf32, #tpu.memory_space<vmem>>, %arg11: memref<1x128xf32, #tpu.memory_space<vmem>>, %arg12: memref<1x128xf32, #tpu.memory_space<vmem>>, %arg13: memref<1x128xf32, #tpu.memory_space<vmem>>, %arg14: memref<1024x128xf32, #tpu.memory_space<vmem>>) attributes {dimension_semantics = [#tpu.dimension_semantics<arbitrary>], iteration_bounds = array<i64: 64>, scalar_prefetch = 0 : i64, scratch_operands = 0 : i64, tpu.core_type = #tpu.core_type<tc>, window_params = [{transform_indices = @transform_0, window_bounds = array<i64: 1024, 16>}, {transform_indices = @transform_1, window_bounds = array<i64: 1024, 16>}, {pipeline_mode = #tpu.pipeline_mode<synchronous>, transform_indices = @transform_2, window_bounds = array<i64: 16, 75>}, {pipeline_mode = #tpu.pipeline_mode<synchronous>, transform_indices = @transform_3, window_bounds = array<i64: 16, 75>}, {pipeline_mode = #tpu.pipeline_mode<synchronous>, transform_indices = @transform_4, window_bounds = array<i64: 75, 25>}, {pipeline_mode = #tpu.pipeline_mode<synchronous>, transform_indices = @transform_5, window_bounds = array<i64: 25, 400>}, {pipeline_mode = #tpu.pipeline_mode<synchronous>, transform_indices = @transform_6, window_bounds = array<i64: 1, 400>}, {pipeline_mode = #tpu.pipeline_mode<synchronous>, transform_indices = @transform_7, window_bounds = array<i64: 400, 128>}, {pipeline_mode = #tpu.pipeline_mode<synchronous>, transform_indices = @transform_8, window_bounds = array<i64: 66, 128>}, {pipeline_mode = #tpu.pipeline_mode<synchronous>, transform_indices = @transform_9, window_bounds = array<i64: 66, 128>}, {pipeline_mode = #tpu.pipeline_mode<synchronous>, transform_indices = @transform_10, window_bounds = array<i64: 1, 128>}, {pipeline_mode = #tpu.pipeline_mode<synchronous>, transform_indices = @transform_11, window_bounds = array<i64: 1, 128>}, {pipeline_mode = #tpu.pipeline_mode<synchronous>, transform_indices = @transform_12, window_bounds = array<i64: 1, 128>}, {transform_indices = @transform_13, window_bounds = array<i64: 1024, 128>}]} {
    %get3A = arith.constant 0 : index
    %get3A_0 = arith.constant 0 : index
    %get3A_1 = vector.load %arg1[%get3A, %get3A_0] : memref<1024x16xf32, #tpu.memory_space<vmem>>, vector<1024x16xf32>
    %get3A_2 = arith.constant 0 : index
    %get3A_3 = arith.constant 0 : index
    %get3A_4 = vector.load %arg2[%get3A_2, %get3A_3] : memref<1024x16xf32, #tpu.memory_space<vmem>>, vector<1024x16xf32>
    %get3A_5 = arith.constant 0 : index
    %get3A_6 = arith.constant 0 : index
    %get3A_7 = vector.load %arg3[%get3A_5, %get3A_6] : memref<16x75xf32, #tpu.memory_space<vmem>>, vector<16x75xf32>
    %convert_element_type3A = arith.truncf %get3A_4 : vector<1024x16xf32> to vector<1024x16xbf16>
    %convert_element_type3A_8 = arith.extf %convert_element_type3A : vector<1024x16xbf16> to vector<1024x16xf32>
    %dot_general3A = arith.constant dense<0.000000e+00> : vector<1024x75xf32>
    %dot_general3A_9 = tpu.matmul %convert_element_type3A_8, %get3A_7, %dot_general3A {dimension_numbers = #tpu.dot_dimension_numbers<[1], [0], [0], [1], [0, 0, 1, 1], [], []>, transpose_lhs_hint = false} : vector<1024x16xf32>, vector<16x75xf32>, vector<1024x75xf32> -> vector<1024x75xf32>
    %sub3A = arith.subf %get3A_4, %convert_element_type3A_8 : vector<1024x16xf32>
    %dot_general3A_10 = arith.constant dense<0.000000e+00> : vector<1024x75xf32>
    %dot_general3A_11 = tpu.matmul %sub3A, %get3A_7, %dot_general3A_10 {dimension_numbers = #tpu.dot_dimension_numbers<[1], [0], [0], [1], [0, 0, 1, 1], [], []>, transpose_lhs_hint = false} : vector<1024x16xf32>, vector<16x75xf32>, vector<1024x75xf32> -> vector<1024x75xf32>
    %add3A = arith.addf %dot_general3A_9, %dot_general3A_11 : vector<1024x75xf32>
    %get3A_12 = arith.constant 0 : index
    %get3A_13 = arith.constant 0 : index
    %get3A_14 = vector.load %arg4[%get3A_12, %get3A_13] : memref<16x75xf32, #tpu.memory_space<vmem>>, vector<16x75xf32>
    %convert_element_type3A_15 = arith.truncf %get3A_1 : vector<1024x16xf32> to vector<1024x16xbf16>
    %convert_element_type3A_16 = arith.extf %convert_element_type3A_15 : vector<1024x16xbf16> to vector<1024x16xf32>
    %dot_general3A_17 = arith.constant dense<0.000000e+00> : vector<1024x75xf32>
    %dot_general3A_18 = tpu.matmul %convert_element_type3A_16, %get3A_14, %dot_general3A_17 {dimension_numbers = #tpu.dot_dimension_numbers<[1], [0], [0], [1], [0, 0, 1, 1], [], []>, transpose_lhs_hint = false} : vector<1024x16xf32>, vector<16x75xf32>, vector<1024x75xf32> -> vector<1024x75xf32>
    %sub3A_19 = arith.subf %get3A_1, %convert_element_type3A_16 : vector<1024x16xf32>
    %dot_general3A_20 = arith.constant dense<0.000000e+00> : vector<1024x75xf32>
    %dot_general3A_21 = tpu.matmul %sub3A_19, %get3A_14, %dot_general3A_20 {dimension_numbers = #tpu.dot_dimension_numbers<[1], [0], [0], [1], [0, 0, 1, 1], [], []>, transpose_lhs_hint = false} : vector<1024x16xf32>, vector<16x75xf32>, vector<1024x75xf32> -> vector<1024x75xf32>
    %add3A_22 = arith.addf %dot_general3A_18, %dot_general3A_21 : vector<1024x75xf32>
    %sub3A_23 = arith.subf %add3A, %add3A_22 : vector<1024x75xf32>
    %mul3A = arith.mulf %sub3A_23, %sub3A_23 : vector<1024x75xf32>
    %get3A_24 = arith.constant 0 : index
    %get3A_25 = arith.constant 0 : index
    %get3A_26 = vector.load %arg5[%get3A_24, %get3A_25] : memref<75x25xf32, #tpu.memory_space<vmem>>, vector<75x25xf32>
    %convert_element_type3A_27 = arith.truncf %mul3A : vector<1024x75xf32> to vector<1024x75xbf16>
    %convert_element_type3A_28 = arith.extf %convert_element_type3A_27 : vector<1024x75xbf16> to vector<1024x75xf32>
    %dot_general3A_29 = arith.constant dense<0.000000e+00> : vector<1024x25xf32>
    %dot_general3A_30 = tpu.matmul %convert_element_type3A_28, %get3A_26, %dot_general3A_29 {dimension_numbers = #tpu.dot_dimension_numbers<[1], [0], [0], [1], [0, 0, 1, 1], [], []>, transpose_lhs_hint = false} : vector<1024x75xf32>, vector<75x25xf32>, vector<1024x25xf32> -> vector<1024x25xf32>
    %sub3A_31 = arith.subf %mul3A, %convert_element_type3A_28 : vector<1024x75xf32>
    %dot_general3A_32 = arith.constant dense<0.000000e+00> : vector<1024x25xf32>
    %dot_general3A_33 = tpu.matmul %sub3A_31, %get3A_26, %dot_general3A_32 {dimension_numbers = #tpu.dot_dimension_numbers<[1], [0], [0], [1], [0, 0, 1, 1], [], []>, transpose_lhs_hint = false} : vector<1024x75xf32>, vector<75x25xf32>, vector<1024x25xf32> -> vector<1024x25xf32>
    %add3A_34 = arith.addf %dot_general3A_30, %dot_general3A_33 : vector<1024x25xf32>
    %add3A_35 = arith.constant 9.99999997E-7 : f32
    %add3A_36 = vector.broadcast %add3A_35 : f32 to vector<1024x25xf32>
    %add3A_37 = arith.addf %add3A_34, %add3A_36 : vector<1024x25xf32>
    %sqrt3A = math.sqrt %add3A_37 : vector<1024x25xf32>
    %get3A_38 = arith.constant 0 : index
    %get3A_39 = arith.constant 0 : index
    %get3A_40 = vector.load %arg6[%get3A_38, %get3A_39] : memref<25x400xf32, #tpu.memory_space<vmem>>, vector<25x400xf32>
    %convert_element_type3A_41 = arith.truncf %sqrt3A : vector<1024x25xf32> to vector<1024x25xbf16>
    %convert_element_type3A_42 = arith.extf %convert_element_type3A_41 : vector<1024x25xbf16> to vector<1024x25xf32>
    %dot_general3A_43 = arith.constant dense<0.000000e+00> : vector<1024x400xf32>
    %dot_general3A_44 = tpu.matmul %convert_element_type3A_42, %get3A_40, %dot_general3A_43 {dimension_numbers = #tpu.dot_dimension_numbers<[1], [0], [0], [1], [0, 0, 1, 1], [], []>, transpose_lhs_hint = false} : vector<1024x25xf32>, vector<25x400xf32>, vector<1024x400xf32> -> vector<1024x400xf32>
    %sub3A_45 = arith.subf %sqrt3A, %convert_element_type3A_42 : vector<1024x25xf32>
    %dot_general3A_46 = arith.constant dense<0.000000e+00> : vector<1024x400xf32>
    %dot_general3A_47 = tpu.matmul %sub3A_45, %get3A_40, %dot_general3A_46 {dimension_numbers = #tpu.dot_dimension_numbers<[1], [0], [0], [1], [0, 0, 1, 1], [], []>, transpose_lhs_hint = false} : vector<1024x25xf32>, vector<25x400xf32>, vector<1024x400xf32> -> vector<1024x400xf32>
    %add3A_48 = arith.addf %dot_general3A_44, %dot_general3A_47 : vector<1024x400xf32>
    %get3A_49 = arith.constant 0 : index
    %get3A_50 = arith.constant 0 : index
    %get3A_51 = vector.load %arg7[%get3A_49, %get3A_50] : memref<1x400xf32, #tpu.memory_space<vmem>>, vector<1x400xf32>
    %sub3A_52 = vector.broadcast %get3A_51 : vector<1x400xf32> to vector<1024x400xf32>
    %sub3A_53 = arith.subf %add3A_48, %sub3A_52 : vector<1024x400xf32>
    %mul3A_54 = arith.constant 8.000000e-01 : f32
    %mul3A_55 = vector.broadcast %mul3A_54 : f32 to vector<1024x400xf32>
    %mul3A_56 = arith.mulf %sub3A_53, %mul3A_55 : vector<1024x400xf32>
    %neg3A = arith.constant 0.000000e+00 : f32
    %neg3A_57 = vector.broadcast %neg3A : f32 to vector<1024x400xf32>
    %neg3A_58 = arith.subf %neg3A_57, %mul3A_56 : vector<1024x400xf32>
    %mul3A_59 = arith.mulf %neg3A_58, %mul3A_56 : vector<1024x400xf32>
    %exp3A = math.exp %mul3A_59 : vector<1024x400xf32>
    %get3A_60 = arith.constant 0 : index
    %get3A_61 = arith.constant 0 : index
    %get3A_62 = vector.load %arg8[%get3A_60, %get3A_61] : memref<400x128xf32, #tpu.memory_space<vmem>>, vector<400x128xf32>
    %dot_general3A_63 = arith.constant dense<0.000000e+00> : vector<1024x128xf32>
    %dot_general3A_64 = tpu.matmul %exp3A, %get3A_62, %dot_general3A_63 {dimension_numbers = #tpu.dot_dimension_numbers<[1], [0], [0], [1], [0, 0, 1, 1], [], []>, transpose_lhs_hint = false} : vector<1024x400xf32>, vector<400x128xf32>, vector<1024x128xf32> -> vector<1024x128xf32>
    %mul3A_65 = arith.constant 1024 : i32
    %mul3A_66 = arith.muli %arg0, %mul3A_65 : i32
    %iota3A = tpu.iota {dimensions = array<i32: 0>} : vector<1024x1xi32>
    %add3A_67 = vector.broadcast %mul3A_66 : i32 to vector<1024x1xi32>
    %add3A_68 = arith.addi %add3A_67, %iota3A : vector<1024x1xi32>
    %jit3A = arith.constant 32768 : i32
    %eq3A = arith.constant 0 : i32
    %eq3A_69 = arith.cmpi eq, %jit3A, %eq3A : i32
    %jit3A_70 = arith.constant 1 : i32
    %select_n3A = arith.select %eq3A_69, %jit3A_70, %jit3A : i32
    %rem3A = vector.broadcast %select_n3A : i32 to vector<1024x1xi32>
    %rem3A_71 = arith.remsi %add3A_68, %rem3A : vector<1024x1xi32>
    %ne3A = arith.constant 0 : i32
    %ne3A_72 = vector.broadcast %ne3A : i32 to vector<1024x1xi32>
    %ne3A_73 = arith.cmpi ne, %rem3A_71, %ne3A_72 : vector<1024x1xi32>
    %lt3A = arith.constant 0 : i32
    %lt3A_74 = vector.broadcast %lt3A : i32 to vector<1024x1xi32>
    %lt3A_75 = arith.cmpi slt, %rem3A_71, %lt3A_74 : vector<1024x1xi32>
    %lt3A_76 = arith.constant 0 : i32
    %lt3A_77 = arith.cmpi slt, %select_n3A, %lt3A_76 : i32
    %ne3A_78 = vector.broadcast %lt3A_77 : i1 to vector<1024x1xi1>
    %ne3A_79 = vector.broadcast %ne3A_78 : vector<1024x1xi1> to vector<1024x1xi1>
    %ne3A_80 = arith.xori %lt3A_75, %ne3A_79 : vector<1024x1xi1>
    %and3A = arith.andi %ne3A_80, %ne3A_73 : vector<1024x1xi1>
    %add3A_81 = vector.broadcast %select_n3A : i32 to vector<1024x1xi32>
    %add3A_82 = arith.addi %rem3A_71, %add3A_81 : vector<1024x1xi32>
    %select_n3A_83 = arith.select %and3A, %add3A_82, %rem3A_71 : vector<1024x1xi1>, vector<1024x1xi32>
    %jit3A_84 = arith.constant 32 : i32
    %div3A = vector.broadcast %jit3A_84 : i32 to vector<1024x1xi32>
    %div3A_85 = arith.divsi %select_n3A_83, %div3A : vector<1024x1xi32>
    %sign3A = arith.constant 0 : i32
    %sign3A_86 = vector.broadcast %sign3A : i32 to vector<1024x1xi32>
    %sign3A_87 = arith.cmpi sgt, %select_n3A_83, %sign3A_86 : vector<1024x1xi32>
    %sign3A_88 = arith.extui %sign3A_87 : vector<1024x1xi1> to vector<1024x1xi32>
    %sign3A_89 = arith.constant 0 : i32
    %sign3A_90 = vector.broadcast %sign3A_89 : i32 to vector<1024x1xi32>
    %sign3A_91 = arith.cmpi slt, %select_n3A_83, %sign3A_90 : vector<1024x1xi32>
    %sign3A_92 = arith.extui %sign3A_91 : vector<1024x1xi1> to vector<1024x1xi32>
    %sign3A_93 = arith.subi %sign3A_88, %sign3A_92 : vector<1024x1xi32>
    %sign3A_94 = arith.constant 0 : i32
    %sign3A_95 = arith.cmpi sgt, %jit3A_84, %sign3A_94 : i32
    %sign3A_96 = arith.extui %sign3A_95 : i1 to i32
    %sign3A_97 = arith.constant 0 : i32
    %sign3A_98 = arith.cmpi slt, %jit3A_84, %sign3A_97 : i32
    %sign3A_99 = arith.extui %sign3A_98 : i1 to i32
    %sign3A_100 = arith.subi %sign3A_96, %sign3A_99 : i32
    %ne3A_101 = vector.broadcast %sign3A_100 : i32 to vector<1024x1xi32>
    %ne3A_102 = arith.cmpi ne, %sign3A_93, %ne3A_101 : vector<1024x1xi32>
    %rem3A_103 = vector.broadcast %jit3A_84 : i32 to vector<1024x1xi32>
    %rem3A_104 = arith.remsi %select_n3A_83, %rem3A_103 : vector<1024x1xi32>
    %ne3A_105 = arith.constant 0 : i32
    %ne3A_106 = vector.broadcast %ne3A_105 : i32 to vector<1024x1xi32>
    %ne3A_107 = arith.cmpi ne, %rem3A_104, %ne3A_106 : vector<1024x1xi32>
    %and3A_108 = arith.andi %ne3A_102, %ne3A_107 : vector<1024x1xi1>
    %sub3A_109 = arith.constant 1 : i32
    %sub3A_110 = vector.broadcast %sub3A_109 : i32 to vector<1024x1xi32>
    %sub3A_111 = arith.subi %div3A_85, %sub3A_110 : vector<1024x1xi32>
    %select_n3A_112 = arith.select %and3A_108, %sub3A_111, %div3A_85 : vector<1024x1xi1>, vector<1024x1xi32>
    %slice3A = vector.extract_strided_slice %get3A_4 {offsets = [0, 15], sizes = [1024, 1], strides = [1, 1]} : vector<1024x16xf32> to vector<1024x1xf32>
    %convert_element_type3A_113 = arith.fptosi %slice3A : vector<1024x1xf32> to vector<1024x1xi32>
    %sub3A_114 = arith.subi %select_n3A_112, %convert_element_type3A_113 : vector<1024x1xi32>
    %add3A_115 = arith.constant 32 : i32
    %add3A_116 = vector.broadcast %add3A_115 : i32 to vector<1024x1xi32>
    %add3A_117 = arith.addi %sub3A_114, %add3A_116 : vector<1024x1xi32>
    %jit3A_118 = arith.constant 0 : i32
    %jit3A_119 = arith.constant 64 : i32
    %max3A = vector.broadcast %jit3A_118 : i32 to vector<1024x1xi32>
    %max3A_120 = arith.maxsi %max3A, %add3A_117 : vector<1024x1xi32>
    %min3A = vector.broadcast %jit3A_119 : i32 to vector<1024x1xi32>
    %min3A_121 = arith.minsi %min3A, %max3A_120 : vector<1024x1xi32>
    %iota3A_122 = tpu.iota {dimensions = array<i32: 1>} : vector<1024x66xi32>
    %eq3A_123 = vector.broadcast %min3A_121 : vector<1024x1xi32> to vector<1024x66xi32>
    %eq3A_124 = arith.cmpi eq, %iota3A_122, %eq3A_123 : vector<1024x66xi32>
    %convert_element_type3A_125 = arith.extui %eq3A_124 : vector<1024x66xi1> to vector<1024x66xi32>
    %convert_element_type3A_126 = arith.sitofp %convert_element_type3A_125 : vector<1024x66xi32> to vector<1024x66xf32>
    %get3A_127 = arith.constant 0 : index
    %get3A_128 = arith.constant 0 : index
    %get3A_129 = vector.load %arg9[%get3A_127, %get3A_128] : memref<66x128xf32, #tpu.memory_space<vmem>>, vector<66x128xf32>
    %dot_general3A_130 = arith.constant dense<0.000000e+00> : vector<1024x128xf32>
    %dot_general3A_131 = tpu.matmul %convert_element_type3A_126, %get3A_129, %dot_general3A_130 {dimension_numbers = #tpu.dot_dimension_numbers<[1], [0], [0], [1], [0, 0, 1, 1], [], []>, transpose_lhs_hint = false} : vector<1024x66xf32>, vector<66x128xf32>, vector<1024x128xf32> -> vector<1024x128xf32>
    %add3A_132 = arith.addf %dot_general3A_64, %dot_general3A_131 : vector<1024x128xf32>
    %get3A_133 = arith.constant 0 : index
    %get3A_134 = arith.constant 0 : index
    %get3A_135 = vector.load %arg10[%get3A_133, %get3A_134] : memref<66x128xf32, #tpu.memory_space<vmem>>, vector<66x128xf32>
    %dot_general3A_136 = arith.constant dense<0.000000e+00> : vector<1024x128xf32>
    %dot_general3A_137 = tpu.matmul %convert_element_type3A_126, %get3A_135, %dot_general3A_136 {dimension_numbers = #tpu.dot_dimension_numbers<[1], [0], [0], [1], [0, 0, 1, 1], [], []>, transpose_lhs_hint = false} : vector<1024x66xf32>, vector<66x128xf32>, vector<1024x128xf32> -> vector<1024x128xf32>
    %add3A_138 = arith.addf %add3A_132, %dot_general3A_137 : vector<1024x128xf32>
    %get3A_139 = arith.constant 0 : index
    %get3A_140 = arith.constant 0 : index
    %get3A_141 = vector.load %arg11[%get3A_139, %get3A_140] : memref<1x128xf32, #tpu.memory_space<vmem>>, vector<1x128xf32>
    %add3A_142 = vector.broadcast %get3A_141 : vector<1x128xf32> to vector<1024x128xf32>
    %add3A_143 = arith.addf %add3A_138, %add3A_142 : vector<1024x128xf32>
    %reduce_sum3A = arith.constant dense<0.000000e+00> : vector<1024xf32>
    %reduce_sum3A_144 = vector.multi_reduction <add>, %add3A_143, %reduce_sum3A [1] : vector<1024x128xf32> to vector<1024xf32>
    %broadcast_in_dim3A = vector.shape_cast %reduce_sum3A_144 : vector<1024xf32> to vector<1024x1xf32>
    %div3A_145 = arith.constant 1.280000e+02 : f32
    %div3A_146 = vector.broadcast %div3A_145 : f32 to vector<1024x1xf32>
    %div3A_147 = arith.divf %broadcast_in_dim3A, %div3A_146 : vector<1024x1xf32>
    %sub3A_148 = vector.broadcast %div3A_147 : vector<1024x1xf32> to vector<1024x128xf32>
    %sub3A_149 = arith.subf %add3A_143, %sub3A_148 : vector<1024x128xf32>
    %integer_pow3A = arith.mulf %sub3A_149, %sub3A_149 : vector<1024x128xf32>
    %reduce_sum3A_150 = arith.constant dense<0.000000e+00> : vector<1024xf32>
    %reduce_sum3A_151 = vector.multi_reduction <add>, %integer_pow3A, %reduce_sum3A_150 [1] : vector<1024x128xf32> to vector<1024xf32>
    %broadcast_in_dim3A_152 = vector.shape_cast %reduce_sum3A_151 : vector<1024xf32> to vector<1024x1xf32>
    %div3A_153 = arith.constant 1.280000e+02 : f32
    %div3A_154 = vector.broadcast %div3A_153 : f32 to vector<1024x1xf32>
    %div3A_155 = arith.divf %broadcast_in_dim3A_152, %div3A_154 : vector<1024x1xf32>
    %sub3A_156 = vector.broadcast %div3A_147 : vector<1024x1xf32> to vector<1024x128xf32>
    %sub3A_157 = arith.subf %add3A_143, %sub3A_156 : vector<1024x128xf32>
    %add3A_158 = arith.constant 9.99999974E-6 : f32
    %add3A_159 = vector.broadcast %add3A_158 : f32 to vector<1024x1xf32>
    %add3A_160 = arith.addf %div3A_155, %add3A_159 : vector<1024x1xf32>
    %sqrt3A_161 = math.sqrt %add3A_160 : vector<1024x1xf32>
    %div3A_162 = vector.broadcast %sqrt3A_161 : vector<1024x1xf32> to vector<1024x128xf32>
    %div3A_163 = arith.divf %sub3A_157, %div3A_162 : vector<1024x128xf32>
    %get3A_164 = arith.constant 0 : index
    %get3A_165 = arith.constant 0 : index
    %get3A_166 = vector.load %arg12[%get3A_164, %get3A_165] : memref<1x128xf32, #tpu.memory_space<vmem>>, vector<1x128xf32>
    %mul3A_167 = vector.broadcast %get3A_166 : vector<1x128xf32> to vector<1024x128xf32>
    %mul3A_168 = arith.mulf %div3A_163, %mul3A_167 : vector<1024x128xf32>
    %get3A_169 = arith.constant 0 : index
    %get3A_170 = arith.constant 0 : index
    %get3A_171 = vector.load %arg13[%get3A_169, %get3A_170] : memref<1x128xf32, #tpu.memory_space<vmem>>, vector<1x128xf32>
    %add3A_172 = vector.broadcast %get3A_171 : vector<1x128xf32> to vector<1024x128xf32>
    %add3A_173 = arith.addf %mul3A_168, %add3A_172 : vector<1024x128xf32>
    %swap3A = arith.constant 0 : index
    %swap3A_174 = arith.constant 0 : index
    %swap3A_175 = vector.load %arg14[%swap3A, %swap3A_174] : memref<1024x128xf32, #tpu.memory_space<vmem>>, vector<1024x128xf32>
    tpu.vector_store %arg14[%swap3A, %swap3A_174], %add3A_173 {strides = array<i32>} : memref<1024x128xf32, #tpu.memory_space<vmem>>, vector<1024x128xf32>,
    return
  }
  func.func @transform_0(%arg0: i32) -> (i32, i32) {
    %c0_i32 = arith.constant 0 : i32
    %c0_i32_0 = arith.constant 0 : i32
    return %arg0, %c0_i32 : i32, i32
  }
  func.func @transform_1(%arg0: i32) -> (i32, i32) {
    %c0_i32 = arith.constant 0 : i32
    %c0_i32_0 = arith.constant 0 : i32
    return %arg0, %c0_i32 : i32, i32
  }
  func.func @transform_2(%arg0: i32) -> (i32, i32) {
    %c0_i32 = arith.constant 0 : i32
    %c0_i32_0 = arith.constant 0 : i32
    %c0_i32_1 = arith.constant 0 : i32
    return %c0_i32, %c0_i32_0 : i32, i32
  }
  func.func @transform_3(%arg0: i32) -> (i32, i32) {
    %c0_i32 = arith.constant 0 : i32
    %c0_i32_0 = arith.constant 0 : i32
    %c0_i32_1 = arith.constant 0 : i32
    return %c0_i32, %c0_i32_0 : i32, i32
  }
  func.func @transform_4(%arg0: i32) -> (i32, i32) {
    %c0_i32 = arith.constant 0 : i32
    %c0_i32_0 = arith.constant 0 : i32
    %c0_i32_1 = arith.constant 0 : i32
    return %c0_i32, %c0_i32_0 : i32, i32
  }
  func.func @transform_5(%arg0: i32) -> (i32, i32) {
    %c0_i32 = arith.constant 0 : i32
    %c0_i32_0 = arith.constant 0 : i32
    %c0_i32_1 = arith.constant 0 : i32
    return %c0_i32, %c0_i32_0 : i32, i32
  }
  func.func @transform_6(%arg0: i32) -> (i32, i32) {
    %c0_i32 = arith.constant 0 : i32
    %c0_i32_0 = arith.constant 0 : i32
    %c0_i32_1 = arith.constant 0 : i32
    return %c0_i32, %c0_i32_0 : i32, i32
  }
  func.func @transform_7(%arg0: i32) -> (i32, i32) {
    %c0_i32 = arith.constant 0 : i32
    %c0_i32_0 = arith.constant 0 : i32
    %c0_i32_1 = arith.constant 0 : i32
    return %c0_i32, %c0_i32_0 : i32, i32
  }
  func.func @transform_8(%arg0: i32) -> (i32, i32) {
    %c0_i32 = arith.constant 0 : i32
    %c0_i32_0 = arith.constant 0 : i32
    %c0_i32_1 = arith.constant 0 : i32
    return %c0_i32, %c0_i32_0 : i32, i32
  }
  func.func @transform_9(%arg0: i32) -> (i32, i32) {
    %c0_i32 = arith.constant 0 : i32
    %c0_i32_0 = arith.constant 0 : i32
    %c0_i32_1 = arith.constant 0 : i32
    return %c0_i32, %c0_i32_0 : i32, i32
  }
  func.func @transform_10(%arg0: i32) -> (i32, i32) {
    %c0_i32 = arith.constant 0 : i32
    %c0_i32_0 = arith.constant 0 : i32
    %c0_i32_1 = arith.constant 0 : i32
    return %c0_i32, %c0_i32_0 : i32, i32
  }
  func.func @transform_11(%arg0: i32) -> (i32, i32) {
    %c0_i32 = arith.constant 0 : i32
    %c0_i32_0 = arith.constant 0 : i32
    %c0_i32_1 = arith.constant 0 : i32
    return %c0_i32, %c0_i32_0 : i32, i32
  }
  func.func @transform_12(%arg0: i32) -> (i32, i32) {
    %c0_i32 = arith.constant 0 : i32
    %c0_i32_0 = arith.constant 0 : i32
    %c0_i32_1 = arith.constant 0 : i32
    return %c0_i32, %c0_i32_0 : i32, i32
  }
  func.func @transform_13(%arg0: i32) -> (i32, i32) {
    %c0_i32 = arith.constant 0 : i32
    %c0_i32_0 = arith.constant 0 : i32
    return %arg0, %c0_i32 : i32, i32
  }
}

</mosaic_0001>

<sc_bundles>
// kernel: kernel.8.cloned.1.call-start
scs
__scs_entry_jumppad:
0x0: {  	(pc) =	sbr.rel $0x88, $3  }
0x1: {  	(tag) =	ssettag $0x0;
	lr =	simm.s32 $0x1  }
0x2: {  	[smem:$0x3F8B] =	sst lr;
	_ =	strace $0xD0000000  }
0x3: {  	_ = 	snop  }
0x4: {  	_ = 	snop  }
0x5: {  	_ = 	snop  }
0x6: {  	_ = 	snop  }
0x7: {  	_ = 	snop  }
__scs_overlays_trampoline_lowered:
0x8: {  	[smem:$0x3F9A] =	sst s0  }
0x9: {  	[smem:$0x3F9B] =	sst s1  }
0xa: {  	[smem:$0x3F9C] =	sst s2  }
0xb: {  	[smem:$0x3F9D] =	sst s3  }
0xc: {  	[smem:$0x3F9E] =	sst s4  }
0xd: {  	[smem:$0x3F9F] =	sst s5  }
0xe: {  	[smem:$0x3FA0] =	sst s6  }
0xf: {  	[smem:$0x3FA1] =	sst s7  }
0x10: {  	[smem:$0x3FA2] =	sst s8  }
0x11: {  	[smem:$0x3FA3] =	sst s9;
	s0 =	simm.s32 @!p0 $0x0  }
0x12: {  	s1 =	sld [smem:$0x3F89];
	s0 =	simm.s32 @p0 $0x1  }
0x13: {  	[smem:$0x3FA4] =	sst s0;
	s0 =	simm.s32 @!p1 $0x0  }
0x14: {  	s2 =	sld [smem:$0x3F88];
	s0 =	simm.s32 @p1 $0x1  }
0x15: {  	[smem:$0x3FA5] =	sst s0;
	s0 =	simm.s32 @!p2 $0x0  }
0x16: {  	s3 =	sld [smem:$0x3FDB];
	s0 =	simm.s32 @p2 $0x1  }
0x17: {  	s4 =	simm.s32 $0x1BF5;
	[smem:$0x3FA7] =	sst s0  }
0x18: {  	s0 =	sld [smem:$0x3F8A];
	_ =	swait.ge [sflag:s4], $0x0  }
0x19: {  	s7 =	sld [smem:$0x3F8B]  }
0x1a: {  	s8 =	sadd.s32 $0xFFFFE003, lr  }
0x1b: {  	s9 =	sadd.s32 $0xFFFFFEF7, lr;
	s5 =	simm.s32 $0xFFFFFFFF;
	p2 =	slt.u32 s8, $0xFFFFF086  }
0x1c: {  	p1 =	slt.u32 s9, $0xF7A;
	s5 =	simm.s32 @!p2 $0x0  }
0x1d: {  	s5 =	simm.s32 @p1 $0x1;
	p0 =	seq.s32 s7, s2  }
0x1e: {  	s7 =	smul.u32 @!p0 $0xF7A, s2;
	p2 =	seq.s32 @!p0 s5, $0x0  }
0x1f: {  	s9 =	smul.u32 $0xF7A, s1;
	s8 =	simm.s32 @!p0 $0x1BF5;
	p2 =	por !p2, p0  }
0x20: {  	[sflag:s8] =	ssyncset.s32 @!p0 $0xFFFFF086;
	s6 =	sadd.s32 @!p0 s3, s7;
	s7 =	simm.s32 @!p0 $0x108  }
0x21: {  	s3 =	sadd.s32 s3, s9;
	s6 =	sadd.s32 @!p0 $0x88, s6;
	s7 =	simm.s32 @p2 $0x1082  }
0x22: {  	[simem:s7], [sflag:s8] =	dma.local @!p0 [hbm:s6], $0xF7A  }
0x23: {  	s9 =	sor.u32 $0xD0000000, s2;
	s6 =	simm.s32 $0x108;
	_ =	swait.ge @!p0 [sflag:s8], $0x0  }
0x24: {  	s3 =	sadd.s32 $0x88, s3;
	s6 =	simm.s32 @!p1 $0x1082;
	[sflag:s4] =	ssyncset.s32 $0xFFFFF086  }
0x25: {  	[simem:s6], [sflag:s4] =	dma.local [hbm:s3], $0xF7A  }
0x26: {  	[smem:$0x3F8B] =	sst s1;
	(tag) =	ssettag s2;
	_ =	strace s9  }
0x27: {  	s1 =	sld [smem:$0x3F9B]  }
0x28: {  	s2 =	sld [smem:$0x3F9C]  }
0x29: {  	s4 =	sld [smem:$0x3F9E]  }
0x2a: {  	p0 =	seq.s32 s5, $0x0;
	s5 =	sld [smem:$0x3F9F]  }
0x2b: {  	s6 =	sld [smem:$0x3FA0]  }
0x2c: {  	s7 =	sld [smem:$0x3FA1]  }
0x2d: {  	s3 =	simm.s32 $0x108;
	s8 =	sld [smem:$0x3FA2]  }
0x2e: {  	s3 =	simm.s32 @!p0 $0x1082;
	s9 =	sld [smem:$0x3FA3]  }
0x2f: {  	lr =	sadd.s32 s0, s3;
	s0 =	sld [smem:$0x3F9A]  }
0x30: {  	s3 =	sld [smem:$0x3F9D]  }
0x31: {  	[smem:$0x3FA6] =	sst s10  }
0x32: {  	s10 =	sld [smem:$0x3FA4];
	_ =	sdelay $0x3  }
0x33: {  	p0 =	seq.s32 s10, $0x1;
	s10 =	sld [smem:$0x3FA6];
	_ =	sdelay $0x3  }
0x34: {  	[smem:$0x3FA6] =	sst s10  }
0x35: {  	s10 =	sld [smem:$0x3FA5];
	_ =	sdelay $0x3  }
0x36: {  	p1 =	seq.s32 s10, $0x1;
	s10 =	sld [smem:$0x3FA6];
	_ =	sdelay $0x3  }
0x37: {  	[smem:$0x3FA6] =	sst s10  }
0x38: {  	s10 =	sld [smem:$0x3FA7]  }
0x39: {  	_ = 	snop;
	(pc) =	sbr.ind lr, $3  }
0x3a: {  	_ = 	snop  }
0x3b: {  	_ = 	snop  }
0x3c: {  	p2 =	seq.s32 s10, $0x1;
	s10 =	sld [smem:$0x3FA6]  }
0x3d: {  	_ =	shalt  }
0x3e: {  	_ =	shalt  }
0x3f: {  	_ =	shalt  }
0x40: {  	_ =	shalt  }
0x41: {  	_ =	shalt  }
0x42: {  	_ =	shalt  }
0x43: {  	_ =	shalt  }
0x44: {  	_ =	shalt  }
0x45: {  	_ =	shalt  }
0x46: {  	_ =	shalt  }
0x47: {  	_ =	shalt  }
0x48: {  	_ =	shalt  }
0x49: {  	_ =	shalt  }
0x4a: {  	_ =	shalt  }
0x4b: {  	_ =	shalt  }
0x4c: {  	_ =	shalt  }
0x4d: {  	_ =	shalt  }
0x4e: {  	_ =	shalt  }
0x4f: {  	_ =	shalt  }
0x50: {  	_ =	shalt  }
0x51: {  	_ =	shalt  }
0x52: {  	_ =	shalt  }
0x53: {  	_ =	shalt  }
0x54: {  	_ =	shalt  }
0x55: {  	_ =	shalt  }
0x56: {  	_ =	shalt  }
0x57: {  	_ =	shalt  }
0x58: {  	_ =	shalt  }
0x59: {  	_ =	shalt  }
0x5a: {  	_ =	shalt  }
0x5b: {  	_ =	shalt  }
0x5c: {  	_ =	shalt  }
0x5d: {  	_ =	shalt  }
0x5e: {  	_ =	shalt  }
0x5f: {  	_ =	shalt  }
0x60: {  	_ =	shalt  }
0x61: {  	_ =	shalt  }
0x62: {  	_ =	shalt  }
0x63: {  	_ =	shalt  }
0x64: {  	_ =	shalt  }
0x65: {  	_ =	shalt  }
0x66: {  	_ =	shalt  }
0x67: {  	_ =	shalt  }
0x68: {  	_ =	shalt  }
0x69: {  	_ =	shalt  }
0x6a: {  	_ =	shalt  }
0x6b: {  	_ =	shalt  }
0x6c: {  	_ =	shalt  }
0x6d: {  	_ =	shalt  }
0x6e: {  	_ =	shalt  }
0x6f: {  	_ =	shalt  }
0x70: {  	_ =	shalt  }
0x71: {  	_ =	shalt  }
0x72: {  	_ =	shalt  }
0x73: {  	_ =	shalt  }
0x74: {  	_ =	shalt  }
0x75: {  	_ =	shalt  }
0x76: {  	_ =	shalt  }
0x77: {  	_ =	shalt  }
0x78: {  	_ =	shalt  }
0x79: {  	_ =	shalt  }
0x7a: {  	_ =	shalt  }
0x7b: {  	_ =	shalt  }
0x7c: {  	_ =	shalt  }
0x7d: {  	_ =	shalt  }
0x7e: {  	_ =	shalt  }
0x7f: {  	_ =	shalt  }
0x80: {  	_ =	shalt  }
0x81: {  	_ =	shalt  }
0x82: {  	_ =	shalt  }
0x83: {  	_ =	shalt  }
0x84: {  	_ =	shalt  }
0x85: {  	_ =	shalt  }
0x86: {  	_ =	shalt  }
0x87: {  	_ =	shalt  }
.Lfunc_end0:
.L_simem_size_0:
called_computation.1_lowered:
.L_overlay_start_0:
0x88: {  	s2 =	sld [smem:$0x3FD9]  }
0x89: {  	s3 =	sld [smem:$0x3FFE];
	_ =	sdelay $0x1  }
0x8a: {  	s1 =	srdreg.scid  }
0x8b: {  	s0 =	sand.u32 $0x1, s1  }
0x8c: {  	s16 =	sshll.u32 s0, $0xA;
	s2 =	sadd.s32 s3, s2  }
0x8d: {  	s2 =	sadd.s32 s2, s16  }
0x8e: {  	[smem:$0x3FB2] =	sst s2  }
0x8f: {  	_ = 	snop  }
0x90: {  	(tm) =	ssettm $0x1  }
0x91: {  	s17 =	sld [smem:$0x3FFB];
	_ =	sdelay $0x3  }
0x92: {  	_ =	strace s17  }
0x93: {  	s2 =	sld [smem:$0x3FFC];
	_ =	sdelay $0x3  }
0x94: {  	_ =	strace s2  }
0x95: {  	s2 =	sld [smem:$0x3FFD];
	_ =	sdelay $0x3  }
0x96: {  	_ =	strace s2  }
0x97: {  	_ =	strace $0x8FFFFFFF  }
0x98: {  	s18 =	sld [smem:$0x3FDB];
	_ =	sdelay $0x1  }
0x99: {  	s19 =	simm.s32 $_scs_section_size  }
0x9a: {  	s4 =	simm.s32 $_size__tile_overlayer_lowered;
	s5 =	simm.s32 $_tile_overlayer_lowered  }
0x9b: {  	s22 =	simm.s32 $0x1BFF;
	s21 =	sshll.u32 s5, $0x1;
	s2 =	sadd.s32 s19, s18  }
0x9c: {  	s6 =	simm.s32 $0x0;
	s20 =	sshll.u32 s4, $0x1;
	s4 =	sadd.s32 s21, s2  }
0x9d: {  	[timem:s6], [sflag:s22] =	dma.local [hbm:s4], s20  }
0x9e: {  	_ =	swait.ge [sflag:s22], s20  }
0x9f: {  	s3 =	ssub.s32 $0x0, s20;
	[sflag:s22] =	ssyncset.done $0x0  }
0xa0: {  	[sflag:s22] =	ssyncadd.s32 s3;
	_ =	sdelay $0x1  }
0xa1: {  	s23 =	simm.s32 $0x1B8B  }
0xa2: {  	_ =	swait.ge [sflag:s23], $0x1  }
0xa3: {  	[sflag:s23] =	ssyncset.done $0x0  }
0xa4: {  	s25 =	simm.s32 $0x1B8E;
	s24 =	sld [smem:$0x3FFE];
	[sflag:s23] =	ssyncadd.s32 $0xFFFFFFFF  }
0xa5: {  	s26 =	simm.s32 $execute0_lowered;
	[smem:$0x3FD2] =	sst s25  }
0xa6: {  	s4 =	sshll.u32 s26, $0x1;
	_ =	strace $0x80000046;
	[dreg:$0x1] =	wrdreg $0xFFFFFFFF  }
0xa7: {  	s28 =	simm.s32 $_size_execute0_lowered;
	s2 =	sadd.s32 s2, s4;
	[dreg:$0x0] =	wrdreg $0x0  }
0xa8: {  	s4 =	sshll.u32 s28, $0x1;
	[dreg:$0x2] =	wrdreg s2  }
0xa9: {  	[dreg:$0x3] =	wrdreg s4  }
0xaa: {  	[dreg:$0x4] =	wrdreg $0xC0  }
0xab: {  	_ =	task [dreg:s6], $0x5FFFF  }
0xac: {  	[dreg:$0x1] =	wrdreg $0xFFFFFFFF  }
0xad: {  	[dreg:$0x0] =	wrdreg $0x60  }
0xae: {  	[dreg:$0x2] =	wrdreg s24  }
0xaf: {  	[dreg:$0x3] =	wrdreg $0xA  }
0xb0: {  	_ =	task.clear_ibuf [dreg:s6], $0x4FFFF;
	_ =	strace $0x90000046  }
0xb1: {  	s29 =	simm.s32 $0xA;
	_ =	strace $0x80000048  }
0xb2: {  	_ =	swait.ge [sflag:s29], $0x1  }
0xb3: {  	[sflag:s29] =	ssyncadd.s32 $0xFFFFFFFF  }
0xb4: {  	_ =	strace $0x90000048  }
0xb5: {  	_ =	sfence  }
0xb6: {  	s30 =	sld [smem:$0x0];
	_ =	sdelay $0x2  }
0xb7: {  	s31 =	sshll.u32 s1, $0xD;
	s1 =	sshrl.u32 s1, $0x2  }
0xb8: {  	s3 =	sand.u32 $0x4000, s31;
	s1 =	sadd.s32 s1, s30  }
0xb9: {  	s0 =	sor.u32 s3, s0;
	s1 =	sshll.u32 s1, $0x11  }
0xba: {  	s0 =	sor.u32 s1, s0  }
0xbb: {  	s0 =	sadd.s32 $0x8F2B, s0  }
0xbc: {  	[sflag:s0] =	ssyncadd.remote.s32 $0x1  }
0xbd: {  	_ =	sfence.sel $0xFFFF  }
0xbe: {  	[dreg:$0x0] =	wrdreg $0xFFFFFFFF;
	(pc) =	sbr.abs _section_cstart, $3  }
0xbf: {  	[dreg:$0x1] =	wrdreg $0xFFFFFFFF  }
0xc0: {  	_ =	task.clear_ibuf [dreg:s6], $0x2FFFF;
	_ =	strace $0x9FFFFFFF  }
0xc1: {  	(tm) =	ssettm $0x7FFFFFFF  }
tec
execute0_lowered:
.L_overlay_start_1:
0x0: {  	(tag) =	ssettag $0x1  }
0x1: {  	v0 =	vlaneseq.u32  }
0x2: {  	v2 =	vor.u32 $0x10, v0  }
0x3: {  	[tilespmem:$0x1FE00] =	vst v2;
	v2 =	vor.u32 $0x20, v0  }
0x4: {  	[tilespmem:$0x1FE10] =	vst v2;
	v2 =	vor.u32 $0x30, v0  }
0x5: {  	[tilespmem:$0x1FE20] =	vst v2;
	v2 =	vor.u32 $0x40, v0  }
0x6: {  	[tilespmem:$0x1FE30] =	vst v2;
	v2 =	vor.u32 $0x50, v0  }
0x7: {  	[tilespmem:$0x1FE40] =	vst v2;
	v2 =	vor.u32 $0x60, v0  }
0x8: {  	[tilespmem:$0x1FE50] =	vst v2;
	v2 =	vor.u32 $0x70, v0  }
0x9: {  	[tilespmem:$0x1FE60] =	vst v2;
	v2 =	vor.u32 $0x80, v0  }
0xa: {  	[tilespmem:$0x1FE70] =	vst v2;
	v2 =	vor.u32 $0x90, v0  }
0xb: {  	[tilespmem:$0x1FE80] =	vst v2;
	v2 =	vor.u32 $0xA0, v0  }
0xc: {  	[tilespmem:$0x1FE90] =	vst v2;
	v2 =	vor.u32 $0xB0, v0  }
0xd: {  	[tilespmem:$0x1FEA0] =	vst v2;
	v2 =	vor.u32 $0xC0, v0  }
0xe: {  	[tilespmem:$0x1FEB0] =	vst v2;
	v2 =	vor.u32 $0xD0, v0  }
0xf: {  	[tilespmem:$0x1FEC0] =	vst v2;
	v2 =	vor.u32 $0xE0, v0  }
0x10: {  	[tilespmem:$0x1FED0] =	vst v2;
	v2 =	vor.u32 $0xF0, v0  }
0x11: {  	[tilespmem:$0x1FEE0] =	vst v2;
	v2 =	vor.u32 $0x100, v0  }
0x12: {  	[tilespmem:$0x1FEF0] =	vst v2;
	v2 =	vor.u32 $0x110, v0  }
0x13: {  	[tilespmem:$0x1FF00] =	vst v2;
	v2 =	vor.u32 $0x120, v0  }
0x14: {  	v3 =	vimm.f32 $3.000000010e+38;
	[tilespmem:$0x1FF10] =	vst v2;
	v2 =	vor.u32 $0x130, v0  }
0x15: {  	v34 =	vor.u32 $0x210, v0;
	v35 =	vor.u32 $0x220, v0;
	[tilespmem:$0x1FF20] =	vst v2;
	v2 =	vor.u32 $0x140, v0  }
0x16: {  	v36 =	vor.u32 $0x230, v0;
	v37 =	vor.u32 $0x240, v0;
	[tilespmem:$0x1FF30] =	vst v2;
	v2 =	vor.u32 $0x150, v0  }
0x17: {  	v38 =	vor.u32 $0x250, v0;
	v39 =	vor.u32 $0x260, v0;
	[tilespmem:$0x1FF40] =	vst v2;
	v2 =	vor.u32 $0x160, v0  }
0x18: {  	v40 =	vor.u32 $0x270, v0;
	v41 =	vor.u32 $0x280, v0;
	[tilespmem:$0x1FF50] =	vst v2;
	v2 =	vor.u32 $0x170, v0  }
0x19: {  	v42 =	vor.u32 $0x290, v0;
	v43 =	vor.u32 $0x2A0, v0;
	[tilespmem:$0x1FF60] =	vst v2;
	v2 =	vor.u32 $0x180, v0  }
0x1a: {  	s0 =	stileid.u32;
	s6 =	rddreg [dreg:$0x0];
	v44 =	vor.u32 $0x2B0, v0;
	v45 =	vor.u32 $0x2C0, v0;
	[tilespmem:$0x1FF70] =	vst v2;
	v2 =	vor.u32 $0x190, v0  }
0x1b: {  	s2 =	simm.s32 $0x0;
	s3 =	srdreg.scid;
	s11 =	simm.s32 $0x2;
	v46 =	vor.u32 $0x2D0, v0;
	v47 =	vor.u32 $0x2E0, v0;
	[tilespmem:$0x1FF80] =	vst v2;
	v2 =	vor.u32 $0x1A0, v0  }
0x1c: {  	s12 =	simm.s32 $0x800;
	s13 =	simm.s32 $0x20;
	s14 =	simm.s32 $0x880;
	v48 =	vor.u32 $0x2F0, v0;
	v49 =	vor.u32 $0x300, v0;
	[tilespmem:$0x1FF90] =	vst v2;
	v2 =	vor.u32 $0x1B0, v0  }
0x1d: {  	s15 =	simm.s32 $0x900;
	s16 =	simm.s32 $0x1;
	s17 =	simm.s32 $0x0;
	v50 =	vor.u32 $0x310, v0;
	v51 =	vor.u32 $0x320, v0;
	[tilespmem:$0x1FFA0] =	vst v2;
	v2 =	vor.u32 $0x1C0, v0  }
0x1e: {  	[smem:$0x7FF] =	sst s2;
	s8 =	sand.u32 $0x1, s3;
	s3 =	sadd.s32 $0xDC00, s6;
	v52 =	vor.u32 $0x330, v0;
	v53 =	vor.u32 $0x340, v0;
	[tilespmem:$0x1FFB0] =	vst v2;
	v2 =	vor.u32 $0x1D0, v0  }
0x1f: {  	s7 =	sshll.u32 s0, $0x7;
	s4 =	sadd.s32 $0x5C00, s6;
	s5 =	sadd.s32 $0x4DC00, s6;
	v54 =	vor.u32 $0x350, v0;
	v55 =	vor.u32 $0x360, v0;
	[tilespmem:$0x1FFC0] =	vst v2;
	v2 =	vor.u32 $0x1E0, v0  }
0x20: {  	s6 =	sadd.s32 $0x55C00, s6;
	v56 =	vor.u32 $0x370, v0;
	v57 =	vor.u32 $0x380, v0;
	s1 =	sand.u32 $0x400, s7;
	s9 =	ssub.s32 $0x2, s8;
	[tilespmem:$0x1FFD0] =	vst v2;
	v2 =	vor.u32 $0x1F0, v0  }
0x21: {  	v58 =	vor.u32 $0x390, v0;
	s8 =	sshll.u32 s8, $0x6;
	v1 =	vmov s1;
	s1 =	rddreg [dreg:$0x1];
	s10 =	sshrl.u32 s9, $0x1;
	[tilespmem:$0x1FFE0] =	vst v2;
	v2 =	vor.u32 $0x200, v0  }
0x22: {  	v59 =	vor.u32 $0x3A0, v0;
	v60 =	vor.u32 $0x3B0, v0;
	v61 =	vor.u32 $0x3C0, v0;
	s7 =	sor.u32 s7, s8;
	s9 =	ssub.s32 s9, s10;
	s10 =	simm.s32 $0x400;
	[tilespmem:$0x1FFF0] =	vst v2  }
0x23: {  	v62 =	vor.u32 $0x3D0, v0;
	v63 =	vor.u32 $0x3E0, v0;
	s8 =	smax.u32 s9, $0x1;
	s9 =	simm.s32 $0x80;
	v2 =	vimm.s32 $0x0;
	_ =	strace $0x80000047  }
.LBB2_1:
0x24: {  	s18 =	simm.s32 $0x0  }
.LBB2_2:
0x25: {  	s19 =	sshll.u32 s18, $0x1  }
0x26: {  	s20 =	sadd.s32 s7, s19  }
0x27: {  	s29 =	sshll.u32 s18, $0x8;
	s23 =	sshrl.u32 s20, $0x3  }
0x28: {  	s22 =	sand.u32 $0x300, s29;
	s25 =	sshll.u32 s23, $0xD  }
0x29: {  	s19 =	sor.u32 s22, s25  }
0x2a: {  	s21 =	sshrl.u32 s19, $0x3;
	s19 =	sor.u32 $0x1, s20  }
0x2b: {  	s24 =	simm.s32 $0x0;
	s21 =	sadd.s32 s3, s21;
	s30 =	sshll.u32 s19, $0x7  }
0x2c: {  	[tilespmem:s24], [sflag:$0x2] =	stream.strided.gather [hbm4b:s21+s9], $0x400, s10, s9, $0x38;
	[tilespmem:$0x1900] =	vst v63  }
0x2d: {  	s21 =	sand.u32 $0x380, s30  }
0x2e: {  	_ =	swait.ge [sflag:s11], $0x400;
	s25 =	sor.u32 s25, s21  }
0x2f: {  	[sflag:s11] =	ssyncset.done $0x0;
	s25 =	sshrl.u32 s25, $0x3  }
0x30: {  	[sflag:s11] =	ssyncadd.s32 $0xFFFFFC00;
	s25 =	sadd.s32 s3, s25  }
0x31: {  	[tilespmem:s10], [sflag:$0x2] =	stream.strided.gather [hbm4b:s25+s9], $0x400, s10, s9, $0x38;
	[tilespmem:$0x1900] =	vst v63  }
0x32: {  	_ =	swait.ge [sflag:s11], $0x400  }
0x33: {  	[sflag:s11] =	ssyncset.done $0x0  }
0x34: {  	[sflag:s11] =	ssyncadd.s32 $0xFFFFFC00  }
0x35: {  	v4 =	vld [tilespmem:$0x0]  }
0x36: {  	v7 =	vld [tilespmem:$0x400]  }
0x37: {  	v5 =	vld [tilespmem:$0x10]  }
0x38: {  	v9 =	vld [tilespmem:$0x410]  }
0x39: {  	v14 =	vld [tilespmem:$0x1FE00];
	_ =	sdelay $0x1  }
0x3a: {  	vm0 =	vlt.f32 v4, $3.000000010e+38;
	vm3 =	vlt.f32 v7, $3.000000010e+38  }
0x3b: {  	v6 =	vld [tilespmem:$0x20];
	v4 =	vnsel vm0, $0x7F61B1E6, v4;
	v11 =	vnsel vm0, $0x40000000, v0;
	v7 =	vnsel vm3, $0x7F61B1E6, v7  }
0x3c: {  	v10 =	vld [tilespmem:$0x420];
	v13 =	vnsel vm3, $0x40000000, v0;
	vm1 =	vlt.f32 v5, v4;
	vm3 =	vlt.f32 v9, v7  }
0x3d: {  	v11 =	vsel vm1, v14, v11;
	v13 =	vsel vm3, v14, v13;
	v14 =	vld [tilespmem:$0x1FE10];
	_ =	sdelay $0x2  }
0x3e: {  	v8 =	vld [tilespmem:$0x30];
	v4 =	vsel vm1, v5, v4;
	v7 =	vsel vm3, v9, v7  }
0x3f: {  	v12 =	vld [tilespmem:$0x430];
	vm2 =	vlt.f32 v6, v4;
	vm3 =	vlt.f32 v10, v7  }
0x40: {  	v11 =	vsel vm2, v14, v11;
	v13 =	vsel vm3, v14, v13;
	v14 =	vld [tilespmem:$0x1FE20];
	_ =	sdelay $0x2  }
0x41: {  	v5 =	vld [tilespmem:$0x40];
	v4 =	vsel vm2, v6, v4;
	v7 =	vsel vm3, v10, v7  }
0x42: {  	v9 =	vld [tilespmem:$0x440];
	vm0 =	vlt.f32 v8, v4;
	vm3 =	vlt.f32 v12, v7  }
0x43: {  	v11 =	vsel vm0, v14, v11;
	v13 =	vsel vm3, v14, v13;
	v14 =	vld [tilespmem:$0x1FE30];
	_ =	sdelay $0x2  }
0x44: {  	v6 =	vld [tilespmem:$0x50];
	v4 =	vsel vm0, v8, v4;
	v7 =	vsel vm3, v12, v7  }
0x45: {  	v10 =	vld [tilespmem:$0x450];
	vm1 =	vlt.f32 v5, v4;
	vm3 =	vlt.f32 v9, v7  }
0x46: {  	v11 =	vsel vm1, v14, v11;
	v13 =	vsel vm3, v14, v13;
	v14 =	vld [tilespmem:$0x1FE40];
	_ =	sdelay $0x2  }
0x47: {  	v8 =	vld [tilespmem:$0x60];
	v4 =	vsel vm1, v5, v4;
	v7 =	vsel vm3, v9, v7  }
0x48: {  	v12 =	vld [tilespmem:$0x460];
	vm2 =	vlt.f32 v6, v4;
	vm3 =	vlt.f32 v10, v7  }
0x49: {  	v11 =	vsel vm2, v14, v11;
	v13 =	vsel vm3, v14, v13;
	v14 =	vld [tilespmem:$0x1FE50];
	_ =	sdelay $0x2  }
0x4a: {  	v5 =	vld [tilespmem:$0x70];
	v4 =	vsel vm2, v6, v4;
	v7 =	vsel vm3, v10, v7  }
0x4b: {  	vm0 =	vlt.f32 v8, v4;
	v9 =	vld [tilespmem:$0x470];
	vm3 =	vlt.f32 v12, v7  }
0x4c: {  	v11 =	vsel vm0, v14, v11;
	v13 =	vsel vm3, v14, v13;
	v14 =	vld [tilespmem:$0x1FE60];
	_ =	sdelay $0x2  }
0x4d: {  	v6 =	vld [tilespmem:$0x80];
	v4 =	vsel vm0, v8, v4;
	v7 =	vsel vm3, v12, v7  }
0x4e: {  	vm1 =	vlt.f32 v5, v4;
	v10 =	vld [tilespmem:$0x480];
	vm3 =	vlt.f32 v9, v7  }
0x4f: {  	v11 =	vsel vm1, v14, v11;
	v13 =	vsel vm3, v14, v13;
	v14 =	vld [tilespmem:$0x1FE70];
	_ =	sdelay $0x2  }
0x50: {  	v8 =	vld [tilespmem:$0x90];
	v4 =	vsel vm1, v5, v4;
	v7 =	vsel vm3, v9, v7  }
0x51: {  	vm2 =	vlt.f32 v6, v4;
	v12 =	vld [tilespmem:$0x490];
	vm3 =	vlt.f32 v10, v7  }
0x52: {  	v11 =	vsel vm2, v14, v11;
	v13 =	vsel vm3, v14, v13;
	v14 =	vld [tilespmem:$0x1FE80];
	_ =	sdelay $0x2  }
0x53: {  	v5 =	vld [tilespmem:$0xA0];
	v4 =	vsel vm2, v6, v4;
	v7 =	vsel vm3, v10, v7  }
0x54: {  	vm0 =	vlt.f32 v8, v4;
	v9 =	vld [tilespmem:$0x4A0];
	vm3 =	vlt.f32 v12, v7  }
0x55: {  	v11 =	vsel vm0, v14, v11;
	v13 =	vsel vm3, v14, v13;
	v14 =	vld [tilespmem:$0x1FE90];
	_ =	sdelay $0x2  }
0x56: {  	v6 =	vld [tilespmem:$0xB0];
	v4 =	vsel vm0, v8, v4;
	v7 =	vsel vm3, v12, v7  }
0x57: {  	vm1 =	vlt.f32 v5, v4;
	v10 =	vld [tilespmem:$0x4B0];
	vm3 =	vlt.f32 v9, v7  }
0x58: {  	v11 =	vsel vm1, v14, v11;
	v13 =	vsel vm3, v14, v13;
	v14 =	vld [tilespmem:$0x1FEA0];
	_ =	sdelay $0x2  }
0x59: {  	v8 =	vld [tilespmem:$0xC0];
	v4 =	vsel vm1, v5, v4;
	v7 =	vsel vm3, v9, v7  }
0x5a: {  	vm2 =	vlt.f32 v6, v4;
	v12 =	vld [tilespmem:$0x4C0];
	vm3 =	vlt.f32 v10, v7  }
0x5b: {  	v11 =	vsel vm2, v14, v11;
	v13 =	vsel vm3, v14, v13;
	v14 =	vld [tilespmem:$0x1FEB0];
	_ =	sdelay $0x2  }
0x5c: {  	v5 =	vld [tilespmem:$0xD0];
	v4 =	vsel vm2, v6, v4;
	v7 =	vsel vm3, v10, v7  }
0x5d: {  	vm0 =	vlt.f32 v8, v4;
	v9 =	vld [tilespmem:$0x4D0];
	vm3 =	vlt.f32 v12, v7  }
0x5e: {  	v11 =	vsel vm0, v14, v11;
	v13 =	vsel vm3, v14, v13;
	v14 =	vld [tilespmem:$0x1FEC0];
	_ =	sdelay $0x2  }
0x5f: {  	v6 =	vld [tilespmem:$0xE0];
	v4 =	vsel vm0, v8, v4;
	v7 =	vsel vm3, v12, v7  }
0x60: {  	vm1 =	vlt.f32 v5, v4;
	v10 =	vld [tilespmem:$0x4E0];
	vm3 =	vlt.f32 v9, v7  }
0x61: {  	v11 =	vsel vm1, v14, v11;
	v13 =	vsel vm3, v14, v13;
	v14 =	vld [tilespmem:$0x1FED0];
	_ =	sdelay $0x2  }
0x62: {  	v8 =	vld [tilespmem:$0xF0];
	v4 =	vsel vm1, v5, v4;
	v7 =	vsel vm3, v9, v7  }
0x63: {  	vm2 =	vlt.f32 v6, v4;
	v12 =	vld [tilespmem:$0x4F0];
	vm3 =	vlt.f32 v10, v7  }
0x64: {  	v11 =	vsel vm2, v14, v11;
	v13 =	vsel vm3, v14, v13;
	v14 =	vld [tilespmem:$0x1FEE0];
	_ =	sdelay $0x2  }
0x65: {  	v5 =	vld [tilespmem:$0x100];
	v4 =	vsel vm2, v6, v4;
	v7 =	vsel vm3, v10, v7  }
0x66: {  	vm0 =	vlt.f32 v8, v4;
	v9 =	vld [tilespmem:$0x500];
	vm3 =	vlt.f32 v12, v7  }
0x67: {  	v11 =	vsel vm0, v14, v11;
	v13 =	vsel vm3, v14, v13;
	v14 =	vld [tilespmem:$0x1FEF0];
	_ =	sdelay $0x2  }
0x68: {  	v6 =	vld [tilespmem:$0x110];
	v4 =	vsel vm0, v8, v4;
	v7 =	vsel vm3, v12, v7  }
0x69: {  	vm1 =	vlt.f32 v5, v4;
	v10 =	vld [tilespmem:$0x510];
	vm3 =	vlt.f32 v9, v7  }
0x6a: {  	v11 =	vsel vm1, v14, v11;
	v13 =	vsel vm3, v14, v13;
	v14 =	vld [tilespmem:$0x1FF00];
	_ =	sdelay $0x2  }
0x6b: {  	v8 =	vld [tilespmem:$0x120];
	v4 =	vsel vm1, v5, v4;
	v7 =	vsel vm3, v9, v7  }
0x6c: {  	vm2 =	vlt.f32 v6, v4;
	v12 =	vld [tilespmem:$0x520];
	vm3 =	vlt.f32 v10, v7  }
0x6d: {  	v11 =	vsel vm2, v14, v11;
	v13 =	vsel vm3, v14, v13;
	v14 =	vld [tilespmem:$0x1FF10];
	_ =	sdelay $0x2  }
0x6e: {  	v5 =	vld [tilespmem:$0x130];
	v4 =	vsel vm2, v6, v4;
	v7 =	vsel vm3, v10, v7  }
0x6f: {  	vm0 =	vlt.f32 v8, v4;
	v9 =	vld [tilespmem:$0x530];
	vm3 =	vlt.f32 v12, v7  }
0x70: {  	v11 =	vsel vm0, v14, v11;
	v13 =	vsel vm3, v14, v13;
	v14 =	vld [tilespmem:$0x1FF20];
	_ =	sdelay $0x2  }
0x71: {  	v6 =	vld [tilespmem:$0x140];
	v4 =	vsel vm0, v8, v4;
	v7 =	vsel vm3, v12, v7  }
0x72: {  	vm1 =	vlt.f32 v5, v4;
	v10 =	vld [tilespmem:$0x540];
	vm3 =	vlt.f32 v9, v7  }
0x73: {  	v11 =	vsel vm1, v14, v11;
	v13 =	vsel vm3, v14, v13;
	v14 =	vld [tilespmem:$0x1FF30];
	_ =	sdelay $0x2  }
0x74: {  	v8 =	vld [tilespmem:$0x150];
	v4 =	vsel vm1, v5, v4;
	v7 =	vsel vm3, v9, v7  }
0x75: {  	vm2 =	vlt.f32 v6, v4;
	v12 =	vld [tilespmem:$0x550];
	vm3 =	vlt.f32 v10, v7  }
0x76: {  	v11 =	vsel vm2, v14, v11;
	v13 =	vsel vm3, v14, v13;
	v14 =	vld [tilespmem:$0x1FF40];
	_ =	sdelay $0x2  }
0x77: {  	v5 =	vld [tilespmem:$0x160];
	v4 =	vsel vm2, v6, v4;
	v7 =	vsel vm3, v10, v7  }
0x78: {  	vm0 =	vlt.f32 v8, v4;
	v9 =	vld [tilespmem:$0x560];
	vm3 =	vlt.f32 v12, v7  }
0x79: {  	v11 =	vsel vm0, v14, v11;
	v13 =	vsel vm3, v14, v13;
	v14 =	vld [tilespmem:$0x1FF50];
	_ =	sdelay $0x2  }
0x7a: {  	v6 =	vld [tilespmem:$0x170];
	v4 =	vsel vm0, v8, v4;
	v7 =	vsel vm3, v12, v7  }
0x7b: {  	vm1 =	vlt.f32 v5, v4;
	v10 =	vld [tilespmem:$0x570];
	vm3 =	vlt.f32 v9, v7  }
0x7c: {  	v11 =	vsel vm1, v14, v11;
	v13 =	vsel vm3, v14, v13;
	v14 =	vld [tilespmem:$0x1FF60];
	_ =	sdelay $0x2  }
0x7d: {  	v8 =	vld [tilespmem:$0x180];
	v4 =	vsel vm1, v5, v4;
	v7 =	vsel vm3, v9, v7  }
0x7e: {  	vm2 =	vlt.f32 v6, v4;
	v12 =	vld [tilespmem:$0x580];
	vm3 =	vlt.f32 v10, v7  }
0x7f: {  	v11 =	vsel vm2, v14, v11;
	v13 =	vsel vm3, v14, v13;
	v14 =	vld [tilespmem:$0x1FF70];
	_ =	sdelay $0x2  }
0x80: {  	v5 =	vld [tilespmem:$0x190];
	v4 =	vsel vm2, v6, v4;
	v7 =	vsel vm3, v10, v7  }
0x81: {  	vm0 =	vlt.f32 v8, v4;
	v9 =	vld [tilespmem:$0x590];
	vm3 =	vlt.f32 v12, v7  }
0x82: {  	v11 =	vsel vm0, v14, v11;
	v13 =	vsel vm3, v14, v13;
	v14 =	vld [tilespmem:$0x1FF80];
	_ =	sdelay $0x2  }
0x83: {  	v6 =	vld [tilespmem:$0x1A0];
	v4 =	vsel vm0, v8, v4;
	v7 =	vsel vm3, v12, v7  }
0x84: {  	vm1 =	vlt.f32 v5, v4;
	v10 =	vld [tilespmem:$0x5A0];
	vm3 =	vlt.f32 v9, v7  }
0x85: {  	v11 =	vsel vm1, v14, v11;
	v13 =	vsel vm3, v14, v13;
	v14 =	vld [tilespmem:$0x1FF90];
	_ =	sdelay $0x2  }
0x86: {  	v8 =	vld [tilespmem:$0x1B0];
	v4 =	vsel vm1, v5, v4;
	v7 =	vsel vm3, v9, v7  }
0x87: {  	vm2 =	vlt.f32 v6, v4;
	v12 =	vld [tilespmem:$0x5B0];
	vm3 =	vlt.f32 v10, v7  }
0x88: {  	v11 =	vsel vm2, v14, v11;
	v13 =	vsel vm3, v14, v13;
	v14 =	vld [tilespmem:$0x1FFA0];
	_ =	sdelay $0x2  }
0x89: {  	v5 =	vld [tilespmem:$0x1C0];
	v4 =	vsel vm2, v6, v4;
	v7 =	vsel vm3, v10, v7  }
0x8a: {  	vm0 =	vlt.f32 v8, v4;
	v9 =	vld [tilespmem:$0x5C0];
	vm3 =	vlt.f32 v12, v7  }
0x8b: {  	v11 =	vsel vm0, v14, v11;
	v13 =	vsel vm3, v14, v13;
	v14 =	vld [tilespmem:$0x1FFB0];
	_ =	sdelay $0x2  }
0x8c: {  	v6 =	vld [tilespmem:$0x1D0];
	v4 =	vsel vm0, v8, v4;
	v7 =	vsel vm3, v12, v7  }
0x8d: {  	vm1 =	vlt.f32 v5, v4;
	v10 =	vld [tilespmem:$0x5D0];
	vm3 =	vlt.f32 v9, v7  }
0x8e: {  	v11 =	vsel vm1, v14, v11;
	v13 =	vsel vm3, v14, v13;
	v14 =	vld [tilespmem:$0x1FFC0];
	_ =	sdelay $0x2  }
0x8f: {  	v8 =	vld [tilespmem:$0x1E0];
	v4 =	vsel vm1, v5, v4;
	v7 =	vsel vm3, v9, v7  }
0x90: {  	vm2 =	vlt.f32 v6, v4;
	v12 =	vld [tilespmem:$0x5E0];
	vm3 =	vlt.f32 v10, v7  }
0x91: {  	v11 =	vsel vm2, v14, v11;
	v13 =	vsel vm3, v14, v13;
	v14 =	vld [tilespmem:$0x1FFD0]  }
0x92: {  	v5 =	vld [tilespmem:$0x1F0];
	_ =	sdelay $0x1  }
0x93: {  	v4 =	vsel vm2, v6, v4;
	v6 =	vld [tilespmem:$0x200];
	v7 =	vsel vm3, v10, v7  }
0x94: {  	vm0 =	vlt.f32 v8, v4;
	v9 =	vld [tilespmem:$0x5F0];
	vm3 =	vlt.f32 v12, v7  }
0x95: {  	v4 =	vsel vm0, v8, v4;
	v11 =	vsel vm0, v14, v11;
	v13 =	vsel vm3, v14, v13;
	v14 =	vld [tilespmem:$0x1FFE0]  }
0x96: {  	v8 =	vld [tilespmem:$0x210];
	vm1 =	vlt.f32 v5, v4  }
0x97: {  	v4 =	vsel vm1, v5, v4;
	v5 =	vld [tilespmem:$0x220]  }
0x98: {  	v10 =	vld [tilespmem:$0x600];
	vm2 =	vlt.f32 v6, v4;
	v7 =	vsel vm3, v12, v7  }
0x99: {  	v4 =	vsel vm2, v6, v4;
	v6 =	vld [tilespmem:$0x230];
	vm3 =	vlt.f32 v9, v7  }
0x9a: {  	v11 =	vsel vm1, v14, v11;
	v13 =	vsel vm3, v14, v13;
	v14 =	vld [tilespmem:$0x1FFF0]  }
0x9b: {  	v12 =	vld [tilespmem:$0x610];
	vm0 =	vlt.f32 v8, v4  }
0x9c: {  	v4 =	vsel vm0, v8, v4;
	v8 =	vld [tilespmem:$0x240]  }
0x9d: {  	v7 =	vsel vm3, v9, v7;
	v9 =	vld [tilespmem:$0x620];
	vm1 =	vlt.f32 v5, v4  }
0x9e: {  	vm3 =	vlt.f32 v10, v7;
	v4 =	vsel vm1, v5, v4;
	v5 =	vld [tilespmem:$0x250]  }
0x9f: {  	v7 =	vsel vm3, v10, v7;
	v10 =	vld [tilespmem:$0x630];
	v11 =	vsel vm2, v14, v11;
	vm2 =	vlt.f32 v6, v4  }
0xa0: {  	v13 =	vsel vm3, v14, v13;
	vm3 =	vlt.f32 v12, v7;
	v4 =	vsel vm2, v6, v4;
	v6 =	vld [tilespmem:$0x260]  }
0xa1: {  	v11 =	vsel vm0, v34, v11;
	v7 =	vsel vm3, v12, v7;
	v12 =	vld [tilespmem:$0x640];
	vm0 =	vlt.f32 v8, v4  }
0xa2: {  	v13 =	vsel vm3, v34, v13;
	vm3 =	vlt.f32 v9, v7;
	v4 =	vsel vm0, v8, v4;
	v8 =	vld [tilespmem:$0x270]  }
0xa3: {  	v11 =	vsel vm1, v35, v11;
	v7 =	vsel vm3, v9, v7;
	v9 =	vld [tilespmem:$0x650];
	vm1 =	vlt.f32 v5, v4  }
0xa4: {  	v13 =	vsel vm3, v35, v13;
	vm3 =	vlt.f32 v10, v7;
	v4 =	vsel vm1, v5, v4;
	v5 =	vld [tilespmem:$0x280]  }
0xa5: {  	v11 =	vsel vm2, v36, v11;
	v7 =	vsel vm3, v10, v7;
	v10 =	vld [tilespmem:$0x660];
	vm2 =	vlt.f32 v6, v4  }
0xa6: {  	v13 =	vsel vm3, v36, v13;
	vm3 =	vlt.f32 v12, v7;
	v4 =	vsel vm2, v6, v4;
	v6 =	vld [tilespmem:$0x290]  }
0xa7: {  	v11 =	vsel vm0, v37, v11;
	v7 =	vsel vm3, v12, v7;
	v12 =	vld [tilespmem:$0x670];
	vm0 =	vlt.f32 v8, v4  }
0xa8: {  	v13 =	vsel vm3, v37, v13;
	vm3 =	vlt.f32 v9, v7;
	v4 =	vsel vm0, v8, v4;
	v8 =	vld [tilespmem:$0x2A0]  }
0xa9: {  	v11 =	vsel vm1, v38, v11;
	v7 =	vsel vm3, v9, v7;
	v9 =	vld [tilespmem:$0x680];
	vm1 =	vlt.f32 v5, v4  }
0xaa: {  	v13 =	vsel vm3, v38, v13;
	vm3 =	vlt.f32 v10, v7;
	v4 =	vsel vm1, v5, v4;
	v5 =	vld [tilespmem:$0x2B0]  }
0xab: {  	v11 =	vsel vm2, v39, v11;
	v7 =	vsel vm3, v10, v7;
	v10 =	vld [tilespmem:$0x690];
	vm2 =	vlt.f32 v6, v4  }
0xac: {  	v13 =	vsel vm3, v39, v13;
	vm3 =	vlt.f32 v12, v7;
	v4 =	vsel vm2, v6, v4;
	v6 =	vld [tilespmem:$0x2C0]  }
0xad: {  	v11 =	vsel vm0, v40, v11;
	v7 =	vsel vm3, v12, v7;
	v12 =	vld [tilespmem:$0x6A0];
	vm0 =	vlt.f32 v8, v4  }
0xae: {  	v13 =	vsel vm3, v40, v13;
	vm3 =	vlt.f32 v9, v7;
	v4 =	vsel vm0, v8, v4;
	v8 =	vld [tilespmem:$0x2D0]  }
0xaf: {  	v11 =	vsel vm1, v41, v11;
	v7 =	vsel vm3, v9, v7;
	v9 =	vld [tilespmem:$0x6B0];
	vm1 =	vlt.f32 v5, v4  }
0xb0: {  	v13 =	vsel vm3, v41, v13;
	vm3 =	vlt.f32 v10, v7;
	v4 =	vsel vm1, v5, v4;
	v5 =	vld [tilespmem:$0x2E0]  }
0xb1: {  	v11 =	vsel vm2, v42, v11;
	v7 =	vsel vm3, v10, v7;
	v10 =	vld [tilespmem:$0x6C0];
	vm2 =	vlt.f32 v6, v4  }
0xb2: {  	v13 =	vsel vm3, v42, v13;
	vm3 =	vlt.f32 v12, v7;
	v4 =	vsel vm2, v6, v4;
	v6 =	vld [tilespmem:$0x2F0]  }
0xb3: {  	v11 =	vsel vm0, v43, v11;
	v7 =	vsel vm3, v12, v7;
	v12 =	vld [tilespmem:$0x6D0];
	vm0 =	vlt.f32 v8, v4  }
0xb4: {  	v13 =	vsel vm3, v43, v13;
	vm3 =	vlt.f32 v9, v7;
	v4 =	vsel vm0, v8, v4;
	v8 =	vld [tilespmem:$0x300]  }
0xb5: {  	v11 =	vsel vm1, v44, v11;
	v7 =	vsel vm3, v9, v7;
	v9 =	vld [tilespmem:$0x6E0];
	vm1 =	vlt.f32 v5, v4  }
0xb6: {  	v13 =	vsel vm3, v44, v13;
	vm3 =	vlt.f32 v10, v7;
	v4 =	vsel vm1, v5, v4;
	v5 =	vld [tilespmem:$0x310]  }
0xb7: {  	v11 =	vsel vm2, v45, v11;
	v7 =	vsel vm3, v10, v7;
	v10 =	vld [tilespmem:$0x6F0];
	vm2 =	vlt.f32 v6, v4  }
0xb8: {  	v13 =	vsel vm3, v45, v13;
	vm3 =	vlt.f32 v12, v7;
	v4 =	vsel vm2, v6, v4;
	v6 =	vld [tilespmem:$0x320]  }
0xb9: {  	v11 =	vsel vm0, v46, v11;
	v7 =	vsel vm3, v12, v7;
	v12 =	vld [tilespmem:$0x700];
	vm0 =	vlt.f32 v8, v4  }
0xba: {  	v13 =	vsel vm3, v46, v13;
	vm3 =	vlt.f32 v9, v7;
	v4 =	vsel vm0, v8, v4;
	v8 =	vld [tilespmem:$0x330]  }
0xbb: {  	v11 =	vsel vm1, v47, v11;
	v7 =	vsel vm3, v9, v7;
	v9 =	vld [tilespmem:$0x710];
	vm1 =	vlt.f32 v5, v4  }
0xbc: {  	v13 =	vsel vm3, v47, v13;
	vm3 =	vlt.f32 v10, v7;
	v4 =	vsel vm1, v5, v4;
	v5 =	vld [tilespmem:$0x340]  }
0xbd: {  	v11 =	vsel vm2, v48, v11;
	v7 =	vsel vm3, v10, v7;
	v10 =	vld [tilespmem:$0x720];
	vm2 =	vlt.f32 v6, v4  }
0xbe: {  	v13 =	vsel vm3, v48, v13;
	vm3 =	vlt.f32 v12, v7;
	v4 =	vsel vm2, v6, v4;
	v6 =	vld [tilespmem:$0x350]  }
0xbf: {  	v11 =	vsel vm0, v49, v11;
	v7 =	vsel vm3, v12, v7;
	v12 =	vld [tilespmem:$0x730];
	vm0 =	vlt.f32 v8, v4  }
0xc0: {  	v13 =	vsel vm3, v49, v13;
	vm3 =	vlt.f32 v9, v7;
	v4 =	vsel vm0, v8, v4;
	v8 =	vld [tilespmem:$0x360]  }
0xc1: {  	v11 =	vsel vm1, v50, v11;
	v7 =	vsel vm3, v9, v7;
	v9 =	vld [tilespmem:$0x740];
	vm1 =	vlt.f32 v5, v4  }
0xc2: {  	v13 =	vsel vm3, v50, v13;
	vm3 =	vlt.f32 v10, v7;
	v4 =	vsel vm1, v5, v4;
	v5 =	vld [tilespmem:$0x370]  }
0xc3: {  	v11 =	vsel vm2, v51, v11;
	v7 =	vsel vm3, v10, v7;
	v10 =	vld [tilespmem:$0x750];
	vm2 =	vlt.f32 v6, v4  }
0xc4: {  	v13 =	vsel vm3, v51, v13;
	vm3 =	vlt.f32 v12, v7;
	v4 =	vsel vm2, v6, v4;
	v6 =	vld [tilespmem:$0x380]  }
0xc5: {  	v11 =	vsel vm0, v52, v11;
	v7 =	vsel vm3, v12, v7;
	v12 =	vld [tilespmem:$0x760];
	vm0 =	vlt.f32 v8, v4  }
0xc6: {  	v13 =	vsel vm3, v52, v13;
	vm3 =	vlt.f32 v9, v7;
	v4 =	vsel vm0, v8, v4;
	v8 =	vld [tilespmem:$0x390]  }
0xc7: {  	v11 =	vsel vm1, v53, v11;
	v7 =	vsel vm3, v9, v7;
	v9 =	vld [tilespmem:$0x770];
	vm1 =	vlt.f32 v5, v4  }
0xc8: {  	v13 =	vsel vm3, v53, v13;
	vm3 =	vlt.f32 v10, v7;
	v4 =	vsel vm1, v5, v4;
	v5 =	vld [tilespmem:$0x3A0]  }
0xc9: {  	v11 =	vsel vm2, v54, v11;
	v7 =	vsel vm3, v10, v7;
	v10 =	vld [tilespmem:$0x780];
	vm2 =	vlt.f32 v6, v4  }
0xca: {  	v13 =	vsel vm3, v54, v13;
	vm3 =	vlt.f32 v12, v7;
	v4 =	vsel vm2, v6, v4;
	v6 =	vld [tilespmem:$0x3B0]  }
0xcb: {  	v11 =	vsel vm0, v55, v11;
	v7 =	vsel vm3, v12, v7;
	v12 =	vld [tilespmem:$0x790];
	vm0 =	vlt.f32 v8, v4  }
0xcc: {  	v13 =	vsel vm3, v55, v13;
	vm3 =	vlt.f32 v9, v7;
	v4 =	vsel vm0, v8, v4;
	v8 =	vld [tilespmem:$0x3C0]  }
0xcd: {  	v11 =	vsel vm1, v56, v11;
	v7 =	vsel vm3, v9, v7;
	v9 =	vld [tilespmem:$0x7A0];
	vm1 =	vlt.f32 v5, v4  }
0xce: {  	v13 =	vsel vm3, v56, v13;
	vm3 =	vlt.f32 v10, v7;
	v4 =	vsel vm1, v5, v4;
	v5 =	vld [tilespmem:$0x3D0]  }
0xcf: {  	v11 =	vsel vm2, v57, v11;
	v7 =	vsel vm3, v10, v7;
	v10 =	vld [tilespmem:$0x7B0];
	vm2 =	vlt.f32 v6, v4  }
0xd0: {  	v13 =	vsel vm3, v57, v13;
	vm3 =	vlt.f32 v12, v7;
	v4 =	vsel vm2, v6, v4;
	v6 =	vld [tilespmem:$0x3E0]  }
0xd1: {  	v11 =	vsel vm0, v58, v11;
	v7 =	vsel vm3, v12, v7;
	vm0 =	vlt.f32 v8, v4  }
0xd2: {  	v13 =	vsel vm3, v58, v13;
	vm3 =	vlt.f32 v9, v7;
	v4 =	vsel vm0, v8, v4;
	v8 =	vld [tilespmem:$0x3F0]  }
0xd3: {  	v11 =	vsel vm1, v59, v11;
	v12 =	vld [tilespmem:$0x7C0];
	v7 =	vsel vm3, v9, v7;
	vm1 =	vlt.f32 v5, v4  }
0xd4: {  	v9 =	vsel vm2, v60, v11;
	vm2 =	vlt.f32 v10, v7;
	v4 =	vsel vm1, v5, v4  }
0xd5: {  	v11 =	vld [tilespmem:$0x7D0];
	v5 =	vsel vm2, v10, v7;
	v7 =	vsel vm0, v61, v9;
	vm0 =	vlt.f32 v6, v4  }
0xd6: {  	v7 =	vsel vm1, v62, v7;
	v4 =	vsel vm0, v6, v4  }
0xd7: {  	v9 =	vld [tilespmem:$0x7E0];
	v6 =	vsel vm0, v63, v7;
	v7 =	vor.u32 $0x3F0, v0;
	vm0 =	vlt.f32 v8, v4  }
0xd8: {  	vm1 =	vlt.f32 v12, v5;
	v4 =	vsel vm0, v8, v4;
	v6 =	vsel vm0, v7, v6  }
0xd9: {  	v5 =	vsel vm1, v12, v5;
	v8 =	vld [tilespmem:$0x7F0];
	(xrf1) =	vsort.ascd.msk.f32 $0xffff, v4, v6  }
0xda: {  	v10 =	vsel vm3, v59, v13;
	vm0 =	vlt.f32 v11, v5  }
0xdb: {  	v10 =	vsel vm2, v60, v10;
	v5 =	vsel vm0, v11, v5  }
0xdc: {  	v10 =	vsel vm1, v61, v10;
	vm1 =	vlt.f32 v9, v5  }
0xdd: {  	v10 =	vsel vm0, v62, v10;
	v5 =	vsel vm1, v9, v5  }
0xde: {  	v9 =	vsel vm1, v63, v10;
	vm0 =	vlt.f32 v8, v5  }
0xdf: {  	v15 =	vsel vm0, v8, v5;
	v10 =	vsel vm0, v7, v9  }
0xe0: {  	(xrf1) =	vsort.ascd.msk.f32 $0xffff, v15, v10;
	_ =	sdelay $0x6  }
0xe1: {  	v5, _, _ =	vpop (xrf1)  }
0xe2: {  	v5 =	vperm.xlane v5, v2;
	_ =	sdelay $0x1  }
0xe3: {  	vm0 =	veq.f32 v4, v5  }
0xe4: {  	v5 =	vnsel vm0, $0x40000000, v6  }
0xe5: {  	v7 =	vxor.u32 $0x80000000, v5  }
0xe6: {  	(xrf1) =	vsort.ascd.msk.u32 $0xffff, v7, v5  }
0xe7: {  	v8, _, _ =	vpop (xrf1)  }
0xe8: {  	v5 =	vperm.xlane v8, v2;
	_ =	sdelay $0x1  }
0xe9: {  	vm0 =	veq.f32 v15, v5  }
0xea: {  	v5 =	vnsel vm0, $0x40000000, v10  }
0xeb: {  	v7 =	vxor.u32 $0x80000000, v5  }
0xec: {  	(xrf1) =	vsort.ascd.msk.u32 $0xffff, v7, v5;
	_ =	sdelay $0x6  }
0xed: {  	v5, _, _ =	vpop (xrf1)  }
0xee: {  	v5 =	vxor.u32 $0x80000000, v5  }
0xef: {  	v11 =	vperm.xlane v5, v2  }
0xf0: {  	v7 =	vmul.u32 $0x10, v0  }
0xf1: {  	v12 =	vand.u32 $0xF, v11  }
0xf2: {  	v13 =	vor.u32 v7, v12  }
0xf3: {  	v8 =	vor.u32 $0x100, v7  }
0xf4: {  	v16 =	vor.u32 v8, v12;
	v9, _, _ =	vpop (xrf1)  }
0xf5: {  	v14 =	vxor.u32 $0x80000000, v9;
	v9 =	vor.u32 $0x200, v7  }
0xf6: {  	v18 =	vperm.xlane v14, v2;
	v14 =	vor.u32 v9, v12;
	[tilespmem:v11+s2+$0x0] =	vst.idx.msk $0x1, v3  }
0xf7: {  	v5 =	vor.u32 $0x300, v7;
	v20 =	vld.idx.msk [tilespmem:v13+s2+$0x0], $0xffff  }
0xf8: {  	v17 =	vor.u32 v5, v12;
	v19 =	vand.u32 $0xF, v18  }
0xf9: {  	v22 =	vld.idx.msk [tilespmem:v16+s2+$0x0], $0xffff;
	v21 =	vor.u32 v7, v19;
	_ =	sdelay $0x1  }
0xfa: {  	v23 =	vor.u32 v8, v19;
	v25 =	vld.idx.msk [tilespmem:v14+s2+$0x0], $0xffff  }
0xfb: {  	vm0 =	vlt.f32 v20, $3.000000010e+38  }
0xfc: {  	v24 =	vld.idx.msk [tilespmem:v17+s2+$0x0], $0xffff;
	v26 =	vor.u32 v9, v19;
	[tilespmem:v18+s10+$0x0] =	vst.idx.msk $0x1, v3;
	v20 =	vnsel vm0, $0x7F61B1E6, v20  }
0xfd: {  	v27 =	vld.idx.msk [tilespmem:v21+s10+$0x0], $0xffff;
	vm1 =	vlt.f32 v22, v20  }
0xfe: {  	v28 =	vor.u32 v5, v19;
	v20 =	vsel vm1, v22, v20  }
0xff: {  	v29 =	vld.idx.msk [tilespmem:v23+s10+$0x0], $0xffff;
	v13 =	vnsel vm0, $0x40000000, v13;
	vm0 =	vlt.f32 v25, v20  }
0x100: {  	v13 =	vsel vm1, v16, v13;
	v16 =	vsel vm0, v25, v20  }
0x101: {  	v30 =	vld.idx.msk [tilespmem:v26+s10+$0x0], $0xffff;
	v13 =	vsel vm0, v14, v13;
	vm1 =	vlt.f32 v24, v16  }
0x102: {  	vm0 =	vlt.f32 v27, $3.000000010e+38;
	v14 =	vsel vm1, v24, v16;
	v13 =	vsel vm1, v17, v13  }
0x103: {  	v16 =	vld.idx.msk [tilespmem:v28+s10+$0x0], $0xffff;
	v17 =	vnsel vm0, $0x7F61B1E6, v27;
	(xrf1) =	vsort.ascd.msk.f32 $0xffff, v14, v13  }
0x104: {  	vm1 =	vlt.f32 v29, v17  }
0x105: {  	v17 =	vsel vm1, v29, v17  }
0x106: {  	v21 =	vnsel vm0, $0x40000000, v21;
	vm0 =	vlt.f32 v30, v17  }
0x107: {  	v21 =	vsel vm1, v23, v21;
	v17 =	vsel vm0, v30, v17  }
0x108: {  	v31 =	vsel vm0, v26, v21;
	vm0 =	vlt.f32 v16, v17  }
0x109: {  	v16 =	vsel vm0, v16, v17;
	v17 =	vsel vm0, v28, v31  }
0x10a: {  	(xrf1) =	vsort.ascd.msk.f32 $0xffff, v16, v17;
	_ =	sdelay $0x6  }
0x10b: {  	v32, _, _ =	vpop (xrf1)  }
0x10c: {  	v20 =	vperm.xlane v32, v2;
	_ =	sdelay $0x1  }
0x10d: {  	vm0 =	veq.f32 v14, v20  }
0x10e: {  	v13 =	vnsel vm0, $0x40000000, v13;
	_ =	sdelay $0x1  }
0x10f: {  	v14 =	vxor.u32 $0x80000000, v13  }
0x110: {  	(xrf1) =	vsort.ascd.msk.u32 $0xffff, v14, v13;
	v13, _, _ =	vpop (xrf1)  }
0x111: {  	v33 =	vperm.xlane v13, v2;
	_ =	sdelay $0x1  }
0x112: {  	vm0 =	veq.f32 v16, v33  }
0x113: {  	v13 =	vnsel vm0, $0x40000000, v17  }
0x114: {  	v14 =	vxor.u32 $0x80000000, v13  }
0x115: {  	(xrf1) =	vsort.ascd.msk.u32 $0xffff, v14, v13;
	_ =	sdelay $0x7  }
0x116: {  	v13, _, _ =	vpop (xrf1)  }
0x117: {  	s31 =	simm.s32 $0xFFFFFFF0;
	v14 =	vmov s24;
	v13 =	vxor.u32 $0x80000000, v13  }
0x118: {  	vm1 =	veq.s32 v14, v0;
	v14 =	vmov s31;
	v16 =	vperm.xlane v13, v2  }
0x119: {  	vm0 =	veq.s32 v12, v0;
	v17 =	vimm.s32 $0x0;
	vm2 =	veq.s32 v14, v0  }
0x11a: {  	v12 =	vsel vm1, v11, v17;
	v11 =	vsel vm2, v11, v17;
	v13 =	vsel vm0, v20, v4  }
0x11b: {  	v4 =	vsel vm2, v18, v17;
	v14 =	vsel vm0, v16, v6;
	vm0 =	veq.s32 v19, v0  }
0x11c: {  	s25 =	simm.s32 $0x2;
	s24 =	simm.s32 $0x1;
	v6 =	vsel vm1, v18, v17;
	v15 =	vsel vm0, v33, v15;
	(xrf1) =	vsort.ascd.msk.f32 $0xffff, v13, v14;
	v16, _, _ =	vpop (xrf1)  }
.LBB2_3:
0x11d: {  	p0 =	sne.s32 s25, $0x1F;
	v16 =	vxor.u32 $0x80000000, v16;
	s26 =	smov.u32 s25;
	s25 =	sadd.s32 $0x1, s25  }
0x11e: {  	v16 =	vperm.xlane v16, v2;
	_ =	sdelay $0x1  }
0x11f: {  	v10 =	vsel vm0, v16, v10  }
0x120: {  	(xrf1) =	vsort.ascd.msk.f32 $0xffff, v15, v10;
	_ =	sdelay $0x8  }
0x121: {  	v16, _, _ =	vpop (xrf1)  }
0x122: {  	v16 =	vperm.xlane v16, v2;
	_ =	sdelay $0x1  }
0x123: {  	vm0 =	veq.f32 v13, v16  }
0x124: {  	v16 =	vnsel vm0, $0x40000000, v14  }
0x125: {  	v17 =	vxor.u32 $0x80000000, v16;
	v18, _, _ =	vpop (xrf1)  }
0x126: {  	v18 =	vperm.xlane v18, v2;
	(xrf1) =	vsort.ascd.msk.u32 $0xffff, v17, v16;
	_ =	sdelay $0x1  }
0x127: {  	vm0 =	veq.f32 v15, v18  }
0x128: {  	v16 =	vnsel vm0, $0x40000000, v10  }
0x129: {  	v17 =	vxor.u32 $0x80000000, v16  }
0x12a: {  	(xrf1) =	vsort.ascd.msk.u32 $0xffff, v17, v16;
	_ =	sdelay $0x8  }
0x12b: {  	v16, _, _ =	vpop (xrf1)  }
0x12c: {  	s28 =	sadd.s32 $0xFFFFFFF0, s24;
	v17 =	vmov s24;
	s24 =	smov.u32 s26;
	v16 =	vxor.u32 $0x80000000, v16  }
0x12d: {  	v18 =	vmov s28;
	v16 =	vperm.xlane v16, v2  }
0x12e: {  	vm1 =	veq.s32 v18, v0;
	vm0 =	veq.s32 v17, v0  }
0x12f: {  	v17 =	vand.u32 $0xF, v16;
	v12 =	vsel vm0, v16, v12  }
0x130: {  	v18 =	vor.u32 v7, v17;
	v19, _, _ =	vpop (xrf1)  }
0x131: {  	v20 =	vor.u32 v9, v17;
	v21 =	vor.u32 v5, v17;
	v19 =	vxor.u32 $0x80000000, v19  }
0x132: {  	v11 =	vsel vm1, v16, v11;
	v22 =	vor.u32 v8, v17;
	v19 =	vperm.xlane v19, v2;
	_ =	sdelay $0x1  }
0x133: {  	[tilespmem:v16+s2+$0x0] =	vst.idx.msk $0x1, v3;
	v16 =	vand.u32 $0xF, v19;
	v6 =	vsel vm0, v19, v6;
	v4 =	vsel vm1, v19, v4  }
0x134: {  	v23 =	vld.idx.msk [tilespmem:v18+s2+$0x0], $0xffff;
	v24 =	vor.u32 v7, v16;
	v25 =	vor.u32 v8, v16;
	v26 =	vor.u32 v9, v16  }
0x135: {  	v28 =	vor.u32 v5, v16;
	v27 =	vld.idx.msk [tilespmem:v21+s2+$0x0], $0xffff  }
0x136: {  	v29 =	vld.idx.msk [tilespmem:v22+s2+$0x0], $0xffff  }
0x137: {  	v30 =	vld.idx.msk [tilespmem:v20+s2+$0x0], $0xffff  }
0x138: {  	[tilespmem:v19+s10+$0x0] =	vst.idx.msk $0x1, v3  }
0x139: {  	v19 =	vld.idx.msk [tilespmem:v24+s10+$0x0], $0xffff  }
0x13a: {  	vm0 =	vlt.f32 v23, $3.000000010e+38;
	v31 =	vld.idx.msk [tilespmem:v25+s10+$0x0], $0xffff  }
0x13b: {  	v23 =	vnsel vm0, $0x7F61B1E6, v23;
	v18 =	vnsel vm0, $0x40000000, v18;
	v32 =	vld.idx.msk [tilespmem:v26+s10+$0x0], $0xffff  }
0x13c: {  	vm0 =	vlt.f32 v29, v23;
	v33 =	vld.idx.msk [tilespmem:v28+s10+$0x0], $0xffff  }
0x13d: {  	v23 =	vsel vm0, v29, v23;
	v18 =	vsel vm0, v22, v18  }
0x13e: {  	vm0 =	vlt.f32 v30, v23  }
0x13f: {  	v22 =	vsel vm0, v30, v23;
	v18 =	vsel vm0, v20, v18;
	vm0 =	vlt.f32 v19, $3.000000010e+38  }
0x140: {  	vm1 =	vlt.f32 v27, v22;
	v19 =	vnsel vm0, $0x7F61B1E6, v19;
	v20 =	vnsel vm0, $0x40000000, v24  }
0x141: {  	v22 =	vsel vm1, v27, v22;
	v18 =	vsel vm1, v21, v18;
	vm0 =	vlt.f32 v31, v19  }
0x142: {  	v19 =	vsel vm0, v31, v19;
	v20 =	vsel vm0, v25, v20;
	(xrf1) =	vsort.ascd.msk.f32 $0xffff, v22, v18  }
0x143: {  	vm0 =	vlt.f32 v32, v19  }
0x144: {  	v19 =	vsel vm0, v32, v19  }
0x145: {  	v20 =	vsel vm0, v26, v20;
	vm0 =	vlt.f32 v33, v19  }
0x146: {  	v19 =	vsel vm0, v33, v19;
	v20 =	vsel vm0, v28, v20  }
0x147: {  	(xrf1) =	vsort.ascd.msk.f32 $0xffff, v19, v20;
	_ =	sdelay $0x8  }
0x148: {  	v21, _, _ =	vpop (xrf1)  }
0x149: {  	v21 =	vperm.xlane v21, v2  }
0x14a: {  	vm1 =	veq.s32 v17, v0  }
0x14b: {  	vm0 =	veq.f32 v22, v21;
	v13 =	vsel vm1, v21, v13  }
0x14c: {  	v17 =	vnsel vm0, $0x40000000, v18  }
0x14d: {  	v18 =	vxor.u32 $0x80000000, v17;
	v21, _, _ =	vpop (xrf1)  }
0x14e: {  	v21 =	vperm.xlane v21, v2;
	(xrf1) =	vsort.ascd.msk.u32 $0xffff, v18, v17  }
0x14f: {  	vm0 =	veq.s32 v16, v0  }
0x150: {  	vm2 =	veq.f32 v19, v21;
	v15 =	vsel vm0, v21, v15  }
0x151: {  	v16 =	vnsel vm2, $0x40000000, v20  }
0x152: {  	v17 =	vxor.u32 $0x80000000, v16  }
0x153: {  	(xrf1) =	vsort.ascd.msk.u32 $0xffff, v17, v16;
	_ =	sdelay $0x8  }
0x154: {  	v16, _, _ =	vpop (xrf1)  }
.Ltmp0:
0x155: {  	v16 =	vxor.u32 $0x80000000, v16;
	(pc) =	sbr.rel @p0 .LBB2_3-.Ltmp0, $3  }
0x156: {  	v17 =	vperm.xlane v16, v2;
	_ =	sdelay $0x1  }
0x157: {  	v14 =	vsel vm1, v17, v14  }
0x158: {  	(xrf1) =	vsort.ascd.msk.f32 $0xffff, v13, v14;
	v16, _, _ =	vpop (xrf1)  }
0x159: {  	v16 =	vxor.u32 $0x80000000, v16  }
0x15a: {  	v16 =	vperm.xlane v16, v2;
	_ =	sdelay $0x1  }
0x15b: {  	v10 =	vsel vm0, v16, v10  }
0x15c: {  	(xrf1) =	vsort.ascd.msk.f32 $0xffff, v15, v10;
	_ =	sdelay $0x9  }
0x15d: {  	v28, _, _ =	vpop (xrf1)  }
0x15e: {  	v16 =	vperm.xlane v28, v2;
	_ =	sdelay $0x1  }
0x15f: {  	vm4 =	veq.f32 v13, v16  }
0x160: {  	v13 =	vnsel vm4, $0x40000000, v14;
	v29, _, _ =	vpop (xrf1)  }
0x161: {  	v14 =	vxor.u32 $0x80000000, v13;
	v16 =	vperm.xlane v29, v2  }
0x162: {  	(xrf1) =	vsort.ascd.msk.u32 $0xffff, v14, v13  }
0x163: {  	vm5 =	veq.f32 v15, v16  }
0x164: {  	v10 =	vnsel vm5, $0x40000000, v10  }
0x165: {  	v30 =	vxor.u32 $0x80000000, v10  }
0x166: {  	(xrf1) =	vsort.ascd.msk.u32 $0xffff, v30, v10;
	_ =	sdelay $0x9  }
0x167: {  	v31, _, _ =	vpop (xrf1)  }
0x168: {  	v10 =	vxor.u32 $0x80000000, v31  }
0x169: {  	v10 =	vperm.xlane v10, v2;
	_ =	sdelay $0x1  }
0x16a: {  	v32 =	vand.u32 $0xF, v10;
	v27, _, _ =	vpop (xrf1)  }
0x16b: {  	v33 =	vor.u32 v7, v32;
	v15 =	vxor.u32 $0x80000000, v27  }
0x16c: {  	v28 =	vor.u32 v5, v32;
	v15 =	vperm.xlane v15, v2  }
0x16d: {  	v17 =	vor.u32 v8, v32  }
0x16e: {  	v13 =	vor.u32 v9, v32;
	v18 =	vand.u32 $0xF, v15  }
0x16f: {  	[tilespmem:v10+s2+$0x0] =	vst.idx.msk $0x1, v3;
	v29 =	vor.u32 v7, v18  }
0x170: {  	v19 =	vld.idx.msk [tilespmem:v33+s2+$0x0], $0xffff  }
0x171: {  	v20 =	vld.idx.msk [tilespmem:v28+s2+$0x0], $0xffff;
	v30 =	vor.u32 v8, v18  }
0x172: {  	v21 =	vld.idx.msk [tilespmem:v17+s2+$0x0], $0xffff  }
0x173: {  	v22 =	vld.idx.msk [tilespmem:v13+s2+$0x0], $0xffff;
	v31 =	vor.u32 v9, v18;
	[tilespmem:v15+s10+$0x0] =	vst.idx.msk $0x1, v3  }
0x174: {  	v23 =	vld.idx.msk [tilespmem:v29+s10+$0x0], $0xffff  }
0x175: {  	v5 =	vor.u32 v5, v18  }
0x176: {  	v32 =	vld.idx.msk [tilespmem:v30+s10+$0x0], $0xffff  }
0x177: {  	vm6 =	vlt.f32 v19, $3.000000010e+38  }
0x178: {  	v24 =	vld.idx.msk [tilespmem:v31+s10+$0x0], $0xffff;
	v19 =	vnsel vm6, $0x7F61B1E6, v19  }
0x179: {  	vm1 =	vlt.f32 v21, v19;
	vm2 =	vlt.f32 v23, $3.000000010e+38  }
0x17a: {  	v14 =	vnsel vm6, $0x40000000, v33;
	v33 =	vld.idx.msk [tilespmem:v5+s10+$0x0], $0xffff;
	v19 =	vsel vm1, v21, v19;
	v23 =	vnsel vm2, $0x7F61B1E6, v23  }
0x17b: {  	v14 =	vsel vm1, v17, v14;
	vm7 =	vlt.f32 v22, v19;
	vm8 =	vlt.f32 v32, v23  }
0x17c: {  	v22 =	vsel vm7, v22, v19;
	v13 =	vsel vm7, v13, v14;
	v25 =	vsel vm8, v32, v23  }
0x17d: {  	vm9 =	vlt.f32 v20, v22;
	v7 =	vnsel vm2, $0x40000000, v29;
	vm10 =	vlt.f32 v24, v25  }
0x17e: {  	v26 =	vsel vm9, v20, v22;
	v7 =	vsel vm8, v30, v7;
	v14 =	vsel vm10, v24, v25  }
0x17f: {  	v13 =	vsel vm9, v28, v13;
	v7 =	vsel vm10, v31, v7;
	vm11 =	vlt.f32 v33, v14  }
0x180: {  	(xrf1) =	vsort.ascd.msk.f32 $0xffff, v26, v13;
	v27 =	vsel vm11, v33, v14;
	v5 =	vsel vm11, v5, v7  }
0x181: {  	(xrf1) =	vsort.ascd.msk.f32 $0xffff, v27, v5;
	_ =	sdelay $0xc  }
0x182: {  	v28, _, _ =	vpop (xrf1)  }
0x183: {  	v7 =	vperm.xlane v28, v2;
	v29, _, _ =	vpop (xrf1)  }
0x184: {  	v14 =	vperm.xlane v29, v2  }
0x185: {  	vm12 =	veq.f32 v26, v7  }
0x186: {  	v7 =	vnsel vm12, $0x40000000, v13;
	vm13 =	veq.f32 v27, v14  }
0x187: {  	v30 =	vxor.u32 $0x80000000, v7;
	v5 =	vnsel vm13, $0x40000000, v5  }
0x188: {  	(xrf1) =	vsort.ascd.msk.u32 $0xffff, v30, v7;
	v31 =	vxor.u32 $0x80000000, v5  }
0x189: {  	(xrf1) =	vsort.ascd.msk.u32 $0xffff, v31, v5;
	_ =	sdelay $0x7  }
0x18a: {  	s30 =	sadd.s32 $0xFFFFFFF0, s24  }
0x18b: {  	v32 =	vmov s30  }
0x18c: {  	s23 =	sshll.u32 s23, $0xA;
	vm15 =	veq.s32 v32, v0;
	v5 =	vmov s24  }
0x18d: {  	s22 =	sor.u32 s22, s23;
	v7 =	vsel vm15, v10, v11;
	vm14 =	veq.s32 v5, v0  }
0x18e: {  	s22 =	sshrl.u32 s22, $0x3;
	[tilespmem:$0x810] =	vst v7;
	v5 =	vsel vm14, v10, v12  }
0x18f: {  	s22 =	sadd.s32 s5, s22;
	[tilespmem:$0x800] =	vst v5;
	v8, _, _ =	vpop (xrf1)  }
0x190: {  	[hbm4b:s22+s2] =	stream.linear.scatter [tilespmem:s12], [sflag:$0x2], $0x80, $0x38;
	v33, _, _ =	vpop (xrf1);
	[tilespmem:$0x1900] =	vst v63  }
0x191: {  	_ =	swait.ge [sflag:s11], $0x80  }
0x192: {  	[sflag:s11] =	ssyncset.done $0x0  }
0x193: {  	v5 =	vadd.s32 v1, v5;
	[sflag:s11] =	ssyncadd.s32 $0xFFFFFF80  }
0x194: {  	[tilespmem:$0x880] =	vst v5;
	v5 =	vadd.s32 v1, v7  }
0x195: {  	[tilespmem:$0x890] =	vst v5  }
0x196: {  	[tilespmem:s15], [sflag:$0x1] =	stream.indirect.gather [hbm4b:s4+s13], $0x80, s14, s13, $0xb8;
	[tilespmem:$0x1900] =	vst v63  }
0x197: {  	_ =	swait.ge [sflag:s16], $0x1000  }
0x198: {  	s20 =	sshll.u32 s20, $0x9;
	[sflag:s16] =	ssyncset.done $0x0  }
0x199: {  	s20 =	sadd.s32 s6, s20;
	[sflag:s16] =	ssyncadd.s32 $0xFFFFF000  }
0x19a: {  	[hbm4b:s20+s2] =	stream.linear.scatter [tilespmem:s15], [sflag:$0x2], $0x1000, $0x38;
	[tilespmem:$0x1900] =	vst v63  }
0x19b: {  	_ =	swait.ge [sflag:s11], $0x1000  }
0x19c: {  	[sflag:s11] =	ssyncset.done $0x0  }
0x19d: {  	s31 =	sor.u32 s23, s21;
	v5 =	vsel vm14, v15, v6;
	[sflag:s11] =	ssyncadd.s32 $0xFFFFF000  }
0x19e: {  	v4 =	vsel vm15, v15, v4;
	s20 =	sshrl.u32 s31, $0x3;
	[tilespmem:$0x800] =	vst v5  }
0x19f: {  	s20 =	sadd.s32 s5, s20;
	[tilespmem:$0x810] =	vst v4  }
0x1a0: {  	[hbm4b:s20+s2] =	stream.linear.scatter [tilespmem:s12], [sflag:$0x2], $0x80, $0x38;
	[tilespmem:$0x1900] =	vst v63  }
0x1a1: {  	_ =	swait.ge [sflag:s11], $0x80  }
0x1a2: {  	[sflag:s11] =	ssyncset.done $0x0  }
0x1a3: {  	v5 =	vadd.s32 v1, v5;
	[sflag:s11] =	ssyncadd.s32 $0xFFFFFF80  }
0x1a4: {  	v4 =	vadd.s32 v1, v4;
	[tilespmem:$0x880] =	vst v5  }
0x1a5: {  	[tilespmem:$0x890] =	vst v4  }
0x1a6: {  	[tilespmem:s15], [sflag:$0x1] =	stream.indirect.gather [hbm4b:s4+s13], $0x80, s14, s13, $0xb8;
	[tilespmem:$0x1900] =	vst v63  }
0x1a7: {  	s19 =	sshll.u32 s19, $0x9;
	s18 =	sadd.s32 $0x1, s18;
	_ =	swait.ge [sflag:s16], $0x1000  }
0x1a8: {  	s19 =	sand.u32 $0x1FFFFE00, s19;
	p0 =	sne.s32 s18, $0x20;
	[sflag:s16] =	ssyncset.done $0x0  }
.Ltmp1:
0x1a9: {  	s19 =	sadd.s32 s6, s19;
	[sflag:s16] =	ssyncadd.s32 $0xFFFFF000;
	(pc) =	sbr.rel @p0 .LBB2_2-.Ltmp1, $4  }
0x1aa: {  	[hbm4b:s19+s2] =	stream.linear.scatter [tilespmem:s15], [sflag:$0x2], $0x1000, $0x38;
	[tilespmem:$0x1900] =	vst v63  }
0x1ab: {  	_ =	swait.ge [sflag:s11], $0x1000  }
0x1ac: {  	[sflag:s11] =	ssyncset.done $0x0  }
0x1ad: {  	[sflag:s11] =	ssyncadd.s32 $0xFFFFF000  }
0x1ae: {  	s17 =	sadd.s32 $0x1, s17  }
0x1af: {  	p0 =	sne.s32 s17, s8  }
.Ltmp2:
0x1b0: {  	_ = 	snop;
	(pc) =	sbr.rel @p0 .LBB2_1-.Ltmp2, $1  }
0x1b1: {  	_ =	sdelay $0x3  }
0x1b2: {  	_ =	sfence.sel $0x180000  }
0x1b3: {  	[bflag:$0x0] =	sbarrier.arrive $0xFFFF  }
0x1b4: {  	p0 =	sne.s32 s0, $0x0;
	_ =	strace $0x90000047  }
0x1b5: {  	s0 =	sadd.s32 @!p0 $0x100000, s1;
	[bflag:$0x2] =	sbarrier.arrive $0xFFFF  }
0x1b6: {  	[sflag:s0] =	ssyncadd.tile.s32 @!p0 $0x1;
	_ =	shalt  }
.Lfunc_end2:
_tile_overlayer_lowered:
.L_overlay_start_2:
0x1b7: {  	(tag) =	ssettag $0x2  }
0x1b8: {  	s0 =	rddreg [dreg:$0x0];
	s2 =	stileid.u32  }
0x1b9: {  	s1 =	rddreg [dreg:$0x1];
	p0 =	sne.s32 s2, $0x0  }
0x1ba: {  	s3 =	rddreg [dreg:$0x2];
	[bflag:$0x3] =	sbarrier.arrive $0xFFFF;
	s2 =	simm.s32 @!p0 $0x1C02  }
0x1bb: {  	[timem:s3], [sflag:s2] =	dma.local @!p0 [hbm:s0], s1  }
0x1bc: {  	s0 =	simm.s32 @!p0 $0x2  }
0x1bd: {  	_ =	swait.ge @!p0 [sflag:s0], s1  }
0x1be: {  	s1 =	ssub.s32 @!p0 $0x0, s1;
	[sflag:s0] =	ssyncset.done @!p0 $0x0  }
0x1bf: {  	[sflag:s0] =	ssyncadd.s32 @!p0 s1  }
0x1c0: {  	[bflag:$0x3] =	sbarrier.arrive $0xFFFF  }
0x1c1: {  	_ =	shalt  }

// kernel: sparse-core-data-format-call.cloned.1.call-start
scs
called_computation_lowered:
.L_overlay_start_0:
0x0: {  	s2 =	sld [smem:$0x3FD9]  }
0x1: {  	s3 =	sld [smem:$0x3FFE];
	_ =	sdelay $0x1  }
0x2: {  	s1 =	srdreg.scid  }
0x3: {  	s0 =	sand.u32 $0x1, s1  }
0x4: {  	s16 =	sshll.u32 s0, $0xA;
	s2 =	sadd.s32 s3, s2  }
0x5: {  	s2 =	sadd.s32 s2, s16  }
0x6: {  	[smem:$0x3FB2] =	sst s2  }
0x7: {  	_ = 	snop  }
0x8: {  	s2 =	sld [smem:$0x3FD0];
	_ =	sdelay $0x2  }
0x9: {  	s17 =	simm.s32 $0xB;
	s4 =	simm.s32 $0x10  }
0xa: {  	[smem:s4], [sflag:s17] =	dma.local [hbm:s2], $0x1  }
0xb: {  	_ =	swait.eq [sflag:s17], $0x1  }
0xc: {  	[sflag:s17] =	ssyncset.done $0x0  }
0xd: {  	[sflag:s17] =	ssyncadd.s32 $0xFFFFFFFF  }
0xe: {  	s18 =	sld [smem:$0x14];
	(tm) =	ssettm $0x1  }
0xf: {  	s19 =	sld [smem:$0x3FFB];
	_ =	sdelay $0x3  }
0x10: {  	_ =	strace s19  }
0x11: {  	s2 =	sld [smem:$0x3FFC];
	_ =	sdelay $0x3  }
0x12: {  	_ =	strace s2  }
0x13: {  	s2 =	sld [smem:$0x3FFD];
	_ =	sdelay $0x3  }
0x14: {  	_ =	strace s2  }
0x15: {  	_ =	strace $0x8FFFFFFF  }
0x16: {  	s20 =	sld [smem:$0x3FDB];
	_ =	sdelay $0x1  }
0x17: {  	s21 =	simm.s32 $_scs_section_size  }
0x18: {  	s5 =	simm.s32 $_size__tile_overlayer_lowered;
	s6 =	simm.s32 $_tile_overlayer_lowered  }
0x19: {  	s7 =	simm.s32 $0x1BFF;
	s22 =	sshll.u32 s6, $0x1;
	s4 =	sadd.s32 s21, s20  }
0x1a: {  	s23 =	simm.s32 $0x0;
	s5 =	sshll.u32 s5, $0x1;
	s6 =	sadd.s32 s22, s4  }
0x1b: {  	[timem:s23], [sflag:s7] =	dma.local [hbm:s6], s5  }
0x1c: {  	_ =	swait.ge [sflag:s7], s5  }
0x1d: {  	s5 =	ssub.s32 $0x0, s5;
	[sflag:s7] =	ssyncset.done $0x0  }
0x1e: {  	[sflag:s7] =	ssyncadd.s32 s5;
	_ =	sdelay $0x1  }
0x1f: {  	s24 =	simm.s32 $0x1B8B  }
0x20: {  	_ =	swait.ge [sflag:s24], $0x1  }
0x21: {  	[sflag:s24] =	ssyncset.done $0x0  }
0x22: {  	[sflag:s24] =	ssyncadd.s32 $0xFFFFFFFF  }
0x23: {  	s5 =	sld [smem:$0x0]  }
0x24: {  	s6 =	sand.u32 $0xFFFFFFFE, s1  }
0x25: {  	p0 =	sne.s32 s1, s6  }
0x26: {  	s6 =	sshll.u32 @p0 s6, $0xE  }
0x27: {  	s6 =	sadd.s32 @p0 $0x11B8D, s6;
	s7 =	sshll.u32 @p0 s5, $0x11  }
0x28: {  	s6 =	sor.u32 @p0 s7, s6  }
0x29: {  	[sflag:s6] =	ssyncadd.remote.s32 @p0 $0x1;
	_ =	sdelay $0x1  }
0x2a: {  	s6 =	simm.s32 @p0 $0x1B8D  }
0x2b: {  	_ =	swait.eq @p0 [sflag:s6], $0x1  }
0x2c: {  	[sflag:s6] =	ssyncadd.s32 @p0 $0xFFFFFFFF  }
0x2d: {  	s7 =	sshll.u32 @!p0 s1, $0xE  }
0x2e: {  	s7 =	sor.u32 @!p0 $0x4000, s7;
	s6 =	simm.s32 @!p0 $0x1B8D  }
0x2f: {  	s5 =	sshll.u32 @!p0 s5, $0x11;
	s7 =	sadd.s32 @!p0 $0x11B8D, s7;
	_ =	swait.eq @!p0 [sflag:s6], $0x1  }
0x30: {  	s5 =	sor.u32 @!p0 s5, s7;
	[sflag:s6] =	ssyncadd.s32 @!p0 $0xFFFFFFFF  }
0x31: {  	s26 =	simm.s32 $0x1B8E;
	s25 =	sld [smem:$0x3FFE];
	[sflag:s5] =	ssyncadd.remote.s32 @!p0 $0x1  }
0x32: {  	s27 =	simm.s32 $execute0_lowered;
	[smem:$0x3FD2] =	sst s26  }
0x33: {  	s6 =	sshll.u32 s27, $0x1;
	_ =	strace $0x80000049;
	[dreg:$0x1] =	wrdreg $0xFFFFFFFF  }
0x34: {  	s28 =	simm.s32 $_size_execute0_lowered;
	s4 =	sadd.s32 s4, s6;
	[dreg:$0x0] =	wrdreg $0x0  }
0x35: {  	s6 =	sshll.u32 s28, $0x1;
	[dreg:$0x2] =	wrdreg s4  }
0x36: {  	[dreg:$0x3] =	wrdreg s6  }
0x37: {  	[dreg:$0x4] =	wrdreg $0xC0  }
0x38: {  	_ =	task [dreg:s23], $0x5FFFF  }
0x39: {  	[dreg:$0x1] =	wrdreg $0xFFFFFFFF  }
0x3a: {  	[dreg:$0x0] =	wrdreg $0x60  }
0x3b: {  	[dreg:$0x2] =	wrdreg s25  }
0x3c: {  	[dreg:$0x3] =	wrdreg s18  }
0x3d: {  	[dreg:$0x4] =	wrdreg $0x9  }
0x3e: {  	_ =	task.clear_ibuf [dreg:s23], $0x5FFFF;
	_ =	strace $0x90000049  }
0x3f: {  	s29 =	simm.s32 $0x9;
	_ =	strace $0x8000004B  }
0x40: {  	_ =	swait.ge [sflag:s29], $0x1  }
0x41: {  	[sflag:s29] =	ssyncadd.s32 $0xFFFFFFFF  }
0x42: {  	_ =	strace $0x9000004B  }
0x43: {  	_ =	sfence  }
0x44: {  	s30 =	sld [smem:$0x0];
	_ =	sdelay $0x2  }
0x45: {  	s31 =	sshll.u32 s1, $0xD;
	s1 =	sshrl.u32 s1, $0x2  }
0x46: {  	s4 =	sand.u32 $0x4000, s31;
	s1 =	sadd.s32 s1, s30  }
0x47: {  	s0 =	sor.u32 s4, s0;
	s1 =	sshll.u32 s1, $0x11  }
0x48: {  	s0 =	sor.u32 s1, s0  }
0x49: {  	s0 =	sadd.s32 $0x8F2B, s0  }
0x4a: {  	[sflag:s0] =	ssyncadd.remote.s32 $0x1  }
0x4b: {  	_ =	sfence.sel $0xFFFF  }
0x4c: {  	[dreg:$0x0] =	wrdreg $0xFFFFFFFF;
	(pc) =	sbr.abs _section_cstart, $3  }
0x4d: {  	[dreg:$0x1] =	wrdreg $0xFFFFFFFF  }
0x4e: {  	_ =	task.clear_ibuf [dreg:s23], $0x2FFFF;
	_ =	strace $0x9FFFFFFF  }
0x4f: {  	(tm) =	ssettm $0x7FFFFFFF  }
tec
execute0_lowered:
.L_overlay_start_1:
0x0: {  	(tag) =	ssettag $0x1  }
0x1: {  	s1 =	rddreg [dreg:$0x0]  }
0x2: {  	s2 =	rddreg [dreg:$0x1]  }
0x3: {  	s0 =	rddreg [dreg:$0x2];
	_ =	strace $0x8000004A;
	s4 =	srdreg.scid  }
.Ltmp0:
0x4: {  	s6 =	simm.s32 $0x2;
	p0 =	por $0x0, $0x0;
	(pc) =	sbr.rel .LBB1_1-.Ltmp0, $4  }
0x5: {  	s9 =	simm.s32 $0x0;
	s3 =	sadd.s32 $0x155C00, s1;
	s5 =	sshll.u32 s4, $0x4  }
0x6: {  	s1 =	stileid.u32;
	s4 =	simm.s32 $0x1;
	s5 =	sand.u32 $0x10, s5  }
0x7: {  	s7 =	simm.s32 $0x0;
	[sflag:s4] =	ssyncpa.u1 $0x0;
	s5 =	sor.u32 s1, s5  }
0x8: {  	[sflag:s6] =	ssyncpa.u1 $0x0;
	s6 =	simm.s32 $0x0;
	s8 =	smov.u32 s5  }
.LBB1_7:
0x9: {  	s11 =	sadd.s32 $0x20, s8  }
0xa: {  	p1 =	slt.u32 s7, $0x2;
	s7 =	sadd.s32 $0x1, s7;
	p2 =	sgt.s32 s11, $0xFFF  }
0xb: {  	s11 =	smov.u32 @p2 s5;
	p2 =	sne.s32 s7, $0x82  }
.Ltmp1:
0xc: {  	_ = 	snop;
	(pc) =	sbr.rel @!p2 .LBB1_8-.Ltmp1, $4  }
0xd: {  	s10 =	simm.s32 @!p1 $0x2  }
0xe: {  	_ =	swait.ge @!p1 [sflag:s10], $0x4000  }
0xf: {  	s9 =	smov.u32 s8;
	[sflag:s10] =	ssyncset.done @!p1 $0x0  }
0x10: {  	p0 =	por !p0, !p0;
	s8 =	smov.u32 s11;
	[sflag:s10] =	ssyncadd.s32 @!p1 $0xFFFFC000  }
.LBB1_1:
0x11: {  	p1 =	sgt.u32 s7, $0x7F  }
0x12: {  	s10 =	sxor.u32 @!p1 $0xFFFFFFFF, s7  }
0x13: {  	s11 =	sshll.u32 @!p1 s8, $0xB;
	s10 =	sshll.u32 @!p1 s10, $0xE  }
0x14: {  	s12 =	simm.s32 @!p1 $0x0;
	s11 =	sadd.s32 @!p1 s3, s11;
	s10 =	sand.u32 @!p1 $0x4000, s10  }
0x15: {  	[tilespmem:s10], [sflag:$0x1] =	stream.linear.gather @!p1 [hbm4b:s11+s12], $0x4000, $0x38;
	[tilespmem:$0x10000] =	vst v63  }
0x16: {  	p1 =	seq.s32 s7, $0x0  }
0x17: {  	p2 =	seq.s32 @!p1 s7, $0x81  }
0x18: {  	p1 =	por p1, p2  }
.Ltmp2:
0x19: {  	_ = 	snop;
	(pc) =	sbr.rel @p1 .LBB1_7-.Ltmp2, $1  }
0x1a: {  	_ =	sdelay $0x3  }
0x1b: {  	s10 =	simm.s32 $0x1;
	_ =	swait.ge [sflag:s4], $0x4000;
	s12 =	sshll.u32 s7, $0xE  }
0x1c: {  	s13 =	simm.s32 $0x0;
	s10 =	simm.s32 @!p0 $0x0;
	[sflag:s4] =	ssyncset.done $0x0  }
0x1d: {  	s12 =	sand.u32 $0x4000, s12;
	s11 =	sshll.u32 s10, $0xE;
	[sflag:s4] =	ssyncadd.s32 $0xFFFFC000  }
0x1e: {  	s12 =	sor.u32 $0x8000, s12;
	s10 =	sor.u32 $0x8040, s11;
	s11 =	sor.u32 $0x40, s11  }
.LBB1_3:
0x1f: {  	v0 =	vmov s11;
	_ =	sdelay $0x3  }
0x20: {  	s15 =	simm.s32 $0x0  }
0x21: {  	v6 =	vld.idx.msk [tilespmem:v0+s15+$0x30 ss:$0x1], $0xffff  }
0x22: {  	v7 =	vld.idx.msk [tilespmem:v0+s15+$0xFFFFFFC0 ss:$0x1], $0xffff  }
0x23: {  	v5 =	vld.idx.msk [tilespmem:v0+s15+$0xFFFFFFD0 ss:$0x1], $0xffff  }
0x24: {  	v4 =	vld.idx.msk [tilespmem:v0+s15+$0xFFFFFFE0 ss:$0x1], $0xffff  }
0x25: {  	v3 =	vld.idx.msk [tilespmem:v0+s15+$0xFFFFFFF0 ss:$0x1], $0xffff  }
0x26: {  	v1 =	vld.idx.msk [tilespmem:v0+s15+$0x0 ss:$0x1], $0xffff  }
0x27: {  	v2 =	vld.idx.msk [tilespmem:v0+s15+$0x10 ss:$0x1], $0xffff;
	[tilespmem:s10+$0x30] =	vst v6  }
0x28: {  	s14 =	simm.s32 $0x80;
	s16 =	simm.s32 $0x400;
	[tilespmem:s10+$0xFFFFFFC0] =	vst v7;
	v6 =	vld.idx.msk [tilespmem:v0+s15+$0x20 ss:$0x1], $0xffff;
	s15 =	smov.u32 s10  }
.LBB1_4:
0x29: {  	p1 =	sne.s32 s16, $0xE00;
	v7 =	vld.idx.msk [tilespmem:v0+s14+$0x30 ss:$0x1], $0xffff;
	[tilespmem:s15+$0xFFFFFFD0] =	vst v5  }
0x2a: {  	v8 =	vld.idx.msk [tilespmem:v0+s14+$0xFFFFFFC0 ss:$0x1], $0xffff;
	[tilespmem:s15+$0xFFFFFFE0] =	vst v4  }
0x2b: {  	v5 =	vld.idx.msk [tilespmem:v0+s14+$0xFFFFFFD0 ss:$0x1], $0xffff;
	[tilespmem:s15+$0xFFFFFFF0] =	vst v3  }
.Ltmp3:
0x2c: {  	v4 =	vld.idx.msk [tilespmem:v0+s14+$0xFFFFFFE0 ss:$0x1], $0xffff;
	[tilespmem:s15+$0x0] =	vst v1;
	(pc) =	sbr.rel @p1 .LBB1_4-.Ltmp3, $4  }
0x2d: {  	v3 =	vld.idx.msk [tilespmem:v0+s14+$0xFFFFFFF0 ss:$0x1], $0xffff;
	[tilespmem:s15+$0x10] =	vst v2  }
0x2e: {  	v1 =	vld.idx.msk [tilespmem:v0+s14+$0x0 ss:$0x1], $0xffff;
	[tilespmem:s15+$0x20] =	vst v6;
	s15 =	sadd.s32 $0x800, s15  }
0x2f: {  	v2 =	vld.idx.msk [tilespmem:v0+s14+$0x10 ss:$0x1], $0xffff;
	[tilespmem:s15+$0x30] =	vst v7  }
0x30: {  	[tilespmem:s15+$0xFFFFFFC0] =	vst v8;
	v6 =	vld.idx.msk [tilespmem:v0+s14+$0x20 ss:$0x1], $0xffff;
	s14 =	sshra.s32 s16, $0x2;
	s16 =	sadd.s32 $0x200, s16  }
0x31: {  	_ =	sdelay $0x2  }
0x32: {  	[tilespmem:s15+$0xFFFFFFD0] =	vst v5  }
0x33: {  	v56 =	vld.idx.msk [tilespmem:v0+s14+$0x30 ss:$0x1], $0xffff;
	[tilespmem:s15+$0xFFFFFFE0] =	vst v4  }
0x34: {  	v57 =	vld.idx.msk [tilespmem:v0+s14+$0xFFFFFFC0 ss:$0x1], $0xffff;
	[tilespmem:s15+$0xFFFFFFF0] =	vst v3  }
0x35: {  	v58 =	vld.idx.msk [tilespmem:v0+s14+$0xFFFFFFD0 ss:$0x1], $0xffff;
	[tilespmem:s15+$0x0] =	vst v1  }
0x36: {  	v59 =	vld.idx.msk [tilespmem:v0+s14+$0xFFFFFFE0 ss:$0x1], $0xffff;
	[tilespmem:s15+$0x10] =	vst v2  }
0x37: {  	v60 =	vld.idx.msk [tilespmem:v0+s14+$0xFFFFFFF0 ss:$0x1], $0xffff;
	s31 =	sadd.s32 $0x800, s15;
	[tilespmem:s15+$0x20] =	vst v6  }
0x38: {  	v61 =	vld.idx.msk [tilespmem:v0+s14+$0x0 ss:$0x1], $0xffff;
	[tilespmem:s31+$0x30] =	vst v56  }
0x39: {  	v62 =	vld.idx.msk [tilespmem:v0+s14+$0x10 ss:$0x1], $0xffff;
	s13 =	sadd.s32 $0x1, s13;
	[tilespmem:s31+$0xFFFFFFC0] =	vst v57  }
0x3a: {  	v63 =	vld.idx.msk [tilespmem:v0+s14+$0x20 ss:$0x1], $0xffff;
	p1 =	sne.s32 s13, $0x10;
	[tilespmem:s31+$0xFFFFFFD0] =	vst v58  }
.Ltmp4:
0x3b: {  	[tilespmem:s31+$0xFFFFFFE0] =	vst v59;
	(pc) =	sbr.rel @p1 .LBB1_3-.Ltmp4, $4  }
0x3c: {  	[tilespmem:s31+$0xFFFFFFF0] =	vst v60  }
0x3d: {  	[tilespmem:s31+$0x0] =	vst v61  }
0x3e: {  	[tilespmem:s31+$0x10] =	vst v62  }
0x3f: {  	s10 =	sadd.s32 $0x80, s10;
	s11 =	sadd.s32 $0x400, s11;
	[tilespmem:s31+$0x20] =	vst v63  }
.Ltmp5:
0x40: {  	(pc) =	sbr.rel .LBB1_7-.Ltmp5, $4  }
0x41: {  	_ = 	snop  }
0x42: {  	s9 =	sshll.u32 s9, $0xB  }
0x43: {  	s9 =	sadd.s32 s2, s9  }
0x44: {  	[hbm4b:s9+s6] =	stream.linear.scatter [tilespmem:s12], [sflag:$0x2], $0x4000, $0x38;
	[tilespmem:$0x10000] =	vst v63  }
.LBB1_8:
0x45: {  	_ =	sfence.sel $0x180000  }
0x46: {  	s2 =	simm.s32 $0x1;
	[bflag:$0x0] =	sbarrier.arrive $0xFFFF  }
0x47: {  	s31 =	simm.s32 $0x2;
	[sflag:s2] =	ssyncpa.u1 $0x1  }
0x48: {  	[sflag:s31] =	ssyncpa.u1 $0x1  }
0x49: {  	p0 =	sne.s32 s1, $0x0;
	_ =	strace $0x9000004A  }
0x4a: {  	s0 =	sadd.s32 @!p0 $0x100000, s0;
	[bflag:$0x2] =	sbarrier.arrive $0xFFFF  }
0x4b: {  	[sflag:s0] =	ssyncadd.tile.s32 @!p0 $0x1;
	_ =	shalt  }
.Lfunc_end1:
_tile_overlayer_lowered:
.L_overlay_start_2:
0x4c: {  	(tag) =	ssettag $0x2  }
0x4d: {  	s0 =	rddreg [dreg:$0x0];
	s2 =	stileid.u32  }
0x4e: {  	s1 =	rddreg [dreg:$0x1];
	p0 =	sne.s32 s2, $0x0  }
0x4f: {  	s3 =	rddreg [dreg:$0x2];
	[bflag:$0x3] =	sbarrier.arrive $0xFFFF;
	s2 =	simm.s32 @!p0 $0x1C01  }
0x50: {  	[timem:s3], [sflag:s2] =	dma.local @!p0 [hbm:s0], s1  }
0x51: {  	s0 =	simm.s32 @!p0 $0x1  }
0x52: {  	_ =	swait.ge @!p0 [sflag:s0], s1  }
0x53: {  	s1 =	ssub.s32 @!p0 $0x0, s1;
	[sflag:s0] =	ssyncset.done @!p0 $0x0  }
0x54: {  	[sflag:s0] =	ssyncadd.s32 @!p0 s1  }
0x55: {  	[bflag:$0x3] =	sbarrier.arrive $0xFFFF  }
0x56: {  	_ =	shalt  }

</sc_bundles>
